<compile_context>
chip_gen: v7x
topology: tpu7x:2x2x1
jax: 0.10.2.dev20260603
libtpu: 0.0.44.dev20260713+nightly
codegen_flags: <defaults>
</compile_context>

<pallas_src>
import functools

import numpy as np
import jax
import jax.numpy as jnp
from jax import lax
from jax.experimental import pallas as pl
from jax.experimental.pallas import tpu as pltpu
from jax.experimental.pallas import tpu_sc as plsc

_N = 64
_HT = 256


def _valid_pattern() -> np.ndarray:
    s = np.arange(_N)[:, None]
    e = np.arange(_N)[None, :]
    d = e - s
    v = (
        ((d >= 0) & (d <= 15))
        | ((d >= 17) & (d <= 31) & (d % 2 == 1) & (s % 2 == 0))
        | ((d >= 35) & (d <= 63) & ((d - 35) % 4 == 0) & (s % 4 == 0))
    )
    return v.astype(np.float32)


_VALID = _valid_pattern()


def _triangle_layout():
    toff = np.zeros(_N, dtype=np.int32)
    off = 0
    for s in range(_N):
        toff[s] = off
        off += -(-(_N - s) // 8) * 8
    zrow = off
    total = off + _N
    s = np.arange(_N)[:, None]
    e = np.arange(_N)[None, :]
    d = e - s
    remap = np.where(_VALID > 0, toff[:, None] + d,
                     zrow + e).astype(np.int32)
    return toff, zrow, total, remap.reshape(-1)


_TOFF, _ZROW, _TROWS, _REMAP = _triangle_layout()


def _map_body(xt_ref, valid_ref, flat_ref, validf_ref,
              map_ref, mapt_ref, mask_ref):
    ht = xt_ref.shape[2]

    @pl.when(jnp.logical_and(pl.program_id(0) == 0, pl.program_id(1) == 0))
    def _():
        acc = validf_ref[...].reshape(1, _N * _N)
        col = lax.broadcasted_iota(jnp.int32, (1, _N * _N), 1)
        for c in range(flat_ref.shape[0] // 256):
            fc = flat_ref[pl.ds(c * 256, 256), :]
            hit = (fc == col).astype(jnp.float32)
            acc = jnp.maximum(acc, jnp.max(hit, axis=0, keepdims=True))
        mask_ref[...] = jnp.broadcast_to(acc, mask_ref.shape)

    xb = xt_ref[0]
    sub_e = lax.broadcasted_iota(jnp.int32, (_N, ht), 0)
    neg = jnp.float32(-jnp.inf)
    r2 = jnp.full((_N, ht), neg, jnp.float32)
    mapt_ref[0, _ZROW:_ZROW + _N, :] = jnp.zeros((_N, ht), jnp.float32)
    for s in range(_N - 1, -1, -1):
        r2 = jnp.maximum(r2, jnp.where(sub_e >= s, xb[s:s + 1, :], neg))
        row = jnp.where(valid_ref[s:s + 1, :] > 0.0, r2.T, 0.0)
        if s % 2 == 1:
            prev = row
        else:
            map_ref[0, :, s * _N:(s + 2) * _N] = jnp.concatenate(
                [row, prev], axis=1)
        t0 = int(_TOFF[s])
        mapt_ref[0, t0:t0 + (_N - s), :] = r2[s:, :]


def _build_maps(xt, valid, flat_pad2d, valid_flat):
    b, n, h = xt.shape
    fpad = flat_pad2d.shape[0]
    return pl.pallas_call(
        _map_body,
        grid=(b, h // _HT),
        in_specs=[
            pl.BlockSpec((1, n, _HT), lambda i, j: (i, 0, j)),
            pl.BlockSpec((n, n), lambda i, j: (0, 0)),
            pl.BlockSpec((fpad, 1), lambda i, j: (0, 0)),
            pl.BlockSpec((n * n,), lambda i, j: (0,)),
        ],
        out_specs=[
            pl.BlockSpec((1, _HT, n * n), lambda i, j: (i, j, 0)),
            pl.BlockSpec((1, _TROWS, _HT), lambda i, j: (i, 0, j)),
            pl.BlockSpec((b, n * n), lambda i, j: (0, 0)),
        ],
        out_shape=[
            jax.ShapeDtypeStruct((b, h, n * n), jnp.float32),
            jax.ShapeDtypeStruct((b, _TROWS, h), jnp.float32),
            jax.ShapeDtypeStruct((b, n * n), jnp.float32),
        ],
        compiler_params=pltpu.CompilerParams(
            dimension_semantics=("parallel", "parallel")
        ),
    )(xt, valid, flat_pad2d, valid_flat)


def _sc_gather(mapt_flat, idx_all, b, p, h):
    info = plsc.get_sparse_core_info()
    nw = info.num_cores * info.num_subcores
    rows_per_w = (b * p) // nw
    chunks = []
    off = 0
    while off < rows_per_w:
        c = min(120, rows_per_w - off)
        chunks.append((off, c))
        off += c
    mesh = plsc.VectorSubcoreMesh(core_axis_name="c", subcore_axis_name="s")

    nch = len(chunks)

    @functools.partial(
        pl.kernel,
        mesh=mesh,
        out_type=jax.ShapeDtypeStruct((b * p, h), jnp.float32),
        scratch_types=[
            pltpu.VMEM((rows_per_w,), jnp.int32),
            pltpu.VMEM((120, h), jnp.float32),
            pltpu.VMEM((120, h), jnp.float32),
            pltpu.SemaphoreType.DMA,
            pltpu.SemaphoreType.DMA,
            pltpu.SemaphoreType.DMA,
            pltpu.SemaphoreType.DMA,
        ],
    )
    def run(mapt_hbm, idx_hbm, props_hbm, idx_v, buf0, buf1,
            gsem0, gsem1, wsem0, wsem1):
        wid = lax.axis_index("s") * info.num_cores + lax.axis_index("c")
        base = wid * rows_per_w
        pltpu.sync_copy(idx_hbm.at[pl.ds(base, rows_per_w)], idx_v)
        bufs = (buf0, buf1)
        gsems = (gsem0, gsem1)
        wsems = (wsem0, wsem1)
        gh = [None] * nch
        wh = [None] * nch
        for i, (off, c) in enumerate(chunks):
            if i >= 2:
                wh[i - 2].wait()
            gh[i] = pltpu.async_copy(
                mapt_hbm.at[idx_v.at[pl.ds(off, c)]],
                bufs[i % 2].at[pl.ds(0, c)],
                gsems[i % 2],
            )
            if i >= 1:
                gh[i - 1].wait()
                offp, cp = chunks[i - 1]
                wh[i - 1] = pltpu.async_copy(
                    bufs[(i - 1) % 2].at[pl.ds(0, cp)],
                    props_hbm.at[pl.ds(base + offp, cp)],
                    wsems[(i - 1) % 2],
                )
        gh[nch - 1].wait()
        offp, cp = chunks[nch - 1]
        wh[nch - 1] = pltpu.async_copy(
            bufs[(nch - 1) % 2].at[pl.ds(0, cp)],
            props_hbm.at[pl.ds(base + offp, cp)],
            wsems[(nch - 1) % 2],
        )
        if nch >= 2:
            wh[nch - 2].wait()
        wh[nch - 1].wait()

    return run(mapt_flat, idx_all)


def kernel(x, props):
    b, h, n = x.shape
    p = props.shape[0]
    xt = jnp.transpose(x, (0, 2, 1))
    valid = jnp.asarray(_VALID)

    s0 = props[:, 0].astype(jnp.int32)
    e0 = (props[:, 1].astype(jnp.int32) + n - 1) % n
    flat_idx = s0 * n + e0
    d = e0 - s0
    c1 = (d >= 0) & (d <= 15)
    c2 = (d >= 17) & (d <= 31) & (d % 2 == 1) & (s0 % 2 == 0)
    c3 = (d >= 35) & (d <= 63) & ((d - 35) % 4 == 0) & (s0 % 4 == 0)
    m = n - s0
    a = m >> 3
    r_ = m & 7
    toff_s = 8 * (288 - (4 * a * (a + 1) + r_ * (a + 1)))
    cidx = jnp.where(c1 | c2 | c3, toff_s + d, _ZROW + e0)
    idx_all = (
        jnp.arange(b, dtype=jnp.int32)[:, None] * _TROWS + cidx[None, :]
    ).reshape(-1)

    pad = (-p) % 256
    flat_pad2d = jnp.concatenate(
        [flat_idx, jnp.full((pad,), 1 << 20, jnp.int32)]
    ).reshape(p + pad, 1)

    map_flat, mapt, mask_flat = _build_maps(
        xt, valid, flat_pad2d, valid.reshape(-1))
    ori_map_h = map_flat.reshape(b, h, n, n)

    props_flat = _sc_gather(mapt.reshape(b * _TROWS, h), idx_all, b, p, h)
    return (
        props_flat.reshape(b, p, h),
        ori_map_h,
        mask_flat.reshape(b, 1, n, n),
    )

# --- scband reference (transcript-rebuilt; emitter-appended) ---
"""Pipeline reference for scband-sparse-prop-max-pool-12077448036560 (READ-ONLY COPY).

The authoritative reference and input builder live on the scoring server;
editing this copy changes nothing except your own understanding.
"""

import jax, jax.numpy as jnp
import numpy as np

NUM_SCALE_LAYERS = [16, 8, 8]


def _scale_specs():
    scales = []
    for scale_idx, n in enumerate(NUM_SCALE_LAYERS):
        if scale_idx == 0:
            first = (1, 1)
        else:
            first = (3, 2)
        scales.append([first] + [(2, 1) for _ in range(1, n)])
    return scales


def _maxpool1d(x, k, s):
    return jax.lax.reduce_window(x, -jnp.inf, jax.lax.max, (1, 1, k), (1, 1, s), 'VALID')


def setup_inputs(seed: int = 0):
    key = jax.random.key(seed)
    kx, kp = jax.random.split(key)
    x = jax.random.normal(kx, (16, 512, 64), dtype=jnp.float32)
    props = jax.random.randint(kp, (2000, 2), 0, 64, dtype=jnp.int32)
    return {"x": x, "props": props}


def reference(x, props):
    B, H, N = x.shape
    acum_layers = 0
    stride = 1
    ori_map_h = jnp.zeros((B, H, N, N), dtype=x.dtype)
    ori_map_mask = jnp.zeros((B, 1, N, N), dtype=x.dtype)
    for specs in _scale_specs():
        for i, (k, s) in enumerate(specs):
            stride = stride * s
            x = _maxpool1d(x, k, s)
            ori_s_idxs = list(range(0, N - acum_layers - i * stride, stride))
            ori_e_idxs = [si + acum_layers + i * stride for si in ori_s_idxs]
            si = jnp.asarray(ori_s_idxs, dtype=jnp.int32)
            ei = jnp.asarray(ori_e_idxs, dtype=jnp.int32)
            ori_map_h = ori_map_h.at[:, :, si, ei].set(x)
            ori_map_mask = ori_map_mask.at[:, :, si, ei].set(1.0)
        acum_layers = acum_layers + stride * (len(specs) + 1)
    s0 = props[:, 0]
    e0 = props[:, 1] - 1
    props_h = ori_map_h[:, :, s0, e0]
    ori_map_mask = ori_map_mask.at[:, :, s0, e0].set(1.0)
    return (jnp.transpose(props_h, (0, 2, 1)), ori_map_h, ori_map_mask)

if __name__ == "__main__":
    import jax
    _d = setup_inputs()
    print(jax.jit(kernel)(*tuple(_d.values())))

</pallas_src>

<mosaic_0001>
#map = affine_map<(d0, d1) -> (0, 0)>
#map1 = affine_map<(d0, d1) -> (0)>
module attributes {stable_mosaic.version = 14 : i64} {
  func.func @run(%arg0: i32, %arg1: i32, %arg2: memref<37888x512xf32, #tpu.memory_space<hbm>>, %arg3: memref<32000xi32, #tpu.memory_space<hbm>>, %arg4: memref<32000x512xf32, #tpu.memory_space<hbm>>, %arg5: memref<1000xi32, #tpu.memory_space<vmem>>, %arg6: memref<120x512xf32, #tpu.memory_space<vmem>>, %arg7: memref<120x512xf32, #tpu.memory_space<vmem>>, %arg8: memref<!tpu.dma_semaphore, #tpu.memory_space<semaphore_mem>>, %arg9: memref<!tpu.dma_semaphore, #tpu.memory_space<semaphore_mem>>, %arg10: memref<!tpu.dma_semaphore, #tpu.memory_space<semaphore_mem>>, %arg11: memref<!tpu.dma_semaphore, #tpu.memory_space<semaphore_mem>>) attributes {dimension_semantics = [#tpu.dimension_semantics<core_parallel>, #tpu.dimension_semantics<subcore_parallel>], iteration_bounds = array<i64: 2, 16>, scalar_prefetch = 0 : i64, scratch_operands = 7 : i64, tpu.core_type = #tpu.core_type<sc_vector_subcore>, window_params = [{transform_indices = #map}, {transform_indices = #map1}, {transform_indices = #map}]} {
    %mul3A = arith.constant 2 : i32
    %mul3A_0 = arith.muli %arg1, %mul3A : i32
    %add3A = arith.addi %mul3A_0, %arg0 : i32
    %mul3A_1 = arith.constant 1000 : i32
    %mul3A_2 = arith.muli %add3A, %mul3A_1 : i32
    "tpu.region"() ({
      %run_scoped3A = tpu.sem_alloc : memref<!tpu.dma_semaphore, #tpu.memory_space<semaphore_mem>>
      %dma_start3A_343 = tpu.memref_slice %arg3[%mul3A_2] : memref<32000xi32, #tpu.memory_space<hbm>> -> memref<1000xi32, #tpu.memory_space<hbm>>
      %dma_start3A_344 = tpu.memref_slice %arg3[%mul3A_2] : memref<32000xi32, #tpu.memory_space<hbm>> -> memref<1000xi32, #tpu.memory_space<hbm>>
      tpu.enqueue_dma source(%dma_start3A_344 : memref<1000xi32, #tpu.memory_space<hbm>>) target(%arg5 : memref<1000xi32, #tpu.memory_space<vmem>>) target_semaphore(%run_scoped3A : memref<!tpu.dma_semaphore, #tpu.memory_space<semaphore_mem>>)
      %dma_wait3A_345 = tpu.memref_slice %arg3[%mul3A_2] : memref<32000xi32, #tpu.memory_space<hbm>> -> memref<1000xi32, #tpu.memory_space<hbm>>
      %dma_wait3A_346 = tpu.memref_slice %arg3[%mul3A_2] : memref<32000xi32, #tpu.memory_space<hbm>> -> memref<1000xi32, #tpu.memory_space<hbm>>
      tpu.wait_dma2 semaphore(%run_scoped3A : memref<!tpu.dma_semaphore, #tpu.memory_space<semaphore_mem>>) src(%dma_wait3A_346 : memref<1000xi32, #tpu.memory_space<hbm>>) dst(%arg5 : memref<1000xi32, #tpu.memory_space<vmem>>)
      tpu.yield
    }) : () -> ()
    %dma_start3A = arith.constant 0 : i32
    %dma_start3A_3 = arith.constant 0 : i32
    %dma_start3A_4 = tpu.memref_slice %arg6[%dma_start3A, %dma_start3A_3] : memref<120x512xf32, #tpu.memory_space<vmem>> -> memref<120x512xf32, #tpu.memory_space<vmem>>
    %dma_start3A_5 = arith.constant 0 : i32
    %dma_start3A_6 = tpu.memref_slice %arg5[%dma_start3A_5] : memref<1000xi32, #tpu.memory_space<vmem>> -> memref<120xi32, #tpu.memory_space<vmem>>
    %dma_start3A_7 = arith.constant 0 : i32
    %dma_start3A_8 = arith.constant 0 : i32
    %dma_start3A_9 = tpu.memref_slice %arg2[%dma_start3A_7, %dma_start3A_8] : memref<37888x512xf32, #tpu.memory_space<hbm>> -> memref<37888x512xf32, #tpu.memory_space<hbm>>
    tpu.enqueue_indirect_dma source(%dma_start3A_9 : memref<37888x512xf32, #tpu.memory_space<hbm>>) target(%dma_start3A_4 : memref<120x512xf32, #tpu.memory_space<vmem>>) offsets(%dma_start3A_6 : memref<120xi32, #tpu.memory_space<vmem>>) semaphore(%arg8 : memref<!tpu.dma_semaphore, #tpu.memory_space<semaphore_mem>>)
    %dma_start3A_10 = arith.constant 0 : i32
    %dma_start3A_11 = arith.constant 0 : i32
    %dma_start3A_12 = tpu.memref_slice %arg7[%dma_start3A_10, %dma_start3A_11] : memref<120x512xf32, #tpu.memory_space<vmem>> -> memref<120x512xf32, #tpu.memory_space<vmem>>
    %dma_start3A_13 = arith.constant 120 : i32
    %dma_start3A_14 = tpu.memref_slice %arg5[%dma_start3A_13] : memref<1000xi32, #tpu.memory_space<vmem>> -> memref<120xi32, #tpu.memory_space<vmem>>
    %dma_start3A_15 = arith.constant 0 : i32
    %dma_start3A_16 = arith.constant 0 : i32
    %dma_start3A_17 = tpu.memref_slice %arg2[%dma_start3A_15, %dma_start3A_16] : memref<37888x512xf32, #tpu.memory_space<hbm>> -> memref<37888x512xf32, #tpu.memory_space<hbm>>
    tpu.enqueue_indirect_dma source(%dma_start3A_17 : memref<37888x512xf32, #tpu.memory_space<hbm>>) target(%dma_start3A_12 : memref<120x512xf32, #tpu.memory_space<vmem>>) offsets(%dma_start3A_14 : memref<120xi32, #tpu.memory_space<vmem>>) semaphore(%arg9 : memref<!tpu.dma_semaphore, #tpu.memory_space<semaphore_mem>>)
    %dma_wait3A = arith.constant 0 : i32
    %dma_wait3A_18 = arith.constant 0 : i32
    %dma_wait3A_19 = tpu.memref_slice %arg6[%dma_wait3A, %dma_wait3A_18] : memref<120x512xf32, #tpu.memory_space<vmem>> -> memref<120x512xf32, #tpu.memory_space<vmem>>
    %dma_wait3A_20 = arith.constant 0 : i32
    %dma_wait3A_21 = tpu.memref_slice %arg5[%dma_wait3A_20] : memref<1000xi32, #tpu.memory_space<vmem>> -> memref<120xi32, #tpu.memory_space<vmem>>
    %dma_wait3A_22 = arith.constant 0 : i32
    %dma_wait3A_23 = arith.constant 0 : i32
    %dma_wait3A_24 = tpu.memref_slice %arg2[%dma_wait3A_22, %dma_wait3A_23] : memref<37888x512xf32, #tpu.memory_space<hbm>> -> memref<37888x512xf32, #tpu.memory_space<hbm>>
    tpu.wait_indirect_dma semaphore(%arg8 : memref<!tpu.dma_semaphore, #tpu.memory_space<semaphore_mem>>) src(%dma_wait3A_24 : memref<37888x512xf32, #tpu.memory_space<hbm>>) dst(%dma_wait3A_19 : memref<120x512xf32, #tpu.memory_space<vmem>>)
    %add3A_25 = arith.constant 0 : i32
    %add3A_26 = arith.addi %mul3A_2, %add3A_25 : i32
    %dma_start3A_27 = arith.constant 0 : i32
    %dma_start3A_28 = arith.constant 0 : i32
    %dma_start3A_29 = tpu.memref_slice %arg6[%dma_start3A_27, %dma_start3A_28] : memref<120x512xf32, #tpu.memory_space<vmem>> -> memref<120x512xf32, #tpu.memory_space<vmem>>
    %dma_start3A_30 = arith.constant 0 : i32
    %dma_start3A_31 = tpu.memref_slice %arg4[%add3A_26, %dma_start3A_30] : memref<32000x512xf32, #tpu.memory_space<hbm>> -> memref<120x512xf32, #tpu.memory_space<hbm>>
    %dma_start3A_32 = arith.constant 0 : i32
    %dma_start3A_33 = tpu.memref_slice %arg4[%add3A_26, %dma_start3A_32] : memref<32000x512xf32, #tpu.memory_space<hbm>> -> memref<120x512xf32, #tpu.memory_space<hbm>>
    %dma_start3A_34 = arith.constant 0 : i32
    %dma_start3A_35 = arith.constant 0 : i32
    %dma_start3A_36 = tpu.memref_slice %arg6[%dma_start3A_34, %dma_start3A_35] : memref<120x512xf32, #tpu.memory_space<vmem>> -> memref<120x512xf32, #tpu.memory_space<vmem>>
    tpu.enqueue_dma source(%dma_start3A_36 : memref<120x512xf32, #tpu.memory_space<vmem>>) target(%dma_start3A_33 : memref<120x512xf32, #tpu.memory_space<hbm>>) target_semaphore(%arg10 : memref<!tpu.dma_semaphore, #tpu.memory_space<semaphore_mem>>)
    %dma_wait3A_37 = arith.constant 0 : i32
    %dma_wait3A_38 = arith.constant 0 : i32
    %dma_wait3A_39 = tpu.memref_slice %arg6[%dma_wait3A_37, %dma_wait3A_38] : memref<120x512xf32, #tpu.memory_space<vmem>> -> memref<120x512xf32, #tpu.memory_space<vmem>>
    %dma_wait3A_40 = arith.constant 0 : i32
    %dma_wait3A_41 = tpu.memref_slice %arg4[%add3A_26, %dma_wait3A_40] : memref<32000x512xf32, #tpu.memory_space<hbm>> -> memref<120x512xf32, #tpu.memory_space<hbm>>
    %dma_wait3A_42 = arith.constant 0 : i32
    %dma_wait3A_43 = tpu.memref_slice %arg4[%add3A_26, %dma_wait3A_42] : memref<32000x512xf32, #tpu.memory_space<hbm>> -> memref<120x512xf32, #tpu.memory_space<hbm>>
    %dma_wait3A_44 = arith.constant 0 : i32
    %dma_wait3A_45 = arith.constant 0 : i32
    %dma_wait3A_46 = tpu.memref_slice %arg6[%dma_wait3A_44, %dma_wait3A_45] : memref<120x512xf32, #tpu.memory_space<vmem>> -> memref<120x512xf32, #tpu.memory_space<vmem>>
    tpu.wait_dma2 semaphore(%arg10 : memref<!tpu.dma_semaphore, #tpu.memory_space<semaphore_mem>>) src(%dma_wait3A_46 : memref<120x512xf32, #tpu.memory_space<vmem>>) dst(%dma_wait3A_43 : memref<120x512xf32, #tpu.memory_space<hbm>>)
    %dma_start3A_47 = arith.constant 0 : i32
    %dma_start3A_48 = arith.constant 0 : i32
    %dma_start3A_49 = tpu.memref_slice %arg6[%dma_start3A_47, %dma_start3A_48] : memref<120x512xf32, #tpu.memory_space<vmem>> -> memref<120x512xf32, #tpu.memory_space<vmem>>
    %dma_start3A_50 = arith.constant 240 : i32
    %dma_start3A_51 = tpu.memref_slice %arg5[%dma_start3A_50] : memref<1000xi32, #tpu.memory_space<vmem>> -> memref<120xi32, #tpu.memory_space<vmem>>
    %dma_start3A_52 = arith.constant 0 : i32
    %dma_start3A_53 = arith.constant 0 : i32
    %dma_start3A_54 = tpu.memref_slice %arg2[%dma_start3A_52, %dma_start3A_53] : memref<37888x512xf32, #tpu.memory_space<hbm>> -> memref<37888x512xf32, #tpu.memory_space<hbm>>
    tpu.enqueue_indirect_dma source(%dma_start3A_54 : memref<37888x512xf32, #tpu.memory_space<hbm>>) target(%dma_start3A_49 : memref<120x512xf32, #tpu.memory_space<vmem>>) offsets(%dma_start3A_51 : memref<120xi32, #tpu.memory_space<vmem>>) semaphore(%arg8 : memref<!tpu.dma_semaphore, #tpu.memory_space<semaphore_mem>>)
    %dma_wait3A_55 = arith.constant 0 : i32
    %dma_wait3A_56 = arith.constant 0 : i32
    %dma_wait3A_57 = tpu.memref_slice %arg7[%dma_wait3A_55, %dma_wait3A_56] : memref<120x512xf32, #tpu.memory_space<vmem>> -> memref<120x512xf32, #tpu.memory_space<vmem>>
    %dma_wait3A_58 = arith.constant 120 : i32
    %dma_wait3A_59 = tpu.memref_slice %arg5[%dma_wait3A_58] : memref<1000xi32, #tpu.memory_space<vmem>> -> memref<120xi32, #tpu.memory_space<vmem>>
    %dma_wait3A_60 = arith.constant 0 : i32
    %dma_wait3A_61 = arith.constant 0 : i32
    %dma_wait3A_62 = tpu.memref_slice %arg2[%dma_wait3A_60, %dma_wait3A_61] : memref<37888x512xf32, #tpu.memory_space<hbm>> -> memref<37888x512xf32, #tpu.memory_space<hbm>>
    tpu.wait_indirect_dma semaphore(%arg9 : memref<!tpu.dma_semaphore, #tpu.memory_space<semaphore_mem>>) src(%dma_wait3A_62 : memref<37888x512xf32, #tpu.memory_space<hbm>>) dst(%dma_wait3A_57 : memref<120x512xf32, #tpu.memory_space<vmem>>)
    %add3A_63 = arith.constant 120 : i32
    %add3A_64 = arith.addi %mul3A_2, %add3A_63 : i32
    %dma_start3A_65 = arith.constant 0 : i32
    %dma_start3A_66 = arith.constant 0 : i32
    %dma_start3A_67 = tpu.memref_slice %arg7[%dma_start3A_65, %dma_start3A_66] : memref<120x512xf32, #tpu.memory_space<vmem>> -> memref<120x512xf32, #tpu.memory_space<vmem>>
    %dma_start3A_68 = arith.constant 0 : i32
    %dma_start3A_69 = tpu.memref_slice %arg4[%add3A_64, %dma_start3A_68] : memref<32000x512xf32, #tpu.memory_space<hbm>> -> memref<120x512xf32, #tpu.memory_space<hbm>>
    %dma_start3A_70 = arith.constant 0 : i32
    %dma_start3A_71 = tpu.memref_slice %arg4[%add3A_64, %dma_start3A_70] : memref<32000x512xf32, #tpu.memory_space<hbm>> -> memref<120x512xf32, #tpu.memory_space<hbm>>
    %dma_start3A_72 = arith.constant 0 : i32
    %dma_start3A_73 = arith.constant 0 : i32
    %dma_start3A_74 = tpu.memref_slice %arg7[%dma_start3A_72, %dma_start3A_73] : memref<120x512xf32, #tpu.memory_space<vmem>> -> memref<120x512xf32, #tpu.memory_space<vmem>>
    tpu.enqueue_dma source(%dma_start3A_74 : memref<120x512xf32, #tpu.memory_space<vmem>>) target(%dma_start3A_71 : memref<120x512xf32, #tpu.memory_space<hbm>>) target_semaphore(%arg11 : memref<!tpu.dma_semaphore, #tpu.memory_space<semaphore_mem>>)
    %dma_wait3A_75 = arith.constant 0 : i32
    %dma_wait3A_76 = arith.constant 0 : i32
    %dma_wait3A_77 = tpu.memref_slice %arg7[%dma_wait3A_75, %dma_wait3A_76] : memref<120x512xf32, #tpu.memory_space<vmem>> -> memref<120x512xf32, #tpu.memory_space<vmem>>
    %dma_wait3A_78 = arith.constant 0 : i32
    %dma_wait3A_79 = tpu.memref_slice %arg4[%add3A_64, %dma_wait3A_78] : memref<32000x512xf32, #tpu.memory_space<hbm>> -> memref<120x512xf32, #tpu.memory_space<hbm>>
    %dma_wait3A_80 = arith.constant 0 : i32
    %dma_wait3A_81 = tpu.memref_slice %arg4[%add3A_64, %dma_wait3A_80] : memref<32000x512xf32, #tpu.memory_space<hbm>> -> memref<120x512xf32, #tpu.memory_space<hbm>>
    %dma_wait3A_82 = arith.constant 0 : i32
    %dma_wait3A_83 = arith.constant 0 : i32
    %dma_wait3A_84 = tpu.memref_slice %arg7[%dma_wait3A_82, %dma_wait3A_83] : memref<120x512xf32, #tpu.memory_space<vmem>> -> memref<120x512xf32, #tpu.memory_space<vmem>>
    tpu.wait_dma2 semaphore(%arg11 : memref<!tpu.dma_semaphore, #tpu.memory_space<semaphore_mem>>) src(%dma_wait3A_84 : memref<120x512xf32, #tpu.memory_space<vmem>>) dst(%dma_wait3A_81 : memref<120x512xf32, #tpu.memory_space<hbm>>)
    %dma_start3A_85 = arith.constant 0 : i32
    %dma_start3A_86 = arith.constant 0 : i32
    %dma_start3A_87 = tpu.memref_slice %arg7[%dma_start3A_85, %dma_start3A_86] : memref<120x512xf32, #tpu.memory_space<vmem>> -> memref<120x512xf32, #tpu.memory_space<vmem>>
    %dma_start3A_88 = arith.constant 360 : i32
    %dma_start3A_89 = tpu.memref_slice %arg5[%dma_start3A_88] : memref<1000xi32, #tpu.memory_space<vmem>> -> memref<120xi32, #tpu.memory_space<vmem>>
    %dma_start3A_90 = arith.constant 0 : i32
    %dma_start3A_91 = arith.constant 0 : i32
    %dma_start3A_92 = tpu.memref_slice %arg2[%dma_start3A_90, %dma_start3A_91] : memref<37888x512xf32, #tpu.memory_space<hbm>> -> memref<37888x512xf32, #tpu.memory_space<hbm>>
    tpu.enqueue_indirect_dma source(%dma_start3A_92 : memref<37888x512xf32, #tpu.memory_space<hbm>>) target(%dma_start3A_87 : memref<120x512xf32, #tpu.memory_space<vmem>>) offsets(%dma_start3A_89 : memref<120xi32, #tpu.memory_space<vmem>>) semaphore(%arg9 : memref<!tpu.dma_semaphore, #tpu.memory_space<semaphore_mem>>)
    %dma_wait3A_93 = arith.constant 0 : i32
    %dma_wait3A_94 = arith.constant 0 : i32
    %dma_wait3A_95 = tpu.memref_slice %arg6[%dma_wait3A_93, %dma_wait3A_94] : memref<120x512xf32, #tpu.memory_space<vmem>> -> memref<120x512xf32, #tpu.memory_space<vmem>>
    %dma_wait3A_96 = arith.constant 240 : i32
    %dma_wait3A_97 = tpu.memref_slice %arg5[%dma_wait3A_96] : memref<1000xi32, #tpu.memory_space<vmem>> -> memref<120xi32, #tpu.memory_space<vmem>>
    %dma_wait3A_98 = arith.constant 0 : i32
    %dma_wait3A_99 = arith.constant 0 : i32
    %dma_wait3A_100 = tpu.memref_slice %arg2[%dma_wait3A_98, %dma_wait3A_99] : memref<37888x512xf32, #tpu.memory_space<hbm>> -> memref<37888x512xf32, #tpu.memory_space<hbm>>
    tpu.wait_indirect_dma semaphore(%arg8 : memref<!tpu.dma_semaphore, #tpu.memory_space<semaphore_mem>>) src(%dma_wait3A_100 : memref<37888x512xf32, #tpu.memory_space<hbm>>) dst(%dma_wait3A_95 : memref<120x512xf32, #tpu.memory_space<vmem>>)
    %add3A_101 = arith.constant 240 : i32
    %add3A_102 = arith.addi %mul3A_2, %add3A_101 : i32
    %dma_start3A_103 = arith.constant 0 : i32
    %dma_start3A_104 = arith.constant 0 : i32
    %dma_start3A_105 = tpu.memref_slice %arg6[%dma_start3A_103, %dma_start3A_104] : memref<120x512xf32, #tpu.memory_space<vmem>> -> memref<120x512xf32, #tpu.memory_space<vmem>>
    %dma_start3A_106 = arith.constant 0 : i32
    %dma_start3A_107 = tpu.memref_slice %arg4[%add3A_102, %dma_start3A_106] : memref<32000x512xf32, #tpu.memory_space<hbm>> -> memref<120x512xf32, #tpu.memory_space<hbm>>
    %dma_start3A_108 = arith.constant 0 : i32
    %dma_start3A_109 = tpu.memref_slice %arg4[%add3A_102, %dma_start3A_108] : memref<32000x512xf32, #tpu.memory_space<hbm>> -> memref<120x512xf32, #tpu.memory_space<hbm>>
    %dma_start3A_110 = arith.constant 0 : i32
    %dma_start3A_111 = arith.constant 0 : i32
    %dma_start3A_112 = tpu.memref_slice %arg6[%dma_start3A_110, %dma_start3A_111] : memref<120x512xf32, #tpu.memory_space<vmem>> -> memref<120x512xf32, #tpu.memory_space<vmem>>
    tpu.enqueue_dma source(%dma_start3A_112 : memref<120x512xf32, #tpu.memory_space<vmem>>) target(%dma_start3A_109 : memref<120x512xf32, #tpu.memory_space<hbm>>) target_semaphore(%arg10 : memref<!tpu.dma_semaphore, #tpu.memory_space<semaphore_mem>>)
    %dma_wait3A_113 = arith.constant 0 : i32
    %dma_wait3A_114 = arith.constant 0 : i32
    %dma_wait3A_115 = tpu.memref_slice %arg6[%dma_wait3A_113, %dma_wait3A_114] : memref<120x512xf32, #tpu.memory_space<vmem>> -> memref<120x512xf32, #tpu.memory_space<vmem>>
    %dma_wait3A_116 = arith.constant 0 : i32
    %dma_wait3A_117 = tpu.memref_slice %arg4[%add3A_102, %dma_wait3A_116] : memref<32000x512xf32, #tpu.memory_space<hbm>> -> memref<120x512xf32, #tpu.memory_space<hbm>>
    %dma_wait3A_118 = arith.constant 0 : i32
    %dma_wait3A_119 = tpu.memref_slice %arg4[%add3A_102, %dma_wait3A_118] : memref<32000x512xf32, #tpu.memory_space<hbm>> -> memref<120x512xf32, #tpu.memory_space<hbm>>
    %dma_wait3A_120 = arith.constant 0 : i32
    %dma_wait3A_121 = arith.constant 0 : i32
    %dma_wait3A_122 = tpu.memref_slice %arg6[%dma_wait3A_120, %dma_wait3A_121] : memref<120x512xf32, #tpu.memory_space<vmem>> -> memref<120x512xf32, #tpu.memory_space<vmem>>
    tpu.wait_dma2 semaphore(%arg10 : memref<!tpu.dma_semaphore, #tpu.memory_space<semaphore_mem>>) src(%dma_wait3A_122 : memref<120x512xf32, #tpu.memory_space<vmem>>) dst(%dma_wait3A_119 : memref<120x512xf32, #tpu.memory_space<hbm>>)
    %dma_start3A_123 = arith.constant 0 : i32
    %dma_start3A_124 = arith.constant 0 : i32
    %dma_start3A_125 = tpu.memref_slice %arg6[%dma_start3A_123, %dma_start3A_124] : memref<120x512xf32, #tpu.memory_space<vmem>> -> memref<120x512xf32, #tpu.memory_space<vmem>>
    %dma_start3A_126 = arith.constant 480 : i32
    %dma_start3A_127 = tpu.memref_slice %arg5[%dma_start3A_126] : memref<1000xi32, #tpu.memory_space<vmem>> -> memref<120xi32, #tpu.memory_space<vmem>>
    %dma_start3A_128 = arith.constant 0 : i32
    %dma_start3A_129 = arith.constant 0 : i32
    %dma_start3A_130 = tpu.memref_slice %arg2[%dma_start3A_128, %dma_start3A_129] : memref<37888x512xf32, #tpu.memory_space<hbm>> -> memref<37888x512xf32, #tpu.memory_space<hbm>>
    tpu.enqueue_indirect_dma source(%dma_start3A_130 : memref<37888x512xf32, #tpu.memory_space<hbm>>) target(%dma_start3A_125 : memref<120x512xf32, #tpu.memory_space<vmem>>) offsets(%dma_start3A_127 : memref<120xi32, #tpu.memory_space<vmem>>) semaphore(%arg8 : memref<!tpu.dma_semaphore, #tpu.memory_space<semaphore_mem>>)
    %dma_wait3A_131 = arith.constant 0 : i32
    %dma_wait3A_132 = arith.constant 0 : i32
    %dma_wait3A_133 = tpu.memref_slice %arg7[%dma_wait3A_131, %dma_wait3A_132] : memref<120x512xf32, #tpu.memory_space<vmem>> -> memref<120x512xf32, #tpu.memory_space<vmem>>
    %dma_wait3A_134 = arith.constant 360 : i32
    %dma_wait3A_135 = tpu.memref_slice %arg5[%dma_wait3A_134] : memref<1000xi32, #tpu.memory_space<vmem>> -> memref<120xi32, #tpu.memory_space<vmem>>
    %dma_wait3A_136 = arith.constant 0 : i32
    %dma_wait3A_137 = arith.constant 0 : i32
    %dma_wait3A_138 = tpu.memref_slice %arg2[%dma_wait3A_136, %dma_wait3A_137] : memref<37888x512xf32, #tpu.memory_space<hbm>> -> memref<37888x512xf32, #tpu.memory_space<hbm>>
    tpu.wait_indirect_dma semaphore(%arg9 : memref<!tpu.dma_semaphore, #tpu.memory_space<semaphore_mem>>) src(%dma_wait3A_138 : memref<37888x512xf32, #tpu.memory_space<hbm>>) dst(%dma_wait3A_133 : memref<120x512xf32, #tpu.memory_space<vmem>>)
    %add3A_139 = arith.constant 360 : i32
    %add3A_140 = arith.addi %mul3A_2, %add3A_139 : i32
    %dma_start3A_141 = arith.constant 0 : i32
    %dma_start3A_142 = arith.constant 0 : i32
    %dma_start3A_143 = tpu.memref_slice %arg7[%dma_start3A_141, %dma_start3A_142] : memref<120x512xf32, #tpu.memory_space<vmem>> -> memref<120x512xf32, #tpu.memory_space<vmem>>
    %dma_start3A_144 = arith.constant 0 : i32
    %dma_start3A_145 = tpu.memref_slice %arg4[%add3A_140, %dma_start3A_144] : memref<32000x512xf32, #tpu.memory_space<hbm>> -> memref<120x512xf32, #tpu.memory_space<hbm>>
    %dma_start3A_146 = arith.constant 0 : i32
    %dma_start3A_147 = tpu.memref_slice %arg4[%add3A_140, %dma_start3A_146] : memref<32000x512xf32, #tpu.memory_space<hbm>> -> memref<120x512xf32, #tpu.memory_space<hbm>>
    %dma_start3A_148 = arith.constant 0 : i32
    %dma_start3A_149 = arith.constant 0 : i32
    %dma_start3A_150 = tpu.memref_slice %arg7[%dma_start3A_148, %dma_start3A_149] : memref<120x512xf32, #tpu.memory_space<vmem>> -> memref<120x512xf32, #tpu.memory_space<vmem>>
    tpu.enqueue_dma source(%dma_start3A_150 : memref<120x512xf32, #tpu.memory_space<vmem>>) target(%dma_start3A_147 : memref<120x512xf32, #tpu.memory_space<hbm>>) target_semaphore(%arg11 : memref<!tpu.dma_semaphore, #tpu.memory_space<semaphore_mem>>)
    %dma_wait3A_151 = arith.constant 0 : i32
    %dma_wait3A_152 = arith.constant 0 : i32
    %dma_wait3A_153 = tpu.memref_slice %arg7[%dma_wait3A_151, %dma_wait3A_152] : memref<120x512xf32, #tpu.memory_space<vmem>> -> memref<120x512xf32, #tpu.memory_space<vmem>>
    %dma_wait3A_154 = arith.constant 0 : i32
    %dma_wait3A_155 = tpu.memref_slice %arg4[%add3A_140, %dma_wait3A_154] : memref<32000x512xf32, #tpu.memory_space<hbm>> -> memref<120x512xf32, #tpu.memory_space<hbm>>
    %dma_wait3A_156 = arith.constant 0 : i32
    %dma_wait3A_157 = tpu.memref_slice %arg4[%add3A_140, %dma_wait3A_156] : memref<32000x512xf32, #tpu.memory_space<hbm>> -> memref<120x512xf32, #tpu.memory_space<hbm>>
    %dma_wait3A_158 = arith.constant 0 : i32
    %dma_wait3A_159 = arith.constant 0 : i32
    %dma_wait3A_160 = tpu.memref_slice %arg7[%dma_wait3A_158, %dma_wait3A_159] : memref<120x512xf32, #tpu.memory_space<vmem>> -> memref<120x512xf32, #tpu.memory_space<vmem>>
    tpu.wait_dma2 semaphore(%arg11 : memref<!tpu.dma_semaphore, #tpu.memory_space<semaphore_mem>>) src(%dma_wait3A_160 : memref<120x512xf32, #tpu.memory_space<vmem>>) dst(%dma_wait3A_157 : memref<120x512xf32, #tpu.memory_space<hbm>>)
    %dma_start3A_161 = arith.constant 0 : i32
    %dma_start3A_162 = arith.constant 0 : i32
    %dma_start3A_163 = tpu.memref_slice %arg7[%dma_start3A_161, %dma_start3A_162] : memref<120x512xf32, #tpu.memory_space<vmem>> -> memref<120x512xf32, #tpu.memory_space<vmem>>
    %dma_start3A_164 = arith.constant 600 : i32
    %dma_start3A_165 = tpu.memref_slice %arg5[%dma_start3A_164] : memref<1000xi32, #tpu.memory_space<vmem>> -> memref<120xi32, #tpu.memory_space<vmem>>
    %dma_start3A_166 = arith.constant 0 : i32
    %dma_start3A_167 = arith.constant 0 : i32
    %dma_start3A_168 = tpu.memref_slice %arg2[%dma_start3A_166, %dma_start3A_167] : memref<37888x512xf32, #tpu.memory_space<hbm>> -> memref<37888x512xf32, #tpu.memory_space<hbm>>
    tpu.enqueue_indirect_dma source(%dma_start3A_168 : memref<37888x512xf32, #tpu.memory_space<hbm>>) target(%dma_start3A_163 : memref<120x512xf32, #tpu.memory_space<vmem>>) offsets(%dma_start3A_165 : memref<120xi32, #tpu.memory_space<vmem>>) semaphore(%arg9 : memref<!tpu.dma_semaphore, #tpu.memory_space<semaphore_mem>>)
    %dma_wait3A_169 = arith.constant 0 : i32
    %dma_wait3A_170 = arith.constant 0 : i32
    %dma_wait3A_171 = tpu.memref_slice %arg6[%dma_wait3A_169, %dma_wait3A_170] : memref<120x512xf32, #tpu.memory_space<vmem>> -> memref<120x512xf32, #tpu.memory_space<vmem>>
    %dma_wait3A_172 = arith.constant 480 : i32
    %dma_wait3A_173 = tpu.memref_slice %arg5[%dma_wait3A_172] : memref<1000xi32, #tpu.memory_space<vmem>> -> memref<120xi32, #tpu.memory_space<vmem>>
    %dma_wait3A_174 = arith.constant 0 : i32
    %dma_wait3A_175 = arith.constant 0 : i32
    %dma_wait3A_176 = tpu.memref_slice %arg2[%dma_wait3A_174, %dma_wait3A_175] : memref<37888x512xf32, #tpu.memory_space<hbm>> -> memref<37888x512xf32, #tpu.memory_space<hbm>>
    tpu.wait_indirect_dma semaphore(%arg8 : memref<!tpu.dma_semaphore, #tpu.memory_space<semaphore_mem>>) src(%dma_wait3A_176 : memref<37888x512xf32, #tpu.memory_space<hbm>>) dst(%dma_wait3A_171 : memref<120x512xf32, #tpu.memory_space<vmem>>)
    %add3A_177 = arith.constant 480 : i32
    %add3A_178 = arith.addi %mul3A_2, %add3A_177 : i32
    %dma_start3A_179 = arith.constant 0 : i32
    %dma_start3A_180 = arith.constant 0 : i32
    %dma_start3A_181 = tpu.memref_slice %arg6[%dma_start3A_179, %dma_start3A_180] : memref<120x512xf32, #tpu.memory_space<vmem>> -> memref<120x512xf32, #tpu.memory_space<vmem>>
    %dma_start3A_182 = arith.constant 0 : i32
    %dma_start3A_183 = tpu.memref_slice %arg4[%add3A_178, %dma_start3A_182] : memref<32000x512xf32, #tpu.memory_space<hbm>> -> memref<120x512xf32, #tpu.memory_space<hbm>>
    %dma_start3A_184 = arith.constant 0 : i32
    %dma_start3A_185 = tpu.memref_slice %arg4[%add3A_178, %dma_start3A_184] : memref<32000x512xf32, #tpu.memory_space<hbm>> -> memref<120x512xf32, #tpu.memory_space<hbm>>
    %dma_start3A_186 = arith.constant 0 : i32
    %dma_start3A_187 = arith.constant 0 : i32
    %dma_start3A_188 = tpu.memref_slice %arg6[%dma_start3A_186, %dma_start3A_187] : memref<120x512xf32, #tpu.memory_space<vmem>> -> memref<120x512xf32, #tpu.memory_space<vmem>>
    tpu.enqueue_dma source(%dma_start3A_188 : memref<120x512xf32, #tpu.memory_space<vmem>>) target(%dma_start3A_185 : memref<120x512xf32, #tpu.memory_space<hbm>>) target_semaphore(%arg10 : memref<!tpu.dma_semaphore, #tpu.memory_space<semaphore_mem>>)
    %dma_wait3A_189 = arith.constant 0 : i32
    %dma_wait3A_190 = arith.constant 0 : i32
    %dma_wait3A_191 = tpu.memref_slice %arg6[%dma_wait3A_189, %dma_wait3A_190] : memref<120x512xf32, #tpu.memory_space<vmem>> -> memref<120x512xf32, #tpu.memory_space<vmem>>
    %dma_wait3A_192 = arith.constant 0 : i32
    %dma_wait3A_193 = tpu.memref_slice %arg4[%add3A_178, %dma_wait3A_192] : memref<32000x512xf32, #tpu.memory_space<hbm>> -> memref<120x512xf32, #tpu.memory_space<hbm>>
    %dma_wait3A_194 = arith.constant 0 : i32
    %dma_wait3A_195 = tpu.memref_slice %arg4[%add3A_178, %dma_wait3A_194] : memref<32000x512xf32, #tpu.memory_space<hbm>> -> memref<120x512xf32, #tpu.memory_space<hbm>>
    %dma_wait3A_196 = arith.constant 0 : i32
    %dma_wait3A_197 = arith.constant 0 : i32
    %dma_wait3A_198 = tpu.memref_slice %arg6[%dma_wait3A_196, %dma_wait3A_197] : memref<120x512xf32, #tpu.memory_space<vmem>> -> memref<120x512xf32, #tpu.memory_space<vmem>>
    tpu.wait_dma2 semaphore(%arg10 : memref<!tpu.dma_semaphore, #tpu.memory_space<semaphore_mem>>) src(%dma_wait3A_198 : memref<120x512xf32, #tpu.memory_space<vmem>>) dst(%dma_wait3A_195 : memref<120x512xf32, #tpu.memory_space<hbm>>)
    %dma_start3A_199 = arith.constant 0 : i32
    %dma_start3A_200 = arith.constant 0 : i32
    %dma_start3A_201 = tpu.memref_slice %arg6[%dma_start3A_199, %dma_start3A_200] : memref<120x512xf32, #tpu.memory_space<vmem>> -> memref<120x512xf32, #tpu.memory_space<vmem>>
    %dma_start3A_202 = arith.constant 720 : i32
    %dma_start3A_203 = tpu.memref_slice %arg5[%dma_start3A_202] : memref<1000xi32, #tpu.memory_space<vmem>> -> memref<120xi32, #tpu.memory_space<vmem>>
    %dma_start3A_204 = arith.constant 0 : i32
    %dma_start3A_205 = arith.constant 0 : i32
    %dma_start3A_206 = tpu.memref_slice %arg2[%dma_start3A_204, %dma_start3A_205] : memref<37888x512xf32, #tpu.memory_space<hbm>> -> memref<37888x512xf32, #tpu.memory_space<hbm>>
    tpu.enqueue_indirect_dma source(%dma_start3A_206 : memref<37888x512xf32, #tpu.memory_space<hbm>>) target(%dma_start3A_201 : memref<120x512xf32, #tpu.memory_space<vmem>>) offsets(%dma_start3A_203 : memref<120xi32, #tpu.memory_space<vmem>>) semaphore(%arg8 : memref<!tpu.dma_semaphore, #tpu.memory_space<semaphore_mem>>)
    %dma_wait3A_207 = arith.constant 0 : i32
    %dma_wait3A_208 = arith.constant 0 : i32
    %dma_wait3A_209 = tpu.memref_slice %arg7[%dma_wait3A_207, %dma_wait3A_208] : memref<120x512xf32, #tpu.memory_space<vmem>> -> memref<120x512xf32, #tpu.memory_space<vmem>>
    %dma_wait3A_210 = arith.constant 600 : i32
    %dma_wait3A_211 = tpu.memref_slice %arg5[%dma_wait3A_210] : memref<1000xi32, #tpu.memory_space<vmem>> -> memref<120xi32, #tpu.memory_space<vmem>>
    %dma_wait3A_212 = arith.constant 0 : i32
    %dma_wait3A_213 = arith.constant 0 : i32
    %dma_wait3A_214 = tpu.memref_slice %arg2[%dma_wait3A_212, %dma_wait3A_213] : memref<37888x512xf32, #tpu.memory_space<hbm>> -> memref<37888x512xf32, #tpu.memory_space<hbm>>
    tpu.wait_indirect_dma semaphore(%arg9 : memref<!tpu.dma_semaphore, #tpu.memory_space<semaphore_mem>>) src(%dma_wait3A_214 : memref<37888x512xf32, #tpu.memory_space<hbm>>) dst(%dma_wait3A_209 : memref<120x512xf32, #tpu.memory_space<vmem>>)
    %add3A_215 = arith.constant 600 : i32
    %add3A_216 = arith.addi %mul3A_2, %add3A_215 : i32
    %dma_start3A_217 = arith.constant 0 : i32
    %dma_start3A_218 = arith.constant 0 : i32
    %dma_start3A_219 = tpu.memref_slice %arg7[%dma_start3A_217, %dma_start3A_218] : memref<120x512xf32, #tpu.memory_space<vmem>> -> memref<120x512xf32, #tpu.memory_space<vmem>>
    %dma_start3A_220 = arith.constant 0 : i32
    %dma_start3A_221 = tpu.memref_slice %arg4[%add3A_216, %dma_start3A_220] : memref<32000x512xf32, #tpu.memory_space<hbm>> -> memref<120x512xf32, #tpu.memory_space<hbm>>
    %dma_start3A_222 = arith.constant 0 : i32
    %dma_start3A_223 = tpu.memref_slice %arg4[%add3A_216, %dma_start3A_222] : memref<32000x512xf32, #tpu.memory_space<hbm>> -> memref<120x512xf32, #tpu.memory_space<hbm>>
    %dma_start3A_224 = arith.constant 0 : i32
    %dma_start3A_225 = arith.constant 0 : i32
    %dma_start3A_226 = tpu.memref_slice %arg7[%dma_start3A_224, %dma_start3A_225] : memref<120x512xf32, #tpu.memory_space<vmem>> -> memref<120x512xf32, #tpu.memory_space<vmem>>
    tpu.enqueue_dma source(%dma_start3A_226 : memref<120x512xf32, #tpu.memory_space<vmem>>) target(%dma_start3A_223 : memref<120x512xf32, #tpu.memory_space<hbm>>) target_semaphore(%arg11 : memref<!tpu.dma_semaphore, #tpu.memory_space<semaphore_mem>>)
    %dma_wait3A_227 = arith.constant 0 : i32
    %dma_wait3A_228 = arith.constant 0 : i32
    %dma_wait3A_229 = tpu.memref_slice %arg7[%dma_wait3A_227, %dma_wait3A_228] : memref<120x512xf32, #tpu.memory_space<vmem>> -> memref<120x512xf32, #tpu.memory_space<vmem>>
    %dma_wait3A_230 = arith.constant 0 : i32
    %dma_wait3A_231 = tpu.memref_slice %arg4[%add3A_216, %dma_wait3A_230] : memref<32000x512xf32, #tpu.memory_space<hbm>> -> memref<120x512xf32, #tpu.memory_space<hbm>>
    %dma_wait3A_232 = arith.constant 0 : i32
    %dma_wait3A_233 = tpu.memref_slice %arg4[%add3A_216, %dma_wait3A_232] : memref<32000x512xf32, #tpu.memory_space<hbm>> -> memref<120x512xf32, #tpu.memory_space<hbm>>
    %dma_wait3A_234 = arith.constant 0 : i32
    %dma_wait3A_235 = arith.constant 0 : i32
    %dma_wait3A_236 = tpu.memref_slice %arg7[%dma_wait3A_234, %dma_wait3A_235] : memref<120x512xf32, #tpu.memory_space<vmem>> -> memref<120x512xf32, #tpu.memory_space<vmem>>
    tpu.wait_dma2 semaphore(%arg11 : memref<!tpu.dma_semaphore, #tpu.memory_space<semaphore_mem>>) src(%dma_wait3A_236 : memref<120x512xf32, #tpu.memory_space<vmem>>) dst(%dma_wait3A_233 : memref<120x512xf32, #tpu.memory_space<hbm>>)
    %dma_start3A_237 = arith.constant 0 : i32
    %dma_start3A_238 = arith.constant 0 : i32
    %dma_start3A_239 = tpu.memref_slice %arg7[%dma_start3A_237, %dma_start3A_238] : memref<120x512xf32, #tpu.memory_space<vmem>> -> memref<120x512xf32, #tpu.memory_space<vmem>>
    %dma_start3A_240 = arith.constant 840 : i32
    %dma_start3A_241 = tpu.memref_slice %arg5[%dma_start3A_240] : memref<1000xi32, #tpu.memory_space<vmem>> -> memref<120xi32, #tpu.memory_space<vmem>>
    %dma_start3A_242 = arith.constant 0 : i32
    %dma_start3A_243 = arith.constant 0 : i32
    %dma_start3A_244 = tpu.memref_slice %arg2[%dma_start3A_242, %dma_start3A_243] : memref<37888x512xf32, #tpu.memory_space<hbm>> -> memref<37888x512xf32, #tpu.memory_space<hbm>>
    tpu.enqueue_indirect_dma source(%dma_start3A_244 : memref<37888x512xf32, #tpu.memory_space<hbm>>) target(%dma_start3A_239 : memref<120x512xf32, #tpu.memory_space<vmem>>) offsets(%dma_start3A_241 : memref<120xi32, #tpu.memory_space<vmem>>) semaphore(%arg9 : memref<!tpu.dma_semaphore, #tpu.memory_space<semaphore_mem>>)
    %dma_wait3A_245 = arith.constant 0 : i32
    %dma_wait3A_246 = arith.constant 0 : i32
    %dma_wait3A_247 = tpu.memref_slice %arg6[%dma_wait3A_245, %dma_wait3A_246] : memref<120x512xf32, #tpu.memory_space<vmem>> -> memref<120x512xf32, #tpu.memory_space<vmem>>
    %dma_wait3A_248 = arith.constant 720 : i32
    %dma_wait3A_249 = tpu.memref_slice %arg5[%dma_wait3A_248] : memref<1000xi32, #tpu.memory_space<vmem>> -> memref<120xi32, #tpu.memory_space<vmem>>
    %dma_wait3A_250 = arith.constant 0 : i32
    %dma_wait3A_251 = arith.constant 0 : i32
    %dma_wait3A_252 = tpu.memref_slice %arg2[%dma_wait3A_250, %dma_wait3A_251] : memref<37888x512xf32, #tpu.memory_space<hbm>> -> memref<37888x512xf32, #tpu.memory_space<hbm>>
    tpu.wait_indirect_dma semaphore(%arg8 : memref<!tpu.dma_semaphore, #tpu.memory_space<semaphore_mem>>) src(%dma_wait3A_252 : memref<37888x512xf32, #tpu.memory_space<hbm>>) dst(%dma_wait3A_247 : memref<120x512xf32, #tpu.memory_space<vmem>>)
    %add3A_253 = arith.constant 720 : i32
    %add3A_254 = arith.addi %mul3A_2, %add3A_253 : i32
    %dma_start3A_255 = arith.constant 0 : i32
    %dma_start3A_256 = arith.constant 0 : i32
    %dma_start3A_257 = tpu.memref_slice %arg6[%dma_start3A_255, %dma_start3A_256] : memref<120x512xf32, #tpu.memory_space<vmem>> -> memref<120x512xf32, #tpu.memory_space<vmem>>
    %dma_start3A_258 = arith.constant 0 : i32
    %dma_start3A_259 = tpu.memref_slice %arg4[%add3A_254, %dma_start3A_258] : memref<32000x512xf32, #tpu.memory_space<hbm>> -> memref<120x512xf32, #tpu.memory_space<hbm>>
    %dma_start3A_260 = arith.constant 0 : i32
    %dma_start3A_261 = tpu.memref_slice %arg4[%add3A_254, %dma_start3A_260] : memref<32000x512xf32, #tpu.memory_space<hbm>> -> memref<120x512xf32, #tpu.memory_space<hbm>>
    %dma_start3A_262 = arith.constant 0 : i32
    %dma_start3A_263 = arith.constant 0 : i32
    %dma_start3A_264 = tpu.memref_slice %arg6[%dma_start3A_262, %dma_start3A_263] : memref<120x512xf32, #tpu.memory_space<vmem>> -> memref<120x512xf32, #tpu.memory_space<vmem>>
    tpu.enqueue_dma source(%dma_start3A_264 : memref<120x512xf32, #tpu.memory_space<vmem>>) target(%dma_start3A_261 : memref<120x512xf32, #tpu.memory_space<hbm>>) target_semaphore(%arg10 : memref<!tpu.dma_semaphore, #tpu.memory_space<semaphore_mem>>)
    %dma_wait3A_265 = arith.constant 0 : i32
    %dma_wait3A_266 = arith.constant 0 : i32
    %dma_wait3A_267 = tpu.memref_slice %arg6[%dma_wait3A_265, %dma_wait3A_266] : memref<120x512xf32, #tpu.memory_space<vmem>> -> memref<120x512xf32, #tpu.memory_space<vmem>>
    %dma_wait3A_268 = arith.constant 0 : i32
    %dma_wait3A_269 = tpu.memref_slice %arg4[%add3A_254, %dma_wait3A_268] : memref<32000x512xf32, #tpu.memory_space<hbm>> -> memref<120x512xf32, #tpu.memory_space<hbm>>
    %dma_wait3A_270 = arith.constant 0 : i32
    %dma_wait3A_271 = tpu.memref_slice %arg4[%add3A_254, %dma_wait3A_270] : memref<32000x512xf32, #tpu.memory_space<hbm>> -> memref<120x512xf32, #tpu.memory_space<hbm>>
    %dma_wait3A_272 = arith.constant 0 : i32
    %dma_wait3A_273 = arith.constant 0 : i32
    %dma_wait3A_274 = tpu.memref_slice %arg6[%dma_wait3A_272, %dma_wait3A_273] : memref<120x512xf32, #tpu.memory_space<vmem>> -> memref<120x512xf32, #tpu.memory_space<vmem>>
    tpu.wait_dma2 semaphore(%arg10 : memref<!tpu.dma_semaphore, #tpu.memory_space<semaphore_mem>>) src(%dma_wait3A_274 : memref<120x512xf32, #tpu.memory_space<vmem>>) dst(%dma_wait3A_271 : memref<120x512xf32, #tpu.memory_space<hbm>>)
    %dma_start3A_275 = arith.constant 0 : i32
    %dma_start3A_276 = arith.constant 0 : i32
    %dma_start3A_277 = tpu.memref_slice %arg6[%dma_start3A_275, %dma_start3A_276] : memref<120x512xf32, #tpu.memory_space<vmem>> -> memref<40x512xf32, #tpu.memory_space<vmem>>
    %dma_start3A_278 = arith.constant 960 : i32
    %dma_start3A_279 = tpu.memref_slice %arg5[%dma_start3A_278] : memref<1000xi32, #tpu.memory_space<vmem>> -> memref<40xi32, #tpu.memory_space<vmem>>
    %dma_start3A_280 = arith.constant 0 : i32
    %dma_start3A_281 = arith.constant 0 : i32
    %dma_start3A_282 = tpu.memref_slice %arg2[%dma_start3A_280, %dma_start3A_281] : memref<37888x512xf32, #tpu.memory_space<hbm>> -> memref<37888x512xf32, #tpu.memory_space<hbm>>
    tpu.enqueue_indirect_dma source(%dma_start3A_282 : memref<37888x512xf32, #tpu.memory_space<hbm>>) target(%dma_start3A_277 : memref<40x512xf32, #tpu.memory_space<vmem>>) offsets(%dma_start3A_279 : memref<40xi32, #tpu.memory_space<vmem>>) semaphore(%arg8 : memref<!tpu.dma_semaphore, #tpu.memory_space<semaphore_mem>>)
    %dma_wait3A_283 = arith.constant 0 : i32
    %dma_wait3A_284 = arith.constant 0 : i32
    %dma_wait3A_285 = tpu.memref_slice %arg7[%dma_wait3A_283, %dma_wait3A_284] : memref<120x512xf32, #tpu.memory_space<vmem>> -> memref<120x512xf32, #tpu.memory_space<vmem>>
    %dma_wait3A_286 = arith.constant 840 : i32
    %dma_wait3A_287 = tpu.memref_slice %arg5[%dma_wait3A_286] : memref<1000xi32, #tpu.memory_space<vmem>> -> memref<120xi32, #tpu.memory_space<vmem>>
    %dma_wait3A_288 = arith.constant 0 : i32
    %dma_wait3A_289 = arith.constant 0 : i32
    %dma_wait3A_290 = tpu.memref_slice %arg2[%dma_wait3A_288, %dma_wait3A_289] : memref<37888x512xf32, #tpu.memory_space<hbm>> -> memref<37888x512xf32, #tpu.memory_space<hbm>>
    tpu.wait_indirect_dma semaphore(%arg9 : memref<!tpu.dma_semaphore, #tpu.memory_space<semaphore_mem>>) src(%dma_wait3A_290 : memref<37888x512xf32, #tpu.memory_space<hbm>>) dst(%dma_wait3A_285 : memref<120x512xf32, #tpu.memory_space<vmem>>)
    %add3A_291 = arith.constant 840 : i32
    %add3A_292 = arith.addi %mul3A_2, %add3A_291 : i32
    %dma_start3A_293 = arith.constant 0 : i32
    %dma_start3A_294 = arith.constant 0 : i32
    %dma_start3A_295 = tpu.memref_slice %arg7[%dma_start3A_293, %dma_start3A_294] : memref<120x512xf32, #tpu.memory_space<vmem>> -> memref<120x512xf32, #tpu.memory_space<vmem>>
    %dma_start3A_296 = arith.constant 0 : i32
    %dma_start3A_297 = tpu.memref_slice %arg4[%add3A_292, %dma_start3A_296] : memref<32000x512xf32, #tpu.memory_space<hbm>> -> memref<120x512xf32, #tpu.memory_space<hbm>>
    %dma_start3A_298 = arith.constant 0 : i32
    %dma_start3A_299 = tpu.memref_slice %arg4[%add3A_292, %dma_start3A_298] : memref<32000x512xf32, #tpu.memory_space<hbm>> -> memref<120x512xf32, #tpu.memory_space<hbm>>
    %dma_start3A_300 = arith.constant 0 : i32
    %dma_start3A_301 = arith.constant 0 : i32
    %dma_start3A_302 = tpu.memref_slice %arg7[%dma_start3A_300, %dma_start3A_301] : memref<120x512xf32, #tpu.memory_space<vmem>> -> memref<120x512xf32, #tpu.memory_space<vmem>>
    tpu.enqueue_dma source(%dma_start3A_302 : memref<120x512xf32, #tpu.memory_space<vmem>>) target(%dma_start3A_299 : memref<120x512xf32, #tpu.memory_space<hbm>>) target_semaphore(%arg11 : memref<!tpu.dma_semaphore, #tpu.memory_space<semaphore_mem>>)
    %dma_wait3A_303 = arith.constant 0 : i32
    %dma_wait3A_304 = arith.constant 0 : i32
    %dma_wait3A_305 = tpu.memref_slice %arg6[%dma_wait3A_303, %dma_wait3A_304] : memref<120x512xf32, #tpu.memory_space<vmem>> -> memref<40x512xf32, #tpu.memory_space<vmem>>
    %dma_wait3A_306 = arith.constant 960 : i32
    %dma_wait3A_307 = tpu.memref_slice %arg5[%dma_wait3A_306] : memref<1000xi32, #tpu.memory_space<vmem>> -> memref<40xi32, #tpu.memory_space<vmem>>
    %dma_wait3A_308 = arith.constant 0 : i32
    %dma_wait3A_309 = arith.constant 0 : i32
    %dma_wait3A_310 = tpu.memref_slice %arg2[%dma_wait3A_308, %dma_wait3A_309] : memref<37888x512xf32, #tpu.memory_space<hbm>> -> memref<37888x512xf32, #tpu.memory_space<hbm>>
    tpu.wait_indirect_dma semaphore(%arg8 : memref<!tpu.dma_semaphore, #tpu.memory_space<semaphore_mem>>) src(%dma_wait3A_310 : memref<37888x512xf32, #tpu.memory_space<hbm>>) dst(%dma_wait3A_305 : memref<40x512xf32, #tpu.memory_space<vmem>>)
    %add3A_311 = arith.constant 960 : i32
    %add3A_312 = arith.addi %mul3A_2, %add3A_311 : i32
    %dma_start3A_313 = arith.constant 0 : i32
    %dma_start3A_314 = arith.constant 0 : i32
    %dma_start3A_315 = tpu.memref_slice %arg6[%dma_start3A_313, %dma_start3A_314] : memref<120x512xf32, #tpu.memory_space<vmem>> -> memref<40x512xf32, #tpu.memory_space<vmem>>
    %dma_start3A_316 = arith.constant 0 : i32
    %dma_start3A_317 = tpu.memref_slice %arg4[%add3A_312, %dma_start3A_316] : memref<32000x512xf32, #tpu.memory_space<hbm>> -> memref<40x512xf32, #tpu.memory_space<hbm>>
    %dma_start3A_318 = arith.constant 0 : i32
    %dma_start3A_319 = tpu.memref_slice %arg4[%add3A_312, %dma_start3A_318] : memref<32000x512xf32, #tpu.memory_space<hbm>> -> memref<40x512xf32, #tpu.memory_space<hbm>>
    %dma_start3A_320 = arith.constant 0 : i32
    %dma_start3A_321 = arith.constant 0 : i32
    %dma_start3A_322 = tpu.memref_slice %arg6[%dma_start3A_320, %dma_start3A_321] : memref<120x512xf32, #tpu.memory_space<vmem>> -> memref<40x512xf32, #tpu.memory_space<vmem>>
    tpu.enqueue_dma source(%dma_start3A_322 : memref<40x512xf32, #tpu.memory_space<vmem>>) target(%dma_start3A_319 : memref<40x512xf32, #tpu.memory_space<hbm>>) target_semaphore(%arg10 : memref<!tpu.dma_semaphore, #tpu.memory_space<semaphore_mem>>)
    %dma_wait3A_323 = arith.constant 0 : i32
    %dma_wait3A_324 = arith.constant 0 : i32
    %dma_wait3A_325 = tpu.memref_slice %arg7[%dma_wait3A_323, %dma_wait3A_324] : memref<120x512xf32, #tpu.memory_space<vmem>> -> memref<120x512xf32, #tpu.memory_space<vmem>>
    %dma_wait3A_326 = arith.constant 0 : i32
    %dma_wait3A_327 = tpu.memref_slice %arg4[%add3A_292, %dma_wait3A_326] : memref<32000x512xf32, #tpu.memory_space<hbm>> -> memref<120x512xf32, #tpu.memory_space<hbm>>
    %dma_wait3A_328 = arith.constant 0 : i32
    %dma_wait3A_329 = tpu.memref_slice %arg4[%add3A_292, %dma_wait3A_328] : memref<32000x512xf32, #tpu.memory_space<hbm>> -> memref<120x512xf32, #tpu.memory_space<hbm>>
    %dma_wait3A_330 = arith.constant 0 : i32
    %dma_wait3A_331 = arith.constant 0 : i32
    %dma_wait3A_332 = tpu.memref_slice %arg7[%dma_wait3A_330, %dma_wait3A_331] : memref<120x512xf32, #tpu.memory_space<vmem>> -> memref<120x512xf32, #tpu.memory_space<vmem>>
    tpu.wait_dma2 semaphore(%arg11 : memref<!tpu.dma_semaphore, #tpu.memory_space<semaphore_mem>>) src(%dma_wait3A_332 : memref<120x512xf32, #tpu.memory_space<vmem>>) dst(%dma_wait3A_329 : memref<120x512xf32, #tpu.memory_space<hbm>>)
    %dma_wait3A_333 = arith.constant 0 : i32
    %dma_wait3A_334 = arith.constant 0 : i32
    %dma_wait3A_335 = tpu.memref_slice %arg6[%dma_wait3A_333, %dma_wait3A_334] : memref<120x512xf32, #tpu.memory_space<vmem>> -> memref<40x512xf32, #tpu.memory_space<vmem>>
    %dma_wait3A_336 = arith.constant 0 : i32
    %dma_wait3A_337 = tpu.memref_slice %arg4[%add3A_312, %dma_wait3A_336] : memref<32000x512xf32, #tpu.memory_space<hbm>> -> memref<40x512xf32, #tpu.memory_space<hbm>>
    %dma_wait3A_338 = arith.constant 0 : i32
    %dma_wait3A_339 = tpu.memref_slice %arg4[%add3A_312, %dma_wait3A_338] : memref<32000x512xf32, #tpu.memory_space<hbm>> -> memref<40x512xf32, #tpu.memory_space<hbm>>
    %dma_wait3A_340 = arith.constant 0 : i32
    %dma_wait3A_341 = arith.constant 0 : i32
    %dma_wait3A_342 = tpu.memref_slice %arg6[%dma_wait3A_340, %dma_wait3A_341] : memref<120x512xf32, #tpu.memory_space<vmem>> -> memref<40x512xf32, #tpu.memory_space<vmem>>
    tpu.wait_dma2 semaphore(%arg10 : memref<!tpu.dma_semaphore, #tpu.memory_space<semaphore_mem>>) src(%dma_wait3A_342 : memref<40x512xf32, #tpu.memory_space<vmem>>) dst(%dma_wait3A_339 : memref<40x512xf32, #tpu.memory_space<hbm>>)
    return
  }
}

module attributes {stable_mosaic.version = 14 : i64} {
  func.func @_map_body(%arg0: i32, %arg1: i32, %arg2: memref<1x64x256xf32, #tpu.memory_space<vmem>>, %arg3: memref<64x64xf32, #tpu.memory_space<vmem>>, %arg4: memref<2048x1xi32, #tpu.memory_space<vmem>>, %arg5: memref<4096xf32, #tpu.memory_space<vmem>>, %arg6: memref<1x256x4096xf32, #tpu.memory_space<vmem>>, %arg7: memref<1x2368x256xf32, #tpu.memory_space<vmem>>, %arg8: memref<16x4096xf32, #tpu.memory_space<vmem>>) attributes {dimension_semantics = [#tpu.dimension_semantics<parallel>, #tpu.dimension_semantics<parallel>], iteration_bounds = array<i64: 16, 2>, scalar_prefetch = 0 : i64, scratch_operands = 0 : i64, tpu.core_type = #tpu.core_type<tc>, window_params = [{transform_indices = @transform_0, window_bounds = array<i64: 1, 64, 256>}, {pipeline_mode = #tpu.pipeline_mode<synchronous>, transform_indices = @transform_1, window_bounds = array<i64: 64, 64>}, {pipeline_mode = #tpu.pipeline_mode<synchronous>, transform_indices = @transform_2, window_bounds = array<i64: 2048, 1>}, {pipeline_mode = #tpu.pipeline_mode<synchronous>, transform_indices = @transform_3, window_bounds = array<i64: 4096>}, {transform_indices = @transform_4, window_bounds = array<i64: 1, 256, 4096>}, {transform_indices = @transform_5, window_bounds = array<i64: 1, 2368, 256>}, {pipeline_mode = #tpu.pipeline_mode<synchronous>, transform_indices = @transform_6, window_bounds = array<i64: 16, 4096>}]} {
    %eq3A = arith.constant 0 : i32
    %eq3A_0 = arith.cmpi eq, %arg0, %eq3A : i32
    %eq3A_1 = arith.constant 0 : i32
    %eq3A_2 = arith.cmpi eq, %arg1, %eq3A_1 : i32
    %and3A = arith.andi %eq3A_0, %eq3A_2 : i1
    %convert_element_type3A = arith.extui %and3A : i1 to i32
    %cond3A = arith.constant 0 : i32
    %cond3A_3 = arith.cmpi ne, %convert_element_type3A, %cond3A : i32
    scf.if %cond3A_3 {
      %get3A_2087 = arith.constant 0 : index
      %get3A_2088 = vector.load %arg5[%get3A_2087] : memref<4096xf32, #tpu.memory_space<vmem>>, vector<4096xf32>
      %reshape3A = vector.shape_cast %get3A_2088 : vector<4096xf32> to vector<1x4096xf32>
      %iota3A_2089 = tpu.iota {dimensions = array<i32: 1>} : vector<1x4096xi32>
      %get3A_2090 = arith.constant 0 : index
      %get3A_2091 = arith.constant 0 : index
      %get3A_2092 = vector.load %arg4[%get3A_2090, %get3A_2091] : memref<2048x1xi32, #tpu.memory_space<vmem>>, vector<256x1xi32>
      %eq3A_2093 = vector.broadcast %get3A_2092 : vector<256x1xi32> to vector<256x4096xi32>
      %eq3A_2094 = vector.broadcast %iota3A_2089 : vector<1x4096xi32> to vector<256x4096xi32>
      %eq3A_2095 = arith.cmpi eq, %eq3A_2093, %eq3A_2094 : vector<256x4096xi32>
      %convert_element_type3A_2096 = arith.extui %eq3A_2095 : vector<256x4096xi1> to vector<256x4096xi32>
      %convert_element_type3A_2097 = arith.sitofp %convert_element_type3A_2096 : vector<256x4096xi32> to vector<256x4096xf32>
      %reduce_max3A = arith.constant dense<0xFF800000> : vector<4096xf32>
      %reduce_max3A_2098 = vector.multi_reduction <maximumf>, %convert_element_type3A_2097, %reduce_max3A [0] : vector<256x4096xf32> to vector<4096xf32>
      %broadcast_in_dim3A_2099 = vector.shape_cast %reduce_max3A_2098 : vector<4096xf32> to vector<1x4096xf32>
      %max3A_2100 = arith.maximumf %reshape3A, %broadcast_in_dim3A_2099 : vector<1x4096xf32>
      %get3A_2101 = arith.constant 256 : index
      %get3A_2102 = arith.constant 0 : index
      %get3A_2103 = vector.load %arg4[%get3A_2101, %get3A_2102] : memref<2048x1xi32, #tpu.memory_space<vmem>>, vector<256x1xi32>
      %eq3A_2104 = vector.broadcast %get3A_2103 : vector<256x1xi32> to vector<256x4096xi32>
      %eq3A_2105 = vector.broadcast %iota3A_2089 : vector<1x4096xi32> to vector<256x4096xi32>
      %eq3A_2106 = arith.cmpi eq, %eq3A_2104, %eq3A_2105 : vector<256x4096xi32>
      %convert_element_type3A_2107 = arith.extui %eq3A_2106 : vector<256x4096xi1> to vector<256x4096xi32>
      %convert_element_type3A_2108 = arith.sitofp %convert_element_type3A_2107 : vector<256x4096xi32> to vector<256x4096xf32>
      %reduce_max3A_2109 = arith.constant dense<0xFF800000> : vector<4096xf32>
      %reduce_max3A_2110 = vector.multi_reduction <maximumf>, %convert_element_type3A_2108, %reduce_max3A_2109 [0] : vector<256x4096xf32> to vector<4096xf32>
      %broadcast_in_dim3A_2111 = vector.shape_cast %reduce_max3A_2110 : vector<4096xf32> to vector<1x4096xf32>
      %max3A_2112 = arith.maximumf %max3A_2100, %broadcast_in_dim3A_2111 : vector<1x4096xf32>
      %get3A_2113 = arith.constant 512 : index
      %get3A_2114 = arith.constant 0 : index
      %get3A_2115 = vector.load %arg4[%get3A_2113, %get3A_2114] : memref<2048x1xi32, #tpu.memory_space<vmem>>, vector<256x1xi32>
      %eq3A_2116 = vector.broadcast %get3A_2115 : vector<256x1xi32> to vector<256x4096xi32>
      %eq3A_2117 = vector.broadcast %iota3A_2089 : vector<1x4096xi32> to vector<256x4096xi32>
      %eq3A_2118 = arith.cmpi eq, %eq3A_2116, %eq3A_2117 : vector<256x4096xi32>
      %convert_element_type3A_2119 = arith.extui %eq3A_2118 : vector<256x4096xi1> to vector<256x4096xi32>
      %convert_element_type3A_2120 = arith.sitofp %convert_element_type3A_2119 : vector<256x4096xi32> to vector<256x4096xf32>
      %reduce_max3A_2121 = arith.constant dense<0xFF800000> : vector<4096xf32>
      %reduce_max3A_2122 = vector.multi_reduction <maximumf>, %convert_element_type3A_2120, %reduce_max3A_2121 [0] : vector<256x4096xf32> to vector<4096xf32>
      %broadcast_in_dim3A_2123 = vector.shape_cast %reduce_max3A_2122 : vector<4096xf32> to vector<1x4096xf32>
      %max3A_2124 = arith.maximumf %max3A_2112, %broadcast_in_dim3A_2123 : vector<1x4096xf32>
      %get3A_2125 = arith.constant 768 : index
      %get3A_2126 = arith.constant 0 : index
      %get3A_2127 = vector.load %arg4[%get3A_2125, %get3A_2126] : memref<2048x1xi32, #tpu.memory_space<vmem>>, vector<256x1xi32>
      %eq3A_2128 = vector.broadcast %get3A_2127 : vector<256x1xi32> to vector<256x4096xi32>
      %eq3A_2129 = vector.broadcast %iota3A_2089 : vector<1x4096xi32> to vector<256x4096xi32>
      %eq3A_2130 = arith.cmpi eq, %eq3A_2128, %eq3A_2129 : vector<256x4096xi32>
      %convert_element_type3A_2131 = arith.extui %eq3A_2130 : vector<256x4096xi1> to vector<256x4096xi32>
      %convert_element_type3A_2132 = arith.sitofp %convert_element_type3A_2131 : vector<256x4096xi32> to vector<256x4096xf32>
      %reduce_max3A_2133 = arith.constant dense<0xFF800000> : vector<4096xf32>
      %reduce_max3A_2134 = vector.multi_reduction <maximumf>, %convert_element_type3A_2132, %reduce_max3A_2133 [0] : vector<256x4096xf32> to vector<4096xf32>
      %broadcast_in_dim3A_2135 = vector.shape_cast %reduce_max3A_2134 : vector<4096xf32> to vector<1x4096xf32>
      %max3A_2136 = arith.maximumf %max3A_2124, %broadcast_in_dim3A_2135 : vector<1x4096xf32>
      %get3A_2137 = arith.constant 1024 : index
      %get3A_2138 = arith.constant 0 : index
      %get3A_2139 = vector.load %arg4[%get3A_2137, %get3A_2138] : memref<2048x1xi32, #tpu.memory_space<vmem>>, vector<256x1xi32>
      %eq3A_2140 = vector.broadcast %get3A_2139 : vector<256x1xi32> to vector<256x4096xi32>
      %eq3A_2141 = vector.broadcast %iota3A_2089 : vector<1x4096xi32> to vector<256x4096xi32>
      %eq3A_2142 = arith.cmpi eq, %eq3A_2140, %eq3A_2141 : vector<256x4096xi32>
      %convert_element_type3A_2143 = arith.extui %eq3A_2142 : vector<256x4096xi1> to vector<256x4096xi32>
      %convert_element_type3A_2144 = arith.sitofp %convert_element_type3A_2143 : vector<256x4096xi32> to vector<256x4096xf32>
      %reduce_max3A_2145 = arith.constant dense<0xFF800000> : vector<4096xf32>
      %reduce_max3A_2146 = vector.multi_reduction <maximumf>, %convert_element_type3A_2144, %reduce_max3A_2145 [0] : vector<256x4096xf32> to vector<4096xf32>
      %broadcast_in_dim3A_2147 = vector.shape_cast %reduce_max3A_2146 : vector<4096xf32> to vector<1x4096xf32>
      %max3A_2148 = arith.maximumf %max3A_2136, %broadcast_in_dim3A_2147 : vector<1x4096xf32>
      %get3A_2149 = arith.constant 1280 : index
      %get3A_2150 = arith.constant 0 : index
      %get3A_2151 = vector.load %arg4[%get3A_2149, %get3A_2150] : memref<2048x1xi32, #tpu.memory_space<vmem>>, vector<256x1xi32>
      %eq3A_2152 = vector.broadcast %get3A_2151 : vector<256x1xi32> to vector<256x4096xi32>
      %eq3A_2153 = vector.broadcast %iota3A_2089 : vector<1x4096xi32> to vector<256x4096xi32>
      %eq3A_2154 = arith.cmpi eq, %eq3A_2152, %eq3A_2153 : vector<256x4096xi32>
      %convert_element_type3A_2155 = arith.extui %eq3A_2154 : vector<256x4096xi1> to vector<256x4096xi32>
      %convert_element_type3A_2156 = arith.sitofp %convert_element_type3A_2155 : vector<256x4096xi32> to vector<256x4096xf32>
      %reduce_max3A_2157 = arith.constant dense<0xFF800000> : vector<4096xf32>
      %reduce_max3A_2158 = vector.multi_reduction <maximumf>, %convert_element_type3A_2156, %reduce_max3A_2157 [0] : vector<256x4096xf32> to vector<4096xf32>
      %broadcast_in_dim3A_2159 = vector.shape_cast %reduce_max3A_2158 : vector<4096xf32> to vector<1x4096xf32>
      %max3A_2160 = arith.maximumf %max3A_2148, %broadcast_in_dim3A_2159 : vector<1x4096xf32>
      %get3A_2161 = arith.constant 1536 : index
      %get3A_2162 = arith.constant 0 : index
      %get3A_2163 = vector.load %arg4[%get3A_2161, %get3A_2162] : memref<2048x1xi32, #tpu.memory_space<vmem>>, vector<256x1xi32>
      %eq3A_2164 = vector.broadcast %get3A_2163 : vector<256x1xi32> to vector<256x4096xi32>
      %eq3A_2165 = vector.broadcast %iota3A_2089 : vector<1x4096xi32> to vector<256x4096xi32>
      %eq3A_2166 = arith.cmpi eq, %eq3A_2164, %eq3A_2165 : vector<256x4096xi32>
      %convert_element_type3A_2167 = arith.extui %eq3A_2166 : vector<256x4096xi1> to vector<256x4096xi32>
      %convert_element_type3A_2168 = arith.sitofp %convert_element_type3A_2167 : vector<256x4096xi32> to vector<256x4096xf32>
      %reduce_max3A_2169 = arith.constant dense<0xFF800000> : vector<4096xf32>
      %reduce_max3A_2170 = vector.multi_reduction <maximumf>, %convert_element_type3A_2168, %reduce_max3A_2169 [0] : vector<256x4096xf32> to vector<4096xf32>
      %broadcast_in_dim3A_2171 = vector.shape_cast %reduce_max3A_2170 : vector<4096xf32> to vector<1x4096xf32>
      %max3A_2172 = arith.maximumf %max3A_2160, %broadcast_in_dim3A_2171 : vector<1x4096xf32>
      %get3A_2173 = arith.constant 1792 : index
      %get3A_2174 = arith.constant 0 : index
      %get3A_2175 = vector.load %arg4[%get3A_2173, %get3A_2174] : memref<2048x1xi32, #tpu.memory_space<vmem>>, vector<256x1xi32>
      %eq3A_2176 = vector.broadcast %get3A_2175 : vector<256x1xi32> to vector<256x4096xi32>
      %eq3A_2177 = vector.broadcast %iota3A_2089 : vector<1x4096xi32> to vector<256x4096xi32>
      %eq3A_2178 = arith.cmpi eq, %eq3A_2176, %eq3A_2177 : vector<256x4096xi32>
      %convert_element_type3A_2179 = arith.extui %eq3A_2178 : vector<256x4096xi1> to vector<256x4096xi32>
      %convert_element_type3A_2180 = arith.sitofp %convert_element_type3A_2179 : vector<256x4096xi32> to vector<256x4096xf32>
      %reduce_max3A_2181 = arith.constant dense<0xFF800000> : vector<4096xf32>
      %reduce_max3A_2182 = vector.multi_reduction <maximumf>, %convert_element_type3A_2180, %reduce_max3A_2181 [0] : vector<256x4096xf32> to vector<4096xf32>
      %broadcast_in_dim3A_2183 = vector.shape_cast %reduce_max3A_2182 : vector<4096xf32> to vector<1x4096xf32>
      %max3A_2184 = arith.maximumf %max3A_2172, %broadcast_in_dim3A_2183 : vector<1x4096xf32>
      %broadcast_in_dim3A_2185 = vector.shape_cast %max3A_2184 : vector<1x4096xf32> to vector<1x4096xf32>
      %broadcast_in_dim3A_2186 = vector.broadcast %broadcast_in_dim3A_2185 : vector<1x4096xf32> to vector<16x4096xf32>
      %swap3A_2187 = arith.constant 0 : index
      %swap3A_2188 = arith.constant 0 : index
      %swap3A_2189 = vector.load %arg8[%swap3A_2187, %swap3A_2188] : memref<16x4096xf32, #tpu.memory_space<vmem>>, vector<16x4096xf32>
      tpu.vector_store %arg8[%swap3A_2187, %swap3A_2188], %broadcast_in_dim3A_2186 {strides = array<i32>} : memref<16x4096xf32, #tpu.memory_space<vmem>>, vector<16x4096xf32>,
    } else {
    }
    %get3A = arith.constant 0 : index
    %get3A_4 = arith.constant 0 : index
    %get3A_5 = arith.constant 0 : index
    %get3A_6 = vector.load %arg2[%get3A, %get3A_4, %get3A_5] : memref<1x64x256xf32, #tpu.memory_space<vmem>>, vector<1x64x256xf32>
    %get3A_7 = vector.shape_cast %get3A_6 : vector<1x64x256xf32> to vector<64x256xf32>
    %iota3A = tpu.iota {dimensions = array<i32: 0>} : vector<64x256xi32>
    %broadcast_in_dim3A = arith.constant 0xFF800000 : f32
    %broadcast_in_dim3A_8 = vector.broadcast %broadcast_in_dim3A : f32 to vector<64x256xf32>
    %broadcast_in_dim3A_9 = arith.constant 0.000000e+00 : f32
    %broadcast_in_dim3A_10 = vector.broadcast %broadcast_in_dim3A_9 : f32 to vector<64x256xf32>
    %swap3A = arith.constant 0 : index
    %swap3A_11 = arith.constant 2304 : index
    %swap3A_12 = arith.constant 0 : index
    %swap3A_13 = vector.load %arg7[%swap3A, %swap3A_11, %swap3A_12] : memref<1x2368x256xf32, #tpu.memory_space<vmem>>, vector<1x64x256xf32>
    %swap3A_14 = vector.shape_cast %swap3A_13 : vector<1x64x256xf32> to vector<64x256xf32>
    %swap3A_15 = vector.shape_cast %broadcast_in_dim3A_10 : vector<64x256xf32> to vector<1x64x256xf32>
    tpu.vector_store %arg7[%swap3A, %swap3A_11, %swap3A_12], %swap3A_15 {strides = array<i32>} : memref<1x2368x256xf32, #tpu.memory_space<vmem>>, vector<1x64x256xf32>,
    %ge3A = arith.constant 63 : i32
    %ge3A_16 = vector.broadcast %ge3A : i32 to vector<64x256xi32>
    %ge3A_17 = arith.cmpi sge, %iota3A, %ge3A_16 : vector<64x256xi32>
    %slice3A = vector.extract_strided_slice %get3A_7 {offsets = [63, 0], sizes = [1, 256], strides = [1, 1]} : vector<64x256xf32> to vector<1x256xf32>
    %jit3A = arith.constant 0xFF800000 : f32
    %broadcast_in_dim3A_18 = vector.shape_cast %slice3A : vector<1x256xf32> to vector<1x256xf32>
    %broadcast_in_dim3A_19 = vector.broadcast %broadcast_in_dim3A_18 : vector<1x256xf32> to vector<64x256xf32>
    %broadcast_in_dim3A_20 = vector.broadcast %jit3A : f32 to vector<64x256xf32>
    %select_n3A = arith.select %ge3A_17, %broadcast_in_dim3A_19, %broadcast_in_dim3A_20 : vector<64x256xi1>, vector<64x256xf32>
    %max3A = arith.maximumf %broadcast_in_dim3A_8, %select_n3A : vector<64x256xf32>
    %get3A_21 = arith.constant 63 : index
    %get3A_22 = arith.constant 0 : index
    %get3A_23 = vector.load %arg3[%get3A_21, %get3A_22] : memref<64x64xf32, #tpu.memory_space<vmem>>, vector<1x64xf32>
    %gt3A = arith.constant 0.000000e+00 : f32
    %gt3A_24 = vector.broadcast %gt3A : f32 to vector<1x64xf32>
    %gt3A_25 = arith.cmpf ogt, %get3A_23, %gt3A_24 : vector<1x64xf32>
    %transpose3A = tpu.transpose %max3A, [1, 0] : vector<64x256xf32> -> vector<256x64xf32>
    %jit3A_26 = arith.constant 0.000000e+00 : f32
    %broadcast_in_dim3A_27 = vector.shape_cast %gt3A_25 : vector<1x64xi1> to vector<1x64xi1>
    %broadcast_in_dim3A_28 = vector.broadcast %broadcast_in_dim3A_27 : vector<1x64xi1> to vector<256x64xi1>
    %broadcast_in_dim3A_29 = vector.broadcast %jit3A_26 : f32 to vector<256x64xf32>
    %select_n3A_30 = arith.select %broadcast_in_dim3A_28, %transpose3A, %broadcast_in_dim3A_29 : vector<256x64xi1>, vector<256x64xf32>
    %slice3A_31 = vector.extract_strided_slice %max3A {offsets = [63, 0], sizes = [1, 256], strides = [1, 1]} : vector<64x256xf32> to vector<1x256xf32>
    %swap3A_32 = arith.constant 0 : index
    %swap3A_33 = arith.constant 2296 : index
    %swap3A_34 = arith.constant 0 : index
    %swap3A_35 = vector.load %arg7[%swap3A_32, %swap3A_33, %swap3A_34] : memref<1x2368x256xf32, #tpu.memory_space<vmem>>, vector<1x1x256xf32>
    %swap3A_36 = vector.shape_cast %swap3A_35 : vector<1x1x256xf32> to vector<1x256xf32>
    %swap3A_37 = vector.shape_cast %slice3A_31 : vector<1x256xf32> to vector<1x1x256xf32>
    tpu.vector_store %arg7[%swap3A_32, %swap3A_33, %swap3A_34], %swap3A_37 {strides = array<i32>} : memref<1x2368x256xf32, #tpu.memory_space<vmem>>, vector<1x1x256xf32>,
    %ge3A_38 = arith.constant 62 : i32
    %ge3A_39 = vector.broadcast %ge3A_38 : i32 to vector<64x256xi32>
    %ge3A_40 = arith.cmpi sge, %iota3A, %ge3A_39 : vector<64x256xi32>
    %slice3A_41 = vector.extract_strided_slice %get3A_7 {offsets = [62, 0], sizes = [1, 256], strides = [1, 1]} : vector<64x256xf32> to vector<1x256xf32>
    %jit3A_42 = arith.constant 0xFF800000 : f32
    %broadcast_in_dim3A_43 = vector.shape_cast %slice3A_41 : vector<1x256xf32> to vector<1x256xf32>
    %broadcast_in_dim3A_44 = vector.broadcast %broadcast_in_dim3A_43 : vector<1x256xf32> to vector<64x256xf32>
    %broadcast_in_dim3A_45 = vector.broadcast %jit3A_42 : f32 to vector<64x256xf32>
    %select_n3A_46 = arith.select %ge3A_40, %broadcast_in_dim3A_44, %broadcast_in_dim3A_45 : vector<64x256xi1>, vector<64x256xf32>
    %max3A_47 = arith.maximumf %max3A, %select_n3A_46 : vector<64x256xf32>
    %get3A_48 = arith.constant 62 : index
    %get3A_49 = arith.constant 0 : index
    %get3A_50 = vector.load %arg3[%get3A_48, %get3A_49] : memref<64x64xf32, #tpu.memory_space<vmem>>, vector<1x64xf32>
    %gt3A_51 = arith.constant 0.000000e+00 : f32
    %gt3A_52 = vector.broadcast %gt3A_51 : f32 to vector<1x64xf32>
    %gt3A_53 = arith.cmpf ogt, %get3A_50, %gt3A_52 : vector<1x64xf32>
    %transpose3A_54 = tpu.transpose %max3A_47, [1, 0] : vector<64x256xf32> -> vector<256x64xf32>
    %jit3A_55 = arith.constant 0.000000e+00 : f32
    %broadcast_in_dim3A_56 = vector.shape_cast %gt3A_53 : vector<1x64xi1> to vector<1x64xi1>
    %broadcast_in_dim3A_57 = vector.broadcast %broadcast_in_dim3A_56 : vector<1x64xi1> to vector<256x64xi1>
    %broadcast_in_dim3A_58 = vector.broadcast %jit3A_55 : f32 to vector<256x64xf32>
    %select_n3A_59 = arith.select %broadcast_in_dim3A_57, %transpose3A_54, %broadcast_in_dim3A_58 : vector<256x64xi1>, vector<256x64xf32>
    %concatenate3A = tpu.concatenate %select_n3A_59, %select_n3A_30 in 1 : vector<256x64xf32>, vector<256x64xf32> -> vector<256x128xf32>
    %swap3A_60 = arith.constant 0 : index
    %swap3A_61 = arith.constant 0 : index
    %swap3A_62 = arith.constant 3968 : index
    %swap3A_63 = vector.load %arg6[%swap3A_60, %swap3A_61, %swap3A_62] : memref<1x256x4096xf32, #tpu.memory_space<vmem>>, vector<1x256x128xf32>
    %swap3A_64 = vector.shape_cast %swap3A_63 : vector<1x256x128xf32> to vector<256x128xf32>
    %swap3A_65 = vector.shape_cast %concatenate3A : vector<256x128xf32> to vector<1x256x128xf32>
    tpu.vector_store %arg6[%swap3A_60, %swap3A_61, %swap3A_62], %swap3A_65 {strides = array<i32>} : memref<1x256x4096xf32, #tpu.memory_space<vmem>>, vector<1x256x128xf32>,
    %slice3A_66 = vector.extract_strided_slice %max3A_47 {offsets = [62, 0], sizes = [2, 256], strides = [1, 1]} : vector<64x256xf32> to vector<2x256xf32>
    %swap3A_67 = arith.constant 0 : index
    %swap3A_68 = arith.constant 2288 : index
    %swap3A_69 = arith.constant 0 : index
    %swap3A_70 = vector.load %arg7[%swap3A_67, %swap3A_68, %swap3A_69] : memref<1x2368x256xf32, #tpu.memory_space<vmem>>, vector<1x2x256xf32>
    %swap3A_71 = vector.shape_cast %swap3A_70 : vector<1x2x256xf32> to vector<2x256xf32>
    %swap3A_72 = vector.shape_cast %slice3A_66 : vector<2x256xf32> to vector<1x2x256xf32>
    tpu.vector_store %arg7[%swap3A_67, %swap3A_68, %swap3A_69], %swap3A_72 {strides = array<i32>} : memref<1x2368x256xf32, #tpu.memory_space<vmem>>, vector<1x2x256xf32>,
    %ge3A_73 = arith.constant 61 : i32
    %ge3A_74 = vector.broadcast %ge3A_73 : i32 to vector<64x256xi32>
    %ge3A_75 = arith.cmpi sge, %iota3A, %ge3A_74 : vector<64x256xi32>
    %slice3A_76 = vector.extract_strided_slice %get3A_7 {offsets = [61, 0], sizes = [1, 256], strides = [1, 1]} : vector<64x256xf32> to vector<1x256xf32>
    %jit3A_77 = arith.constant 0xFF800000 : f32
    %broadcast_in_dim3A_78 = vector.shape_cast %slice3A_76 : vector<1x256xf32> to vector<1x256xf32>
    %broadcast_in_dim3A_79 = vector.broadcast %broadcast_in_dim3A_78 : vector<1x256xf32> to vector<64x256xf32>
    %broadcast_in_dim3A_80 = vector.broadcast %jit3A_77 : f32 to vector<64x256xf32>
    %select_n3A_81 = arith.select %ge3A_75, %broadcast_in_dim3A_79, %broadcast_in_dim3A_80 : vector<64x256xi1>, vector<64x256xf32>
    %max3A_82 = arith.maximumf %max3A_47, %select_n3A_81 : vector<64x256xf32>
    %get3A_83 = arith.constant 61 : index
    %get3A_84 = arith.constant 0 : index
    %get3A_85 = vector.load %arg3[%get3A_83, %get3A_84] : memref<64x64xf32, #tpu.memory_space<vmem>>, vector<1x64xf32>
    %gt3A_86 = arith.constant 0.000000e+00 : f32
    %gt3A_87 = vector.broadcast %gt3A_86 : f32 to vector<1x64xf32>
    %gt3A_88 = arith.cmpf ogt, %get3A_85, %gt3A_87 : vector<1x64xf32>
    %transpose3A_89 = tpu.transpose %max3A_82, [1, 0] : vector<64x256xf32> -> vector<256x64xf32>
    %jit3A_90 = arith.constant 0.000000e+00 : f32
    %broadcast_in_dim3A_91 = vector.shape_cast %gt3A_88 : vector<1x64xi1> to vector<1x64xi1>
    %broadcast_in_dim3A_92 = vector.broadcast %broadcast_in_dim3A_91 : vector<1x64xi1> to vector<256x64xi1>
    %broadcast_in_dim3A_93 = vector.broadcast %jit3A_90 : f32 to vector<256x64xf32>
    %select_n3A_94 = arith.select %broadcast_in_dim3A_92, %transpose3A_89, %broadcast_in_dim3A_93 : vector<256x64xi1>, vector<256x64xf32>
    %slice3A_95 = vector.extract_strided_slice %max3A_82 {offsets = [61, 0], sizes = [3, 256], strides = [1, 1]} : vector<64x256xf32> to vector<3x256xf32>
    %swap3A_96 = arith.constant 0 : index
    %swap3A_97 = arith.constant 2280 : index
    %swap3A_98 = arith.constant 0 : index
    %swap3A_99 = vector.load %arg7[%swap3A_96, %swap3A_97, %swap3A_98] : memref<1x2368x256xf32, #tpu.memory_space<vmem>>, vector<1x3x256xf32>
    %swap3A_100 = vector.shape_cast %swap3A_99 : vector<1x3x256xf32> to vector<3x256xf32>
    %swap3A_101 = vector.shape_cast %slice3A_95 : vector<3x256xf32> to vector<1x3x256xf32>
    tpu.vector_store %arg7[%swap3A_96, %swap3A_97, %swap3A_98], %swap3A_101 {strides = array<i32>} : memref<1x2368x256xf32, #tpu.memory_space<vmem>>, vector<1x3x256xf32>,
    %ge3A_102 = arith.constant 60 : i32
    %ge3A_103 = vector.broadcast %ge3A_102 : i32 to vector<64x256xi32>
    %ge3A_104 = arith.cmpi sge, %iota3A, %ge3A_103 : vector<64x256xi32>
    %slice3A_105 = vector.extract_strided_slice %get3A_7 {offsets = [60, 0], sizes = [1, 256], strides = [1, 1]} : vector<64x256xf32> to vector<1x256xf32>
    %jit3A_106 = arith.constant 0xFF800000 : f32
    %broadcast_in_dim3A_107 = vector.shape_cast %slice3A_105 : vector<1x256xf32> to vector<1x256xf32>
    %broadcast_in_dim3A_108 = vector.broadcast %broadcast_in_dim3A_107 : vector<1x256xf32> to vector<64x256xf32>
    %broadcast_in_dim3A_109 = vector.broadcast %jit3A_106 : f32 to vector<64x256xf32>
    %select_n3A_110 = arith.select %ge3A_104, %broadcast_in_dim3A_108, %broadcast_in_dim3A_109 : vector<64x256xi1>, vector<64x256xf32>
    %max3A_111 = arith.maximumf %max3A_82, %select_n3A_110 : vector<64x256xf32>
    %get3A_112 = arith.constant 60 : index
    %get3A_113 = arith.constant 0 : index
    %get3A_114 = vector.load %arg3[%get3A_112, %get3A_113] : memref<64x64xf32, #tpu.memory_space<vmem>>, vector<1x64xf32>
    %gt3A_115 = arith.constant 0.000000e+00 : f32
    %gt3A_116 = vector.broadcast %gt3A_115 : f32 to vector<1x64xf32>
    %gt3A_117 = arith.cmpf ogt, %get3A_114, %gt3A_116 : vector<1x64xf32>
    %transpose3A_118 = tpu.transpose %max3A_111, [1, 0] : vector<64x256xf32> -> vector<256x64xf32>
    %jit3A_119 = arith.constant 0.000000e+00 : f32
    %broadcast_in_dim3A_120 = vector.shape_cast %gt3A_117 : vector<1x64xi1> to vector<1x64xi1>
    %broadcast_in_dim3A_121 = vector.broadcast %broadcast_in_dim3A_120 : vector<1x64xi1> to vector<256x64xi1>
    %broadcast_in_dim3A_122 = vector.broadcast %jit3A_119 : f32 to vector<256x64xf32>
    %select_n3A_123 = arith.select %broadcast_in_dim3A_121, %transpose3A_118, %broadcast_in_dim3A_122 : vector<256x64xi1>, vector<256x64xf32>
    %concatenate3A_124 = tpu.concatenate %select_n3A_123, %select_n3A_94 in 1 : vector<256x64xf32>, vector<256x64xf32> -> vector<256x128xf32>
    %swap3A_125 = arith.constant 0 : index
    %swap3A_126 = arith.constant 0 : index
    %swap3A_127 = arith.constant 3840 : index
    %swap3A_128 = vector.load %arg6[%swap3A_125, %swap3A_126, %swap3A_127] : memref<1x256x4096xf32, #tpu.memory_space<vmem>>, vector<1x256x128xf32>
    %swap3A_129 = vector.shape_cast %swap3A_128 : vector<1x256x128xf32> to vector<256x128xf32>
    %swap3A_130 = vector.shape_cast %concatenate3A_124 : vector<256x128xf32> to vector<1x256x128xf32>
    tpu.vector_store %arg6[%swap3A_125, %swap3A_126, %swap3A_127], %swap3A_130 {strides = array<i32>} : memref<1x256x4096xf32, #tpu.memory_space<vmem>>, vector<1x256x128xf32>,
    %slice3A_131 = vector.extract_strided_slice %max3A_111 {offsets = [60, 0], sizes = [4, 256], strides = [1, 1]} : vector<64x256xf32> to vector<4x256xf32>
    %swap3A_132 = arith.constant 0 : index
    %swap3A_133 = arith.constant 2272 : index
    %swap3A_134 = arith.constant 0 : index
    %swap3A_135 = vector.load %arg7[%swap3A_132, %swap3A_133, %swap3A_134] : memref<1x2368x256xf32, #tpu.memory_space<vmem>>, vector<1x4x256xf32>
    %swap3A_136 = vector.shape_cast %swap3A_135 : vector<1x4x256xf32> to vector<4x256xf32>
    %swap3A_137 = vector.shape_cast %slice3A_131 : vector<4x256xf32> to vector<1x4x256xf32>
    tpu.vector_store %arg7[%swap3A_132, %swap3A_133, %swap3A_134], %swap3A_137 {strides = array<i32>} : memref<1x2368x256xf32, #tpu.memory_space<vmem>>, vector<1x4x256xf32>,
    %ge3A_138 = arith.constant 59 : i32
    %ge3A_139 = vector.broadcast %ge3A_138 : i32 to vector<64x256xi32>
    %ge3A_140 = arith.cmpi sge, %iota3A, %ge3A_139 : vector<64x256xi32>
    %slice3A_141 = vector.extract_strided_slice %get3A_7 {offsets = [59, 0], sizes = [1, 256], strides = [1, 1]} : vector<64x256xf32> to vector<1x256xf32>
    %jit3A_142 = arith.constant 0xFF800000 : f32
    %broadcast_in_dim3A_143 = vector.shape_cast %slice3A_141 : vector<1x256xf32> to vector<1x256xf32>
    %broadcast_in_dim3A_144 = vector.broadcast %broadcast_in_dim3A_143 : vector<1x256xf32> to vector<64x256xf32>
    %broadcast_in_dim3A_145 = vector.broadcast %jit3A_142 : f32 to vector<64x256xf32>
    %select_n3A_146 = arith.select %ge3A_140, %broadcast_in_dim3A_144, %broadcast_in_dim3A_145 : vector<64x256xi1>, vector<64x256xf32>
    %max3A_147 = arith.maximumf %max3A_111, %select_n3A_146 : vector<64x256xf32>
    %get3A_148 = arith.constant 59 : index
    %get3A_149 = arith.constant 0 : index
    %get3A_150 = vector.load %arg3[%get3A_148, %get3A_149] : memref<64x64xf32, #tpu.memory_space<vmem>>, vector<1x64xf32>
    %gt3A_151 = arith.constant 0.000000e+00 : f32
    %gt3A_152 = vector.broadcast %gt3A_151 : f32 to vector<1x64xf32>
    %gt3A_153 = arith.cmpf ogt, %get3A_150, %gt3A_152 : vector<1x64xf32>
    %transpose3A_154 = tpu.transpose %max3A_147, [1, 0] : vector<64x256xf32> -> vector<256x64xf32>
    %jit3A_155 = arith.constant 0.000000e+00 : f32
    %broadcast_in_dim3A_156 = vector.shape_cast %gt3A_153 : vector<1x64xi1> to vector<1x64xi1>
    %broadcast_in_dim3A_157 = vector.broadcast %broadcast_in_dim3A_156 : vector<1x64xi1> to vector<256x64xi1>
    %broadcast_in_dim3A_158 = vector.broadcast %jit3A_155 : f32 to vector<256x64xf32>
    %select_n3A_159 = arith.select %broadcast_in_dim3A_157, %transpose3A_154, %broadcast_in_dim3A_158 : vector<256x64xi1>, vector<256x64xf32>
    %slice3A_160 = vector.extract_strided_slice %max3A_147 {offsets = [59, 0], sizes = [5, 256], strides = [1, 1]} : vector<64x256xf32> to vector<5x256xf32>
    %swap3A_161 = arith.constant 0 : index
    %swap3A_162 = arith.constant 2264 : index
    %swap3A_163 = arith.constant 0 : index
    %swap3A_164 = vector.load %arg7[%swap3A_161, %swap3A_162, %swap3A_163] : memref<1x2368x256xf32, #tpu.memory_space<vmem>>, vector<1x5x256xf32>
    %swap3A_165 = vector.shape_cast %swap3A_164 : vector<1x5x256xf32> to vector<5x256xf32>
    %swap3A_166 = vector.shape_cast %slice3A_160 : vector<5x256xf32> to vector<1x5x256xf32>
    tpu.vector_store %arg7[%swap3A_161, %swap3A_162, %swap3A_163], %swap3A_166 {strides = array<i32>} : memref<1x2368x256xf32, #tpu.memory_space<vmem>>, vector<1x5x256xf32>,
    %ge3A_167 = arith.constant 58 : i32
    %ge3A_168 = vector.broadcast %ge3A_167 : i32 to vector<64x256xi32>
    %ge3A_169 = arith.cmpi sge, %iota3A, %ge3A_168 : vector<64x256xi32>
    %slice3A_170 = vector.extract_strided_slice %get3A_7 {offsets = [58, 0], sizes = [1, 256], strides = [1, 1]} : vector<64x256xf32> to vector<1x256xf32>
    %jit3A_171 = arith.constant 0xFF800000 : f32
    %broadcast_in_dim3A_172 = vector.shape_cast %slice3A_170 : vector<1x256xf32> to vector<1x256xf32>
    %broadcast_in_dim3A_173 = vector.broadcast %broadcast_in_dim3A_172 : vector<1x256xf32> to vector<64x256xf32>
    %broadcast_in_dim3A_174 = vector.broadcast %jit3A_171 : f32 to vector<64x256xf32>
    %select_n3A_175 = arith.select %ge3A_169, %broadcast_in_dim3A_173, %broadcast_in_dim3A_174 : vector<64x256xi1>, vector<64x256xf32>
    %max3A_176 = arith.maximumf %max3A_147, %select_n3A_175 : vector<64x256xf32>
    %get3A_177 = arith.constant 58 : index
    %get3A_178 = arith.constant 0 : index
    %get3A_179 = vector.load %arg3[%get3A_177, %get3A_178] : memref<64x64xf32, #tpu.memory_space<vmem>>, vector<1x64xf32>
    %gt3A_180 = arith.constant 0.000000e+00 : f32
    %gt3A_181 = vector.broadcast %gt3A_180 : f32 to vector<1x64xf32>
    %gt3A_182 = arith.cmpf ogt, %get3A_179, %gt3A_181 : vector<1x64xf32>
    %transpose3A_183 = tpu.transpose %max3A_176, [1, 0] : vector<64x256xf32> -> vector<256x64xf32>
    %jit3A_184 = arith.constant 0.000000e+00 : f32
    %broadcast_in_dim3A_185 = vector.shape_cast %gt3A_182 : vector<1x64xi1> to vector<1x64xi1>
    %broadcast_in_dim3A_186 = vector.broadcast %broadcast_in_dim3A_185 : vector<1x64xi1> to vector<256x64xi1>
    %broadcast_in_dim3A_187 = vector.broadcast %jit3A_184 : f32 to vector<256x64xf32>
    %select_n3A_188 = arith.select %broadcast_in_dim3A_186, %transpose3A_183, %broadcast_in_dim3A_187 : vector<256x64xi1>, vector<256x64xf32>
    %concatenate3A_189 = tpu.concatenate %select_n3A_188, %select_n3A_159 in 1 : vector<256x64xf32>, vector<256x64xf32> -> vector<256x128xf32>
    %swap3A_190 = arith.constant 0 : index
    %swap3A_191 = arith.constant 0 : index
    %swap3A_192 = arith.constant 3712 : index
    %swap3A_193 = vector.load %arg6[%swap3A_190, %swap3A_191, %swap3A_192] : memref<1x256x4096xf32, #tpu.memory_space<vmem>>, vector<1x256x128xf32>
    %swap3A_194 = vector.shape_cast %swap3A_193 : vector<1x256x128xf32> to vector<256x128xf32>
    %swap3A_195 = vector.shape_cast %concatenate3A_189 : vector<256x128xf32> to vector<1x256x128xf32>
    tpu.vector_store %arg6[%swap3A_190, %swap3A_191, %swap3A_192], %swap3A_195 {strides = array<i32>} : memref<1x256x4096xf32, #tpu.memory_space<vmem>>, vector<1x256x128xf32>,
    %slice3A_196 = vector.extract_strided_slice %max3A_176 {offsets = [58, 0], sizes = [6, 256], strides = [1, 1]} : vector<64x256xf32> to vector<6x256xf32>
    %swap3A_197 = arith.constant 0 : index
    %swap3A_198 = arith.constant 2256 : index
    %swap3A_199 = arith.constant 0 : index
    %swap3A_200 = vector.load %arg7[%swap3A_197, %swap3A_198, %swap3A_199] : memref<1x2368x256xf32, #tpu.memory_space<vmem>>, vector<1x6x256xf32>
    %swap3A_201 = vector.shape_cast %swap3A_200 : vector<1x6x256xf32> to vector<6x256xf32>
    %swap3A_202 = vector.shape_cast %slice3A_196 : vector<6x256xf32> to vector<1x6x256xf32>
    tpu.vector_store %arg7[%swap3A_197, %swap3A_198, %swap3A_199], %swap3A_202 {strides = array<i32>} : memref<1x2368x256xf32, #tpu.memory_space<vmem>>, vector<1x6x256xf32>,
    %ge3A_203 = arith.constant 57 : i32
    %ge3A_204 = vector.broadcast %ge3A_203 : i32 to vector<64x256xi32>
    %ge3A_205 = arith.cmpi sge, %iota3A, %ge3A_204 : vector<64x256xi32>
    %slice3A_206 = vector.extract_strided_slice %get3A_7 {offsets = [57, 0], sizes = [1, 256], strides = [1, 1]} : vector<64x256xf32> to vector<1x256xf32>
    %jit3A_207 = arith.constant 0xFF800000 : f32
    %broadcast_in_dim3A_208 = vector.shape_cast %slice3A_206 : vector<1x256xf32> to vector<1x256xf32>
    %broadcast_in_dim3A_209 = vector.broadcast %broadcast_in_dim3A_208 : vector<1x256xf32> to vector<64x256xf32>
    %broadcast_in_dim3A_210 = vector.broadcast %jit3A_207 : f32 to vector<64x256xf32>
    %select_n3A_211 = arith.select %ge3A_205, %broadcast_in_dim3A_209, %broadcast_in_dim3A_210 : vector<64x256xi1>, vector<64x256xf32>
    %max3A_212 = arith.maximumf %max3A_176, %select_n3A_211 : vector<64x256xf32>
    %get3A_213 = arith.constant 57 : index
    %get3A_214 = arith.constant 0 : index
    %get3A_215 = vector.load %arg3[%get3A_213, %get3A_214] : memref<64x64xf32, #tpu.memory_space<vmem>>, vector<1x64xf32>
    %gt3A_216 = arith.constant 0.000000e+00 : f32
    %gt3A_217 = vector.broadcast %gt3A_216 : f32 to vector<1x64xf32>
    %gt3A_218 = arith.cmpf ogt, %get3A_215, %gt3A_217 : vector<1x64xf32>
    %transpose3A_219 = tpu.transpose %max3A_212, [1, 0] : vector<64x256xf32> -> vector<256x64xf32>
    %jit3A_220 = arith.constant 0.000000e+00 : f32
    %broadcast_in_dim3A_221 = vector.shape_cast %gt3A_218 : vector<1x64xi1> to vector<1x64xi1>
    %broadcast_in_dim3A_222 = vector.broadcast %broadcast_in_dim3A_221 : vector<1x64xi1> to vector<256x64xi1>
    %broadcast_in_dim3A_223 = vector.broadcast %jit3A_220 : f32 to vector<256x64xf32>
    %select_n3A_224 = arith.select %broadcast_in_dim3A_222, %transpose3A_219, %broadcast_in_dim3A_223 : vector<256x64xi1>, vector<256x64xf32>
    %slice3A_225 = vector.extract_strided_slice %max3A_212 {offsets = [57, 0], sizes = [7, 256], strides = [1, 1]} : vector<64x256xf32> to vector<7x256xf32>
    %swap3A_226 = arith.constant 0 : index
    %swap3A_227 = arith.constant 2248 : index
    %swap3A_228 = arith.constant 0 : index
    %swap3A_229 = vector.load %arg7[%swap3A_226, %swap3A_227, %swap3A_228] : memref<1x2368x256xf32, #tpu.memory_space<vmem>>, vector<1x7x256xf32>
    %swap3A_230 = vector.shape_cast %swap3A_229 : vector<1x7x256xf32> to vector<7x256xf32>
    %swap3A_231 = vector.shape_cast %slice3A_225 : vector<7x256xf32> to vector<1x7x256xf32>
    tpu.vector_store %arg7[%swap3A_226, %swap3A_227, %swap3A_228], %swap3A_231 {strides = array<i32>} : memref<1x2368x256xf32, #tpu.memory_space<vmem>>, vector<1x7x256xf32>,
    %ge3A_232 = arith.constant 56 : i32
    %ge3A_233 = vector.broadcast %ge3A_232 : i32 to vector<64x256xi32>
    %ge3A_234 = arith.cmpi sge, %iota3A, %ge3A_233 : vector<64x256xi32>
    %slice3A_235 = vector.extract_strided_slice %get3A_7 {offsets = [56, 0], sizes = [1, 256], strides = [1, 1]} : vector<64x256xf32> to vector<1x256xf32>
    %jit3A_236 = arith.constant 0xFF800000 : f32
    %broadcast_in_dim3A_237 = vector.shape_cast %slice3A_235 : vector<1x256xf32> to vector<1x256xf32>
    %broadcast_in_dim3A_238 = vector.broadcast %broadcast_in_dim3A_237 : vector<1x256xf32> to vector<64x256xf32>
    %broadcast_in_dim3A_239 = vector.broadcast %jit3A_236 : f32 to vector<64x256xf32>
    %select_n3A_240 = arith.select %ge3A_234, %broadcast_in_dim3A_238, %broadcast_in_dim3A_239 : vector<64x256xi1>, vector<64x256xf32>
    %max3A_241 = arith.maximumf %max3A_212, %select_n3A_240 : vector<64x256xf32>
    %get3A_242 = arith.constant 56 : index
    %get3A_243 = arith.constant 0 : index
    %get3A_244 = vector.load %arg3[%get3A_242, %get3A_243] : memref<64x64xf32, #tpu.memory_space<vmem>>, vector<1x64xf32>
    %gt3A_245 = arith.constant 0.000000e+00 : f32
    %gt3A_246 = vector.broadcast %gt3A_245 : f32 to vector<1x64xf32>
    %gt3A_247 = arith.cmpf ogt, %get3A_244, %gt3A_246 : vector<1x64xf32>
    %transpose3A_248 = tpu.transpose %max3A_241, [1, 0] : vector<64x256xf32> -> vector<256x64xf32>
    %jit3A_249 = arith.constant 0.000000e+00 : f32
    %broadcast_in_dim3A_250 = vector.shape_cast %gt3A_247 : vector<1x64xi1> to vector<1x64xi1>
    %broadcast_in_dim3A_251 = vector.broadcast %broadcast_in_dim3A_250 : vector<1x64xi1> to vector<256x64xi1>
    %broadcast_in_dim3A_252 = vector.broadcast %jit3A_249 : f32 to vector<256x64xf32>
    %select_n3A_253 = arith.select %broadcast_in_dim3A_251, %transpose3A_248, %broadcast_in_dim3A_252 : vector<256x64xi1>, vector<256x64xf32>
    %concatenate3A_254 = tpu.concatenate %select_n3A_253, %select_n3A_224 in 1 : vector<256x64xf32>, vector<256x64xf32> -> vector<256x128xf32>
    %swap3A_255 = arith.constant 0 : index
    %swap3A_256 = arith.constant 0 : index
    %swap3A_257 = arith.constant 3584 : index
    %swap3A_258 = vector.load %arg6[%swap3A_255, %swap3A_256, %swap3A_257] : memref<1x256x4096xf32, #tpu.memory_space<vmem>>, vector<1x256x128xf32>
    %swap3A_259 = vector.shape_cast %swap3A_258 : vector<1x256x128xf32> to vector<256x128xf32>
    %swap3A_260 = vector.shape_cast %concatenate3A_254 : vector<256x128xf32> to vector<1x256x128xf32>
    tpu.vector_store %arg6[%swap3A_255, %swap3A_256, %swap3A_257], %swap3A_260 {strides = array<i32>} : memref<1x256x4096xf32, #tpu.memory_space<vmem>>, vector<1x256x128xf32>,
    %slice3A_261 = vector.extract_strided_slice %max3A_241 {offsets = [56, 0], sizes = [8, 256], strides = [1, 1]} : vector<64x256xf32> to vector<8x256xf32>
    %swap3A_262 = arith.constant 0 : index
    %swap3A_263 = arith.constant 2240 : index
    %swap3A_264 = arith.constant 0 : index
    %swap3A_265 = vector.load %arg7[%swap3A_262, %swap3A_263, %swap3A_264] : memref<1x2368x256xf32, #tpu.memory_space<vmem>>, vector<1x8x256xf32>
    %swap3A_266 = vector.shape_cast %swap3A_265 : vector<1x8x256xf32> to vector<8x256xf32>
    %swap3A_267 = vector.shape_cast %slice3A_261 : vector<8x256xf32> to vector<1x8x256xf32>
    tpu.vector_store %arg7[%swap3A_262, %swap3A_263, %swap3A_264], %swap3A_267 {strides = array<i32>} : memref<1x2368x256xf32, #tpu.memory_space<vmem>>, vector<1x8x256xf32>,
    %ge3A_268 = arith.constant 55 : i32
    %ge3A_269 = vector.broadcast %ge3A_268 : i32 to vector<64x256xi32>
    %ge3A_270 = arith.cmpi sge, %iota3A, %ge3A_269 : vector<64x256xi32>
    %slice3A_271 = vector.extract_strided_slice %get3A_7 {offsets = [55, 0], sizes = [1, 256], strides = [1, 1]} : vector<64x256xf32> to vector<1x256xf32>
    %jit3A_272 = arith.constant 0xFF800000 : f32
    %broadcast_in_dim3A_273 = vector.shape_cast %slice3A_271 : vector<1x256xf32> to vector<1x256xf32>
    %broadcast_in_dim3A_274 = vector.broadcast %broadcast_in_dim3A_273 : vector<1x256xf32> to vector<64x256xf32>
    %broadcast_in_dim3A_275 = vector.broadcast %jit3A_272 : f32 to vector<64x256xf32>
    %select_n3A_276 = arith.select %ge3A_270, %broadcast_in_dim3A_274, %broadcast_in_dim3A_275 : vector<64x256xi1>, vector<64x256xf32>
    %max3A_277 = arith.maximumf %max3A_241, %select_n3A_276 : vector<64x256xf32>
    %get3A_278 = arith.constant 55 : index
    %get3A_279 = arith.constant 0 : index
    %get3A_280 = vector.load %arg3[%get3A_278, %get3A_279] : memref<64x64xf32, #tpu.memory_space<vmem>>, vector<1x64xf32>
    %gt3A_281 = arith.constant 0.000000e+00 : f32
    %gt3A_282 = vector.broadcast %gt3A_281 : f32 to vector<1x64xf32>
    %gt3A_283 = arith.cmpf ogt, %get3A_280, %gt3A_282 : vector<1x64xf32>
    %transpose3A_284 = tpu.transpose %max3A_277, [1, 0] : vector<64x256xf32> -> vector<256x64xf32>
    %jit3A_285 = arith.constant 0.000000e+00 : f32
    %broadcast_in_dim3A_286 = vector.shape_cast %gt3A_283 : vector<1x64xi1> to vector<1x64xi1>
    %broadcast_in_dim3A_287 = vector.broadcast %broadcast_in_dim3A_286 : vector<1x64xi1> to vector<256x64xi1>
    %broadcast_in_dim3A_288 = vector.broadcast %jit3A_285 : f32 to vector<256x64xf32>
    %select_n3A_289 = arith.select %broadcast_in_dim3A_287, %transpose3A_284, %broadcast_in_dim3A_288 : vector<256x64xi1>, vector<256x64xf32>
    %slice3A_290 = vector.extract_strided_slice %max3A_277 {offsets = [55, 0], sizes = [9, 256], strides = [1, 1]} : vector<64x256xf32> to vector<9x256xf32>
    %swap3A_291 = arith.constant 0 : index
    %swap3A_292 = arith.constant 2224 : index
    %swap3A_293 = arith.constant 0 : index
    %swap3A_294 = vector.load %arg7[%swap3A_291, %swap3A_292, %swap3A_293] : memref<1x2368x256xf32, #tpu.memory_space<vmem>>, vector<1x9x256xf32>
    %swap3A_295 = vector.shape_cast %swap3A_294 : vector<1x9x256xf32> to vector<9x256xf32>
    %swap3A_296 = vector.shape_cast %slice3A_290 : vector<9x256xf32> to vector<1x9x256xf32>
    tpu.vector_store %arg7[%swap3A_291, %swap3A_292, %swap3A_293], %swap3A_296 {strides = array<i32>} : memref<1x2368x256xf32, #tpu.memory_space<vmem>>, vector<1x9x256xf32>,
    %ge3A_297 = arith.constant 54 : i32
    %ge3A_298 = vector.broadcast %ge3A_297 : i32 to vector<64x256xi32>
    %ge3A_299 = arith.cmpi sge, %iota3A, %ge3A_298 : vector<64x256xi32>
    %slice3A_300 = vector.extract_strided_slice %get3A_7 {offsets = [54, 0], sizes = [1, 256], strides = [1, 1]} : vector<64x256xf32> to vector<1x256xf32>
    %jit3A_301 = arith.constant 0xFF800000 : f32
    %broadcast_in_dim3A_302 = vector.shape_cast %slice3A_300 : vector<1x256xf32> to vector<1x256xf32>
    %broadcast_in_dim3A_303 = vector.broadcast %broadcast_in_dim3A_302 : vector<1x256xf32> to vector<64x256xf32>
    %broadcast_in_dim3A_304 = vector.broadcast %jit3A_301 : f32 to vector<64x256xf32>
    %select_n3A_305 = arith.select %ge3A_299, %broadcast_in_dim3A_303, %broadcast_in_dim3A_304 : vector<64x256xi1>, vector<64x256xf32>
    %max3A_306 = arith.maximumf %max3A_277, %select_n3A_305 : vector<64x256xf32>
    %get3A_307 = arith.constant 54 : index
    %get3A_308 = arith.constant 0 : index
    %get3A_309 = vector.load %arg3[%get3A_307, %get3A_308] : memref<64x64xf32, #tpu.memory_space<vmem>>, vector<1x64xf32>
    %gt3A_310 = arith.constant 0.000000e+00 : f32
    %gt3A_311 = vector.broadcast %gt3A_310 : f32 to vector<1x64xf32>
    %gt3A_312 = arith.cmpf ogt, %get3A_309, %gt3A_311 : vector<1x64xf32>
    %transpose3A_313 = tpu.transpose %max3A_306, [1, 0] : vector<64x256xf32> -> vector<256x64xf32>
    %jit3A_314 = arith.constant 0.000000e+00 : f32
    %broadcast_in_dim3A_315 = vector.shape_cast %gt3A_312 : vector<1x64xi1> to vector<1x64xi1>
    %broadcast_in_dim3A_316 = vector.broadcast %broadcast_in_dim3A_315 : vector<1x64xi1> to vector<256x64xi1>
    %broadcast_in_dim3A_317 = vector.broadcast %jit3A_314 : f32 to vector<256x64xf32>
    %select_n3A_318 = arith.select %broadcast_in_dim3A_316, %transpose3A_313, %broadcast_in_dim3A_317 : vector<256x64xi1>, vector<256x64xf32>
    %concatenate3A_319 = tpu.concatenate %select_n3A_318, %select_n3A_289 in 1 : vector<256x64xf32>, vector<256x64xf32> -> vector<256x128xf32>
    %swap3A_320 = arith.constant 0 : index
    %swap3A_321 = arith.constant 0 : index
    %swap3A_322 = arith.constant 3456 : index
    %swap3A_323 = vector.load %arg6[%swap3A_320, %swap3A_321, %swap3A_322] : memref<1x256x4096xf32, #tpu.memory_space<vmem>>, vector<1x256x128xf32>
    %swap3A_324 = vector.shape_cast %swap3A_323 : vector<1x256x128xf32> to vector<256x128xf32>
    %swap3A_325 = vector.shape_cast %concatenate3A_319 : vector<256x128xf32> to vector<1x256x128xf32>
    tpu.vector_store %arg6[%swap3A_320, %swap3A_321, %swap3A_322], %swap3A_325 {strides = array<i32>} : memref<1x256x4096xf32, #tpu.memory_space<vmem>>, vector<1x256x128xf32>,
    %slice3A_326 = vector.extract_strided_slice %max3A_306 {offsets = [54, 0], sizes = [10, 256], strides = [1, 1]} : vector<64x256xf32> to vector<10x256xf32>
    %swap3A_327 = arith.constant 0 : index
    %swap3A_328 = arith.constant 2208 : index
    %swap3A_329 = arith.constant 0 : index
    %swap3A_330 = vector.load %arg7[%swap3A_327, %swap3A_328, %swap3A_329] : memref<1x2368x256xf32, #tpu.memory_space<vmem>>, vector<1x10x256xf32>
    %swap3A_331 = vector.shape_cast %swap3A_330 : vector<1x10x256xf32> to vector<10x256xf32>
    %swap3A_332 = vector.shape_cast %slice3A_326 : vector<10x256xf32> to vector<1x10x256xf32>
    tpu.vector_store %arg7[%swap3A_327, %swap3A_328, %swap3A_329], %swap3A_332 {strides = array<i32>} : memref<1x2368x256xf32, #tpu.memory_space<vmem>>, vector<1x10x256xf32>,
    %ge3A_333 = arith.constant 53 : i32
    %ge3A_334 = vector.broadcast %ge3A_333 : i32 to vector<64x256xi32>
    %ge3A_335 = arith.cmpi sge, %iota3A, %ge3A_334 : vector<64x256xi32>
    %slice3A_336 = vector.extract_strided_slice %get3A_7 {offsets = [53, 0], sizes = [1, 256], strides = [1, 1]} : vector<64x256xf32> to vector<1x256xf32>
    %jit3A_337 = arith.constant 0xFF800000 : f32
    %broadcast_in_dim3A_338 = vector.shape_cast %slice3A_336 : vector<1x256xf32> to vector<1x256xf32>
    %broadcast_in_dim3A_339 = vector.broadcast %broadcast_in_dim3A_338 : vector<1x256xf32> to vector<64x256xf32>
    %broadcast_in_dim3A_340 = vector.broadcast %jit3A_337 : f32 to vector<64x256xf32>
    %select_n3A_341 = arith.select %ge3A_335, %broadcast_in_dim3A_339, %broadcast_in_dim3A_340 : vector<64x256xi1>, vector<64x256xf32>
    %max3A_342 = arith.maximumf %max3A_306, %select_n3A_341 : vector<64x256xf32>
    %get3A_343 = arith.constant 53 : index
    %get3A_344 = arith.constant 0 : index
    %get3A_345 = vector.load %arg3[%get3A_343, %get3A_344] : memref<64x64xf32, #tpu.memory_space<vmem>>, vector<1x64xf32>
    %gt3A_346 = arith.constant 0.000000e+00 : f32
    %gt3A_347 = vector.broadcast %gt3A_346 : f32 to vector<1x64xf32>
    %gt3A_348 = arith.cmpf ogt, %get3A_345, %gt3A_347 : vector<1x64xf32>
    %transpose3A_349 = tpu.transpose %max3A_342, [1, 0] : vector<64x256xf32> -> vector<256x64xf32>
    %jit3A_350 = arith.constant 0.000000e+00 : f32
    %broadcast_in_dim3A_351 = vector.shape_cast %gt3A_348 : vector<1x64xi1> to vector<1x64xi1>
    %broadcast_in_dim3A_352 = vector.broadcast %broadcast_in_dim3A_351 : vector<1x64xi1> to vector<256x64xi1>
    %broadcast_in_dim3A_353 = vector.broadcast %jit3A_350 : f32 to vector<256x64xf32>
    %select_n3A_354 = arith.select %broadcast_in_dim3A_352, %transpose3A_349, %broadcast_in_dim3A_353 : vector<256x64xi1>, vector<256x64xf32>
    %slice3A_355 = vector.extract_strided_slice %max3A_342 {offsets = [53, 0], sizes = [11, 256], strides = [1, 1]} : vector<64x256xf32> to vector<11x256xf32>
    %swap3A_356 = arith.constant 0 : index
    %swap3A_357 = arith.constant 2192 : index
    %swap3A_358 = arith.constant 0 : index
    %swap3A_359 = vector.load %arg7[%swap3A_356, %swap3A_357, %swap3A_358] : memref<1x2368x256xf32, #tpu.memory_space<vmem>>, vector<1x11x256xf32>
    %swap3A_360 = vector.shape_cast %swap3A_359 : vector<1x11x256xf32> to vector<11x256xf32>
    %swap3A_361 = vector.shape_cast %slice3A_355 : vector<11x256xf32> to vector<1x11x256xf32>
    tpu.vector_store %arg7[%swap3A_356, %swap3A_357, %swap3A_358], %swap3A_361 {strides = array<i32>} : memref<1x2368x256xf32, #tpu.memory_space<vmem>>, vector<1x11x256xf32>,
    %ge3A_362 = arith.constant 52 : i32
    %ge3A_363 = vector.broadcast %ge3A_362 : i32 to vector<64x256xi32>
    %ge3A_364 = arith.cmpi sge, %iota3A, %ge3A_363 : vector<64x256xi32>
    %slice3A_365 = vector.extract_strided_slice %get3A_7 {offsets = [52, 0], sizes = [1, 256], strides = [1, 1]} : vector<64x256xf32> to vector<1x256xf32>
    %jit3A_366 = arith.constant 0xFF800000 : f32
    %broadcast_in_dim3A_367 = vector.shape_cast %slice3A_365 : vector<1x256xf32> to vector<1x256xf32>
    %broadcast_in_dim3A_368 = vector.broadcast %broadcast_in_dim3A_367 : vector<1x256xf32> to vector<64x256xf32>
    %broadcast_in_dim3A_369 = vector.broadcast %jit3A_366 : f32 to vector<64x256xf32>
    %select_n3A_370 = arith.select %ge3A_364, %broadcast_in_dim3A_368, %broadcast_in_dim3A_369 : vector<64x256xi1>, vector<64x256xf32>
    %max3A_371 = arith.maximumf %max3A_342, %select_n3A_370 : vector<64x256xf32>
    %get3A_372 = arith.constant 52 : index
    %get3A_373 = arith.constant 0 : index
    %get3A_374 = vector.load %arg3[%get3A_372, %get3A_373] : memref<64x64xf32, #tpu.memory_space<vmem>>, vector<1x64xf32>
    %gt3A_375 = arith.constant 0.000000e+00 : f32
    %gt3A_376 = vector.broadcast %gt3A_375 : f32 to vector<1x64xf32>
    %gt3A_377 = arith.cmpf ogt, %get3A_374, %gt3A_376 : vector<1x64xf32>
    %transpose3A_378 = tpu.transpose %max3A_371, [1, 0] : vector<64x256xf32> -> vector<256x64xf32>
    %jit3A_379 = arith.constant 0.000000e+00 : f32
    %broadcast_in_dim3A_380 = vector.shape_cast %gt3A_377 : vector<1x64xi1> to vector<1x64xi1>
    %broadcast_in_dim3A_381 = vector.broadcast %broadcast_in_dim3A_380 : vector<1x64xi1> to vector<256x64xi1>
    %broadcast_in_dim3A_382 = vector.broadcast %jit3A_379 : f32 to vector<256x64xf32>
    %select_n3A_383 = arith.select %broadcast_in_dim3A_381, %transpose3A_378, %broadcast_in_dim3A_382 : vector<256x64xi1>, vector<256x64xf32>
    %concatenate3A_384 = tpu.concatenate %select_n3A_383, %select_n3A_354 in 1 : vector<256x64xf32>, vector<256x64xf32> -> vector<256x128xf32>
    %swap3A_385 = arith.constant 0 : index
    %swap3A_386 = arith.constant 0 : index
    %swap3A_387 = arith.constant 3328 : index
    %swap3A_388 = vector.load %arg6[%swap3A_385, %swap3A_386, %swap3A_387] : memref<1x256x4096xf32, #tpu.memory_space<vmem>>, vector<1x256x128xf32>
    %swap3A_389 = vector.shape_cast %swap3A_388 : vector<1x256x128xf32> to vector<256x128xf32>
    %swap3A_390 = vector.shape_cast %concatenate3A_384 : vector<256x128xf32> to vector<1x256x128xf32>
    tpu.vector_store %arg6[%swap3A_385, %swap3A_386, %swap3A_387], %swap3A_390 {strides = array<i32>} : memref<1x256x4096xf32, #tpu.memory_space<vmem>>, vector<1x256x128xf32>,
    %slice3A_391 = vector.extract_strided_slice %max3A_371 {offsets = [52, 0], sizes = [12, 256], strides = [1, 1]} : vector<64x256xf32> to vector<12x256xf32>
    %swap3A_392 = arith.constant 0 : index
    %swap3A_393 = arith.constant 2176 : index
    %swap3A_394 = arith.constant 0 : index
    %swap3A_395 = vector.load %arg7[%swap3A_392, %swap3A_393, %swap3A_394] : memref<1x2368x256xf32, #tpu.memory_space<vmem>>, vector<1x12x256xf32>
    %swap3A_396 = vector.shape_cast %swap3A_395 : vector<1x12x256xf32> to vector<12x256xf32>
    %swap3A_397 = vector.shape_cast %slice3A_391 : vector<12x256xf32> to vector<1x12x256xf32>
    tpu.vector_store %arg7[%swap3A_392, %swap3A_393, %swap3A_394], %swap3A_397 {strides = array<i32>} : memref<1x2368x256xf32, #tpu.memory_space<vmem>>, vector<1x12x256xf32>,
    %ge3A_398 = arith.constant 51 : i32
    %ge3A_399 = vector.broadcast %ge3A_398 : i32 to vector<64x256xi32>
    %ge3A_400 = arith.cmpi sge, %iota3A, %ge3A_399 : vector<64x256xi32>
    %slice3A_401 = vector.extract_strided_slice %get3A_7 {offsets = [51, 0], sizes = [1, 256], strides = [1, 1]} : vector<64x256xf32> to vector<1x256xf32>
    %jit3A_402 = arith.constant 0xFF800000 : f32
    %broadcast_in_dim3A_403 = vector.shape_cast %slice3A_401 : vector<1x256xf32> to vector<1x256xf32>
    %broadcast_in_dim3A_404 = vector.broadcast %broadcast_in_dim3A_403 : vector<1x256xf32> to vector<64x256xf32>
    %broadcast_in_dim3A_405 = vector.broadcast %jit3A_402 : f32 to vector<64x256xf32>
    %select_n3A_406 = arith.select %ge3A_400, %broadcast_in_dim3A_404, %broadcast_in_dim3A_405 : vector<64x256xi1>, vector<64x256xf32>
    %max3A_407 = arith.maximumf %max3A_371, %select_n3A_406 : vector<64x256xf32>
    %get3A_408 = arith.constant 51 : index
    %get3A_409 = arith.constant 0 : index
    %get3A_410 = vector.load %arg3[%get3A_408, %get3A_409] : memref<64x64xf32, #tpu.memory_space<vmem>>, vector<1x64xf32>
    %gt3A_411 = arith.constant 0.000000e+00 : f32
    %gt3A_412 = vector.broadcast %gt3A_411 : f32 to vector<1x64xf32>
    %gt3A_413 = arith.cmpf ogt, %get3A_410, %gt3A_412 : vector<1x64xf32>
    %transpose3A_414 = tpu.transpose %max3A_407, [1, 0] : vector<64x256xf32> -> vector<256x64xf32>
    %jit3A_415 = arith.constant 0.000000e+00 : f32
    %broadcast_in_dim3A_416 = vector.shape_cast %gt3A_413 : vector<1x64xi1> to vector<1x64xi1>
    %broadcast_in_dim3A_417 = vector.broadcast %broadcast_in_dim3A_416 : vector<1x64xi1> to vector<256x64xi1>
    %broadcast_in_dim3A_418 = vector.broadcast %jit3A_415 : f32 to vector<256x64xf32>
    %select_n3A_419 = arith.select %broadcast_in_dim3A_417, %transpose3A_414, %broadcast_in_dim3A_418 : vector<256x64xi1>, vector<256x64xf32>
    %slice3A_420 = vector.extract_strided_slice %max3A_407 {offsets = [51, 0], sizes = [13, 256], strides = [1, 1]} : vector<64x256xf32> to vector<13x256xf32>
    %swap3A_421 = arith.constant 0 : index
    %swap3A_422 = arith.constant 2160 : index
    %swap3A_423 = arith.constant 0 : index
    %swap3A_424 = vector.load %arg7[%swap3A_421, %swap3A_422, %swap3A_423] : memref<1x2368x256xf32, #tpu.memory_space<vmem>>, vector<1x13x256xf32>
    %swap3A_425 = vector.shape_cast %swap3A_424 : vector<1x13x256xf32> to vector<13x256xf32>
    %swap3A_426 = vector.shape_cast %slice3A_420 : vector<13x256xf32> to vector<1x13x256xf32>
    tpu.vector_store %arg7[%swap3A_421, %swap3A_422, %swap3A_423], %swap3A_426 {strides = array<i32>} : memref<1x2368x256xf32, #tpu.memory_space<vmem>>, vector<1x13x256xf32>,
    %ge3A_427 = arith.constant 50 : i32
    %ge3A_428 = vector.broadcast %ge3A_427 : i32 to vector<64x256xi32>
    %ge3A_429 = arith.cmpi sge, %iota3A, %ge3A_428 : vector<64x256xi32>
    %slice3A_430 = vector.extract_strided_slice %get3A_7 {offsets = [50, 0], sizes = [1, 256], strides = [1, 1]} : vector<64x256xf32> to vector<1x256xf32>
    %jit3A_431 = arith.constant 0xFF800000 : f32
    %broadcast_in_dim3A_432 = vector.shape_cast %slice3A_430 : vector<1x256xf32> to vector<1x256xf32>
    %broadcast_in_dim3A_433 = vector.broadcast %broadcast_in_dim3A_432 : vector<1x256xf32> to vector<64x256xf32>
    %broadcast_in_dim3A_434 = vector.broadcast %jit3A_431 : f32 to vector<64x256xf32>
    %select_n3A_435 = arith.select %ge3A_429, %broadcast_in_dim3A_433, %broadcast_in_dim3A_434 : vector<64x256xi1>, vector<64x256xf32>
    %max3A_436 = arith.maximumf %max3A_407, %select_n3A_435 : vector<64x256xf32>
    %get3A_437 = arith.constant 50 : index
    %get3A_438 = arith.constant 0 : index
    %get3A_439 = vector.load %arg3[%get3A_437, %get3A_438] : memref<64x64xf32, #tpu.memory_space<vmem>>, vector<1x64xf32>
    %gt3A_440 = arith.constant 0.000000e+00 : f32
    %gt3A_441 = vector.broadcast %gt3A_440 : f32 to vector<1x64xf32>
    %gt3A_442 = arith.cmpf ogt, %get3A_439, %gt3A_441 : vector<1x64xf32>
    %transpose3A_443 = tpu.transpose %max3A_436, [1, 0] : vector<64x256xf32> -> vector<256x64xf32>
    %jit3A_444 = arith.constant 0.000000e+00 : f32
    %broadcast_in_dim3A_445 = vector.shape_cast %gt3A_442 : vector<1x64xi1> to vector<1x64xi1>
    %broadcast_in_dim3A_446 = vector.broadcast %broadcast_in_dim3A_445 : vector<1x64xi1> to vector<256x64xi1>
    %broadcast_in_dim3A_447 = vector.broadcast %jit3A_444 : f32 to vector<256x64xf32>
    %select_n3A_448 = arith.select %broadcast_in_dim3A_446, %transpose3A_443, %broadcast_in_dim3A_447 : vector<256x64xi1>, vector<256x64xf32>
    %concatenate3A_449 = tpu.concatenate %select_n3A_448, %select_n3A_419 in 1 : vector<256x64xf32>, vector<256x64xf32> -> vector<256x128xf32>
    %swap3A_450 = arith.constant 0 : index
    %swap3A_451 = arith.constant 0 : index
    %swap3A_452 = arith.constant 3200 : index
    %swap3A_453 = vector.load %arg6[%swap3A_450, %swap3A_451, %swap3A_452] : memref<1x256x4096xf32, #tpu.memory_space<vmem>>, vector<1x256x128xf32>
    %swap3A_454 = vector.shape_cast %swap3A_453 : vector<1x256x128xf32> to vector<256x128xf32>
    %swap3A_455 = vector.shape_cast %concatenate3A_449 : vector<256x128xf32> to vector<1x256x128xf32>
    tpu.vector_store %arg6[%swap3A_450, %swap3A_451, %swap3A_452], %swap3A_455 {strides = array<i32>} : memref<1x256x4096xf32, #tpu.memory_space<vmem>>, vector<1x256x128xf32>,
    %slice3A_456 = vector.extract_strided_slice %max3A_436 {offsets = [50, 0], sizes = [14, 256], strides = [1, 1]} : vector<64x256xf32> to vector<14x256xf32>
    %swap3A_457 = arith.constant 0 : index
    %swap3A_458 = arith.constant 2144 : index
    %swap3A_459 = arith.constant 0 : index
    %swap3A_460 = vector.load %arg7[%swap3A_457, %swap3A_458, %swap3A_459] : memref<1x2368x256xf32, #tpu.memory_space<vmem>>, vector<1x14x256xf32>
    %swap3A_461 = vector.shape_cast %swap3A_460 : vector<1x14x256xf32> to vector<14x256xf32>
    %swap3A_462 = vector.shape_cast %slice3A_456 : vector<14x256xf32> to vector<1x14x256xf32>
    tpu.vector_store %arg7[%swap3A_457, %swap3A_458, %swap3A_459], %swap3A_462 {strides = array<i32>} : memref<1x2368x256xf32, #tpu.memory_space<vmem>>, vector<1x14x256xf32>,
    %ge3A_463 = arith.constant 49 : i32
    %ge3A_464 = vector.broadcast %ge3A_463 : i32 to vector<64x256xi32>
    %ge3A_465 = arith.cmpi sge, %iota3A, %ge3A_464 : vector<64x256xi32>
    %slice3A_466 = vector.extract_strided_slice %get3A_7 {offsets = [49, 0], sizes = [1, 256], strides = [1, 1]} : vector<64x256xf32> to vector<1x256xf32>
    %jit3A_467 = arith.constant 0xFF800000 : f32
    %broadcast_in_dim3A_468 = vector.shape_cast %slice3A_466 : vector<1x256xf32> to vector<1x256xf32>
    %broadcast_in_dim3A_469 = vector.broadcast %broadcast_in_dim3A_468 : vector<1x256xf32> to vector<64x256xf32>
    %broadcast_in_dim3A_470 = vector.broadcast %jit3A_467 : f32 to vector<64x256xf32>
    %select_n3A_471 = arith.select %ge3A_465, %broadcast_in_dim3A_469, %broadcast_in_dim3A_470 : vector<64x256xi1>, vector<64x256xf32>
    %max3A_472 = arith.maximumf %max3A_436, %select_n3A_471 : vector<64x256xf32>
    %get3A_473 = arith.constant 49 : index
    %get3A_474 = arith.constant 0 : index
    %get3A_475 = vector.load %arg3[%get3A_473, %get3A_474] : memref<64x64xf32, #tpu.memory_space<vmem>>, vector<1x64xf32>
    %gt3A_476 = arith.constant 0.000000e+00 : f32
    %gt3A_477 = vector.broadcast %gt3A_476 : f32 to vector<1x64xf32>
    %gt3A_478 = arith.cmpf ogt, %get3A_475, %gt3A_477 : vector<1x64xf32>
    %transpose3A_479 = tpu.transpose %max3A_472, [1, 0] : vector<64x256xf32> -> vector<256x64xf32>
    %jit3A_480 = arith.constant 0.000000e+00 : f32
    %broadcast_in_dim3A_481 = vector.shape_cast %gt3A_478 : vector<1x64xi1> to vector<1x64xi1>
    %broadcast_in_dim3A_482 = vector.broadcast %broadcast_in_dim3A_481 : vector<1x64xi1> to vector<256x64xi1>
    %broadcast_in_dim3A_483 = vector.broadcast %jit3A_480 : f32 to vector<256x64xf32>
    %select_n3A_484 = arith.select %broadcast_in_dim3A_482, %transpose3A_479, %broadcast_in_dim3A_483 : vector<256x64xi1>, vector<256x64xf32>
    %slice3A_485 = vector.extract_strided_slice %max3A_472 {offsets = [49, 0], sizes = [15, 256], strides = [1, 1]} : vector<64x256xf32> to vector<15x256xf32>
    %swap3A_486 = arith.constant 0 : index
    %swap3A_487 = arith.constant 2128 : index
    %swap3A_488 = arith.constant 0 : index
    %swap3A_489 = vector.load %arg7[%swap3A_486, %swap3A_487, %swap3A_488] : memref<1x2368x256xf32, #tpu.memory_space<vmem>>, vector<1x15x256xf32>
    %swap3A_490 = vector.shape_cast %swap3A_489 : vector<1x15x256xf32> to vector<15x256xf32>
    %swap3A_491 = vector.shape_cast %slice3A_485 : vector<15x256xf32> to vector<1x15x256xf32>
    tpu.vector_store %arg7[%swap3A_486, %swap3A_487, %swap3A_488], %swap3A_491 {strides = array<i32>} : memref<1x2368x256xf32, #tpu.memory_space<vmem>>, vector<1x15x256xf32>,
    %ge3A_492 = arith.constant 48 : i32
    %ge3A_493 = vector.broadcast %ge3A_492 : i32 to vector<64x256xi32>
    %ge3A_494 = arith.cmpi sge, %iota3A, %ge3A_493 : vector<64x256xi32>
    %slice3A_495 = vector.extract_strided_slice %get3A_7 {offsets = [48, 0], sizes = [1, 256], strides = [1, 1]} : vector<64x256xf32> to vector<1x256xf32>
    %jit3A_496 = arith.constant 0xFF800000 : f32
    %broadcast_in_dim3A_497 = vector.shape_cast %slice3A_495 : vector<1x256xf32> to vector<1x256xf32>
    %broadcast_in_dim3A_498 = vector.broadcast %broadcast_in_dim3A_497 : vector<1x256xf32> to vector<64x256xf32>
    %broadcast_in_dim3A_499 = vector.broadcast %jit3A_496 : f32 to vector<64x256xf32>
    %select_n3A_500 = arith.select %ge3A_494, %broadcast_in_dim3A_498, %broadcast_in_dim3A_499 : vector<64x256xi1>, vector<64x256xf32>
    %max3A_501 = arith.maximumf %max3A_472, %select_n3A_500 : vector<64x256xf32>
    %get3A_502 = arith.constant 48 : index
    %get3A_503 = arith.constant 0 : index
    %get3A_504 = vector.load %arg3[%get3A_502, %get3A_503] : memref<64x64xf32, #tpu.memory_space<vmem>>, vector<1x64xf32>
    %gt3A_505 = arith.constant 0.000000e+00 : f32
    %gt3A_506 = vector.broadcast %gt3A_505 : f32 to vector<1x64xf32>
    %gt3A_507 = arith.cmpf ogt, %get3A_504, %gt3A_506 : vector<1x64xf32>
    %transpose3A_508 = tpu.transpose %max3A_501, [1, 0] : vector<64x256xf32> -> vector<256x64xf32>
    %jit3A_509 = arith.constant 0.000000e+00 : f32
    %broadcast_in_dim3A_510 = vector.shape_cast %gt3A_507 : vector<1x64xi1> to vector<1x64xi1>
    %broadcast_in_dim3A_511 = vector.broadcast %broadcast_in_dim3A_510 : vector<1x64xi1> to vector<256x64xi1>
    %broadcast_in_dim3A_512 = vector.broadcast %jit3A_509 : f32 to vector<256x64xf32>
    %select_n3A_513 = arith.select %broadcast_in_dim3A_511, %transpose3A_508, %broadcast_in_dim3A_512 : vector<256x64xi1>, vector<256x64xf32>
    %concatenate3A_514 = tpu.concatenate %select_n3A_513, %select_n3A_484 in 1 : vector<256x64xf32>, vector<256x64xf32> -> vector<256x128xf32>
    %swap3A_515 = arith.constant 0 : index
    %swap3A_516 = arith.constant 0 : index
    %swap3A_517 = arith.constant 3072 : index
    %swap3A_518 = vector.load %arg6[%swap3A_515, %swap3A_516, %swap3A_517] : memref<1x256x4096xf32, #tpu.memory_space<vmem>>, vector<1x256x128xf32>
    %swap3A_519 = vector.shape_cast %swap3A_518 : vector<1x256x128xf32> to vector<256x128xf32>
    %swap3A_520 = vector.shape_cast %concatenate3A_514 : vector<256x128xf32> to vector<1x256x128xf32>
    tpu.vector_store %arg6[%swap3A_515, %swap3A_516, %swap3A_517], %swap3A_520 {strides = array<i32>} : memref<1x256x4096xf32, #tpu.memory_space<vmem>>, vector<1x256x128xf32>,
    %slice3A_521 = vector.extract_strided_slice %max3A_501 {offsets = [48, 0], sizes = [16, 256], strides = [1, 1]} : vector<64x256xf32> to vector<16x256xf32>
    %swap3A_522 = arith.constant 0 : index
    %swap3A_523 = arith.constant 2112 : index
    %swap3A_524 = arith.constant 0 : index
    %swap3A_525 = vector.load %arg7[%swap3A_522, %swap3A_523, %swap3A_524] : memref<1x2368x256xf32, #tpu.memory_space<vmem>>, vector<1x16x256xf32>
    %swap3A_526 = vector.shape_cast %swap3A_525 : vector<1x16x256xf32> to vector<16x256xf32>
    %swap3A_527 = vector.shape_cast %slice3A_521 : vector<16x256xf32> to vector<1x16x256xf32>
    tpu.vector_store %arg7[%swap3A_522, %swap3A_523, %swap3A_524], %swap3A_527 {strides = array<i32>} : memref<1x2368x256xf32, #tpu.memory_space<vmem>>, vector<1x16x256xf32>,
    %ge3A_528 = arith.constant 47 : i32
    %ge3A_529 = vector.broadcast %ge3A_528 : i32 to vector<64x256xi32>
    %ge3A_530 = arith.cmpi sge, %iota3A, %ge3A_529 : vector<64x256xi32>
    %slice3A_531 = vector.extract_strided_slice %get3A_7 {offsets = [47, 0], sizes = [1, 256], strides = [1, 1]} : vector<64x256xf32> to vector<1x256xf32>
    %jit3A_532 = arith.constant 0xFF800000 : f32
    %broadcast_in_dim3A_533 = vector.shape_cast %slice3A_531 : vector<1x256xf32> to vector<1x256xf32>
    %broadcast_in_dim3A_534 = vector.broadcast %broadcast_in_dim3A_533 : vector<1x256xf32> to vector<64x256xf32>
    %broadcast_in_dim3A_535 = vector.broadcast %jit3A_532 : f32 to vector<64x256xf32>
    %select_n3A_536 = arith.select %ge3A_530, %broadcast_in_dim3A_534, %broadcast_in_dim3A_535 : vector<64x256xi1>, vector<64x256xf32>
    %max3A_537 = arith.maximumf %max3A_501, %select_n3A_536 : vector<64x256xf32>
    %get3A_538 = arith.constant 47 : index
    %get3A_539 = arith.constant 0 : index
    %get3A_540 = vector.load %arg3[%get3A_538, %get3A_539] : memref<64x64xf32, #tpu.memory_space<vmem>>, vector<1x64xf32>
    %gt3A_541 = arith.constant 0.000000e+00 : f32
    %gt3A_542 = vector.broadcast %gt3A_541 : f32 to vector<1x64xf32>
    %gt3A_543 = arith.cmpf ogt, %get3A_540, %gt3A_542 : vector<1x64xf32>
    %transpose3A_544 = tpu.transpose %max3A_537, [1, 0] : vector<64x256xf32> -> vector<256x64xf32>
    %jit3A_545 = arith.constant 0.000000e+00 : f32
    %broadcast_in_dim3A_546 = vector.shape_cast %gt3A_543 : vector<1x64xi1> to vector<1x64xi1>
    %broadcast_in_dim3A_547 = vector.broadcast %broadcast_in_dim3A_546 : vector<1x64xi1> to vector<256x64xi1>
    %broadcast_in_dim3A_548 = vector.broadcast %jit3A_545 : f32 to vector<256x64xf32>
    %select_n3A_549 = arith.select %broadcast_in_dim3A_547, %transpose3A_544, %broadcast_in_dim3A_548 : vector<256x64xi1>, vector<256x64xf32>
    %slice3A_550 = vector.extract_strided_slice %max3A_537 {offsets = [47, 0], sizes = [17, 256], strides = [1, 1]} : vector<64x256xf32> to vector<17x256xf32>
    %swap3A_551 = arith.constant 0 : index
    %swap3A_552 = arith.constant 2088 : index
    %swap3A_553 = arith.constant 0 : index
    %swap3A_554 = vector.load %arg7[%swap3A_551, %swap3A_552, %swap3A_553] : memref<1x2368x256xf32, #tpu.memory_space<vmem>>, vector<1x17x256xf32>
    %swap3A_555 = vector.shape_cast %swap3A_554 : vector<1x17x256xf32> to vector<17x256xf32>
    %swap3A_556 = vector.shape_cast %slice3A_550 : vector<17x256xf32> to vector<1x17x256xf32>
    tpu.vector_store %arg7[%swap3A_551, %swap3A_552, %swap3A_553], %swap3A_556 {strides = array<i32>} : memref<1x2368x256xf32, #tpu.memory_space<vmem>>, vector<1x17x256xf32>,
    %ge3A_557 = arith.constant 46 : i32
    %ge3A_558 = vector.broadcast %ge3A_557 : i32 to vector<64x256xi32>
    %ge3A_559 = arith.cmpi sge, %iota3A, %ge3A_558 : vector<64x256xi32>
    %slice3A_560 = vector.extract_strided_slice %get3A_7 {offsets = [46, 0], sizes = [1, 256], strides = [1, 1]} : vector<64x256xf32> to vector<1x256xf32>
    %jit3A_561 = arith.constant 0xFF800000 : f32
    %broadcast_in_dim3A_562 = vector.shape_cast %slice3A_560 : vector<1x256xf32> to vector<1x256xf32>
    %broadcast_in_dim3A_563 = vector.broadcast %broadcast_in_dim3A_562 : vector<1x256xf32> to vector<64x256xf32>
    %broadcast_in_dim3A_564 = vector.broadcast %jit3A_561 : f32 to vector<64x256xf32>
    %select_n3A_565 = arith.select %ge3A_559, %broadcast_in_dim3A_563, %broadcast_in_dim3A_564 : vector<64x256xi1>, vector<64x256xf32>
    %max3A_566 = arith.maximumf %max3A_537, %select_n3A_565 : vector<64x256xf32>
    %get3A_567 = arith.constant 46 : index
    %get3A_568 = arith.constant 0 : index
    %get3A_569 = vector.load %arg3[%get3A_567, %get3A_568] : memref<64x64xf32, #tpu.memory_space<vmem>>, vector<1x64xf32>
    %gt3A_570 = arith.constant 0.000000e+00 : f32
    %gt3A_571 = vector.broadcast %gt3A_570 : f32 to vector<1x64xf32>
    %gt3A_572 = arith.cmpf ogt, %get3A_569, %gt3A_571 : vector<1x64xf32>
    %transpose3A_573 = tpu.transpose %max3A_566, [1, 0] : vector<64x256xf32> -> vector<256x64xf32>
    %jit3A_574 = arith.constant 0.000000e+00 : f32
    %broadcast_in_dim3A_575 = vector.shape_cast %gt3A_572 : vector<1x64xi1> to vector<1x64xi1>
    %broadcast_in_dim3A_576 = vector.broadcast %broadcast_in_dim3A_575 : vector<1x64xi1> to vector<256x64xi1>
    %broadcast_in_dim3A_577 = vector.broadcast %jit3A_574 : f32 to vector<256x64xf32>
    %select_n3A_578 = arith.select %broadcast_in_dim3A_576, %transpose3A_573, %broadcast_in_dim3A_577 : vector<256x64xi1>, vector<256x64xf32>
    %concatenate3A_579 = tpu.concatenate %select_n3A_578, %select_n3A_549 in 1 : vector<256x64xf32>, vector<256x64xf32> -> vector<256x128xf32>
    %swap3A_580 = arith.constant 0 : index
    %swap3A_581 = arith.constant 0 : index
    %swap3A_582 = arith.constant 2944 : index
    %swap3A_583 = vector.load %arg6[%swap3A_580, %swap3A_581, %swap3A_582] : memref<1x256x4096xf32, #tpu.memory_space<vmem>>, vector<1x256x128xf32>
    %swap3A_584 = vector.shape_cast %swap3A_583 : vector<1x256x128xf32> to vector<256x128xf32>
    %swap3A_585 = vector.shape_cast %concatenate3A_579 : vector<256x128xf32> to vector<1x256x128xf32>
    tpu.vector_store %arg6[%swap3A_580, %swap3A_581, %swap3A_582], %swap3A_585 {strides = array<i32>} : memref<1x256x4096xf32, #tpu.memory_space<vmem>>, vector<1x256x128xf32>,
    %slice3A_586 = vector.extract_strided_slice %max3A_566 {offsets = [46, 0], sizes = [18, 256], strides = [1, 1]} : vector<64x256xf32> to vector<18x256xf32>
    %swap3A_587 = arith.constant 0 : index
    %swap3A_588 = arith.constant 2064 : index
    %swap3A_589 = arith.constant 0 : index
    %swap3A_590 = vector.load %arg7[%swap3A_587, %swap3A_588, %swap3A_589] : memref<1x2368x256xf32, #tpu.memory_space<vmem>>, vector<1x18x256xf32>
    %swap3A_591 = vector.shape_cast %swap3A_590 : vector<1x18x256xf32> to vector<18x256xf32>
    %swap3A_592 = vector.shape_cast %slice3A_586 : vector<18x256xf32> to vector<1x18x256xf32>
    tpu.vector_store %arg7[%swap3A_587, %swap3A_588, %swap3A_589], %swap3A_592 {strides = array<i32>} : memref<1x2368x256xf32, #tpu.memory_space<vmem>>, vector<1x18x256xf32>,
    %ge3A_593 = arith.constant 45 : i32
    %ge3A_594 = vector.broadcast %ge3A_593 : i32 to vector<64x256xi32>
    %ge3A_595 = arith.cmpi sge, %iota3A, %ge3A_594 : vector<64x256xi32>
    %slice3A_596 = vector.extract_strided_slice %get3A_7 {offsets = [45, 0], sizes = [1, 256], strides = [1, 1]} : vector<64x256xf32> to vector<1x256xf32>
    %jit3A_597 = arith.constant 0xFF800000 : f32
    %broadcast_in_dim3A_598 = vector.shape_cast %slice3A_596 : vector<1x256xf32> to vector<1x256xf32>
    %broadcast_in_dim3A_599 = vector.broadcast %broadcast_in_dim3A_598 : vector<1x256xf32> to vector<64x256xf32>
    %broadcast_in_dim3A_600 = vector.broadcast %jit3A_597 : f32 to vector<64x256xf32>
    %select_n3A_601 = arith.select %ge3A_595, %broadcast_in_dim3A_599, %broadcast_in_dim3A_600 : vector<64x256xi1>, vector<64x256xf32>
    %max3A_602 = arith.maximumf %max3A_566, %select_n3A_601 : vector<64x256xf32>
    %get3A_603 = arith.constant 45 : index
    %get3A_604 = arith.constant 0 : index
    %get3A_605 = vector.load %arg3[%get3A_603, %get3A_604] : memref<64x64xf32, #tpu.memory_space<vmem>>, vector<1x64xf32>
    %gt3A_606 = arith.constant 0.000000e+00 : f32
    %gt3A_607 = vector.broadcast %gt3A_606 : f32 to vector<1x64xf32>
    %gt3A_608 = arith.cmpf ogt, %get3A_605, %gt3A_607 : vector<1x64xf32>
    %transpose3A_609 = tpu.transpose %max3A_602, [1, 0] : vector<64x256xf32> -> vector<256x64xf32>
    %jit3A_610 = arith.constant 0.000000e+00 : f32
    %broadcast_in_dim3A_611 = vector.shape_cast %gt3A_608 : vector<1x64xi1> to vector<1x64xi1>
    %broadcast_in_dim3A_612 = vector.broadcast %broadcast_in_dim3A_611 : vector<1x64xi1> to vector<256x64xi1>
    %broadcast_in_dim3A_613 = vector.broadcast %jit3A_610 : f32 to vector<256x64xf32>
    %select_n3A_614 = arith.select %broadcast_in_dim3A_612, %transpose3A_609, %broadcast_in_dim3A_613 : vector<256x64xi1>, vector<256x64xf32>
    %slice3A_615 = vector.extract_strided_slice %max3A_602 {offsets = [45, 0], sizes = [19, 256], strides = [1, 1]} : vector<64x256xf32> to vector<19x256xf32>
    %swap3A_616 = arith.constant 0 : index
    %swap3A_617 = arith.constant 2040 : index
    %swap3A_618 = arith.constant 0 : index
    %swap3A_619 = vector.load %arg7[%swap3A_616, %swap3A_617, %swap3A_618] : memref<1x2368x256xf32, #tpu.memory_space<vmem>>, vector<1x19x256xf32>
    %swap3A_620 = vector.shape_cast %swap3A_619 : vector<1x19x256xf32> to vector<19x256xf32>
    %swap3A_621 = vector.shape_cast %slice3A_615 : vector<19x256xf32> to vector<1x19x256xf32>
    tpu.vector_store %arg7[%swap3A_616, %swap3A_617, %swap3A_618], %swap3A_621 {strides = array<i32>} : memref<1x2368x256xf32, #tpu.memory_space<vmem>>, vector<1x19x256xf32>,
    %ge3A_622 = arith.constant 44 : i32
    %ge3A_623 = vector.broadcast %ge3A_622 : i32 to vector<64x256xi32>
    %ge3A_624 = arith.cmpi sge, %iota3A, %ge3A_623 : vector<64x256xi32>
    %slice3A_625 = vector.extract_strided_slice %get3A_7 {offsets = [44, 0], sizes = [1, 256], strides = [1, 1]} : vector<64x256xf32> to vector<1x256xf32>
    %jit3A_626 = arith.constant 0xFF800000 : f32
    %broadcast_in_dim3A_627 = vector.shape_cast %slice3A_625 : vector<1x256xf32> to vector<1x256xf32>
    %broadcast_in_dim3A_628 = vector.broadcast %broadcast_in_dim3A_627 : vector<1x256xf32> to vector<64x256xf32>
    %broadcast_in_dim3A_629 = vector.broadcast %jit3A_626 : f32 to vector<64x256xf32>
    %select_n3A_630 = arith.select %ge3A_624, %broadcast_in_dim3A_628, %broadcast_in_dim3A_629 : vector<64x256xi1>, vector<64x256xf32>
    %max3A_631 = arith.maximumf %max3A_602, %select_n3A_630 : vector<64x256xf32>
    %get3A_632 = arith.constant 44 : index
    %get3A_633 = arith.constant 0 : index
    %get3A_634 = vector.load %arg3[%get3A_632, %get3A_633] : memref<64x64xf32, #tpu.memory_space<vmem>>, vector<1x64xf32>
    %gt3A_635 = arith.constant 0.000000e+00 : f32
    %gt3A_636 = vector.broadcast %gt3A_635 : f32 to vector<1x64xf32>
    %gt3A_637 = arith.cmpf ogt, %get3A_634, %gt3A_636 : vector<1x64xf32>
    %transpose3A_638 = tpu.transpose %max3A_631, [1, 0] : vector<64x256xf32> -> vector<256x64xf32>
    %jit3A_639 = arith.constant 0.000000e+00 : f32
    %broadcast_in_dim3A_640 = vector.shape_cast %gt3A_637 : vector<1x64xi1> to vector<1x64xi1>
    %broadcast_in_dim3A_641 = vector.broadcast %broadcast_in_dim3A_640 : vector<1x64xi1> to vector<256x64xi1>
    %broadcast_in_dim3A_642 = vector.broadcast %jit3A_639 : f32 to vector<256x64xf32>
    %select_n3A_643 = arith.select %broadcast_in_dim3A_641, %transpose3A_638, %broadcast_in_dim3A_642 : vector<256x64xi1>, vector<256x64xf32>
    %concatenate3A_644 = tpu.concatenate %select_n3A_643, %select_n3A_614 in 1 : vector<256x64xf32>, vector<256x64xf32> -> vector<256x128xf32>
    %swap3A_645 = arith.constant 0 : index
    %swap3A_646 = arith.constant 0 : index
    %swap3A_647 = arith.constant 2816 : index
    %swap3A_648 = vector.load %arg6[%swap3A_645, %swap3A_646, %swap3A_647] : memref<1x256x4096xf32, #tpu.memory_space<vmem>>, vector<1x256x128xf32>
    %swap3A_649 = vector.shape_cast %swap3A_648 : vector<1x256x128xf32> to vector<256x128xf32>
    %swap3A_650 = vector.shape_cast %concatenate3A_644 : vector<256x128xf32> to vector<1x256x128xf32>
    tpu.vector_store %arg6[%swap3A_645, %swap3A_646, %swap3A_647], %swap3A_650 {strides = array<i32>} : memref<1x256x4096xf32, #tpu.memory_space<vmem>>, vector<1x256x128xf32>,
    %slice3A_651 = vector.extract_strided_slice %max3A_631 {offsets = [44, 0], sizes = [20, 256], strides = [1, 1]} : vector<64x256xf32> to vector<20x256xf32>
    %swap3A_652 = arith.constant 0 : index
    %swap3A_653 = arith.constant 2016 : index
    %swap3A_654 = arith.constant 0 : index
    %swap3A_655 = vector.load %arg7[%swap3A_652, %swap3A_653, %swap3A_654] : memref<1x2368x256xf32, #tpu.memory_space<vmem>>, vector<1x20x256xf32>
    %swap3A_656 = vector.shape_cast %swap3A_655 : vector<1x20x256xf32> to vector<20x256xf32>
    %swap3A_657 = vector.shape_cast %slice3A_651 : vector<20x256xf32> to vector<1x20x256xf32>
    tpu.vector_store %arg7[%swap3A_652, %swap3A_653, %swap3A_654], %swap3A_657 {strides = array<i32>} : memref<1x2368x256xf32, #tpu.memory_space<vmem>>, vector<1x20x256xf32>,
    %ge3A_658 = arith.constant 43 : i32
    %ge3A_659 = vector.broadcast %ge3A_658 : i32 to vector<64x256xi32>
    %ge3A_660 = arith.cmpi sge, %iota3A, %ge3A_659 : vector<64x256xi32>
    %slice3A_661 = vector.extract_strided_slice %get3A_7 {offsets = [43, 0], sizes = [1, 256], strides = [1, 1]} : vector<64x256xf32> to vector<1x256xf32>
    %jit3A_662 = arith.constant 0xFF800000 : f32
    %broadcast_in_dim3A_663 = vector.shape_cast %slice3A_661 : vector<1x256xf32> to vector<1x256xf32>
    %broadcast_in_dim3A_664 = vector.broadcast %broadcast_in_dim3A_663 : vector<1x256xf32> to vector<64x256xf32>
    %broadcast_in_dim3A_665 = vector.broadcast %jit3A_662 : f32 to vector<64x256xf32>
    %select_n3A_666 = arith.select %ge3A_660, %broadcast_in_dim3A_664, %broadcast_in_dim3A_665 : vector<64x256xi1>, vector<64x256xf32>
    %max3A_667 = arith.maximumf %max3A_631, %select_n3A_666 : vector<64x256xf32>
    %get3A_668 = arith.constant 43 : index
    %get3A_669 = arith.constant 0 : index
    %get3A_670 = vector.load %arg3[%get3A_668, %get3A_669] : memref<64x64xf32, #tpu.memory_space<vmem>>, vector<1x64xf32>
    %gt3A_671 = arith.constant 0.000000e+00 : f32
    %gt3A_672 = vector.broadcast %gt3A_671 : f32 to vector<1x64xf32>
    %gt3A_673 = arith.cmpf ogt, %get3A_670, %gt3A_672 : vector<1x64xf32>
    %transpose3A_674 = tpu.transpose %max3A_667, [1, 0] : vector<64x256xf32> -> vector<256x64xf32>
    %jit3A_675 = arith.constant 0.000000e+00 : f32
    %broadcast_in_dim3A_676 = vector.shape_cast %gt3A_673 : vector<1x64xi1> to vector<1x64xi1>
    %broadcast_in_dim3A_677 = vector.broadcast %broadcast_in_dim3A_676 : vector<1x64xi1> to vector<256x64xi1>
    %broadcast_in_dim3A_678 = vector.broadcast %jit3A_675 : f32 to vector<256x64xf32>
    %select_n3A_679 = arith.select %broadcast_in_dim3A_677, %transpose3A_674, %broadcast_in_dim3A_678 : vector<256x64xi1>, vector<256x64xf32>
    %slice3A_680 = vector.extract_strided_slice %max3A_667 {offsets = [43, 0], sizes = [21, 256], strides = [1, 1]} : vector<64x256xf32> to vector<21x256xf32>
    %swap3A_681 = arith.constant 0 : index
    %swap3A_682 = arith.constant 1992 : index
    %swap3A_683 = arith.constant 0 : index
    %swap3A_684 = vector.load %arg7[%swap3A_681, %swap3A_682, %swap3A_683] : memref<1x2368x256xf32, #tpu.memory_space<vmem>>, vector<1x21x256xf32>
    %swap3A_685 = vector.shape_cast %swap3A_684 : vector<1x21x256xf32> to vector<21x256xf32>
    %swap3A_686 = vector.shape_cast %slice3A_680 : vector<21x256xf32> to vector<1x21x256xf32>
    tpu.vector_store %arg7[%swap3A_681, %swap3A_682, %swap3A_683], %swap3A_686 {strides = array<i32>} : memref<1x2368x256xf32, #tpu.memory_space<vmem>>, vector<1x21x256xf32>,
    %ge3A_687 = arith.constant 42 : i32
    %ge3A_688 = vector.broadcast %ge3A_687 : i32 to vector<64x256xi32>
    %ge3A_689 = arith.cmpi sge, %iota3A, %ge3A_688 : vector<64x256xi32>
    %slice3A_690 = vector.extract_strided_slice %get3A_7 {offsets = [42, 0], sizes = [1, 256], strides = [1, 1]} : vector<64x256xf32> to vector<1x256xf32>
    %jit3A_691 = arith.constant 0xFF800000 : f32
    %broadcast_in_dim3A_692 = vector.shape_cast %slice3A_690 : vector<1x256xf32> to vector<1x256xf32>
    %broadcast_in_dim3A_693 = vector.broadcast %broadcast_in_dim3A_692 : vector<1x256xf32> to vector<64x256xf32>
    %broadcast_in_dim3A_694 = vector.broadcast %jit3A_691 : f32 to vector<64x256xf32>
    %select_n3A_695 = arith.select %ge3A_689, %broadcast_in_dim3A_693, %broadcast_in_dim3A_694 : vector<64x256xi1>, vector<64x256xf32>
    %max3A_696 = arith.maximumf %max3A_667, %select_n3A_695 : vector<64x256xf32>
    %get3A_697 = arith.constant 42 : index
    %get3A_698 = arith.constant 0 : index
    %get3A_699 = vector.load %arg3[%get3A_697, %get3A_698] : memref<64x64xf32, #tpu.memory_space<vmem>>, vector<1x64xf32>
    %gt3A_700 = arith.constant 0.000000e+00 : f32
    %gt3A_701 = vector.broadcast %gt3A_700 : f32 to vector<1x64xf32>
    %gt3A_702 = arith.cmpf ogt, %get3A_699, %gt3A_701 : vector<1x64xf32>
    %transpose3A_703 = tpu.transpose %max3A_696, [1, 0] : vector<64x256xf32> -> vector<256x64xf32>
    %jit3A_704 = arith.constant 0.000000e+00 : f32
    %broadcast_in_dim3A_705 = vector.shape_cast %gt3A_702 : vector<1x64xi1> to vector<1x64xi1>
    %broadcast_in_dim3A_706 = vector.broadcast %broadcast_in_dim3A_705 : vector<1x64xi1> to vector<256x64xi1>
    %broadcast_in_dim3A_707 = vector.broadcast %jit3A_704 : f32 to vector<256x64xf32>
    %select_n3A_708 = arith.select %broadcast_in_dim3A_706, %transpose3A_703, %broadcast_in_dim3A_707 : vector<256x64xi1>, vector<256x64xf32>
    %concatenate3A_709 = tpu.concatenate %select_n3A_708, %select_n3A_679 in 1 : vector<256x64xf32>, vector<256x64xf32> -> vector<256x128xf32>
    %swap3A_710 = arith.constant 0 : index
    %swap3A_711 = arith.constant 0 : index
    %swap3A_712 = arith.constant 2688 : index
    %swap3A_713 = vector.load %arg6[%swap3A_710, %swap3A_711, %swap3A_712] : memref<1x256x4096xf32, #tpu.memory_space<vmem>>, vector<1x256x128xf32>
    %swap3A_714 = vector.shape_cast %swap3A_713 : vector<1x256x128xf32> to vector<256x128xf32>
    %swap3A_715 = vector.shape_cast %concatenate3A_709 : vector<256x128xf32> to vector<1x256x128xf32>
    tpu.vector_store %arg6[%swap3A_710, %swap3A_711, %swap3A_712], %swap3A_715 {strides = array<i32>} : memref<1x256x4096xf32, #tpu.memory_space<vmem>>, vector<1x256x128xf32>,
    %slice3A_716 = vector.extract_strided_slice %max3A_696 {offsets = [42, 0], sizes = [22, 256], strides = [1, 1]} : vector<64x256xf32> to vector<22x256xf32>
    %swap3A_717 = arith.constant 0 : index
    %swap3A_718 = arith.constant 1968 : index
    %swap3A_719 = arith.constant 0 : index
    %swap3A_720 = vector.load %arg7[%swap3A_717, %swap3A_718, %swap3A_719] : memref<1x2368x256xf32, #tpu.memory_space<vmem>>, vector<1x22x256xf32>
    %swap3A_721 = vector.shape_cast %swap3A_720 : vector<1x22x256xf32> to vector<22x256xf32>
    %swap3A_722 = vector.shape_cast %slice3A_716 : vector<22x256xf32> to vector<1x22x256xf32>
    tpu.vector_store %arg7[%swap3A_717, %swap3A_718, %swap3A_719], %swap3A_722 {strides = array<i32>} : memref<1x2368x256xf32, #tpu.memory_space<vmem>>, vector<1x22x256xf32>,
    %ge3A_723 = arith.constant 41 : i32
    %ge3A_724 = vector.broadcast %ge3A_723 : i32 to vector<64x256xi32>
    %ge3A_725 = arith.cmpi sge, %iota3A, %ge3A_724 : vector<64x256xi32>
    %slice3A_726 = vector.extract_strided_slice %get3A_7 {offsets = [41, 0], sizes = [1, 256], strides = [1, 1]} : vector<64x256xf32> to vector<1x256xf32>
    %jit3A_727 = arith.constant 0xFF800000 : f32
    %broadcast_in_dim3A_728 = vector.shape_cast %slice3A_726 : vector<1x256xf32> to vector<1x256xf32>
    %broadcast_in_dim3A_729 = vector.broadcast %broadcast_in_dim3A_728 : vector<1x256xf32> to vector<64x256xf32>
    %broadcast_in_dim3A_730 = vector.broadcast %jit3A_727 : f32 to vector<64x256xf32>
    %select_n3A_731 = arith.select %ge3A_725, %broadcast_in_dim3A_729, %broadcast_in_dim3A_730 : vector<64x256xi1>, vector<64x256xf32>
    %max3A_732 = arith.maximumf %max3A_696, %select_n3A_731 : vector<64x256xf32>
    %get3A_733 = arith.constant 41 : index
    %get3A_734 = arith.constant 0 : index
    %get3A_735 = vector.load %arg3[%get3A_733, %get3A_734] : memref<64x64xf32, #tpu.memory_space<vmem>>, vector<1x64xf32>
    %gt3A_736 = arith.constant 0.000000e+00 : f32
    %gt3A_737 = vector.broadcast %gt3A_736 : f32 to vector<1x64xf32>
    %gt3A_738 = arith.cmpf ogt, %get3A_735, %gt3A_737 : vector<1x64xf32>
    %transpose3A_739 = tpu.transpose %max3A_732, [1, 0] : vector<64x256xf32> -> vector<256x64xf32>
    %jit3A_740 = arith.constant 0.000000e+00 : f32
    %broadcast_in_dim3A_741 = vector.shape_cast %gt3A_738 : vector<1x64xi1> to vector<1x64xi1>
    %broadcast_in_dim3A_742 = vector.broadcast %broadcast_in_dim3A_741 : vector<1x64xi1> to vector<256x64xi1>
    %broadcast_in_dim3A_743 = vector.broadcast %jit3A_740 : f32 to vector<256x64xf32>
    %select_n3A_744 = arith.select %broadcast_in_dim3A_742, %transpose3A_739, %broadcast_in_dim3A_743 : vector<256x64xi1>, vector<256x64xf32>
    %slice3A_745 = vector.extract_strided_slice %max3A_732 {offsets = [41, 0], sizes = [23, 256], strides = [1, 1]} : vector<64x256xf32> to vector<23x256xf32>
    %swap3A_746 = arith.constant 0 : index
    %swap3A_747 = arith.constant 1944 : index
    %swap3A_748 = arith.constant 0 : index
    %swap3A_749 = vector.load %arg7[%swap3A_746, %swap3A_747, %swap3A_748] : memref<1x2368x256xf32, #tpu.memory_space<vmem>>, vector<1x23x256xf32>
    %swap3A_750 = vector.shape_cast %swap3A_749 : vector<1x23x256xf32> to vector<23x256xf32>
    %swap3A_751 = vector.shape_cast %slice3A_745 : vector<23x256xf32> to vector<1x23x256xf32>
    tpu.vector_store %arg7[%swap3A_746, %swap3A_747, %swap3A_748], %swap3A_751 {strides = array<i32>} : memref<1x2368x256xf32, #tpu.memory_space<vmem>>, vector<1x23x256xf32>,
    %ge3A_752 = arith.constant 40 : i32
    %ge3A_753 = vector.broadcast %ge3A_752 : i32 to vector<64x256xi32>
    %ge3A_754 = arith.cmpi sge, %iota3A, %ge3A_753 : vector<64x256xi32>
    %slice3A_755 = vector.extract_strided_slice %get3A_7 {offsets = [40, 0], sizes = [1, 256], strides = [1, 1]} : vector<64x256xf32> to vector<1x256xf32>
    %jit3A_756 = arith.constant 0xFF800000 : f32
    %broadcast_in_dim3A_757 = vector.shape_cast %slice3A_755 : vector<1x256xf32> to vector<1x256xf32>
    %broadcast_in_dim3A_758 = vector.broadcast %broadcast_in_dim3A_757 : vector<1x256xf32> to vector<64x256xf32>
    %broadcast_in_dim3A_759 = vector.broadcast %jit3A_756 : f32 to vector<64x256xf32>
    %select_n3A_760 = arith.select %ge3A_754, %broadcast_in_dim3A_758, %broadcast_in_dim3A_759 : vector<64x256xi1>, vector<64x256xf32>
    %max3A_761 = arith.maximumf %max3A_732, %select_n3A_760 : vector<64x256xf32>
    %get3A_762 = arith.constant 40 : index
    %get3A_763 = arith.constant 0 : index
    %get3A_764 = vector.load %arg3[%get3A_762, %get3A_763] : memref<64x64xf32, #tpu.memory_space<vmem>>, vector<1x64xf32>
    %gt3A_765 = arith.constant 0.000000e+00 : f32
    %gt3A_766 = vector.broadcast %gt3A_765 : f32 to vector<1x64xf32>
    %gt3A_767 = arith.cmpf ogt, %get3A_764, %gt3A_766 : vector<1x64xf32>
    %transpose3A_768 = tpu.transpose %max3A_761, [1, 0] : vector<64x256xf32> -> vector<256x64xf32>
    %jit3A_769 = arith.constant 0.000000e+00 : f32
    %broadcast_in_dim3A_770 = vector.shape_cast %gt3A_767 : vector<1x64xi1> to vector<1x64xi1>
    %broadcast_in_dim3A_771 = vector.broadcast %broadcast_in_dim3A_770 : vector<1x64xi1> to vector<256x64xi1>
    %broadcast_in_dim3A_772 = vector.broadcast %jit3A_769 : f32 to vector<256x64xf32>
    %select_n3A_773 = arith.select %broadcast_in_dim3A_771, %transpose3A_768, %broadcast_in_dim3A_772 : vector<256x64xi1>, vector<256x64xf32>
    %concatenate3A_774 = tpu.concatenate %select_n3A_773, %select_n3A_744 in 1 : vector<256x64xf32>, vector<256x64xf32> -> vector<256x128xf32>
    %swap3A_775 = arith.constant 0 : index
    %swap3A_776 = arith.constant 0 : index
    %swap3A_777 = arith.constant 2560 : index
    %swap3A_778 = vector.load %arg6[%swap3A_775, %swap3A_776, %swap3A_777] : memref<1x256x4096xf32, #tpu.memory_space<vmem>>, vector<1x256x128xf32>
    %swap3A_779 = vector.shape_cast %swap3A_778 : vector<1x256x128xf32> to vector<256x128xf32>
    %swap3A_780 = vector.shape_cast %concatenate3A_774 : vector<256x128xf32> to vector<1x256x128xf32>
    tpu.vector_store %arg6[%swap3A_775, %swap3A_776, %swap3A_777], %swap3A_780 {strides = array<i32>} : memref<1x256x4096xf32, #tpu.memory_space<vmem>>, vector<1x256x128xf32>,
    %slice3A_781 = vector.extract_strided_slice %max3A_761 {offsets = [40, 0], sizes = [24, 256], strides = [1, 1]} : vector<64x256xf32> to vector<24x256xf32>
    %swap3A_782 = arith.constant 0 : index
    %swap3A_783 = arith.constant 1920 : index
    %swap3A_784 = arith.constant 0 : index
    %swap3A_785 = vector.load %arg7[%swap3A_782, %swap3A_783, %swap3A_784] : memref<1x2368x256xf32, #tpu.memory_space<vmem>>, vector<1x24x256xf32>
    %swap3A_786 = vector.shape_cast %swap3A_785 : vector<1x24x256xf32> to vector<24x256xf32>
    %swap3A_787 = vector.shape_cast %slice3A_781 : vector<24x256xf32> to vector<1x24x256xf32>
    tpu.vector_store %arg7[%swap3A_782, %swap3A_783, %swap3A_784], %swap3A_787 {strides = array<i32>} : memref<1x2368x256xf32, #tpu.memory_space<vmem>>, vector<1x24x256xf32>,
    %ge3A_788 = arith.constant 39 : i32
    %ge3A_789 = vector.broadcast %ge3A_788 : i32 to vector<64x256xi32>
    %ge3A_790 = arith.cmpi sge, %iota3A, %ge3A_789 : vector<64x256xi32>
    %slice3A_791 = vector.extract_strided_slice %get3A_7 {offsets = [39, 0], sizes = [1, 256], strides = [1, 1]} : vector<64x256xf32> to vector<1x256xf32>
    %jit3A_792 = arith.constant 0xFF800000 : f32
    %broadcast_in_dim3A_793 = vector.shape_cast %slice3A_791 : vector<1x256xf32> to vector<1x256xf32>
    %broadcast_in_dim3A_794 = vector.broadcast %broadcast_in_dim3A_793 : vector<1x256xf32> to vector<64x256xf32>
    %broadcast_in_dim3A_795 = vector.broadcast %jit3A_792 : f32 to vector<64x256xf32>
    %select_n3A_796 = arith.select %ge3A_790, %broadcast_in_dim3A_794, %broadcast_in_dim3A_795 : vector<64x256xi1>, vector<64x256xf32>
    %max3A_797 = arith.maximumf %max3A_761, %select_n3A_796 : vector<64x256xf32>
    %get3A_798 = arith.constant 39 : index
    %get3A_799 = arith.constant 0 : index
    %get3A_800 = vector.load %arg3[%get3A_798, %get3A_799] : memref<64x64xf32, #tpu.memory_space<vmem>>, vector<1x64xf32>
    %gt3A_801 = arith.constant 0.000000e+00 : f32
    %gt3A_802 = vector.broadcast %gt3A_801 : f32 to vector<1x64xf32>
    %gt3A_803 = arith.cmpf ogt, %get3A_800, %gt3A_802 : vector<1x64xf32>
    %transpose3A_804 = tpu.transpose %max3A_797, [1, 0] : vector<64x256xf32> -> vector<256x64xf32>
    %jit3A_805 = arith.constant 0.000000e+00 : f32
    %broadcast_in_dim3A_806 = vector.shape_cast %gt3A_803 : vector<1x64xi1> to vector<1x64xi1>
    %broadcast_in_dim3A_807 = vector.broadcast %broadcast_in_dim3A_806 : vector<1x64xi1> to vector<256x64xi1>
    %broadcast_in_dim3A_808 = vector.broadcast %jit3A_805 : f32 to vector<256x64xf32>
    %select_n3A_809 = arith.select %broadcast_in_dim3A_807, %transpose3A_804, %broadcast_in_dim3A_808 : vector<256x64xi1>, vector<256x64xf32>
    %slice3A_810 = vector.extract_strided_slice %max3A_797 {offsets = [39, 0], sizes = [25, 256], strides = [1, 1]} : vector<64x256xf32> to vector<25x256xf32>
    %swap3A_811 = arith.constant 0 : index
    %swap3A_812 = arith.constant 1888 : index
    %swap3A_813 = arith.constant 0 : index
    %swap3A_814 = vector.load %arg7[%swap3A_811, %swap3A_812, %swap3A_813] : memref<1x2368x256xf32, #tpu.memory_space<vmem>>, vector<1x25x256xf32>
    %swap3A_815 = vector.shape_cast %swap3A_814 : vector<1x25x256xf32> to vector<25x256xf32>
    %swap3A_816 = vector.shape_cast %slice3A_810 : vector<25x256xf32> to vector<1x25x256xf32>
    tpu.vector_store %arg7[%swap3A_811, %swap3A_812, %swap3A_813], %swap3A_816 {strides = array<i32>} : memref<1x2368x256xf32, #tpu.memory_space<vmem>>, vector<1x25x256xf32>,
    %ge3A_817 = arith.constant 38 : i32
    %ge3A_818 = vector.broadcast %ge3A_817 : i32 to vector<64x256xi32>
    %ge3A_819 = arith.cmpi sge, %iota3A, %ge3A_818 : vector<64x256xi32>
    %slice3A_820 = vector.extract_strided_slice %get3A_7 {offsets = [38, 0], sizes = [1, 256], strides = [1, 1]} : vector<64x256xf32> to vector<1x256xf32>
    %jit3A_821 = arith.constant 0xFF800000 : f32
    %broadcast_in_dim3A_822 = vector.shape_cast %slice3A_820 : vector<1x256xf32> to vector<1x256xf32>
    %broadcast_in_dim3A_823 = vector.broadcast %broadcast_in_dim3A_822 : vector<1x256xf32> to vector<64x256xf32>
    %broadcast_in_dim3A_824 = vector.broadcast %jit3A_821 : f32 to vector<64x256xf32>
    %select_n3A_825 = arith.select %ge3A_819, %broadcast_in_dim3A_823, %broadcast_in_dim3A_824 : vector<64x256xi1>, vector<64x256xf32>
    %max3A_826 = arith.maximumf %max3A_797, %select_n3A_825 : vector<64x256xf32>
    %get3A_827 = arith.constant 38 : index
    %get3A_828 = arith.constant 0 : index
    %get3A_829 = vector.load %arg3[%get3A_827, %get3A_828] : memref<64x64xf32, #tpu.memory_space<vmem>>, vector<1x64xf32>
    %gt3A_830 = arith.constant 0.000000e+00 : f32
    %gt3A_831 = vector.broadcast %gt3A_830 : f32 to vector<1x64xf32>
    %gt3A_832 = arith.cmpf ogt, %get3A_829, %gt3A_831 : vector<1x64xf32>
    %transpose3A_833 = tpu.transpose %max3A_826, [1, 0] : vector<64x256xf32> -> vector<256x64xf32>
    %jit3A_834 = arith.constant 0.000000e+00 : f32
    %broadcast_in_dim3A_835 = vector.shape_cast %gt3A_832 : vector<1x64xi1> to vector<1x64xi1>
    %broadcast_in_dim3A_836 = vector.broadcast %broadcast_in_dim3A_835 : vector<1x64xi1> to vector<256x64xi1>
    %broadcast_in_dim3A_837 = vector.broadcast %jit3A_834 : f32 to vector<256x64xf32>
    %select_n3A_838 = arith.select %broadcast_in_dim3A_836, %transpose3A_833, %broadcast_in_dim3A_837 : vector<256x64xi1>, vector<256x64xf32>
    %concatenate3A_839 = tpu.concatenate %select_n3A_838, %select_n3A_809 in 1 : vector<256x64xf32>, vector<256x64xf32> -> vector<256x128xf32>
    %swap3A_840 = arith.constant 0 : index
    %swap3A_841 = arith.constant 0 : index
    %swap3A_842 = arith.constant 2432 : index
    %swap3A_843 = vector.load %arg6[%swap3A_840, %swap3A_841, %swap3A_842] : memref<1x256x4096xf32, #tpu.memory_space<vmem>>, vector<1x256x128xf32>
    %swap3A_844 = vector.shape_cast %swap3A_843 : vector<1x256x128xf32> to vector<256x128xf32>
    %swap3A_845 = vector.shape_cast %concatenate3A_839 : vector<256x128xf32> to vector<1x256x128xf32>
    tpu.vector_store %arg6[%swap3A_840, %swap3A_841, %swap3A_842], %swap3A_845 {strides = array<i32>} : memref<1x256x4096xf32, #tpu.memory_space<vmem>>, vector<1x256x128xf32>,
    %slice3A_846 = vector.extract_strided_slice %max3A_826 {offsets = [38, 0], sizes = [26, 256], strides = [1, 1]} : vector<64x256xf32> to vector<26x256xf32>
    %swap3A_847 = arith.constant 0 : index
    %swap3A_848 = arith.constant 1856 : index
    %swap3A_849 = arith.constant 0 : index
    %swap3A_850 = vector.load %arg7[%swap3A_847, %swap3A_848, %swap3A_849] : memref<1x2368x256xf32, #tpu.memory_space<vmem>>, vector<1x26x256xf32>
    %swap3A_851 = vector.shape_cast %swap3A_850 : vector<1x26x256xf32> to vector<26x256xf32>
    %swap3A_852 = vector.shape_cast %slice3A_846 : vector<26x256xf32> to vector<1x26x256xf32>
    tpu.vector_store %arg7[%swap3A_847, %swap3A_848, %swap3A_849], %swap3A_852 {strides = array<i32>} : memref<1x2368x256xf32, #tpu.memory_space<vmem>>, vector<1x26x256xf32>,
    %ge3A_853 = arith.constant 37 : i32
    %ge3A_854 = vector.broadcast %ge3A_853 : i32 to vector<64x256xi32>
    %ge3A_855 = arith.cmpi sge, %iota3A, %ge3A_854 : vector<64x256xi32>
    %slice3A_856 = vector.extract_strided_slice %get3A_7 {offsets = [37, 0], sizes = [1, 256], strides = [1, 1]} : vector<64x256xf32> to vector<1x256xf32>
    %jit3A_857 = arith.constant 0xFF800000 : f32
    %broadcast_in_dim3A_858 = vector.shape_cast %slice3A_856 : vector<1x256xf32> to vector<1x256xf32>
    %broadcast_in_dim3A_859 = vector.broadcast %broadcast_in_dim3A_858 : vector<1x256xf32> to vector<64x256xf32>
    %broadcast_in_dim3A_860 = vector.broadcast %jit3A_857 : f32 to vector<64x256xf32>
    %select_n3A_861 = arith.select %ge3A_855, %broadcast_in_dim3A_859, %broadcast_in_dim3A_860 : vector<64x256xi1>, vector<64x256xf32>
    %max3A_862 = arith.maximumf %max3A_826, %select_n3A_861 : vector<64x256xf32>
    %get3A_863 = arith.constant 37 : index
    %get3A_864 = arith.constant 0 : index
    %get3A_865 = vector.load %arg3[%get3A_863, %get3A_864] : memref<64x64xf32, #tpu.memory_space<vmem>>, vector<1x64xf32>
    %gt3A_866 = arith.constant 0.000000e+00 : f32
    %gt3A_867 = vector.broadcast %gt3A_866 : f32 to vector<1x64xf32>
    %gt3A_868 = arith.cmpf ogt, %get3A_865, %gt3A_867 : vector<1x64xf32>
    %transpose3A_869 = tpu.transpose %max3A_862, [1, 0] : vector<64x256xf32> -> vector<256x64xf32>
    %jit3A_870 = arith.constant 0.000000e+00 : f32
    %broadcast_in_dim3A_871 = vector.shape_cast %gt3A_868 : vector<1x64xi1> to vector<1x64xi1>
    %broadcast_in_dim3A_872 = vector.broadcast %broadcast_in_dim3A_871 : vector<1x64xi1> to vector<256x64xi1>
    %broadcast_in_dim3A_873 = vector.broadcast %jit3A_870 : f32 to vector<256x64xf32>
    %select_n3A_874 = arith.select %broadcast_in_dim3A_872, %transpose3A_869, %broadcast_in_dim3A_873 : vector<256x64xi1>, vector<256x64xf32>
    %slice3A_875 = vector.extract_strided_slice %max3A_862 {offsets = [37, 0], sizes = [27, 256], strides = [1, 1]} : vector<64x256xf32> to vector<27x256xf32>
    %swap3A_876 = arith.constant 0 : index
    %swap3A_877 = arith.constant 1824 : index
    %swap3A_878 = arith.constant 0 : index
    %swap3A_879 = vector.load %arg7[%swap3A_876, %swap3A_877, %swap3A_878] : memref<1x2368x256xf32, #tpu.memory_space<vmem>>, vector<1x27x256xf32>
    %swap3A_880 = vector.shape_cast %swap3A_879 : vector<1x27x256xf32> to vector<27x256xf32>
    %swap3A_881 = vector.shape_cast %slice3A_875 : vector<27x256xf32> to vector<1x27x256xf32>
    tpu.vector_store %arg7[%swap3A_876, %swap3A_877, %swap3A_878], %swap3A_881 {strides = array<i32>} : memref<1x2368x256xf32, #tpu.memory_space<vmem>>, vector<1x27x256xf32>,
    %ge3A_882 = arith.constant 36 : i32
    %ge3A_883 = vector.broadcast %ge3A_882 : i32 to vector<64x256xi32>
    %ge3A_884 = arith.cmpi sge, %iota3A, %ge3A_883 : vector<64x256xi32>
    %slice3A_885 = vector.extract_strided_slice %get3A_7 {offsets = [36, 0], sizes = [1, 256], strides = [1, 1]} : vector<64x256xf32> to vector<1x256xf32>
    %jit3A_886 = arith.constant 0xFF800000 : f32
    %broadcast_in_dim3A_887 = vector.shape_cast %slice3A_885 : vector<1x256xf32> to vector<1x256xf32>
    %broadcast_in_dim3A_888 = vector.broadcast %broadcast_in_dim3A_887 : vector<1x256xf32> to vector<64x256xf32>
    %broadcast_in_dim3A_889 = vector.broadcast %jit3A_886 : f32 to vector<64x256xf32>
    %select_n3A_890 = arith.select %ge3A_884, %broadcast_in_dim3A_888, %broadcast_in_dim3A_889 : vector<64x256xi1>, vector<64x256xf32>
    %max3A_891 = arith.maximumf %max3A_862, %select_n3A_890 : vector<64x256xf32>
    %get3A_892 = arith.constant 36 : index
    %get3A_893 = arith.constant 0 : index
    %get3A_894 = vector.load %arg3[%get3A_892, %get3A_893] : memref<64x64xf32, #tpu.memory_space<vmem>>, vector<1x64xf32>
    %gt3A_895 = arith.constant 0.000000e+00 : f32
    %gt3A_896 = vector.broadcast %gt3A_895 : f32 to vector<1x64xf32>
    %gt3A_897 = arith.cmpf ogt, %get3A_894, %gt3A_896 : vector<1x64xf32>
    %transpose3A_898 = tpu.transpose %max3A_891, [1, 0] : vector<64x256xf32> -> vector<256x64xf32>
    %jit3A_899 = arith.constant 0.000000e+00 : f32
    %broadcast_in_dim3A_900 = vector.shape_cast %gt3A_897 : vector<1x64xi1> to vector<1x64xi1>
    %broadcast_in_dim3A_901 = vector.broadcast %broadcast_in_dim3A_900 : vector<1x64xi1> to vector<256x64xi1>
    %broadcast_in_dim3A_902 = vector.broadcast %jit3A_899 : f32 to vector<256x64xf32>
    %select_n3A_903 = arith.select %broadcast_in_dim3A_901, %transpose3A_898, %broadcast_in_dim3A_902 : vector<256x64xi1>, vector<256x64xf32>
    %concatenate3A_904 = tpu.concatenate %select_n3A_903, %select_n3A_874 in 1 : vector<256x64xf32>, vector<256x64xf32> -> vector<256x128xf32>
    %swap3A_905 = arith.constant 0 : index
    %swap3A_906 = arith.constant 0 : index
    %swap3A_907 = arith.constant 2304 : index
    %swap3A_908 = vector.load %arg6[%swap3A_905, %swap3A_906, %swap3A_907] : memref<1x256x4096xf32, #tpu.memory_space<vmem>>, vector<1x256x128xf32>
    %swap3A_909 = vector.shape_cast %swap3A_908 : vector<1x256x128xf32> to vector<256x128xf32>
    %swap3A_910 = vector.shape_cast %concatenate3A_904 : vector<256x128xf32> to vector<1x256x128xf32>
    tpu.vector_store %arg6[%swap3A_905, %swap3A_906, %swap3A_907], %swap3A_910 {strides = array<i32>} : memref<1x256x4096xf32, #tpu.memory_space<vmem>>, vector<1x256x128xf32>,
    %slice3A_911 = vector.extract_strided_slice %max3A_891 {offsets = [36, 0], sizes = [28, 256], strides = [1, 1]} : vector<64x256xf32> to vector<28x256xf32>
    %swap3A_912 = arith.constant 0 : index
    %swap3A_913 = arith.constant 1792 : index
    %swap3A_914 = arith.constant 0 : index
    %swap3A_915 = vector.load %arg7[%swap3A_912, %swap3A_913, %swap3A_914] : memref<1x2368x256xf32, #tpu.memory_space<vmem>>, vector<1x28x256xf32>
    %swap3A_916 = vector.shape_cast %swap3A_915 : vector<1x28x256xf32> to vector<28x256xf32>
    %swap3A_917 = vector.shape_cast %slice3A_911 : vector<28x256xf32> to vector<1x28x256xf32>
    tpu.vector_store %arg7[%swap3A_912, %swap3A_913, %swap3A_914], %swap3A_917 {strides = array<i32>} : memref<1x2368x256xf32, #tpu.memory_space<vmem>>, vector<1x28x256xf32>,
    %ge3A_918 = arith.constant 35 : i32
    %ge3A_919 = vector.broadcast %ge3A_918 : i32 to vector<64x256xi32>
    %ge3A_920 = arith.cmpi sge, %iota3A, %ge3A_919 : vector<64x256xi32>
    %slice3A_921 = vector.extract_strided_slice %get3A_7 {offsets = [35, 0], sizes = [1, 256], strides = [1, 1]} : vector<64x256xf32> to vector<1x256xf32>
    %jit3A_922 = arith.constant 0xFF800000 : f32
    %broadcast_in_dim3A_923 = vector.shape_cast %slice3A_921 : vector<1x256xf32> to vector<1x256xf32>
    %broadcast_in_dim3A_924 = vector.broadcast %broadcast_in_dim3A_923 : vector<1x256xf32> to vector<64x256xf32>
    %broadcast_in_dim3A_925 = vector.broadcast %jit3A_922 : f32 to vector<64x256xf32>
    %select_n3A_926 = arith.select %ge3A_920, %broadcast_in_dim3A_924, %broadcast_in_dim3A_925 : vector<64x256xi1>, vector<64x256xf32>
    %max3A_927 = arith.maximumf %max3A_891, %select_n3A_926 : vector<64x256xf32>
    %get3A_928 = arith.constant 35 : index
    %get3A_929 = arith.constant 0 : index
    %get3A_930 = vector.load %arg3[%get3A_928, %get3A_929] : memref<64x64xf32, #tpu.memory_space<vmem>>, vector<1x64xf32>
    %gt3A_931 = arith.constant 0.000000e+00 : f32
    %gt3A_932 = vector.broadcast %gt3A_931 : f32 to vector<1x64xf32>
    %gt3A_933 = arith.cmpf ogt, %get3A_930, %gt3A_932 : vector<1x64xf32>
    %transpose3A_934 = tpu.transpose %max3A_927, [1, 0] : vector<64x256xf32> -> vector<256x64xf32>
    %jit3A_935 = arith.constant 0.000000e+00 : f32
    %broadcast_in_dim3A_936 = vector.shape_cast %gt3A_933 : vector<1x64xi1> to vector<1x64xi1>
    %broadcast_in_dim3A_937 = vector.broadcast %broadcast_in_dim3A_936 : vector<1x64xi1> to vector<256x64xi1>
    %broadcast_in_dim3A_938 = vector.broadcast %jit3A_935 : f32 to vector<256x64xf32>
    %select_n3A_939 = arith.select %broadcast_in_dim3A_937, %transpose3A_934, %broadcast_in_dim3A_938 : vector<256x64xi1>, vector<256x64xf32>
    %slice3A_940 = vector.extract_strided_slice %max3A_927 {offsets = [35, 0], sizes = [29, 256], strides = [1, 1]} : vector<64x256xf32> to vector<29x256xf32>
    %swap3A_941 = arith.constant 0 : index
    %swap3A_942 = arith.constant 1760 : index
    %swap3A_943 = arith.constant 0 : index
    %swap3A_944 = vector.load %arg7[%swap3A_941, %swap3A_942, %swap3A_943] : memref<1x2368x256xf32, #tpu.memory_space<vmem>>, vector<1x29x256xf32>
    %swap3A_945 = vector.shape_cast %swap3A_944 : vector<1x29x256xf32> to vector<29x256xf32>
    %swap3A_946 = vector.shape_cast %slice3A_940 : vector<29x256xf32> to vector<1x29x256xf32>
    tpu.vector_store %arg7[%swap3A_941, %swap3A_942, %swap3A_943], %swap3A_946 {strides = array<i32>} : memref<1x2368x256xf32, #tpu.memory_space<vmem>>, vector<1x29x256xf32>,
    %ge3A_947 = arith.constant 34 : i32
    %ge3A_948 = vector.broadcast %ge3A_947 : i32 to vector<64x256xi32>
    %ge3A_949 = arith.cmpi sge, %iota3A, %ge3A_948 : vector<64x256xi32>
    %slice3A_950 = vector.extract_strided_slice %get3A_7 {offsets = [34, 0], sizes = [1, 256], strides = [1, 1]} : vector<64x256xf32> to vector<1x256xf32>
    %jit3A_951 = arith.constant 0xFF800000 : f32
    %broadcast_in_dim3A_952 = vector.shape_cast %slice3A_950 : vector<1x256xf32> to vector<1x256xf32>
    %broadcast_in_dim3A_953 = vector.broadcast %broadcast_in_dim3A_952 : vector<1x256xf32> to vector<64x256xf32>
    %broadcast_in_dim3A_954 = vector.broadcast %jit3A_951 : f32 to vector<64x256xf32>
    %select_n3A_955 = arith.select %ge3A_949, %broadcast_in_dim3A_953, %broadcast_in_dim3A_954 : vector<64x256xi1>, vector<64x256xf32>
    %max3A_956 = arith.maximumf %max3A_927, %select_n3A_955 : vector<64x256xf32>
    %get3A_957 = arith.constant 34 : index
    %get3A_958 = arith.constant 0 : index
    %get3A_959 = vector.load %arg3[%get3A_957, %get3A_958] : memref<64x64xf32, #tpu.memory_space<vmem>>, vector<1x64xf32>
    %gt3A_960 = arith.constant 0.000000e+00 : f32
    %gt3A_961 = vector.broadcast %gt3A_960 : f32 to vector<1x64xf32>
    %gt3A_962 = arith.cmpf ogt, %get3A_959, %gt3A_961 : vector<1x64xf32>
    %transpose3A_963 = tpu.transpose %max3A_956, [1, 0] : vector<64x256xf32> -> vector<256x64xf32>
    %jit3A_964 = arith.constant 0.000000e+00 : f32
    %broadcast_in_dim3A_965 = vector.shape_cast %gt3A_962 : vector<1x64xi1> to vector<1x64xi1>
    %broadcast_in_dim3A_966 = vector.broadcast %broadcast_in_dim3A_965 : vector<1x64xi1> to vector<256x64xi1>
    %broadcast_in_dim3A_967 = vector.broadcast %jit3A_964 : f32 to vector<256x64xf32>
    %select_n3A_968 = arith.select %broadcast_in_dim3A_966, %transpose3A_963, %broadcast_in_dim3A_967 : vector<256x64xi1>, vector<256x64xf32>
    %concatenate3A_969 = tpu.concatenate %select_n3A_968, %select_n3A_939 in 1 : vector<256x64xf32>, vector<256x64xf32> -> vector<256x128xf32>
    %swap3A_970 = arith.constant 0 : index
    %swap3A_971 = arith.constant 0 : index
    %swap3A_972 = arith.constant 2176 : index
    %swap3A_973 = vector.load %arg6[%swap3A_970, %swap3A_971, %swap3A_972] : memref<1x256x4096xf32, #tpu.memory_space<vmem>>, vector<1x256x128xf32>
    %swap3A_974 = vector.shape_cast %swap3A_973 : vector<1x256x128xf32> to vector<256x128xf32>
    %swap3A_975 = vector.shape_cast %concatenate3A_969 : vector<256x128xf32> to vector<1x256x128xf32>
    tpu.vector_store %arg6[%swap3A_970, %swap3A_971, %swap3A_972], %swap3A_975 {strides = array<i32>} : memref<1x256x4096xf32, #tpu.memory_space<vmem>>, vector<1x256x128xf32>,
    %slice3A_976 = vector.extract_strided_slice %max3A_956 {offsets = [34, 0], sizes = [30, 256], strides = [1, 1]} : vector<64x256xf32> to vector<30x256xf32>
    %swap3A_977 = arith.constant 0 : index
    %swap3A_978 = arith.constant 1728 : index
    %swap3A_979 = arith.constant 0 : index
    %swap3A_980 = vector.load %arg7[%swap3A_977, %swap3A_978, %swap3A_979] : memref<1x2368x256xf32, #tpu.memory_space<vmem>>, vector<1x30x256xf32>
    %swap3A_981 = vector.shape_cast %swap3A_980 : vector<1x30x256xf32> to vector<30x256xf32>
    %swap3A_982 = vector.shape_cast %slice3A_976 : vector<30x256xf32> to vector<1x30x256xf32>
    tpu.vector_store %arg7[%swap3A_977, %swap3A_978, %swap3A_979], %swap3A_982 {strides = array<i32>} : memref<1x2368x256xf32, #tpu.memory_space<vmem>>, vector<1x30x256xf32>,
    %ge3A_983 = arith.constant 33 : i32
    %ge3A_984 = vector.broadcast %ge3A_983 : i32 to vector<64x256xi32>
    %ge3A_985 = arith.cmpi sge, %iota3A, %ge3A_984 : vector<64x256xi32>
    %slice3A_986 = vector.extract_strided_slice %get3A_7 {offsets = [33, 0], sizes = [1, 256], strides = [1, 1]} : vector<64x256xf32> to vector<1x256xf32>
    %jit3A_987 = arith.constant 0xFF800000 : f32
    %broadcast_in_dim3A_988 = vector.shape_cast %slice3A_986 : vector<1x256xf32> to vector<1x256xf32>
    %broadcast_in_dim3A_989 = vector.broadcast %broadcast_in_dim3A_988 : vector<1x256xf32> to vector<64x256xf32>
    %broadcast_in_dim3A_990 = vector.broadcast %jit3A_987 : f32 to vector<64x256xf32>
    %select_n3A_991 = arith.select %ge3A_985, %broadcast_in_dim3A_989, %broadcast_in_dim3A_990 : vector<64x256xi1>, vector<64x256xf32>
    %max3A_992 = arith.maximumf %max3A_956, %select_n3A_991 : vector<64x256xf32>
    %get3A_993 = arith.constant 33 : index
    %get3A_994 = arith.constant 0 : index
    %get3A_995 = vector.load %arg3[%get3A_993, %get3A_994] : memref<64x64xf32, #tpu.memory_space<vmem>>, vector<1x64xf32>
    %gt3A_996 = arith.constant 0.000000e+00 : f32
    %gt3A_997 = vector.broadcast %gt3A_996 : f32 to vector<1x64xf32>
    %gt3A_998 = arith.cmpf ogt, %get3A_995, %gt3A_997 : vector<1x64xf32>
    %transpose3A_999 = tpu.transpose %max3A_992, [1, 0] : vector<64x256xf32> -> vector<256x64xf32>
    %jit3A_1000 = arith.constant 0.000000e+00 : f32
    %broadcast_in_dim3A_1001 = vector.shape_cast %gt3A_998 : vector<1x64xi1> to vector<1x64xi1>
    %broadcast_in_dim3A_1002 = vector.broadcast %broadcast_in_dim3A_1001 : vector<1x64xi1> to vector<256x64xi1>
    %broadcast_in_dim3A_1003 = vector.broadcast %jit3A_1000 : f32 to vector<256x64xf32>
    %select_n3A_1004 = arith.select %broadcast_in_dim3A_1002, %transpose3A_999, %broadcast_in_dim3A_1003 : vector<256x64xi1>, vector<256x64xf32>
    %slice3A_1005 = vector.extract_strided_slice %max3A_992 {offsets = [33, 0], sizes = [31, 256], strides = [1, 1]} : vector<64x256xf32> to vector<31x256xf32>
    %swap3A_1006 = arith.constant 0 : index
    %swap3A_1007 = arith.constant 1696 : index
    %swap3A_1008 = arith.constant 0 : index
    %swap3A_1009 = vector.load %arg7[%swap3A_1006, %swap3A_1007, %swap3A_1008] : memref<1x2368x256xf32, #tpu.memory_space<vmem>>, vector<1x31x256xf32>
    %swap3A_1010 = vector.shape_cast %swap3A_1009 : vector<1x31x256xf32> to vector<31x256xf32>
    %swap3A_1011 = vector.shape_cast %slice3A_1005 : vector<31x256xf32> to vector<1x31x256xf32>
    tpu.vector_store %arg7[%swap3A_1006, %swap3A_1007, %swap3A_1008], %swap3A_1011 {strides = array<i32>} : memref<1x2368x256xf32, #tpu.memory_space<vmem>>, vector<1x31x256xf32>,
    %ge3A_1012 = arith.constant 32 : i32
    %ge3A_1013 = vector.broadcast %ge3A_1012 : i32 to vector<64x256xi32>
    %ge3A_1014 = arith.cmpi sge, %iota3A, %ge3A_1013 : vector<64x256xi32>
    %slice3A_1015 = vector.extract_strided_slice %get3A_7 {offsets = [32, 0], sizes = [1, 256], strides = [1, 1]} : vector<64x256xf32> to vector<1x256xf32>
    %jit3A_1016 = arith.constant 0xFF800000 : f32
    %broadcast_in_dim3A_1017 = vector.shape_cast %slice3A_1015 : vector<1x256xf32> to vector<1x256xf32>
    %broadcast_in_dim3A_1018 = vector.broadcast %broadcast_in_dim3A_1017 : vector<1x256xf32> to vector<64x256xf32>
    %broadcast_in_dim3A_1019 = vector.broadcast %jit3A_1016 : f32 to vector<64x256xf32>
    %select_n3A_1020 = arith.select %ge3A_1014, %broadcast_in_dim3A_1018, %broadcast_in_dim3A_1019 : vector<64x256xi1>, vector<64x256xf32>
    %max3A_1021 = arith.maximumf %max3A_992, %select_n3A_1020 : vector<64x256xf32>
    %get3A_1022 = arith.constant 32 : index
    %get3A_1023 = arith.constant 0 : index
    %get3A_1024 = vector.load %arg3[%get3A_1022, %get3A_1023] : memref<64x64xf32, #tpu.memory_space<vmem>>, vector<1x64xf32>
    %gt3A_1025 = arith.constant 0.000000e+00 : f32
    %gt3A_1026 = vector.broadcast %gt3A_1025 : f32 to vector<1x64xf32>
    %gt3A_1027 = arith.cmpf ogt, %get3A_1024, %gt3A_1026 : vector<1x64xf32>
    %transpose3A_1028 = tpu.transpose %max3A_1021, [1, 0] : vector<64x256xf32> -> vector<256x64xf32>
    %jit3A_1029 = arith.constant 0.000000e+00 : f32
    %broadcast_in_dim3A_1030 = vector.shape_cast %gt3A_1027 : vector<1x64xi1> to vector<1x64xi1>
    %broadcast_in_dim3A_1031 = vector.broadcast %broadcast_in_dim3A_1030 : vector<1x64xi1> to vector<256x64xi1>
    %broadcast_in_dim3A_1032 = vector.broadcast %jit3A_1029 : f32 to vector<256x64xf32>
    %select_n3A_1033 = arith.select %broadcast_in_dim3A_1031, %transpose3A_1028, %broadcast_in_dim3A_1032 : vector<256x64xi1>, vector<256x64xf32>
    %concatenate3A_1034 = tpu.concatenate %select_n3A_1033, %select_n3A_1004 in 1 : vector<256x64xf32>, vector<256x64xf32> -> vector<256x128xf32>
    %swap3A_1035 = arith.constant 0 : index
    %swap3A_1036 = arith.constant 0 : index
    %swap3A_1037 = arith.constant 2048 : index
    %swap3A_1038 = vector.load %arg6[%swap3A_1035, %swap3A_1036, %swap3A_1037] : memref<1x256x4096xf32, #tpu.memory_space<vmem>>, vector<1x256x128xf32>
    %swap3A_1039 = vector.shape_cast %swap3A_1038 : vector<1x256x128xf32> to vector<256x128xf32>
    %swap3A_1040 = vector.shape_cast %concatenate3A_1034 : vector<256x128xf32> to vector<1x256x128xf32>
    tpu.vector_store %arg6[%swap3A_1035, %swap3A_1036, %swap3A_1037], %swap3A_1040 {strides = array<i32>} : memref<1x256x4096xf32, #tpu.memory_space<vmem>>, vector<1x256x128xf32>,
    %slice3A_1041 = vector.extract_strided_slice %max3A_1021 {offsets = [32, 0], sizes = [32, 256], strides = [1, 1]} : vector<64x256xf32> to vector<32x256xf32>
    %swap3A_1042 = arith.constant 0 : index
    %swap3A_1043 = arith.constant 1664 : index
    %swap3A_1044 = arith.constant 0 : index
    %swap3A_1045 = vector.load %arg7[%swap3A_1042, %swap3A_1043, %swap3A_1044] : memref<1x2368x256xf32, #tpu.memory_space<vmem>>, vector<1x32x256xf32>
    %swap3A_1046 = vector.shape_cast %swap3A_1045 : vector<1x32x256xf32> to vector<32x256xf32>
    %swap3A_1047 = vector.shape_cast %slice3A_1041 : vector<32x256xf32> to vector<1x32x256xf32>
    tpu.vector_store %arg7[%swap3A_1042, %swap3A_1043, %swap3A_1044], %swap3A_1047 {strides = array<i32>} : memref<1x2368x256xf32, #tpu.memory_space<vmem>>, vector<1x32x256xf32>,
    %ge3A_1048 = arith.constant 31 : i32
    %ge3A_1049 = vector.broadcast %ge3A_1048 : i32 to vector<64x256xi32>
    %ge3A_1050 = arith.cmpi sge, %iota3A, %ge3A_1049 : vector<64x256xi32>
    %slice3A_1051 = vector.extract_strided_slice %get3A_7 {offsets = [31, 0], sizes = [1, 256], strides = [1, 1]} : vector<64x256xf32> to vector<1x256xf32>
    %jit3A_1052 = arith.constant 0xFF800000 : f32
    %broadcast_in_dim3A_1053 = vector.shape_cast %slice3A_1051 : vector<1x256xf32> to vector<1x256xf32>
    %broadcast_in_dim3A_1054 = vector.broadcast %broadcast_in_dim3A_1053 : vector<1x256xf32> to vector<64x256xf32>
    %broadcast_in_dim3A_1055 = vector.broadcast %jit3A_1052 : f32 to vector<64x256xf32>
    %select_n3A_1056 = arith.select %ge3A_1050, %broadcast_in_dim3A_1054, %broadcast_in_dim3A_1055 : vector<64x256xi1>, vector<64x256xf32>
    %max3A_1057 = arith.maximumf %max3A_1021, %select_n3A_1056 : vector<64x256xf32>
    %get3A_1058 = arith.constant 31 : index
    %get3A_1059 = arith.constant 0 : index
    %get3A_1060 = vector.load %arg3[%get3A_1058, %get3A_1059] : memref<64x64xf32, #tpu.memory_space<vmem>>, vector<1x64xf32>
    %gt3A_1061 = arith.constant 0.000000e+00 : f32
    %gt3A_1062 = vector.broadcast %gt3A_1061 : f32 to vector<1x64xf32>
    %gt3A_1063 = arith.cmpf ogt, %get3A_1060, %gt3A_1062 : vector<1x64xf32>
    %transpose3A_1064 = tpu.transpose %max3A_1057, [1, 0] : vector<64x256xf32> -> vector<256x64xf32>
    %jit3A_1065 = arith.constant 0.000000e+00 : f32
    %broadcast_in_dim3A_1066 = vector.shape_cast %gt3A_1063 : vector<1x64xi1> to vector<1x64xi1>
    %broadcast_in_dim3A_1067 = vector.broadcast %broadcast_in_dim3A_1066 : vector<1x64xi1> to vector<256x64xi1>
    %broadcast_in_dim3A_1068 = vector.broadcast %jit3A_1065 : f32 to vector<256x64xf32>
    %select_n3A_1069 = arith.select %broadcast_in_dim3A_1067, %transpose3A_1064, %broadcast_in_dim3A_1068 : vector<256x64xi1>, vector<256x64xf32>
    %slice3A_1070 = vector.extract_strided_slice %max3A_1057 {offsets = [31, 0], sizes = [33, 256], strides = [1, 1]} : vector<64x256xf32> to vector<33x256xf32>
    %swap3A_1071 = arith.constant 0 : index
    %swap3A_1072 = arith.constant 1624 : index
    %swap3A_1073 = arith.constant 0 : index
    %swap3A_1074 = vector.load %arg7[%swap3A_1071, %swap3A_1072, %swap3A_1073] : memref<1x2368x256xf32, #tpu.memory_space<vmem>>, vector<1x33x256xf32>
    %swap3A_1075 = vector.shape_cast %swap3A_1074 : vector<1x33x256xf32> to vector<33x256xf32>
    %swap3A_1076 = vector.shape_cast %slice3A_1070 : vector<33x256xf32> to vector<1x33x256xf32>
    tpu.vector_store %arg7[%swap3A_1071, %swap3A_1072, %swap3A_1073], %swap3A_1076 {strides = array<i32>} : memref<1x2368x256xf32, #tpu.memory_space<vmem>>, vector<1x33x256xf32>,
    %ge3A_1077 = arith.constant 30 : i32
    %ge3A_1078 = vector.broadcast %ge3A_1077 : i32 to vector<64x256xi32>
    %ge3A_1079 = arith.cmpi sge, %iota3A, %ge3A_1078 : vector<64x256xi32>
    %slice3A_1080 = vector.extract_strided_slice %get3A_7 {offsets = [30, 0], sizes = [1, 256], strides = [1, 1]} : vector<64x256xf32> to vector<1x256xf32>
    %jit3A_1081 = arith.constant 0xFF800000 : f32
    %broadcast_in_dim3A_1082 = vector.shape_cast %slice3A_1080 : vector<1x256xf32> to vector<1x256xf32>
    %broadcast_in_dim3A_1083 = vector.broadcast %broadcast_in_dim3A_1082 : vector<1x256xf32> to vector<64x256xf32>
    %broadcast_in_dim3A_1084 = vector.broadcast %jit3A_1081 : f32 to vector<64x256xf32>
    %select_n3A_1085 = arith.select %ge3A_1079, %broadcast_in_dim3A_1083, %broadcast_in_dim3A_1084 : vector<64x256xi1>, vector<64x256xf32>
    %max3A_1086 = arith.maximumf %max3A_1057, %select_n3A_1085 : vector<64x256xf32>
    %get3A_1087 = arith.constant 30 : index
    %get3A_1088 = arith.constant 0 : index
    %get3A_1089 = vector.load %arg3[%get3A_1087, %get3A_1088] : memref<64x64xf32, #tpu.memory_space<vmem>>, vector<1x64xf32>
    %gt3A_1090 = arith.constant 0.000000e+00 : f32
    %gt3A_1091 = vector.broadcast %gt3A_1090 : f32 to vector<1x64xf32>
    %gt3A_1092 = arith.cmpf ogt, %get3A_1089, %gt3A_1091 : vector<1x64xf32>
    %transpose3A_1093 = tpu.transpose %max3A_1086, [1, 0] : vector<64x256xf32> -> vector<256x64xf32>
    %jit3A_1094 = arith.constant 0.000000e+00 : f32
    %broadcast_in_dim3A_1095 = vector.shape_cast %gt3A_1092 : vector<1x64xi1> to vector<1x64xi1>
    %broadcast_in_dim3A_1096 = vector.broadcast %broadcast_in_dim3A_1095 : vector<1x64xi1> to vector<256x64xi1>
    %broadcast_in_dim3A_1097 = vector.broadcast %jit3A_1094 : f32 to vector<256x64xf32>
    %select_n3A_1098 = arith.select %broadcast_in_dim3A_1096, %transpose3A_1093, %broadcast_in_dim3A_1097 : vector<256x64xi1>, vector<256x64xf32>
    %concatenate3A_1099 = tpu.concatenate %select_n3A_1098, %select_n3A_1069 in 1 : vector<256x64xf32>, vector<256x64xf32> -> vector<256x128xf32>
    %swap3A_1100 = arith.constant 0 : index
    %swap3A_1101 = arith.constant 0 : index
    %swap3A_1102 = arith.constant 1920 : index
    %swap3A_1103 = vector.load %arg6[%swap3A_1100, %swap3A_1101, %swap3A_1102] : memref<1x256x4096xf32, #tpu.memory_space<vmem>>, vector<1x256x128xf32>
    %swap3A_1104 = vector.shape_cast %swap3A_1103 : vector<1x256x128xf32> to vector<256x128xf32>
    %swap3A_1105 = vector.shape_cast %concatenate3A_1099 : vector<256x128xf32> to vector<1x256x128xf32>
    tpu.vector_store %arg6[%swap3A_1100, %swap3A_1101, %swap3A_1102], %swap3A_1105 {strides = array<i32>} : memref<1x256x4096xf32, #tpu.memory_space<vmem>>, vector<1x256x128xf32>,
    %slice3A_1106 = vector.extract_strided_slice %max3A_1086 {offsets = [30, 0], sizes = [34, 256], strides = [1, 1]} : vector<64x256xf32> to vector<34x256xf32>
    %swap3A_1107 = arith.constant 0 : index
    %swap3A_1108 = arith.constant 1584 : index
    %swap3A_1109 = arith.constant 0 : index
    %swap3A_1110 = vector.load %arg7[%swap3A_1107, %swap3A_1108, %swap3A_1109] : memref<1x2368x256xf32, #tpu.memory_space<vmem>>, vector<1x34x256xf32>
    %swap3A_1111 = vector.shape_cast %swap3A_1110 : vector<1x34x256xf32> to vector<34x256xf32>
    %swap3A_1112 = vector.shape_cast %slice3A_1106 : vector<34x256xf32> to vector<1x34x256xf32>
    tpu.vector_store %arg7[%swap3A_1107, %swap3A_1108, %swap3A_1109], %swap3A_1112 {strides = array<i32>} : memref<1x2368x256xf32, #tpu.memory_space<vmem>>, vector<1x34x256xf32>,
    %ge3A_1113 = arith.constant 29 : i32
    %ge3A_1114 = vector.broadcast %ge3A_1113 : i32 to vector<64x256xi32>
    %ge3A_1115 = arith.cmpi sge, %iota3A, %ge3A_1114 : vector<64x256xi32>
    %slice3A_1116 = vector.extract_strided_slice %get3A_7 {offsets = [29, 0], sizes = [1, 256], strides = [1, 1]} : vector<64x256xf32> to vector<1x256xf32>
    %jit3A_1117 = arith.constant 0xFF800000 : f32
    %broadcast_in_dim3A_1118 = vector.shape_cast %slice3A_1116 : vector<1x256xf32> to vector<1x256xf32>
    %broadcast_in_dim3A_1119 = vector.broadcast %broadcast_in_dim3A_1118 : vector<1x256xf32> to vector<64x256xf32>
    %broadcast_in_dim3A_1120 = vector.broadcast %jit3A_1117 : f32 to vector<64x256xf32>
    %select_n3A_1121 = arith.select %ge3A_1115, %broadcast_in_dim3A_1119, %broadcast_in_dim3A_1120 : vector<64x256xi1>, vector<64x256xf32>
    %max3A_1122 = arith.maximumf %max3A_1086, %select_n3A_1121 : vector<64x256xf32>
    %get3A_1123 = arith.constant 29 : index
    %get3A_1124 = arith.constant 0 : index
    %get3A_1125 = vector.load %arg3[%get3A_1123, %get3A_1124] : memref<64x64xf32, #tpu.memory_space<vmem>>, vector<1x64xf32>
    %gt3A_1126 = arith.constant 0.000000e+00 : f32
    %gt3A_1127 = vector.broadcast %gt3A_1126 : f32 to vector<1x64xf32>
    %gt3A_1128 = arith.cmpf ogt, %get3A_1125, %gt3A_1127 : vector<1x64xf32>
    %transpose3A_1129 = tpu.transpose %max3A_1122, [1, 0] : vector<64x256xf32> -> vector<256x64xf32>
    %jit3A_1130 = arith.constant 0.000000e+00 : f32
    %broadcast_in_dim3A_1131 = vector.shape_cast %gt3A_1128 : vector<1x64xi1> to vector<1x64xi1>
    %broadcast_in_dim3A_1132 = vector.broadcast %broadcast_in_dim3A_1131 : vector<1x64xi1> to vector<256x64xi1>
    %broadcast_in_dim3A_1133 = vector.broadcast %jit3A_1130 : f32 to vector<256x64xf32>
    %select_n3A_1134 = arith.select %broadcast_in_dim3A_1132, %transpose3A_1129, %broadcast_in_dim3A_1133 : vector<256x64xi1>, vector<256x64xf32>
    %slice3A_1135 = vector.extract_strided_slice %max3A_1122 {offsets = [29, 0], sizes = [35, 256], strides = [1, 1]} : vector<64x256xf32> to vector<35x256xf32>
    %swap3A_1136 = arith.constant 0 : index
    %swap3A_1137 = arith.constant 1544 : index
    %swap3A_1138 = arith.constant 0 : index
    %swap3A_1139 = vector.load %arg7[%swap3A_1136, %swap3A_1137, %swap3A_1138] : memref<1x2368x256xf32, #tpu.memory_space<vmem>>, vector<1x35x256xf32>
    %swap3A_1140 = vector.shape_cast %swap3A_1139 : vector<1x35x256xf32> to vector<35x256xf32>
    %swap3A_1141 = vector.shape_cast %slice3A_1135 : vector<35x256xf32> to vector<1x35x256xf32>
    tpu.vector_store %arg7[%swap3A_1136, %swap3A_1137, %swap3A_1138], %swap3A_1141 {strides = array<i32>} : memref<1x2368x256xf32, #tpu.memory_space<vmem>>, vector<1x35x256xf32>,
    %ge3A_1142 = arith.constant 28 : i32
    %ge3A_1143 = vector.broadcast %ge3A_1142 : i32 to vector<64x256xi32>
    %ge3A_1144 = arith.cmpi sge, %iota3A, %ge3A_1143 : vector<64x256xi32>
    %slice3A_1145 = vector.extract_strided_slice %get3A_7 {offsets = [28, 0], sizes = [1, 256], strides = [1, 1]} : vector<64x256xf32> to vector<1x256xf32>
    %jit3A_1146 = arith.constant 0xFF800000 : f32
    %broadcast_in_dim3A_1147 = vector.shape_cast %slice3A_1145 : vector<1x256xf32> to vector<1x256xf32>
    %broadcast_in_dim3A_1148 = vector.broadcast %broadcast_in_dim3A_1147 : vector<1x256xf32> to vector<64x256xf32>
    %broadcast_in_dim3A_1149 = vector.broadcast %jit3A_1146 : f32 to vector<64x256xf32>
    %select_n3A_1150 = arith.select %ge3A_1144, %broadcast_in_dim3A_1148, %broadcast_in_dim3A_1149 : vector<64x256xi1>, vector<64x256xf32>
    %max3A_1151 = arith.maximumf %max3A_1122, %select_n3A_1150 : vector<64x256xf32>
    %get3A_1152 = arith.constant 28 : index
    %get3A_1153 = arith.constant 0 : index
    %get3A_1154 = vector.load %arg3[%get3A_1152, %get3A_1153] : memref<64x64xf32, #tpu.memory_space<vmem>>, vector<1x64xf32>
    %gt3A_1155 = arith.constant 0.000000e+00 : f32
    %gt3A_1156 = vector.broadcast %gt3A_1155 : f32 to vector<1x64xf32>
    %gt3A_1157 = arith.cmpf ogt, %get3A_1154, %gt3A_1156 : vector<1x64xf32>
    %transpose3A_1158 = tpu.transpose %max3A_1151, [1, 0] : vector<64x256xf32> -> vector<256x64xf32>
    %jit3A_1159 = arith.constant 0.000000e+00 : f32
    %broadcast_in_dim3A_1160 = vector.shape_cast %gt3A_1157 : vector<1x64xi1> to vector<1x64xi1>
    %broadcast_in_dim3A_1161 = vector.broadcast %broadcast_in_dim3A_1160 : vector<1x64xi1> to vector<256x64xi1>
    %broadcast_in_dim3A_1162 = vector.broadcast %jit3A_1159 : f32 to vector<256x64xf32>
    %select_n3A_1163 = arith.select %broadcast_in_dim3A_1161, %transpose3A_1158, %broadcast_in_dim3A_1162 : vector<256x64xi1>, vector<256x64xf32>
    %concatenate3A_1164 = tpu.concatenate %select_n3A_1163, %select_n3A_1134 in 1 : vector<256x64xf32>, vector<256x64xf32> -> vector<256x128xf32>
    %swap3A_1165 = arith.constant 0 : index
    %swap3A_1166 = arith.constant 0 : index
    %swap3A_1167 = arith.constant 1792 : index
    %swap3A_1168 = vector.load %arg6[%swap3A_1165, %swap3A_1166, %swap3A_1167] : memref<1x256x4096xf32, #tpu.memory_space<vmem>>, vector<1x256x128xf32>
    %swap3A_1169 = vector.shape_cast %swap3A_1168 : vector<1x256x128xf32> to vector<256x128xf32>
    %swap3A_1170 = vector.shape_cast %concatenate3A_1164 : vector<256x128xf32> to vector<1x256x128xf32>
    tpu.vector_store %arg6[%swap3A_1165, %swap3A_1166, %swap3A_1167], %swap3A_1170 {strides = array<i32>} : memref<1x256x4096xf32, #tpu.memory_space<vmem>>, vector<1x256x128xf32>,
    %slice3A_1171 = vector.extract_strided_slice %max3A_1151 {offsets = [28, 0], sizes = [36, 256], strides = [1, 1]} : vector<64x256xf32> to vector<36x256xf32>
    %swap3A_1172 = arith.constant 0 : index
    %swap3A_1173 = arith.constant 1504 : index
    %swap3A_1174 = arith.constant 0 : index
    %swap3A_1175 = vector.load %arg7[%swap3A_1172, %swap3A_1173, %swap3A_1174] : memref<1x2368x256xf32, #tpu.memory_space<vmem>>, vector<1x36x256xf32>
    %swap3A_1176 = vector.shape_cast %swap3A_1175 : vector<1x36x256xf32> to vector<36x256xf32>
    %swap3A_1177 = vector.shape_cast %slice3A_1171 : vector<36x256xf32> to vector<1x36x256xf32>
    tpu.vector_store %arg7[%swap3A_1172, %swap3A_1173, %swap3A_1174], %swap3A_1177 {strides = array<i32>} : memref<1x2368x256xf32, #tpu.memory_space<vmem>>, vector<1x36x256xf32>,
    %ge3A_1178 = arith.constant 27 : i32
    %ge3A_1179 = vector.broadcast %ge3A_1178 : i32 to vector<64x256xi32>
    %ge3A_1180 = arith.cmpi sge, %iota3A, %ge3A_1179 : vector<64x256xi32>
    %slice3A_1181 = vector.extract_strided_slice %get3A_7 {offsets = [27, 0], sizes = [1, 256], strides = [1, 1]} : vector<64x256xf32> to vector<1x256xf32>
    %jit3A_1182 = arith.constant 0xFF800000 : f32
    %broadcast_in_dim3A_1183 = vector.shape_cast %slice3A_1181 : vector<1x256xf32> to vector<1x256xf32>
    %broadcast_in_dim3A_1184 = vector.broadcast %broadcast_in_dim3A_1183 : vector<1x256xf32> to vector<64x256xf32>
    %broadcast_in_dim3A_1185 = vector.broadcast %jit3A_1182 : f32 to vector<64x256xf32>
    %select_n3A_1186 = arith.select %ge3A_1180, %broadcast_in_dim3A_1184, %broadcast_in_dim3A_1185 : vector<64x256xi1>, vector<64x256xf32>
    %max3A_1187 = arith.maximumf %max3A_1151, %select_n3A_1186 : vector<64x256xf32>
    %get3A_1188 = arith.constant 27 : index
    %get3A_1189 = arith.constant 0 : index
    %get3A_1190 = vector.load %arg3[%get3A_1188, %get3A_1189] : memref<64x64xf32, #tpu.memory_space<vmem>>, vector<1x64xf32>
    %gt3A_1191 = arith.constant 0.000000e+00 : f32
    %gt3A_1192 = vector.broadcast %gt3A_1191 : f32 to vector<1x64xf32>
    %gt3A_1193 = arith.cmpf ogt, %get3A_1190, %gt3A_1192 : vector<1x64xf32>
    %transpose3A_1194 = tpu.transpose %max3A_1187, [1, 0] : vector<64x256xf32> -> vector<256x64xf32>
    %jit3A_1195 = arith.constant 0.000000e+00 : f32
    %broadcast_in_dim3A_1196 = vector.shape_cast %gt3A_1193 : vector<1x64xi1> to vector<1x64xi1>
    %broadcast_in_dim3A_1197 = vector.broadcast %broadcast_in_dim3A_1196 : vector<1x64xi1> to vector<256x64xi1>
    %broadcast_in_dim3A_1198 = vector.broadcast %jit3A_1195 : f32 to vector<256x64xf32>
    %select_n3A_1199 = arith.select %broadcast_in_dim3A_1197, %transpose3A_1194, %broadcast_in_dim3A_1198 : vector<256x64xi1>, vector<256x64xf32>
    %slice3A_1200 = vector.extract_strided_slice %max3A_1187 {offsets = [27, 0], sizes = [37, 256], strides = [1, 1]} : vector<64x256xf32> to vector<37x256xf32>
    %swap3A_1201 = arith.constant 0 : index
    %swap3A_1202 = arith.constant 1464 : index
    %swap3A_1203 = arith.constant 0 : index
    %swap3A_1204 = vector.load %arg7[%swap3A_1201, %swap3A_1202, %swap3A_1203] : memref<1x2368x256xf32, #tpu.memory_space<vmem>>, vector<1x37x256xf32>
    %swap3A_1205 = vector.shape_cast %swap3A_1204 : vector<1x37x256xf32> to vector<37x256xf32>
    %swap3A_1206 = vector.shape_cast %slice3A_1200 : vector<37x256xf32> to vector<1x37x256xf32>
    tpu.vector_store %arg7[%swap3A_1201, %swap3A_1202, %swap3A_1203], %swap3A_1206 {strides = array<i32>} : memref<1x2368x256xf32, #tpu.memory_space<vmem>>, vector<1x37x256xf32>,
    %ge3A_1207 = arith.constant 26 : i32
    %ge3A_1208 = vector.broadcast %ge3A_1207 : i32 to vector<64x256xi32>
    %ge3A_1209 = arith.cmpi sge, %iota3A, %ge3A_1208 : vector<64x256xi32>
    %slice3A_1210 = vector.extract_strided_slice %get3A_7 {offsets = [26, 0], sizes = [1, 256], strides = [1, 1]} : vector<64x256xf32> to vector<1x256xf32>
    %jit3A_1211 = arith.constant 0xFF800000 : f32
    %broadcast_in_dim3A_1212 = vector.shape_cast %slice3A_1210 : vector<1x256xf32> to vector<1x256xf32>
    %broadcast_in_dim3A_1213 = vector.broadcast %broadcast_in_dim3A_1212 : vector<1x256xf32> to vector<64x256xf32>
    %broadcast_in_dim3A_1214 = vector.broadcast %jit3A_1211 : f32 to vector<64x256xf32>
    %select_n3A_1215 = arith.select %ge3A_1209, %broadcast_in_dim3A_1213, %broadcast_in_dim3A_1214 : vector<64x256xi1>, vector<64x256xf32>
    %max3A_1216 = arith.maximumf %max3A_1187, %select_n3A_1215 : vector<64x256xf32>
    %get3A_1217 = arith.constant 26 : index
    %get3A_1218 = arith.constant 0 : index
    %get3A_1219 = vector.load %arg3[%get3A_1217, %get3A_1218] : memref<64x64xf32, #tpu.memory_space<vmem>>, vector<1x64xf32>
    %gt3A_1220 = arith.constant 0.000000e+00 : f32
    %gt3A_1221 = vector.broadcast %gt3A_1220 : f32 to vector<1x64xf32>
    %gt3A_1222 = arith.cmpf ogt, %get3A_1219, %gt3A_1221 : vector<1x64xf32>
    %transpose3A_1223 = tpu.transpose %max3A_1216, [1, 0] : vector<64x256xf32> -> vector<256x64xf32>
    %jit3A_1224 = arith.constant 0.000000e+00 : f32
    %broadcast_in_dim3A_1225 = vector.shape_cast %gt3A_1222 : vector<1x64xi1> to vector<1x64xi1>
    %broadcast_in_dim3A_1226 = vector.broadcast %broadcast_in_dim3A_1225 : vector<1x64xi1> to vector<256x64xi1>
    %broadcast_in_dim3A_1227 = vector.broadcast %jit3A_1224 : f32 to vector<256x64xf32>
    %select_n3A_1228 = arith.select %broadcast_in_dim3A_1226, %transpose3A_1223, %broadcast_in_dim3A_1227 : vector<256x64xi1>, vector<256x64xf32>
    %concatenate3A_1229 = tpu.concatenate %select_n3A_1228, %select_n3A_1199 in 1 : vector<256x64xf32>, vector<256x64xf32> -> vector<256x128xf32>
    %swap3A_1230 = arith.constant 0 : index
    %swap3A_1231 = arith.constant 0 : index
    %swap3A_1232 = arith.constant 1664 : index
    %swap3A_1233 = vector.load %arg6[%swap3A_1230, %swap3A_1231, %swap3A_1232] : memref<1x256x4096xf32, #tpu.memory_space<vmem>>, vector<1x256x128xf32>
    %swap3A_1234 = vector.shape_cast %swap3A_1233 : vector<1x256x128xf32> to vector<256x128xf32>
    %swap3A_1235 = vector.shape_cast %concatenate3A_1229 : vector<256x128xf32> to vector<1x256x128xf32>
    tpu.vector_store %arg6[%swap3A_1230, %swap3A_1231, %swap3A_1232], %swap3A_1235 {strides = array<i32>} : memref<1x256x4096xf32, #tpu.memory_space<vmem>>, vector<1x256x128xf32>,
    %slice3A_1236 = vector.extract_strided_slice %max3A_1216 {offsets = [26, 0], sizes = [38, 256], strides = [1, 1]} : vector<64x256xf32> to vector<38x256xf32>
    %swap3A_1237 = arith.constant 0 : index
    %swap3A_1238 = arith.constant 1424 : index
    %swap3A_1239 = arith.constant 0 : index
    %swap3A_1240 = vector.load %arg7[%swap3A_1237, %swap3A_1238, %swap3A_1239] : memref<1x2368x256xf32, #tpu.memory_space<vmem>>, vector<1x38x256xf32>
    %swap3A_1241 = vector.shape_cast %swap3A_1240 : vector<1x38x256xf32> to vector<38x256xf32>
    %swap3A_1242 = vector.shape_cast %slice3A_1236 : vector<38x256xf32> to vector<1x38x256xf32>
    tpu.vector_store %arg7[%swap3A_1237, %swap3A_1238, %swap3A_1239], %swap3A_1242 {strides = array<i32>} : memref<1x2368x256xf32, #tpu.memory_space<vmem>>, vector<1x38x256xf32>,
    %ge3A_1243 = arith.constant 25 : i32
    %ge3A_1244 = vector.broadcast %ge3A_1243 : i32 to vector<64x256xi32>
    %ge3A_1245 = arith.cmpi sge, %iota3A, %ge3A_1244 : vector<64x256xi32>
    %slice3A_1246 = vector.extract_strided_slice %get3A_7 {offsets = [25, 0], sizes = [1, 256], strides = [1, 1]} : vector<64x256xf32> to vector<1x256xf32>
    %jit3A_1247 = arith.constant 0xFF800000 : f32
    %broadcast_in_dim3A_1248 = vector.shape_cast %slice3A_1246 : vector<1x256xf32> to vector<1x256xf32>
    %broadcast_in_dim3A_1249 = vector.broadcast %broadcast_in_dim3A_1248 : vector<1x256xf32> to vector<64x256xf32>
    %broadcast_in_dim3A_1250 = vector.broadcast %jit3A_1247 : f32 to vector<64x256xf32>
    %select_n3A_1251 = arith.select %ge3A_1245, %broadcast_in_dim3A_1249, %broadcast_in_dim3A_1250 : vector<64x256xi1>, vector<64x256xf32>
    %max3A_1252 = arith.maximumf %max3A_1216, %select_n3A_1251 : vector<64x256xf32>
    %get3A_1253 = arith.constant 25 : index
    %get3A_1254 = arith.constant 0 : index
    %get3A_1255 = vector.load %arg3[%get3A_1253, %get3A_1254] : memref<64x64xf32, #tpu.memory_space<vmem>>, vector<1x64xf32>
    %gt3A_1256 = arith.constant 0.000000e+00 : f32
    %gt3A_1257 = vector.broadcast %gt3A_1256 : f32 to vector<1x64xf32>
    %gt3A_1258 = arith.cmpf ogt, %get3A_1255, %gt3A_1257 : vector<1x64xf32>
    %transpose3A_1259 = tpu.transpose %max3A_1252, [1, 0] : vector<64x256xf32> -> vector<256x64xf32>
    %jit3A_1260 = arith.constant 0.000000e+00 : f32
    %broadcast_in_dim3A_1261 = vector.shape_cast %gt3A_1258 : vector<1x64xi1> to vector<1x64xi1>
    %broadcast_in_dim3A_1262 = vector.broadcast %broadcast_in_dim3A_1261 : vector<1x64xi1> to vector<256x64xi1>
    %broadcast_in_dim3A_1263 = vector.broadcast %jit3A_1260 : f32 to vector<256x64xf32>
    %select_n3A_1264 = arith.select %broadcast_in_dim3A_1262, %transpose3A_1259, %broadcast_in_dim3A_1263 : vector<256x64xi1>, vector<256x64xf32>
    %slice3A_1265 = vector.extract_strided_slice %max3A_1252 {offsets = [25, 0], sizes = [39, 256], strides = [1, 1]} : vector<64x256xf32> to vector<39x256xf32>
    %swap3A_1266 = arith.constant 0 : index
    %swap3A_1267 = arith.constant 1384 : index
    %swap3A_1268 = arith.constant 0 : index
    %swap3A_1269 = vector.load %arg7[%swap3A_1266, %swap3A_1267, %swap3A_1268] : memref<1x2368x256xf32, #tpu.memory_space<vmem>>, vector<1x39x256xf32>
    %swap3A_1270 = vector.shape_cast %swap3A_1269 : vector<1x39x256xf32> to vector<39x256xf32>
    %swap3A_1271 = vector.shape_cast %slice3A_1265 : vector<39x256xf32> to vector<1x39x256xf32>
    tpu.vector_store %arg7[%swap3A_1266, %swap3A_1267, %swap3A_1268], %swap3A_1271 {strides = array<i32>} : memref<1x2368x256xf32, #tpu.memory_space<vmem>>, vector<1x39x256xf32>,
    %ge3A_1272 = arith.constant 24 : i32
    %ge3A_1273 = vector.broadcast %ge3A_1272 : i32 to vector<64x256xi32>
    %ge3A_1274 = arith.cmpi sge, %iota3A, %ge3A_1273 : vector<64x256xi32>
    %slice3A_1275 = vector.extract_strided_slice %get3A_7 {offsets = [24, 0], sizes = [1, 256], strides = [1, 1]} : vector<64x256xf32> to vector<1x256xf32>
    %jit3A_1276 = arith.constant 0xFF800000 : f32
    %broadcast_in_dim3A_1277 = vector.shape_cast %slice3A_1275 : vector<1x256xf32> to vector<1x256xf32>
    %broadcast_in_dim3A_1278 = vector.broadcast %broadcast_in_dim3A_1277 : vector<1x256xf32> to vector<64x256xf32>
    %broadcast_in_dim3A_1279 = vector.broadcast %jit3A_1276 : f32 to vector<64x256xf32>
    %select_n3A_1280 = arith.select %ge3A_1274, %broadcast_in_dim3A_1278, %broadcast_in_dim3A_1279 : vector<64x256xi1>, vector<64x256xf32>
    %max3A_1281 = arith.maximumf %max3A_1252, %select_n3A_1280 : vector<64x256xf32>
    %get3A_1282 = arith.constant 24 : index
    %get3A_1283 = arith.constant 0 : index
    %get3A_1284 = vector.load %arg3[%get3A_1282, %get3A_1283] : memref<64x64xf32, #tpu.memory_space<vmem>>, vector<1x64xf32>
    %gt3A_1285 = arith.constant 0.000000e+00 : f32
    %gt3A_1286 = vector.broadcast %gt3A_1285 : f32 to vector<1x64xf32>
    %gt3A_1287 = arith.cmpf ogt, %get3A_1284, %gt3A_1286 : vector<1x64xf32>
    %transpose3A_1288 = tpu.transpose %max3A_1281, [1, 0] : vector<64x256xf32> -> vector<256x64xf32>
    %jit3A_1289 = arith.constant 0.000000e+00 : f32
    %broadcast_in_dim3A_1290 = vector.shape_cast %gt3A_1287 : vector<1x64xi1> to vector<1x64xi1>
    %broadcast_in_dim3A_1291 = vector.broadcast %broadcast_in_dim3A_1290 : vector<1x64xi1> to vector<256x64xi1>
    %broadcast_in_dim3A_1292 = vector.broadcast %jit3A_1289 : f32 to vector<256x64xf32>
    %select_n3A_1293 = arith.select %broadcast_in_dim3A_1291, %transpose3A_1288, %broadcast_in_dim3A_1292 : vector<256x64xi1>, vector<256x64xf32>
    %concatenate3A_1294 = tpu.concatenate %select_n3A_1293, %select_n3A_1264 in 1 : vector<256x64xf32>, vector<256x64xf32> -> vector<256x128xf32>
    %swap3A_1295 = arith.constant 0 : index
    %swap3A_1296 = arith.constant 0 : index
    %swap3A_1297 = arith.constant 1536 : index
    %swap3A_1298 = vector.load %arg6[%swap3A_1295, %swap3A_1296, %swap3A_1297] : memref<1x256x4096xf32, #tpu.memory_space<vmem>>, vector<1x256x128xf32>
    %swap3A_1299 = vector.shape_cast %swap3A_1298 : vector<1x256x128xf32> to vector<256x128xf32>
    %swap3A_1300 = vector.shape_cast %concatenate3A_1294 : vector<256x128xf32> to vector<1x256x128xf32>
    tpu.vector_store %arg6[%swap3A_1295, %swap3A_1296, %swap3A_1297], %swap3A_1300 {strides = array<i32>} : memref<1x256x4096xf32, #tpu.memory_space<vmem>>, vector<1x256x128xf32>,
    %slice3A_1301 = vector.extract_strided_slice %max3A_1281 {offsets = [24, 0], sizes = [40, 256], strides = [1, 1]} : vector<64x256xf32> to vector<40x256xf32>
    %swap3A_1302 = arith.constant 0 : index
    %swap3A_1303 = arith.constant 1344 : index
    %swap3A_1304 = arith.constant 0 : index
    %swap3A_1305 = vector.load %arg7[%swap3A_1302, %swap3A_1303, %swap3A_1304] : memref<1x2368x256xf32, #tpu.memory_space<vmem>>, vector<1x40x256xf32>
    %swap3A_1306 = vector.shape_cast %swap3A_1305 : vector<1x40x256xf32> to vector<40x256xf32>
    %swap3A_1307 = vector.shape_cast %slice3A_1301 : vector<40x256xf32> to vector<1x40x256xf32>
    tpu.vector_store %arg7[%swap3A_1302, %swap3A_1303, %swap3A_1304], %swap3A_1307 {strides = array<i32>} : memref<1x2368x256xf32, #tpu.memory_space<vmem>>, vector<1x40x256xf32>,
    %ge3A_1308 = arith.constant 23 : i32
    %ge3A_1309 = vector.broadcast %ge3A_1308 : i32 to vector<64x256xi32>
    %ge3A_1310 = arith.cmpi sge, %iota3A, %ge3A_1309 : vector<64x256xi32>
    %slice3A_1311 = vector.extract_strided_slice %get3A_7 {offsets = [23, 0], sizes = [1, 256], strides = [1, 1]} : vector<64x256xf32> to vector<1x256xf32>
    %jit3A_1312 = arith.constant 0xFF800000 : f32
    %broadcast_in_dim3A_1313 = vector.shape_cast %slice3A_1311 : vector<1x256xf32> to vector<1x256xf32>
    %broadcast_in_dim3A_1314 = vector.broadcast %broadcast_in_dim3A_1313 : vector<1x256xf32> to vector<64x256xf32>
    %broadcast_in_dim3A_1315 = vector.broadcast %jit3A_1312 : f32 to vector<64x256xf32>
    %select_n3A_1316 = arith.select %ge3A_1310, %broadcast_in_dim3A_1314, %broadcast_in_dim3A_1315 : vector<64x256xi1>, vector<64x256xf32>
    %max3A_1317 = arith.maximumf %max3A_1281, %select_n3A_1316 : vector<64x256xf32>
    %get3A_1318 = arith.constant 23 : index
    %get3A_1319 = arith.constant 0 : index
    %get3A_1320 = vector.load %arg3[%get3A_1318, %get3A_1319] : memref<64x64xf32, #tpu.memory_space<vmem>>, vector<1x64xf32>
    %gt3A_1321 = arith.constant 0.000000e+00 : f32
    %gt3A_1322 = vector.broadcast %gt3A_1321 : f32 to vector<1x64xf32>
    %gt3A_1323 = arith.cmpf ogt, %get3A_1320, %gt3A_1322 : vector<1x64xf32>
    %transpose3A_1324 = tpu.transpose %max3A_1317, [1, 0] : vector<64x256xf32> -> vector<256x64xf32>
    %jit3A_1325 = arith.constant 0.000000e+00 : f32
    %broadcast_in_dim3A_1326 = vector.shape_cast %gt3A_1323 : vector<1x64xi1> to vector<1x64xi1>
    %broadcast_in_dim3A_1327 = vector.broadcast %broadcast_in_dim3A_1326 : vector<1x64xi1> to vector<256x64xi1>
    %broadcast_in_dim3A_1328 = vector.broadcast %jit3A_1325 : f32 to vector<256x64xf32>
    %select_n3A_1329 = arith.select %broadcast_in_dim3A_1327, %transpose3A_1324, %broadcast_in_dim3A_1328 : vector<256x64xi1>, vector<256x64xf32>
    %slice3A_1330 = vector.extract_strided_slice %max3A_1317 {offsets = [23, 0], sizes = [41, 256], strides = [1, 1]} : vector<64x256xf32> to vector<41x256xf32>
    %swap3A_1331 = arith.constant 0 : index
    %swap3A_1332 = arith.constant 1296 : index
    %swap3A_1333 = arith.constant 0 : index
    %swap3A_1334 = vector.load %arg7[%swap3A_1331, %swap3A_1332, %swap3A_1333] : memref<1x2368x256xf32, #tpu.memory_space<vmem>>, vector<1x41x256xf32>
    %swap3A_1335 = vector.shape_cast %swap3A_1334 : vector<1x41x256xf32> to vector<41x256xf32>
    %swap3A_1336 = vector.shape_cast %slice3A_1330 : vector<41x256xf32> to vector<1x41x256xf32>
    tpu.vector_store %arg7[%swap3A_1331, %swap3A_1332, %swap3A_1333], %swap3A_1336 {strides = array<i32>} : memref<1x2368x256xf32, #tpu.memory_space<vmem>>, vector<1x41x256xf32>,
    %ge3A_1337 = arith.constant 22 : i32
    %ge3A_1338 = vector.broadcast %ge3A_1337 : i32 to vector<64x256xi32>
    %ge3A_1339 = arith.cmpi sge, %iota3A, %ge3A_1338 : vector<64x256xi32>
    %slice3A_1340 = vector.extract_strided_slice %get3A_7 {offsets = [22, 0], sizes = [1, 256], strides = [1, 1]} : vector<64x256xf32> to vector<1x256xf32>
    %jit3A_1341 = arith.constant 0xFF800000 : f32
    %broadcast_in_dim3A_1342 = vector.shape_cast %slice3A_1340 : vector<1x256xf32> to vector<1x256xf32>
    %broadcast_in_dim3A_1343 = vector.broadcast %broadcast_in_dim3A_1342 : vector<1x256xf32> to vector<64x256xf32>
    %broadcast_in_dim3A_1344 = vector.broadcast %jit3A_1341 : f32 to vector<64x256xf32>
    %select_n3A_1345 = arith.select %ge3A_1339, %broadcast_in_dim3A_1343, %broadcast_in_dim3A_1344 : vector<64x256xi1>, vector<64x256xf32>
    %max3A_1346 = arith.maximumf %max3A_1317, %select_n3A_1345 : vector<64x256xf32>
    %get3A_1347 = arith.constant 22 : index
    %get3A_1348 = arith.constant 0 : index
    %get3A_1349 = vector.load %arg3[%get3A_1347, %get3A_1348] : memref<64x64xf32, #tpu.memory_space<vmem>>, vector<1x64xf32>
    %gt3A_1350 = arith.constant 0.000000e+00 : f32
    %gt3A_1351 = vector.broadcast %gt3A_1350 : f32 to vector<1x64xf32>
    %gt3A_1352 = arith.cmpf ogt, %get3A_1349, %gt3A_1351 : vector<1x64xf32>
    %transpose3A_1353 = tpu.transpose %max3A_1346, [1, 0] : vector<64x256xf32> -> vector<256x64xf32>
    %jit3A_1354 = arith.constant 0.000000e+00 : f32
    %broadcast_in_dim3A_1355 = vector.shape_cast %gt3A_1352 : vector<1x64xi1> to vector<1x64xi1>
    %broadcast_in_dim3A_1356 = vector.broadcast %broadcast_in_dim3A_1355 : vector<1x64xi1> to vector<256x64xi1>
    %broadcast_in_dim3A_1357 = vector.broadcast %jit3A_1354 : f32 to vector<256x64xf32>
    %select_n3A_1358 = arith.select %broadcast_in_dim3A_1356, %transpose3A_1353, %broadcast_in_dim3A_1357 : vector<256x64xi1>, vector<256x64xf32>
    %concatenate3A_1359 = tpu.concatenate %select_n3A_1358, %select_n3A_1329 in 1 : vector<256x64xf32>, vector<256x64xf32> -> vector<256x128xf32>
    %swap3A_1360 = arith.constant 0 : index
    %swap3A_1361 = arith.constant 0 : index
    %swap3A_1362 = arith.constant 1408 : index
    %swap3A_1363 = vector.load %arg6[%swap3A_1360, %swap3A_1361, %swap3A_1362] : memref<1x256x4096xf32, #tpu.memory_space<vmem>>, vector<1x256x128xf32>
    %swap3A_1364 = vector.shape_cast %swap3A_1363 : vector<1x256x128xf32> to vector<256x128xf32>
    %swap3A_1365 = vector.shape_cast %concatenate3A_1359 : vector<256x128xf32> to vector<1x256x128xf32>
    tpu.vector_store %arg6[%swap3A_1360, %swap3A_1361, %swap3A_1362], %swap3A_1365 {strides = array<i32>} : memref<1x256x4096xf32, #tpu.memory_space<vmem>>, vector<1x256x128xf32>,
    %slice3A_1366 = vector.extract_strided_slice %max3A_1346 {offsets = [22, 0], sizes = [42, 256], strides = [1, 1]} : vector<64x256xf32> to vector<42x256xf32>
    %swap3A_1367 = arith.constant 0 : index
    %swap3A_1368 = arith.constant 1248 : index
    %swap3A_1369 = arith.constant 0 : index
    %swap3A_1370 = vector.load %arg7[%swap3A_1367, %swap3A_1368, %swap3A_1369] : memref<1x2368x256xf32, #tpu.memory_space<vmem>>, vector<1x42x256xf32>
    %swap3A_1371 = vector.shape_cast %swap3A_1370 : vector<1x42x256xf32> to vector<42x256xf32>
    %swap3A_1372 = vector.shape_cast %slice3A_1366 : vector<42x256xf32> to vector<1x42x256xf32>
    tpu.vector_store %arg7[%swap3A_1367, %swap3A_1368, %swap3A_1369], %swap3A_1372 {strides = array<i32>} : memref<1x2368x256xf32, #tpu.memory_space<vmem>>, vector<1x42x256xf32>,
    %ge3A_1373 = arith.constant 21 : i32
    %ge3A_1374 = vector.broadcast %ge3A_1373 : i32 to vector<64x256xi32>
    %ge3A_1375 = arith.cmpi sge, %iota3A, %ge3A_1374 : vector<64x256xi32>
    %slice3A_1376 = vector.extract_strided_slice %get3A_7 {offsets = [21, 0], sizes = [1, 256], strides = [1, 1]} : vector<64x256xf32> to vector<1x256xf32>
    %jit3A_1377 = arith.constant 0xFF800000 : f32
    %broadcast_in_dim3A_1378 = vector.shape_cast %slice3A_1376 : vector<1x256xf32> to vector<1x256xf32>
    %broadcast_in_dim3A_1379 = vector.broadcast %broadcast_in_dim3A_1378 : vector<1x256xf32> to vector<64x256xf32>
    %broadcast_in_dim3A_1380 = vector.broadcast %jit3A_1377 : f32 to vector<64x256xf32>
    %select_n3A_1381 = arith.select %ge3A_1375, %broadcast_in_dim3A_1379, %broadcast_in_dim3A_1380 : vector<64x256xi1>, vector<64x256xf32>
    %max3A_1382 = arith.maximumf %max3A_1346, %select_n3A_1381 : vector<64x256xf32>
    %get3A_1383 = arith.constant 21 : index
    %get3A_1384 = arith.constant 0 : index
    %get3A_1385 = vector.load %arg3[%get3A_1383, %get3A_1384] : memref<64x64xf32, #tpu.memory_space<vmem>>, vector<1x64xf32>
    %gt3A_1386 = arith.constant 0.000000e+00 : f32
    %gt3A_1387 = vector.broadcast %gt3A_1386 : f32 to vector<1x64xf32>
    %gt3A_1388 = arith.cmpf ogt, %get3A_1385, %gt3A_1387 : vector<1x64xf32>
    %transpose3A_1389 = tpu.transpose %max3A_1382, [1, 0] : vector<64x256xf32> -> vector<256x64xf32>
    %jit3A_1390 = arith.constant 0.000000e+00 : f32
    %broadcast_in_dim3A_1391 = vector.shape_cast %gt3A_1388 : vector<1x64xi1> to vector<1x64xi1>
    %broadcast_in_dim3A_1392 = vector.broadcast %broadcast_in_dim3A_1391 : vector<1x64xi1> to vector<256x64xi1>
    %broadcast_in_dim3A_1393 = vector.broadcast %jit3A_1390 : f32 to vector<256x64xf32>
    %select_n3A_1394 = arith.select %broadcast_in_dim3A_1392, %transpose3A_1389, %broadcast_in_dim3A_1393 : vector<256x64xi1>, vector<256x64xf32>
    %slice3A_1395 = vector.extract_strided_slice %max3A_1382 {offsets = [21, 0], sizes = [43, 256], strides = [1, 1]} : vector<64x256xf32> to vector<43x256xf32>
    %swap3A_1396 = arith.constant 0 : index
    %swap3A_1397 = arith.constant 1200 : index
    %swap3A_1398 = arith.constant 0 : index
    %swap3A_1399 = vector.load %arg7[%swap3A_1396, %swap3A_1397, %swap3A_1398] : memref<1x2368x256xf32, #tpu.memory_space<vmem>>, vector<1x43x256xf32>
    %swap3A_1400 = vector.shape_cast %swap3A_1399 : vector<1x43x256xf32> to vector<43x256xf32>
    %swap3A_1401 = vector.shape_cast %slice3A_1395 : vector<43x256xf32> to vector<1x43x256xf32>
    tpu.vector_store %arg7[%swap3A_1396, %swap3A_1397, %swap3A_1398], %swap3A_1401 {strides = array<i32>} : memref<1x2368x256xf32, #tpu.memory_space<vmem>>, vector<1x43x256xf32>,
    %ge3A_1402 = arith.constant 20 : i32
    %ge3A_1403 = vector.broadcast %ge3A_1402 : i32 to vector<64x256xi32>
    %ge3A_1404 = arith.cmpi sge, %iota3A, %ge3A_1403 : vector<64x256xi32>
    %slice3A_1405 = vector.extract_strided_slice %get3A_7 {offsets = [20, 0], sizes = [1, 256], strides = [1, 1]} : vector<64x256xf32> to vector<1x256xf32>
    %jit3A_1406 = arith.constant 0xFF800000 : f32
    %broadcast_in_dim3A_1407 = vector.shape_cast %slice3A_1405 : vector<1x256xf32> to vector<1x256xf32>
    %broadcast_in_dim3A_1408 = vector.broadcast %broadcast_in_dim3A_1407 : vector<1x256xf32> to vector<64x256xf32>
    %broadcast_in_dim3A_1409 = vector.broadcast %jit3A_1406 : f32 to vector<64x256xf32>
    %select_n3A_1410 = arith.select %ge3A_1404, %broadcast_in_dim3A_1408, %broadcast_in_dim3A_1409 : vector<64x256xi1>, vector<64x256xf32>
    %max3A_1411 = arith.maximumf %max3A_1382, %select_n3A_1410 : vector<64x256xf32>
    %get3A_1412 = arith.constant 20 : index
    %get3A_1413 = arith.constant 0 : index
    %get3A_1414 = vector.load %arg3[%get3A_1412, %get3A_1413] : memref<64x64xf32, #tpu.memory_space<vmem>>, vector<1x64xf32>
    %gt3A_1415 = arith.constant 0.000000e+00 : f32
    %gt3A_1416 = vector.broadcast %gt3A_1415 : f32 to vector<1x64xf32>
    %gt3A_1417 = arith.cmpf ogt, %get3A_1414, %gt3A_1416 : vector<1x64xf32>
    %transpose3A_1418 = tpu.transpose %max3A_1411, [1, 0] : vector<64x256xf32> -> vector<256x64xf32>
    %jit3A_1419 = arith.constant 0.000000e+00 : f32
    %broadcast_in_dim3A_1420 = vector.shape_cast %gt3A_1417 : vector<1x64xi1> to vector<1x64xi1>
    %broadcast_in_dim3A_1421 = vector.broadcast %broadcast_in_dim3A_1420 : vector<1x64xi1> to vector<256x64xi1>
    %broadcast_in_dim3A_1422 = vector.broadcast %jit3A_1419 : f32 to vector<256x64xf32>
    %select_n3A_1423 = arith.select %broadcast_in_dim3A_1421, %transpose3A_1418, %broadcast_in_dim3A_1422 : vector<256x64xi1>, vector<256x64xf32>
    %concatenate3A_1424 = tpu.concatenate %select_n3A_1423, %select_n3A_1394 in 1 : vector<256x64xf32>, vector<256x64xf32> -> vector<256x128xf32>
    %swap3A_1425 = arith.constant 0 : index
    %swap3A_1426 = arith.constant 0 : index
    %swap3A_1427 = arith.constant 1280 : index
    %swap3A_1428 = vector.load %arg6[%swap3A_1425, %swap3A_1426, %swap3A_1427] : memref<1x256x4096xf32, #tpu.memory_space<vmem>>, vector<1x256x128xf32>
    %swap3A_1429 = vector.shape_cast %swap3A_1428 : vector<1x256x128xf32> to vector<256x128xf32>
    %swap3A_1430 = vector.shape_cast %concatenate3A_1424 : vector<256x128xf32> to vector<1x256x128xf32>
    tpu.vector_store %arg6[%swap3A_1425, %swap3A_1426, %swap3A_1427], %swap3A_1430 {strides = array<i32>} : memref<1x256x4096xf32, #tpu.memory_space<vmem>>, vector<1x256x128xf32>,
    %slice3A_1431 = vector.extract_strided_slice %max3A_1411 {offsets = [20, 0], sizes = [44, 256], strides = [1, 1]} : vector<64x256xf32> to vector<44x256xf32>
    %swap3A_1432 = arith.constant 0 : index
    %swap3A_1433 = arith.constant 1152 : index
    %swap3A_1434 = arith.constant 0 : index
    %swap3A_1435 = vector.load %arg7[%swap3A_1432, %swap3A_1433, %swap3A_1434] : memref<1x2368x256xf32, #tpu.memory_space<vmem>>, vector<1x44x256xf32>
    %swap3A_1436 = vector.shape_cast %swap3A_1435 : vector<1x44x256xf32> to vector<44x256xf32>
    %swap3A_1437 = vector.shape_cast %slice3A_1431 : vector<44x256xf32> to vector<1x44x256xf32>
    tpu.vector_store %arg7[%swap3A_1432, %swap3A_1433, %swap3A_1434], %swap3A_1437 {strides = array<i32>} : memref<1x2368x256xf32, #tpu.memory_space<vmem>>, vector<1x44x256xf32>,
    %ge3A_1438 = arith.constant 19 : i32
    %ge3A_1439 = vector.broadcast %ge3A_1438 : i32 to vector<64x256xi32>
    %ge3A_1440 = arith.cmpi sge, %iota3A, %ge3A_1439 : vector<64x256xi32>
    %slice3A_1441 = vector.extract_strided_slice %get3A_7 {offsets = [19, 0], sizes = [1, 256], strides = [1, 1]} : vector<64x256xf32> to vector<1x256xf32>
    %jit3A_1442 = arith.constant 0xFF800000 : f32
    %broadcast_in_dim3A_1443 = vector.shape_cast %slice3A_1441 : vector<1x256xf32> to vector<1x256xf32>
    %broadcast_in_dim3A_1444 = vector.broadcast %broadcast_in_dim3A_1443 : vector<1x256xf32> to vector<64x256xf32>
    %broadcast_in_dim3A_1445 = vector.broadcast %jit3A_1442 : f32 to vector<64x256xf32>
    %select_n3A_1446 = arith.select %ge3A_1440, %broadcast_in_dim3A_1444, %broadcast_in_dim3A_1445 : vector<64x256xi1>, vector<64x256xf32>
    %max3A_1447 = arith.maximumf %max3A_1411, %select_n3A_1446 : vector<64x256xf32>
    %get3A_1448 = arith.constant 19 : index
    %get3A_1449 = arith.constant 0 : index
    %get3A_1450 = vector.load %arg3[%get3A_1448, %get3A_1449] : memref<64x64xf32, #tpu.memory_space<vmem>>, vector<1x64xf32>
    %gt3A_1451 = arith.constant 0.000000e+00 : f32
    %gt3A_1452 = vector.broadcast %gt3A_1451 : f32 to vector<1x64xf32>
    %gt3A_1453 = arith.cmpf ogt, %get3A_1450, %gt3A_1452 : vector<1x64xf32>
    %transpose3A_1454 = tpu.transpose %max3A_1447, [1, 0] : vector<64x256xf32> -> vector<256x64xf32>
    %jit3A_1455 = arith.constant 0.000000e+00 : f32
    %broadcast_in_dim3A_1456 = vector.shape_cast %gt3A_1453 : vector<1x64xi1> to vector<1x64xi1>
    %broadcast_in_dim3A_1457 = vector.broadcast %broadcast_in_dim3A_1456 : vector<1x64xi1> to vector<256x64xi1>
    %broadcast_in_dim3A_1458 = vector.broadcast %jit3A_1455 : f32 to vector<256x64xf32>
    %select_n3A_1459 = arith.select %broadcast_in_dim3A_1457, %transpose3A_1454, %broadcast_in_dim3A_1458 : vector<256x64xi1>, vector<256x64xf32>
    %slice3A_1460 = vector.extract_strided_slice %max3A_1447 {offsets = [19, 0], sizes = [45, 256], strides = [1, 1]} : vector<64x256xf32> to vector<45x256xf32>
    %swap3A_1461 = arith.constant 0 : index
    %swap3A_1462 = arith.constant 1104 : index
    %swap3A_1463 = arith.constant 0 : index
    %swap3A_1464 = vector.load %arg7[%swap3A_1461, %swap3A_1462, %swap3A_1463] : memref<1x2368x256xf32, #tpu.memory_space<vmem>>, vector<1x45x256xf32>
    %swap3A_1465 = vector.shape_cast %swap3A_1464 : vector<1x45x256xf32> to vector<45x256xf32>
    %swap3A_1466 = vector.shape_cast %slice3A_1460 : vector<45x256xf32> to vector<1x45x256xf32>
    tpu.vector_store %arg7[%swap3A_1461, %swap3A_1462, %swap3A_1463], %swap3A_1466 {strides = array<i32>} : memref<1x2368x256xf32, #tpu.memory_space<vmem>>, vector<1x45x256xf32>,
    %ge3A_1467 = arith.constant 18 : i32
    %ge3A_1468 = vector.broadcast %ge3A_1467 : i32 to vector<64x256xi32>
    %ge3A_1469 = arith.cmpi sge, %iota3A, %ge3A_1468 : vector<64x256xi32>
    %slice3A_1470 = vector.extract_strided_slice %get3A_7 {offsets = [18, 0], sizes = [1, 256], strides = [1, 1]} : vector<64x256xf32> to vector<1x256xf32>
    %jit3A_1471 = arith.constant 0xFF800000 : f32
    %broadcast_in_dim3A_1472 = vector.shape_cast %slice3A_1470 : vector<1x256xf32> to vector<1x256xf32>
    %broadcast_in_dim3A_1473 = vector.broadcast %broadcast_in_dim3A_1472 : vector<1x256xf32> to vector<64x256xf32>
    %broadcast_in_dim3A_1474 = vector.broadcast %jit3A_1471 : f32 to vector<64x256xf32>
    %select_n3A_1475 = arith.select %ge3A_1469, %broadcast_in_dim3A_1473, %broadcast_in_dim3A_1474 : vector<64x256xi1>, vector<64x256xf32>
    %max3A_1476 = arith.maximumf %max3A_1447, %select_n3A_1475 : vector<64x256xf32>
    %get3A_1477 = arith.constant 18 : index
    %get3A_1478 = arith.constant 0 : index
    %get3A_1479 = vector.load %arg3[%get3A_1477, %get3A_1478] : memref<64x64xf32, #tpu.memory_space<vmem>>, vector<1x64xf32>
    %gt3A_1480 = arith.constant 0.000000e+00 : f32
    %gt3A_1481 = vector.broadcast %gt3A_1480 : f32 to vector<1x64xf32>
    %gt3A_1482 = arith.cmpf ogt, %get3A_1479, %gt3A_1481 : vector<1x64xf32>
    %transpose3A_1483 = tpu.transpose %max3A_1476, [1, 0] : vector<64x256xf32> -> vector<256x64xf32>
    %jit3A_1484 = arith.constant 0.000000e+00 : f32
    %broadcast_in_dim3A_1485 = vector.shape_cast %gt3A_1482 : vector<1x64xi1> to vector<1x64xi1>
    %broadcast_in_dim3A_1486 = vector.broadcast %broadcast_in_dim3A_1485 : vector<1x64xi1> to vector<256x64xi1>
    %broadcast_in_dim3A_1487 = vector.broadcast %jit3A_1484 : f32 to vector<256x64xf32>
    %select_n3A_1488 = arith.select %broadcast_in_dim3A_1486, %transpose3A_1483, %broadcast_in_dim3A_1487 : vector<256x64xi1>, vector<256x64xf32>
    %concatenate3A_1489 = tpu.concatenate %select_n3A_1488, %select_n3A_1459 in 1 : vector<256x64xf32>, vector<256x64xf32> -> vector<256x128xf32>
    %swap3A_1490 = arith.constant 0 : index
    %swap3A_1491 = arith.constant 0 : index
    %swap3A_1492 = arith.constant 1152 : index
    %swap3A_1493 = vector.load %arg6[%swap3A_1490, %swap3A_1491, %swap3A_1492] : memref<1x256x4096xf32, #tpu.memory_space<vmem>>, vector<1x256x128xf32>
    %swap3A_1494 = vector.shape_cast %swap3A_1493 : vector<1x256x128xf32> to vector<256x128xf32>
    %swap3A_1495 = vector.shape_cast %concatenate3A_1489 : vector<256x128xf32> to vector<1x256x128xf32>
    tpu.vector_store %arg6[%swap3A_1490, %swap3A_1491, %swap3A_1492], %swap3A_1495 {strides = array<i32>} : memref<1x256x4096xf32, #tpu.memory_space<vmem>>, vector<1x256x128xf32>,
    %slice3A_1496 = vector.extract_strided_slice %max3A_1476 {offsets = [18, 0], sizes = [46, 256], strides = [1, 1]} : vector<64x256xf32> to vector<46x256xf32>
    %swap3A_1497 = arith.constant 0 : index
    %swap3A_1498 = arith.constant 1056 : index
    %swap3A_1499 = arith.constant 0 : index
    %swap3A_1500 = vector.load %arg7[%swap3A_1497, %swap3A_1498, %swap3A_1499] : memref<1x2368x256xf32, #tpu.memory_space<vmem>>, vector<1x46x256xf32>
    %swap3A_1501 = vector.shape_cast %swap3A_1500 : vector<1x46x256xf32> to vector<46x256xf32>
    %swap3A_1502 = vector.shape_cast %slice3A_1496 : vector<46x256xf32> to vector<1x46x256xf32>
    tpu.vector_store %arg7[%swap3A_1497, %swap3A_1498, %swap3A_1499], %swap3A_1502 {strides = array<i32>} : memref<1x2368x256xf32, #tpu.memory_space<vmem>>, vector<1x46x256xf32>,
    %ge3A_1503 = arith.constant 17 : i32
    %ge3A_1504 = vector.broadcast %ge3A_1503 : i32 to vector<64x256xi32>
    %ge3A_1505 = arith.cmpi sge, %iota3A, %ge3A_1504 : vector<64x256xi32>
    %slice3A_1506 = vector.extract_strided_slice %get3A_7 {offsets = [17, 0], sizes = [1, 256], strides = [1, 1]} : vector<64x256xf32> to vector<1x256xf32>
    %jit3A_1507 = arith.constant 0xFF800000 : f32
    %broadcast_in_dim3A_1508 = vector.shape_cast %slice3A_1506 : vector<1x256xf32> to vector<1x256xf32>
    %broadcast_in_dim3A_1509 = vector.broadcast %broadcast_in_dim3A_1508 : vector<1x256xf32> to vector<64x256xf32>
    %broadcast_in_dim3A_1510 = vector.broadcast %jit3A_1507 : f32 to vector<64x256xf32>
    %select_n3A_1511 = arith.select %ge3A_1505, %broadcast_in_dim3A_1509, %broadcast_in_dim3A_1510 : vector<64x256xi1>, vector<64x256xf32>
    %max3A_1512 = arith.maximumf %max3A_1476, %select_n3A_1511 : vector<64x256xf32>
    %get3A_1513 = arith.constant 17 : index
    %get3A_1514 = arith.constant 0 : index
    %get3A_1515 = vector.load %arg3[%get3A_1513, %get3A_1514] : memref<64x64xf32, #tpu.memory_space<vmem>>, vector<1x64xf32>
    %gt3A_1516 = arith.constant 0.000000e+00 : f32
    %gt3A_1517 = vector.broadcast %gt3A_1516 : f32 to vector<1x64xf32>
    %gt3A_1518 = arith.cmpf ogt, %get3A_1515, %gt3A_1517 : vector<1x64xf32>
    %transpose3A_1519 = tpu.transpose %max3A_1512, [1, 0] : vector<64x256xf32> -> vector<256x64xf32>
    %jit3A_1520 = arith.constant 0.000000e+00 : f32
    %broadcast_in_dim3A_1521 = vector.shape_cast %gt3A_1518 : vector<1x64xi1> to vector<1x64xi1>
    %broadcast_in_dim3A_1522 = vector.broadcast %broadcast_in_dim3A_1521 : vector<1x64xi1> to vector<256x64xi1>
    %broadcast_in_dim3A_1523 = vector.broadcast %jit3A_1520 : f32 to vector<256x64xf32>
    %select_n3A_1524 = arith.select %broadcast_in_dim3A_1522, %transpose3A_1519, %broadcast_in_dim3A_1523 : vector<256x64xi1>, vector<256x64xf32>
    %slice3A_1525 = vector.extract_strided_slice %max3A_1512 {offsets = [17, 0], sizes = [47, 256], strides = [1, 1]} : vector<64x256xf32> to vector<47x256xf32>
    %swap3A_1526 = arith.constant 0 : index
    %swap3A_1527 = arith.constant 1008 : index
    %swap3A_1528 = arith.constant 0 : index
    %swap3A_1529 = vector.load %arg7[%swap3A_1526, %swap3A_1527, %swap3A_1528] : memref<1x2368x256xf32, #tpu.memory_space<vmem>>, vector<1x47x256xf32>
    %swap3A_1530 = vector.shape_cast %swap3A_1529 : vector<1x47x256xf32> to vector<47x256xf32>
    %swap3A_1531 = vector.shape_cast %slice3A_1525 : vector<47x256xf32> to vector<1x47x256xf32>
    tpu.vector_store %arg7[%swap3A_1526, %swap3A_1527, %swap3A_1528], %swap3A_1531 {strides = array<i32>} : memref<1x2368x256xf32, #tpu.memory_space<vmem>>, vector<1x47x256xf32>,
    %ge3A_1532 = arith.constant 16 : i32
    %ge3A_1533 = vector.broadcast %ge3A_1532 : i32 to vector<64x256xi32>
    %ge3A_1534 = arith.cmpi sge, %iota3A, %ge3A_1533 : vector<64x256xi32>
    %slice3A_1535 = vector.extract_strided_slice %get3A_7 {offsets = [16, 0], sizes = [1, 256], strides = [1, 1]} : vector<64x256xf32> to vector<1x256xf32>
    %jit3A_1536 = arith.constant 0xFF800000 : f32
    %broadcast_in_dim3A_1537 = vector.shape_cast %slice3A_1535 : vector<1x256xf32> to vector<1x256xf32>
    %broadcast_in_dim3A_1538 = vector.broadcast %broadcast_in_dim3A_1537 : vector<1x256xf32> to vector<64x256xf32>
    %broadcast_in_dim3A_1539 = vector.broadcast %jit3A_1536 : f32 to vector<64x256xf32>
    %select_n3A_1540 = arith.select %ge3A_1534, %broadcast_in_dim3A_1538, %broadcast_in_dim3A_1539 : vector<64x256xi1>, vector<64x256xf32>
    %max3A_1541 = arith.maximumf %max3A_1512, %select_n3A_1540 : vector<64x256xf32>
    %get3A_1542 = arith.constant 16 : index
    %get3A_1543 = arith.constant 0 : index
    %get3A_1544 = vector.load %arg3[%get3A_1542, %get3A_1543] : memref<64x64xf32, #tpu.memory_space<vmem>>, vector<1x64xf32>
    %gt3A_1545 = arith.constant 0.000000e+00 : f32
    %gt3A_1546 = vector.broadcast %gt3A_1545 : f32 to vector<1x64xf32>
    %gt3A_1547 = arith.cmpf ogt, %get3A_1544, %gt3A_1546 : vector<1x64xf32>
    %transpose3A_1548 = tpu.transpose %max3A_1541, [1, 0] : vector<64x256xf32> -> vector<256x64xf32>
    %jit3A_1549 = arith.constant 0.000000e+00 : f32
    %broadcast_in_dim3A_1550 = vector.shape_cast %gt3A_1547 : vector<1x64xi1> to vector<1x64xi1>
    %broadcast_in_dim3A_1551 = vector.broadcast %broadcast_in_dim3A_1550 : vector<1x64xi1> to vector<256x64xi1>
    %broadcast_in_dim3A_1552 = vector.broadcast %jit3A_1549 : f32 to vector<256x64xf32>
    %select_n3A_1553 = arith.select %broadcast_in_dim3A_1551, %transpose3A_1548, %broadcast_in_dim3A_1552 : vector<256x64xi1>, vector<256x64xf32>
    %concatenate3A_1554 = tpu.concatenate %select_n3A_1553, %select_n3A_1524 in 1 : vector<256x64xf32>, vector<256x64xf32> -> vector<256x128xf32>
    %swap3A_1555 = arith.constant 0 : index
    %swap3A_1556 = arith.constant 0 : index
    %swap3A_1557 = arith.constant 1024 : index
    %swap3A_1558 = vector.load %arg6[%swap3A_1555, %swap3A_1556, %swap3A_1557] : memref<1x256x4096xf32, #tpu.memory_space<vmem>>, vector<1x256x128xf32>
    %swap3A_1559 = vector.shape_cast %swap3A_1558 : vector<1x256x128xf32> to vector<256x128xf32>
    %swap3A_1560 = vector.shape_cast %concatenate3A_1554 : vector<256x128xf32> to vector<1x256x128xf32>
    tpu.vector_store %arg6[%swap3A_1555, %swap3A_1556, %swap3A_1557], %swap3A_1560 {strides = array<i32>} : memref<1x256x4096xf32, #tpu.memory_space<vmem>>, vector<1x256x128xf32>,
    %slice3A_1561 = vector.extract_strided_slice %max3A_1541 {offsets = [16, 0], sizes = [48, 256], strides = [1, 1]} : vector<64x256xf32> to vector<48x256xf32>
    %swap3A_1562 = arith.constant 0 : index
    %swap3A_1563 = arith.constant 960 : index
    %swap3A_1564 = arith.constant 0 : index
    %swap3A_1565 = vector.load %arg7[%swap3A_1562, %swap3A_1563, %swap3A_1564] : memref<1x2368x256xf32, #tpu.memory_space<vmem>>, vector<1x48x256xf32>
    %swap3A_1566 = vector.shape_cast %swap3A_1565 : vector<1x48x256xf32> to vector<48x256xf32>
    %swap3A_1567 = vector.shape_cast %slice3A_1561 : vector<48x256xf32> to vector<1x48x256xf32>
    tpu.vector_store %arg7[%swap3A_1562, %swap3A_1563, %swap3A_1564], %swap3A_1567 {strides = array<i32>} : memref<1x2368x256xf32, #tpu.memory_space<vmem>>, vector<1x48x256xf32>,
    %ge3A_1568 = arith.constant 15 : i32
    %ge3A_1569 = vector.broadcast %ge3A_1568 : i32 to vector<64x256xi32>
    %ge3A_1570 = arith.cmpi sge, %iota3A, %ge3A_1569 : vector<64x256xi32>
    %slice3A_1571 = vector.extract_strided_slice %get3A_7 {offsets = [15, 0], sizes = [1, 256], strides = [1, 1]} : vector<64x256xf32> to vector<1x256xf32>
    %jit3A_1572 = arith.constant 0xFF800000 : f32
    %broadcast_in_dim3A_1573 = vector.shape_cast %slice3A_1571 : vector<1x256xf32> to vector<1x256xf32>
    %broadcast_in_dim3A_1574 = vector.broadcast %broadcast_in_dim3A_1573 : vector<1x256xf32> to vector<64x256xf32>
    %broadcast_in_dim3A_1575 = vector.broadcast %jit3A_1572 : f32 to vector<64x256xf32>
    %select_n3A_1576 = arith.select %ge3A_1570, %broadcast_in_dim3A_1574, %broadcast_in_dim3A_1575 : vector<64x256xi1>, vector<64x256xf32>
    %max3A_1577 = arith.maximumf %max3A_1541, %select_n3A_1576 : vector<64x256xf32>
    %get3A_1578 = arith.constant 15 : index
    %get3A_1579 = arith.constant 0 : index
    %get3A_1580 = vector.load %arg3[%get3A_1578, %get3A_1579] : memref<64x64xf32, #tpu.memory_space<vmem>>, vector<1x64xf32>
    %gt3A_1581 = arith.constant 0.000000e+00 : f32
    %gt3A_1582 = vector.broadcast %gt3A_1581 : f32 to vector<1x64xf32>
    %gt3A_1583 = arith.cmpf ogt, %get3A_1580, %gt3A_1582 : vector<1x64xf32>
    %transpose3A_1584 = tpu.transpose %max3A_1577, [1, 0] : vector<64x256xf32> -> vector<256x64xf32>
    %jit3A_1585 = arith.constant 0.000000e+00 : f32
    %broadcast_in_dim3A_1586 = vector.shape_cast %gt3A_1583 : vector<1x64xi1> to vector<1x64xi1>
    %broadcast_in_dim3A_1587 = vector.broadcast %broadcast_in_dim3A_1586 : vector<1x64xi1> to vector<256x64xi1>
    %broadcast_in_dim3A_1588 = vector.broadcast %jit3A_1585 : f32 to vector<256x64xf32>
    %select_n3A_1589 = arith.select %broadcast_in_dim3A_1587, %transpose3A_1584, %broadcast_in_dim3A_1588 : vector<256x64xi1>, vector<256x64xf32>
    %slice3A_1590 = vector.extract_strided_slice %max3A_1577 {offsets = [15, 0], sizes = [49, 256], strides = [1, 1]} : vector<64x256xf32> to vector<49x256xf32>
    %swap3A_1591 = arith.constant 0 : index
    %swap3A_1592 = arith.constant 904 : index
    %swap3A_1593 = arith.constant 0 : index
    %swap3A_1594 = vector.load %arg7[%swap3A_1591, %swap3A_1592, %swap3A_1593] : memref<1x2368x256xf32, #tpu.memory_space<vmem>>, vector<1x49x256xf32>
    %swap3A_1595 = vector.shape_cast %swap3A_1594 : vector<1x49x256xf32> to vector<49x256xf32>
    %swap3A_1596 = vector.shape_cast %slice3A_1590 : vector<49x256xf32> to vector<1x49x256xf32>
    tpu.vector_store %arg7[%swap3A_1591, %swap3A_1592, %swap3A_1593], %swap3A_1596 {strides = array<i32>} : memref<1x2368x256xf32, #tpu.memory_space<vmem>>, vector<1x49x256xf32>,
    %ge3A_1597 = arith.constant 14 : i32
    %ge3A_1598 = vector.broadcast %ge3A_1597 : i32 to vector<64x256xi32>
    %ge3A_1599 = arith.cmpi sge, %iota3A, %ge3A_1598 : vector<64x256xi32>
    %slice3A_1600 = vector.extract_strided_slice %get3A_7 {offsets = [14, 0], sizes = [1, 256], strides = [1, 1]} : vector<64x256xf32> to vector<1x256xf32>
    %jit3A_1601 = arith.constant 0xFF800000 : f32
    %broadcast_in_dim3A_1602 = vector.shape_cast %slice3A_1600 : vector<1x256xf32> to vector<1x256xf32>
    %broadcast_in_dim3A_1603 = vector.broadcast %broadcast_in_dim3A_1602 : vector<1x256xf32> to vector<64x256xf32>
    %broadcast_in_dim3A_1604 = vector.broadcast %jit3A_1601 : f32 to vector<64x256xf32>
    %select_n3A_1605 = arith.select %ge3A_1599, %broadcast_in_dim3A_1603, %broadcast_in_dim3A_1604 : vector<64x256xi1>, vector<64x256xf32>
    %max3A_1606 = arith.maximumf %max3A_1577, %select_n3A_1605 : vector<64x256xf32>
    %get3A_1607 = arith.constant 14 : index
    %get3A_1608 = arith.constant 0 : index
    %get3A_1609 = vector.load %arg3[%get3A_1607, %get3A_1608] : memref<64x64xf32, #tpu.memory_space<vmem>>, vector<1x64xf32>
    %gt3A_1610 = arith.constant 0.000000e+00 : f32
    %gt3A_1611 = vector.broadcast %gt3A_1610 : f32 to vector<1x64xf32>
    %gt3A_1612 = arith.cmpf ogt, %get3A_1609, %gt3A_1611 : vector<1x64xf32>
    %transpose3A_1613 = tpu.transpose %max3A_1606, [1, 0] : vector<64x256xf32> -> vector<256x64xf32>
    %jit3A_1614 = arith.constant 0.000000e+00 : f32
    %broadcast_in_dim3A_1615 = vector.shape_cast %gt3A_1612 : vector<1x64xi1> to vector<1x64xi1>
    %broadcast_in_dim3A_1616 = vector.broadcast %broadcast_in_dim3A_1615 : vector<1x64xi1> to vector<256x64xi1>
    %broadcast_in_dim3A_1617 = vector.broadcast %jit3A_1614 : f32 to vector<256x64xf32>
    %select_n3A_1618 = arith.select %broadcast_in_dim3A_1616, %transpose3A_1613, %broadcast_in_dim3A_1617 : vector<256x64xi1>, vector<256x64xf32>
    %concatenate3A_1619 = tpu.concatenate %select_n3A_1618, %select_n3A_1589 in 1 : vector<256x64xf32>, vector<256x64xf32> -> vector<256x128xf32>
    %swap3A_1620 = arith.constant 0 : index
    %swap3A_1621 = arith.constant 0 : index
    %swap3A_1622 = arith.constant 896 : index
    %swap3A_1623 = vector.load %arg6[%swap3A_1620, %swap3A_1621, %swap3A_1622] : memref<1x256x4096xf32, #tpu.memory_space<vmem>>, vector<1x256x128xf32>
    %swap3A_1624 = vector.shape_cast %swap3A_1623 : vector<1x256x128xf32> to vector<256x128xf32>
    %swap3A_1625 = vector.shape_cast %concatenate3A_1619 : vector<256x128xf32> to vector<1x256x128xf32>
    tpu.vector_store %arg6[%swap3A_1620, %swap3A_1621, %swap3A_1622], %swap3A_1625 {strides = array<i32>} : memref<1x256x4096xf32, #tpu.memory_space<vmem>>, vector<1x256x128xf32>,
    %slice3A_1626 = vector.extract_strided_slice %max3A_1606 {offsets = [14, 0], sizes = [50, 256], strides = [1, 1]} : vector<64x256xf32> to vector<50x256xf32>
    %swap3A_1627 = arith.constant 0 : index
    %swap3A_1628 = arith.constant 848 : index
    %swap3A_1629 = arith.constant 0 : index
    %swap3A_1630 = vector.load %arg7[%swap3A_1627, %swap3A_1628, %swap3A_1629] : memref<1x2368x256xf32, #tpu.memory_space<vmem>>, vector<1x50x256xf32>
    %swap3A_1631 = vector.shape_cast %swap3A_1630 : vector<1x50x256xf32> to vector<50x256xf32>
    %swap3A_1632 = vector.shape_cast %slice3A_1626 : vector<50x256xf32> to vector<1x50x256xf32>
    tpu.vector_store %arg7[%swap3A_1627, %swap3A_1628, %swap3A_1629], %swap3A_1632 {strides = array<i32>} : memref<1x2368x256xf32, #tpu.memory_space<vmem>>, vector<1x50x256xf32>,
    %ge3A_1633 = arith.constant 13 : i32
    %ge3A_1634 = vector.broadcast %ge3A_1633 : i32 to vector<64x256xi32>
    %ge3A_1635 = arith.cmpi sge, %iota3A, %ge3A_1634 : vector<64x256xi32>
    %slice3A_1636 = vector.extract_strided_slice %get3A_7 {offsets = [13, 0], sizes = [1, 256], strides = [1, 1]} : vector<64x256xf32> to vector<1x256xf32>
    %jit3A_1637 = arith.constant 0xFF800000 : f32
    %broadcast_in_dim3A_1638 = vector.shape_cast %slice3A_1636 : vector<1x256xf32> to vector<1x256xf32>
    %broadcast_in_dim3A_1639 = vector.broadcast %broadcast_in_dim3A_1638 : vector<1x256xf32> to vector<64x256xf32>
    %broadcast_in_dim3A_1640 = vector.broadcast %jit3A_1637 : f32 to vector<64x256xf32>
    %select_n3A_1641 = arith.select %ge3A_1635, %broadcast_in_dim3A_1639, %broadcast_in_dim3A_1640 : vector<64x256xi1>, vector<64x256xf32>
    %max3A_1642 = arith.maximumf %max3A_1606, %select_n3A_1641 : vector<64x256xf32>
    %get3A_1643 = arith.constant 13 : index
    %get3A_1644 = arith.constant 0 : index
    %get3A_1645 = vector.load %arg3[%get3A_1643, %get3A_1644] : memref<64x64xf32, #tpu.memory_space<vmem>>, vector<1x64xf32>
    %gt3A_1646 = arith.constant 0.000000e+00 : f32
    %gt3A_1647 = vector.broadcast %gt3A_1646 : f32 to vector<1x64xf32>
    %gt3A_1648 = arith.cmpf ogt, %get3A_1645, %gt3A_1647 : vector<1x64xf32>
    %transpose3A_1649 = tpu.transpose %max3A_1642, [1, 0] : vector<64x256xf32> -> vector<256x64xf32>
    %jit3A_1650 = arith.constant 0.000000e+00 : f32
    %broadcast_in_dim3A_1651 = vector.shape_cast %gt3A_1648 : vector<1x64xi1> to vector<1x64xi1>
    %broadcast_in_dim3A_1652 = vector.broadcast %broadcast_in_dim3A_1651 : vector<1x64xi1> to vector<256x64xi1>
    %broadcast_in_dim3A_1653 = vector.broadcast %jit3A_1650 : f32 to vector<256x64xf32>
    %select_n3A_1654 = arith.select %broadcast_in_dim3A_1652, %transpose3A_1649, %broadcast_in_dim3A_1653 : vector<256x64xi1>, vector<256x64xf32>
    %slice3A_1655 = vector.extract_strided_slice %max3A_1642 {offsets = [13, 0], sizes = [51, 256], strides = [1, 1]} : vector<64x256xf32> to vector<51x256xf32>
    %swap3A_1656 = arith.constant 0 : index
    %swap3A_1657 = arith.constant 792 : index
    %swap3A_1658 = arith.constant 0 : index
    %swap3A_1659 = vector.load %arg7[%swap3A_1656, %swap3A_1657, %swap3A_1658] : memref<1x2368x256xf32, #tpu.memory_space<vmem>>, vector<1x51x256xf32>
    %swap3A_1660 = vector.shape_cast %swap3A_1659 : vector<1x51x256xf32> to vector<51x256xf32>
    %swap3A_1661 = vector.shape_cast %slice3A_1655 : vector<51x256xf32> to vector<1x51x256xf32>
    tpu.vector_store %arg7[%swap3A_1656, %swap3A_1657, %swap3A_1658], %swap3A_1661 {strides = array<i32>} : memref<1x2368x256xf32, #tpu.memory_space<vmem>>, vector<1x51x256xf32>,
    %ge3A_1662 = arith.constant 12 : i32
    %ge3A_1663 = vector.broadcast %ge3A_1662 : i32 to vector<64x256xi32>
    %ge3A_1664 = arith.cmpi sge, %iota3A, %ge3A_1663 : vector<64x256xi32>
    %slice3A_1665 = vector.extract_strided_slice %get3A_7 {offsets = [12, 0], sizes = [1, 256], strides = [1, 1]} : vector<64x256xf32> to vector<1x256xf32>
    %jit3A_1666 = arith.constant 0xFF800000 : f32
    %broadcast_in_dim3A_1667 = vector.shape_cast %slice3A_1665 : vector<1x256xf32> to vector<1x256xf32>
    %broadcast_in_dim3A_1668 = vector.broadcast %broadcast_in_dim3A_1667 : vector<1x256xf32> to vector<64x256xf32>
    %broadcast_in_dim3A_1669 = vector.broadcast %jit3A_1666 : f32 to vector<64x256xf32>
    %select_n3A_1670 = arith.select %ge3A_1664, %broadcast_in_dim3A_1668, %broadcast_in_dim3A_1669 : vector<64x256xi1>, vector<64x256xf32>
    %max3A_1671 = arith.maximumf %max3A_1642, %select_n3A_1670 : vector<64x256xf32>
    %get3A_1672 = arith.constant 12 : index
    %get3A_1673 = arith.constant 0 : index
    %get3A_1674 = vector.load %arg3[%get3A_1672, %get3A_1673] : memref<64x64xf32, #tpu.memory_space<vmem>>, vector<1x64xf32>
    %gt3A_1675 = arith.constant 0.000000e+00 : f32
    %gt3A_1676 = vector.broadcast %gt3A_1675 : f32 to vector<1x64xf32>
    %gt3A_1677 = arith.cmpf ogt, %get3A_1674, %gt3A_1676 : vector<1x64xf32>
    %transpose3A_1678 = tpu.transpose %max3A_1671, [1, 0] : vector<64x256xf32> -> vector<256x64xf32>
    %jit3A_1679 = arith.constant 0.000000e+00 : f32
    %broadcast_in_dim3A_1680 = vector.shape_cast %gt3A_1677 : vector<1x64xi1> to vector<1x64xi1>
    %broadcast_in_dim3A_1681 = vector.broadcast %broadcast_in_dim3A_1680 : vector<1x64xi1> to vector<256x64xi1>
    %broadcast_in_dim3A_1682 = vector.broadcast %jit3A_1679 : f32 to vector<256x64xf32>
    %select_n3A_1683 = arith.select %broadcast_in_dim3A_1681, %transpose3A_1678, %broadcast_in_dim3A_1682 : vector<256x64xi1>, vector<256x64xf32>
    %concatenate3A_1684 = tpu.concatenate %select_n3A_1683, %select_n3A_1654 in 1 : vector<256x64xf32>, vector<256x64xf32> -> vector<256x128xf32>
    %swap3A_1685 = arith.constant 0 : index
    %swap3A_1686 = arith.constant 0 : index
    %swap3A_1687 = arith.constant 768 : index
    %swap3A_1688 = vector.load %arg6[%swap3A_1685, %swap3A_1686, %swap3A_1687] : memref<1x256x4096xf32, #tpu.memory_space<vmem>>, vector<1x256x128xf32>
    %swap3A_1689 = vector.shape_cast %swap3A_1688 : vector<1x256x128xf32> to vector<256x128xf32>
    %swap3A_1690 = vector.shape_cast %concatenate3A_1684 : vector<256x128xf32> to vector<1x256x128xf32>
    tpu.vector_store %arg6[%swap3A_1685, %swap3A_1686, %swap3A_1687], %swap3A_1690 {strides = array<i32>} : memref<1x256x4096xf32, #tpu.memory_space<vmem>>, vector<1x256x128xf32>,
    %slice3A_1691 = vector.extract_strided_slice %max3A_1671 {offsets = [12, 0], sizes = [52, 256], strides = [1, 1]} : vector<64x256xf32> to vector<52x256xf32>
    %swap3A_1692 = arith.constant 0 : index
    %swap3A_1693 = arith.constant 736 : index
    %swap3A_1694 = arith.constant 0 : index
    %swap3A_1695 = vector.load %arg7[%swap3A_1692, %swap3A_1693, %swap3A_1694] : memref<1x2368x256xf32, #tpu.memory_space<vmem>>, vector<1x52x256xf32>
    %swap3A_1696 = vector.shape_cast %swap3A_1695 : vector<1x52x256xf32> to vector<52x256xf32>
    %swap3A_1697 = vector.shape_cast %slice3A_1691 : vector<52x256xf32> to vector<1x52x256xf32>
    tpu.vector_store %arg7[%swap3A_1692, %swap3A_1693, %swap3A_1694], %swap3A_1697 {strides = array<i32>} : memref<1x2368x256xf32, #tpu.memory_space<vmem>>, vector<1x52x256xf32>,
    %ge3A_1698 = arith.constant 11 : i32
    %ge3A_1699 = vector.broadcast %ge3A_1698 : i32 to vector<64x256xi32>
    %ge3A_1700 = arith.cmpi sge, %iota3A, %ge3A_1699 : vector<64x256xi32>
    %slice3A_1701 = vector.extract_strided_slice %get3A_7 {offsets = [11, 0], sizes = [1, 256], strides = [1, 1]} : vector<64x256xf32> to vector<1x256xf32>
    %jit3A_1702 = arith.constant 0xFF800000 : f32
    %broadcast_in_dim3A_1703 = vector.shape_cast %slice3A_1701 : vector<1x256xf32> to vector<1x256xf32>
    %broadcast_in_dim3A_1704 = vector.broadcast %broadcast_in_dim3A_1703 : vector<1x256xf32> to vector<64x256xf32>
    %broadcast_in_dim3A_1705 = vector.broadcast %jit3A_1702 : f32 to vector<64x256xf32>
    %select_n3A_1706 = arith.select %ge3A_1700, %broadcast_in_dim3A_1704, %broadcast_in_dim3A_1705 : vector<64x256xi1>, vector<64x256xf32>
    %max3A_1707 = arith.maximumf %max3A_1671, %select_n3A_1706 : vector<64x256xf32>
    %get3A_1708 = arith.constant 11 : index
    %get3A_1709 = arith.constant 0 : index
    %get3A_1710 = vector.load %arg3[%get3A_1708, %get3A_1709] : memref<64x64xf32, #tpu.memory_space<vmem>>, vector<1x64xf32>
    %gt3A_1711 = arith.constant 0.000000e+00 : f32
    %gt3A_1712 = vector.broadcast %gt3A_1711 : f32 to vector<1x64xf32>
    %gt3A_1713 = arith.cmpf ogt, %get3A_1710, %gt3A_1712 : vector<1x64xf32>
    %transpose3A_1714 = tpu.transpose %max3A_1707, [1, 0] : vector<64x256xf32> -> vector<256x64xf32>
    %jit3A_1715 = arith.constant 0.000000e+00 : f32
    %broadcast_in_dim3A_1716 = vector.shape_cast %gt3A_1713 : vector<1x64xi1> to vector<1x64xi1>
    %broadcast_in_dim3A_1717 = vector.broadcast %broadcast_in_dim3A_1716 : vector<1x64xi1> to vector<256x64xi1>
    %broadcast_in_dim3A_1718 = vector.broadcast %jit3A_1715 : f32 to vector<256x64xf32>
    %select_n3A_1719 = arith.select %broadcast_in_dim3A_1717, %transpose3A_1714, %broadcast_in_dim3A_1718 : vector<256x64xi1>, vector<256x64xf32>
    %slice3A_1720 = vector.extract_strided_slice %max3A_1707 {offsets = [11, 0], sizes = [53, 256], strides = [1, 1]} : vector<64x256xf32> to vector<53x256xf32>
    %swap3A_1721 = arith.constant 0 : index
    %swap3A_1722 = arith.constant 680 : index
    %swap3A_1723 = arith.constant 0 : index
    %swap3A_1724 = vector.load %arg7[%swap3A_1721, %swap3A_1722, %swap3A_1723] : memref<1x2368x256xf32, #tpu.memory_space<vmem>>, vector<1x53x256xf32>
    %swap3A_1725 = vector.shape_cast %swap3A_1724 : vector<1x53x256xf32> to vector<53x256xf32>
    %swap3A_1726 = vector.shape_cast %slice3A_1720 : vector<53x256xf32> to vector<1x53x256xf32>
    tpu.vector_store %arg7[%swap3A_1721, %swap3A_1722, %swap3A_1723], %swap3A_1726 {strides = array<i32>} : memref<1x2368x256xf32, #tpu.memory_space<vmem>>, vector<1x53x256xf32>,
    %ge3A_1727 = arith.constant 10 : i32
    %ge3A_1728 = vector.broadcast %ge3A_1727 : i32 to vector<64x256xi32>
    %ge3A_1729 = arith.cmpi sge, %iota3A, %ge3A_1728 : vector<64x256xi32>
    %slice3A_1730 = vector.extract_strided_slice %get3A_7 {offsets = [10, 0], sizes = [1, 256], strides = [1, 1]} : vector<64x256xf32> to vector<1x256xf32>
    %jit3A_1731 = arith.constant 0xFF800000 : f32
    %broadcast_in_dim3A_1732 = vector.shape_cast %slice3A_1730 : vector<1x256xf32> to vector<1x256xf32>
    %broadcast_in_dim3A_1733 = vector.broadcast %broadcast_in_dim3A_1732 : vector<1x256xf32> to vector<64x256xf32>
    %broadcast_in_dim3A_1734 = vector.broadcast %jit3A_1731 : f32 to vector<64x256xf32>
    %select_n3A_1735 = arith.select %ge3A_1729, %broadcast_in_dim3A_1733, %broadcast_in_dim3A_1734 : vector<64x256xi1>, vector<64x256xf32>
    %max3A_1736 = arith.maximumf %max3A_1707, %select_n3A_1735 : vector<64x256xf32>
    %get3A_1737 = arith.constant 10 : index
    %get3A_1738 = arith.constant 0 : index
    %get3A_1739 = vector.load %arg3[%get3A_1737, %get3A_1738] : memref<64x64xf32, #tpu.memory_space<vmem>>, vector<1x64xf32>
    %gt3A_1740 = arith.constant 0.000000e+00 : f32
    %gt3A_1741 = vector.broadcast %gt3A_1740 : f32 to vector<1x64xf32>
    %gt3A_1742 = arith.cmpf ogt, %get3A_1739, %gt3A_1741 : vector<1x64xf32>
    %transpose3A_1743 = tpu.transpose %max3A_1736, [1, 0] : vector<64x256xf32> -> vector<256x64xf32>
    %jit3A_1744 = arith.constant 0.000000e+00 : f32
    %broadcast_in_dim3A_1745 = vector.shape_cast %gt3A_1742 : vector<1x64xi1> to vector<1x64xi1>
    %broadcast_in_dim3A_1746 = vector.broadcast %broadcast_in_dim3A_1745 : vector<1x64xi1> to vector<256x64xi1>
    %broadcast_in_dim3A_1747 = vector.broadcast %jit3A_1744 : f32 to vector<256x64xf32>
    %select_n3A_1748 = arith.select %broadcast_in_dim3A_1746, %transpose3A_1743, %broadcast_in_dim3A_1747 : vector<256x64xi1>, vector<256x64xf32>
    %concatenate3A_1749 = tpu.concatenate %select_n3A_1748, %select_n3A_1719 in 1 : vector<256x64xf32>, vector<256x64xf32> -> vector<256x128xf32>
    %swap3A_1750 = arith.constant 0 : index
    %swap3A_1751 = arith.constant 0 : index
    %swap3A_1752 = arith.constant 640 : index
    %swap3A_1753 = vector.load %arg6[%swap3A_1750, %swap3A_1751, %swap3A_1752] : memref<1x256x4096xf32, #tpu.memory_space<vmem>>, vector<1x256x128xf32>
    %swap3A_1754 = vector.shape_cast %swap3A_1753 : vector<1x256x128xf32> to vector<256x128xf32>
    %swap3A_1755 = vector.shape_cast %concatenate3A_1749 : vector<256x128xf32> to vector<1x256x128xf32>
    tpu.vector_store %arg6[%swap3A_1750, %swap3A_1751, %swap3A_1752], %swap3A_1755 {strides = array<i32>} : memref<1x256x4096xf32, #tpu.memory_space<vmem>>, vector<1x256x128xf32>,
    %slice3A_1756 = vector.extract_strided_slice %max3A_1736 {offsets = [10, 0], sizes = [54, 256], strides = [1, 1]} : vector<64x256xf32> to vector<54x256xf32>
    %swap3A_1757 = arith.constant 0 : index
    %swap3A_1758 = arith.constant 624 : index
    %swap3A_1759 = arith.constant 0 : index
    %swap3A_1760 = vector.load %arg7[%swap3A_1757, %swap3A_1758, %swap3A_1759] : memref<1x2368x256xf32, #tpu.memory_space<vmem>>, vector<1x54x256xf32>
    %swap3A_1761 = vector.shape_cast %swap3A_1760 : vector<1x54x256xf32> to vector<54x256xf32>
    %swap3A_1762 = vector.shape_cast %slice3A_1756 : vector<54x256xf32> to vector<1x54x256xf32>
    tpu.vector_store %arg7[%swap3A_1757, %swap3A_1758, %swap3A_1759], %swap3A_1762 {strides = array<i32>} : memref<1x2368x256xf32, #tpu.memory_space<vmem>>, vector<1x54x256xf32>,
    %ge3A_1763 = arith.constant 9 : i32
    %ge3A_1764 = vector.broadcast %ge3A_1763 : i32 to vector<64x256xi32>
    %ge3A_1765 = arith.cmpi sge, %iota3A, %ge3A_1764 : vector<64x256xi32>
    %slice3A_1766 = vector.extract_strided_slice %get3A_7 {offsets = [9, 0], sizes = [1, 256], strides = [1, 1]} : vector<64x256xf32> to vector<1x256xf32>
    %jit3A_1767 = arith.constant 0xFF800000 : f32
    %broadcast_in_dim3A_1768 = vector.shape_cast %slice3A_1766 : vector<1x256xf32> to vector<1x256xf32>
    %broadcast_in_dim3A_1769 = vector.broadcast %broadcast_in_dim3A_1768 : vector<1x256xf32> to vector<64x256xf32>
    %broadcast_in_dim3A_1770 = vector.broadcast %jit3A_1767 : f32 to vector<64x256xf32>
    %select_n3A_1771 = arith.select %ge3A_1765, %broadcast_in_dim3A_1769, %broadcast_in_dim3A_1770 : vector<64x256xi1>, vector<64x256xf32>
    %max3A_1772 = arith.maximumf %max3A_1736, %select_n3A_1771 : vector<64x256xf32>
    %get3A_1773 = arith.constant 9 : index
    %get3A_1774 = arith.constant 0 : index
    %get3A_1775 = vector.load %arg3[%get3A_1773, %get3A_1774] : memref<64x64xf32, #tpu.memory_space<vmem>>, vector<1x64xf32>
    %gt3A_1776 = arith.constant 0.000000e+00 : f32
    %gt3A_1777 = vector.broadcast %gt3A_1776 : f32 to vector<1x64xf32>
    %gt3A_1778 = arith.cmpf ogt, %get3A_1775, %gt3A_1777 : vector<1x64xf32>
    %transpose3A_1779 = tpu.transpose %max3A_1772, [1, 0] : vector<64x256xf32> -> vector<256x64xf32>
    %jit3A_1780 = arith.constant 0.000000e+00 : f32
    %broadcast_in_dim3A_1781 = vector.shape_cast %gt3A_1778 : vector<1x64xi1> to vector<1x64xi1>
    %broadcast_in_dim3A_1782 = vector.broadcast %broadcast_in_dim3A_1781 : vector<1x64xi1> to vector<256x64xi1>
    %broadcast_in_dim3A_1783 = vector.broadcast %jit3A_1780 : f32 to vector<256x64xf32>
    %select_n3A_1784 = arith.select %broadcast_in_dim3A_1782, %transpose3A_1779, %broadcast_in_dim3A_1783 : vector<256x64xi1>, vector<256x64xf32>
    %slice3A_1785 = vector.extract_strided_slice %max3A_1772 {offsets = [9, 0], sizes = [55, 256], strides = [1, 1]} : vector<64x256xf32> to vector<55x256xf32>
    %swap3A_1786 = arith.constant 0 : index
    %swap3A_1787 = arith.constant 568 : index
    %swap3A_1788 = arith.constant 0 : index
    %swap3A_1789 = vector.load %arg7[%swap3A_1786, %swap3A_1787, %swap3A_1788] : memref<1x2368x256xf32, #tpu.memory_space<vmem>>, vector<1x55x256xf32>
    %swap3A_1790 = vector.shape_cast %swap3A_1789 : vector<1x55x256xf32> to vector<55x256xf32>
    %swap3A_1791 = vector.shape_cast %slice3A_1785 : vector<55x256xf32> to vector<1x55x256xf32>
    tpu.vector_store %arg7[%swap3A_1786, %swap3A_1787, %swap3A_1788], %swap3A_1791 {strides = array<i32>} : memref<1x2368x256xf32, #tpu.memory_space<vmem>>, vector<1x55x256xf32>,
    %ge3A_1792 = arith.constant 8 : i32
    %ge3A_1793 = vector.broadcast %ge3A_1792 : i32 to vector<64x256xi32>
    %ge3A_1794 = arith.cmpi sge, %iota3A, %ge3A_1793 : vector<64x256xi32>
    %slice3A_1795 = vector.extract_strided_slice %get3A_7 {offsets = [8, 0], sizes = [1, 256], strides = [1, 1]} : vector<64x256xf32> to vector<1x256xf32>
    %jit3A_1796 = arith.constant 0xFF800000 : f32
    %broadcast_in_dim3A_1797 = vector.shape_cast %slice3A_1795 : vector<1x256xf32> to vector<1x256xf32>
    %broadcast_in_dim3A_1798 = vector.broadcast %broadcast_in_dim3A_1797 : vector<1x256xf32> to vector<64x256xf32>
    %broadcast_in_dim3A_1799 = vector.broadcast %jit3A_1796 : f32 to vector<64x256xf32>
    %select_n3A_1800 = arith.select %ge3A_1794, %broadcast_in_dim3A_1798, %broadcast_in_dim3A_1799 : vector<64x256xi1>, vector<64x256xf32>
    %max3A_1801 = arith.maximumf %max3A_1772, %select_n3A_1800 : vector<64x256xf32>
    %get3A_1802 = arith.constant 8 : index
    %get3A_1803 = arith.constant 0 : index
    %get3A_1804 = vector.load %arg3[%get3A_1802, %get3A_1803] : memref<64x64xf32, #tpu.memory_space<vmem>>, vector<1x64xf32>
    %gt3A_1805 = arith.constant 0.000000e+00 : f32
    %gt3A_1806 = vector.broadcast %gt3A_1805 : f32 to vector<1x64xf32>
    %gt3A_1807 = arith.cmpf ogt, %get3A_1804, %gt3A_1806 : vector<1x64xf32>
    %transpose3A_1808 = tpu.transpose %max3A_1801, [1, 0] : vector<64x256xf32> -> vector<256x64xf32>
    %jit3A_1809 = arith.constant 0.000000e+00 : f32
    %broadcast_in_dim3A_1810 = vector.shape_cast %gt3A_1807 : vector<1x64xi1> to vector<1x64xi1>
    %broadcast_in_dim3A_1811 = vector.broadcast %broadcast_in_dim3A_1810 : vector<1x64xi1> to vector<256x64xi1>
    %broadcast_in_dim3A_1812 = vector.broadcast %jit3A_1809 : f32 to vector<256x64xf32>
    %select_n3A_1813 = arith.select %broadcast_in_dim3A_1811, %transpose3A_1808, %broadcast_in_dim3A_1812 : vector<256x64xi1>, vector<256x64xf32>
    %concatenate3A_1814 = tpu.concatenate %select_n3A_1813, %select_n3A_1784 in 1 : vector<256x64xf32>, vector<256x64xf32> -> vector<256x128xf32>
    %swap3A_1815 = arith.constant 0 : index
    %swap3A_1816 = arith.constant 0 : index
    %swap3A_1817 = arith.constant 512 : index
    %swap3A_1818 = vector.load %arg6[%swap3A_1815, %swap3A_1816, %swap3A_1817] : memref<1x256x4096xf32, #tpu.memory_space<vmem>>, vector<1x256x128xf32>
    %swap3A_1819 = vector.shape_cast %swap3A_1818 : vector<1x256x128xf32> to vector<256x128xf32>
    %swap3A_1820 = vector.shape_cast %concatenate3A_1814 : vector<256x128xf32> to vector<1x256x128xf32>
    tpu.vector_store %arg6[%swap3A_1815, %swap3A_1816, %swap3A_1817], %swap3A_1820 {strides = array<i32>} : memref<1x256x4096xf32, #tpu.memory_space<vmem>>, vector<1x256x128xf32>,
    %slice3A_1821 = vector.extract_strided_slice %max3A_1801 {offsets = [8, 0], sizes = [56, 256], strides = [1, 1]} : vector<64x256xf32> to vector<56x256xf32>
    %swap3A_1822 = arith.constant 0 : index
    %swap3A_1823 = arith.constant 512 : index
    %swap3A_1824 = arith.constant 0 : index
    %swap3A_1825 = vector.load %arg7[%swap3A_1822, %swap3A_1823, %swap3A_1824] : memref<1x2368x256xf32, #tpu.memory_space<vmem>>, vector<1x56x256xf32>
    %swap3A_1826 = vector.shape_cast %swap3A_1825 : vector<1x56x256xf32> to vector<56x256xf32>
    %swap3A_1827 = vector.shape_cast %slice3A_1821 : vector<56x256xf32> to vector<1x56x256xf32>
    tpu.vector_store %arg7[%swap3A_1822, %swap3A_1823, %swap3A_1824], %swap3A_1827 {strides = array<i32>} : memref<1x2368x256xf32, #tpu.memory_space<vmem>>, vector<1x56x256xf32>,
    %ge3A_1828 = arith.constant 7 : i32
    %ge3A_1829 = vector.broadcast %ge3A_1828 : i32 to vector<64x256xi32>
    %ge3A_1830 = arith.cmpi sge, %iota3A, %ge3A_1829 : vector<64x256xi32>
    %slice3A_1831 = vector.extract_strided_slice %get3A_7 {offsets = [7, 0], sizes = [1, 256], strides = [1, 1]} : vector<64x256xf32> to vector<1x256xf32>
    %jit3A_1832 = arith.constant 0xFF800000 : f32
    %broadcast_in_dim3A_1833 = vector.shape_cast %slice3A_1831 : vector<1x256xf32> to vector<1x256xf32>
    %broadcast_in_dim3A_1834 = vector.broadcast %broadcast_in_dim3A_1833 : vector<1x256xf32> to vector<64x256xf32>
    %broadcast_in_dim3A_1835 = vector.broadcast %jit3A_1832 : f32 to vector<64x256xf32>
    %select_n3A_1836 = arith.select %ge3A_1830, %broadcast_in_dim3A_1834, %broadcast_in_dim3A_1835 : vector<64x256xi1>, vector<64x256xf32>
    %max3A_1837 = arith.maximumf %max3A_1801, %select_n3A_1836 : vector<64x256xf32>
    %get3A_1838 = arith.constant 7 : index
    %get3A_1839 = arith.constant 0 : index
    %get3A_1840 = vector.load %arg3[%get3A_1838, %get3A_1839] : memref<64x64xf32, #tpu.memory_space<vmem>>, vector<1x64xf32>
    %gt3A_1841 = arith.constant 0.000000e+00 : f32
    %gt3A_1842 = vector.broadcast %gt3A_1841 : f32 to vector<1x64xf32>
    %gt3A_1843 = arith.cmpf ogt, %get3A_1840, %gt3A_1842 : vector<1x64xf32>
    %transpose3A_1844 = tpu.transpose %max3A_1837, [1, 0] : vector<64x256xf32> -> vector<256x64xf32>
    %jit3A_1845 = arith.constant 0.000000e+00 : f32
    %broadcast_in_dim3A_1846 = vector.shape_cast %gt3A_1843 : vector<1x64xi1> to vector<1x64xi1>
    %broadcast_in_dim3A_1847 = vector.broadcast %broadcast_in_dim3A_1846 : vector<1x64xi1> to vector<256x64xi1>
    %broadcast_in_dim3A_1848 = vector.broadcast %jit3A_1845 : f32 to vector<256x64xf32>
    %select_n3A_1849 = arith.select %broadcast_in_dim3A_1847, %transpose3A_1844, %broadcast_in_dim3A_1848 : vector<256x64xi1>, vector<256x64xf32>
    %slice3A_1850 = vector.extract_strided_slice %max3A_1837 {offsets = [7, 0], sizes = [57, 256], strides = [1, 1]} : vector<64x256xf32> to vector<57x256xf32>
    %swap3A_1851 = arith.constant 0 : index
    %swap3A_1852 = arith.constant 448 : index
    %swap3A_1853 = arith.constant 0 : index
    %swap3A_1854 = vector.load %arg7[%swap3A_1851, %swap3A_1852, %swap3A_1853] : memref<1x2368x256xf32, #tpu.memory_space<vmem>>, vector<1x57x256xf32>
    %swap3A_1855 = vector.shape_cast %swap3A_1854 : vector<1x57x256xf32> to vector<57x256xf32>
    %swap3A_1856 = vector.shape_cast %slice3A_1850 : vector<57x256xf32> to vector<1x57x256xf32>
    tpu.vector_store %arg7[%swap3A_1851, %swap3A_1852, %swap3A_1853], %swap3A_1856 {strides = array<i32>} : memref<1x2368x256xf32, #tpu.memory_space<vmem>>, vector<1x57x256xf32>,
    %ge3A_1857 = arith.constant 6 : i32
    %ge3A_1858 = vector.broadcast %ge3A_1857 : i32 to vector<64x256xi32>
    %ge3A_1859 = arith.cmpi sge, %iota3A, %ge3A_1858 : vector<64x256xi32>
    %slice3A_1860 = vector.extract_strided_slice %get3A_7 {offsets = [6, 0], sizes = [1, 256], strides = [1, 1]} : vector<64x256xf32> to vector<1x256xf32>
    %jit3A_1861 = arith.constant 0xFF800000 : f32
    %broadcast_in_dim3A_1862 = vector.shape_cast %slice3A_1860 : vector<1x256xf32> to vector<1x256xf32>
    %broadcast_in_dim3A_1863 = vector.broadcast %broadcast_in_dim3A_1862 : vector<1x256xf32> to vector<64x256xf32>
    %broadcast_in_dim3A_1864 = vector.broadcast %jit3A_1861 : f32 to vector<64x256xf32>
    %select_n3A_1865 = arith.select %ge3A_1859, %broadcast_in_dim3A_1863, %broadcast_in_dim3A_1864 : vector<64x256xi1>, vector<64x256xf32>
    %max3A_1866 = arith.maximumf %max3A_1837, %select_n3A_1865 : vector<64x256xf32>
    %get3A_1867 = arith.constant 6 : index
    %get3A_1868 = arith.constant 0 : index
    %get3A_1869 = vector.load %arg3[%get3A_1867, %get3A_1868] : memref<64x64xf32, #tpu.memory_space<vmem>>, vector<1x64xf32>
    %gt3A_1870 = arith.constant 0.000000e+00 : f32
    %gt3A_1871 = vector.broadcast %gt3A_1870 : f32 to vector<1x64xf32>
    %gt3A_1872 = arith.cmpf ogt, %get3A_1869, %gt3A_1871 : vector<1x64xf32>
    %transpose3A_1873 = tpu.transpose %max3A_1866, [1, 0] : vector<64x256xf32> -> vector<256x64xf32>
    %jit3A_1874 = arith.constant 0.000000e+00 : f32
    %broadcast_in_dim3A_1875 = vector.shape_cast %gt3A_1872 : vector<1x64xi1> to vector<1x64xi1>
    %broadcast_in_dim3A_1876 = vector.broadcast %broadcast_in_dim3A_1875 : vector<1x64xi1> to vector<256x64xi1>
    %broadcast_in_dim3A_1877 = vector.broadcast %jit3A_1874 : f32 to vector<256x64xf32>
    %select_n3A_1878 = arith.select %broadcast_in_dim3A_1876, %transpose3A_1873, %broadcast_in_dim3A_1877 : vector<256x64xi1>, vector<256x64xf32>
    %concatenate3A_1879 = tpu.concatenate %select_n3A_1878, %select_n3A_1849 in 1 : vector<256x64xf32>, vector<256x64xf32> -> vector<256x128xf32>
    %swap3A_1880 = arith.constant 0 : index
    %swap3A_1881 = arith.constant 0 : index
    %swap3A_1882 = arith.constant 384 : index
    %swap3A_1883 = vector.load %arg6[%swap3A_1880, %swap3A_1881, %swap3A_1882] : memref<1x256x4096xf32, #tpu.memory_space<vmem>>, vector<1x256x128xf32>
    %swap3A_1884 = vector.shape_cast %swap3A_1883 : vector<1x256x128xf32> to vector<256x128xf32>
    %swap3A_1885 = vector.shape_cast %concatenate3A_1879 : vector<256x128xf32> to vector<1x256x128xf32>
    tpu.vector_store %arg6[%swap3A_1880, %swap3A_1881, %swap3A_1882], %swap3A_1885 {strides = array<i32>} : memref<1x256x4096xf32, #tpu.memory_space<vmem>>, vector<1x256x128xf32>,
    %slice3A_1886 = vector.extract_strided_slice %max3A_1866 {offsets = [6, 0], sizes = [58, 256], strides = [1, 1]} : vector<64x256xf32> to vector<58x256xf32>
    %swap3A_1887 = arith.constant 0 : index
    %swap3A_1888 = arith.constant 384 : index
    %swap3A_1889 = arith.constant 0 : index
    %swap3A_1890 = vector.load %arg7[%swap3A_1887, %swap3A_1888, %swap3A_1889] : memref<1x2368x256xf32, #tpu.memory_space<vmem>>, vector<1x58x256xf32>
    %swap3A_1891 = vector.shape_cast %swap3A_1890 : vector<1x58x256xf32> to vector<58x256xf32>
    %swap3A_1892 = vector.shape_cast %slice3A_1886 : vector<58x256xf32> to vector<1x58x256xf32>
    tpu.vector_store %arg7[%swap3A_1887, %swap3A_1888, %swap3A_1889], %swap3A_1892 {strides = array<i32>} : memref<1x2368x256xf32, #tpu.memory_space<vmem>>, vector<1x58x256xf32>,
    %ge3A_1893 = arith.constant 5 : i32
    %ge3A_1894 = vector.broadcast %ge3A_1893 : i32 to vector<64x256xi32>
    %ge3A_1895 = arith.cmpi sge, %iota3A, %ge3A_1894 : vector<64x256xi32>
    %slice3A_1896 = vector.extract_strided_slice %get3A_7 {offsets = [5, 0], sizes = [1, 256], strides = [1, 1]} : vector<64x256xf32> to vector<1x256xf32>
    %jit3A_1897 = arith.constant 0xFF800000 : f32
    %broadcast_in_dim3A_1898 = vector.shape_cast %slice3A_1896 : vector<1x256xf32> to vector<1x256xf32>
    %broadcast_in_dim3A_1899 = vector.broadcast %broadcast_in_dim3A_1898 : vector<1x256xf32> to vector<64x256xf32>
    %broadcast_in_dim3A_1900 = vector.broadcast %jit3A_1897 : f32 to vector<64x256xf32>
    %select_n3A_1901 = arith.select %ge3A_1895, %broadcast_in_dim3A_1899, %broadcast_in_dim3A_1900 : vector<64x256xi1>, vector<64x256xf32>
    %max3A_1902 = arith.maximumf %max3A_1866, %select_n3A_1901 : vector<64x256xf32>
    %get3A_1903 = arith.constant 5 : index
    %get3A_1904 = arith.constant 0 : index
    %get3A_1905 = vector.load %arg3[%get3A_1903, %get3A_1904] : memref<64x64xf32, #tpu.memory_space<vmem>>, vector<1x64xf32>
    %gt3A_1906 = arith.constant 0.000000e+00 : f32
    %gt3A_1907 = vector.broadcast %gt3A_1906 : f32 to vector<1x64xf32>
    %gt3A_1908 = arith.cmpf ogt, %get3A_1905, %gt3A_1907 : vector<1x64xf32>
    %transpose3A_1909 = tpu.transpose %max3A_1902, [1, 0] : vector<64x256xf32> -> vector<256x64xf32>
    %jit3A_1910 = arith.constant 0.000000e+00 : f32
    %broadcast_in_dim3A_1911 = vector.shape_cast %gt3A_1908 : vector<1x64xi1> to vector<1x64xi1>
    %broadcast_in_dim3A_1912 = vector.broadcast %broadcast_in_dim3A_1911 : vector<1x64xi1> to vector<256x64xi1>
    %broadcast_in_dim3A_1913 = vector.broadcast %jit3A_1910 : f32 to vector<256x64xf32>
    %select_n3A_1914 = arith.select %broadcast_in_dim3A_1912, %transpose3A_1909, %broadcast_in_dim3A_1913 : vector<256x64xi1>, vector<256x64xf32>
    %slice3A_1915 = vector.extract_strided_slice %max3A_1902 {offsets = [5, 0], sizes = [59, 256], strides = [1, 1]} : vector<64x256xf32> to vector<59x256xf32>
    %swap3A_1916 = arith.constant 0 : index
    %swap3A_1917 = arith.constant 320 : index
    %swap3A_1918 = arith.constant 0 : index
    %swap3A_1919 = vector.load %arg7[%swap3A_1916, %swap3A_1917, %swap3A_1918] : memref<1x2368x256xf32, #tpu.memory_space<vmem>>, vector<1x59x256xf32>
    %swap3A_1920 = vector.shape_cast %swap3A_1919 : vector<1x59x256xf32> to vector<59x256xf32>
    %swap3A_1921 = vector.shape_cast %slice3A_1915 : vector<59x256xf32> to vector<1x59x256xf32>
    tpu.vector_store %arg7[%swap3A_1916, %swap3A_1917, %swap3A_1918], %swap3A_1921 {strides = array<i32>} : memref<1x2368x256xf32, #tpu.memory_space<vmem>>, vector<1x59x256xf32>,
    %ge3A_1922 = arith.constant 4 : i32
    %ge3A_1923 = vector.broadcast %ge3A_1922 : i32 to vector<64x256xi32>
    %ge3A_1924 = arith.cmpi sge, %iota3A, %ge3A_1923 : vector<64x256xi32>
    %slice3A_1925 = vector.extract_strided_slice %get3A_7 {offsets = [4, 0], sizes = [1, 256], strides = [1, 1]} : vector<64x256xf32> to vector<1x256xf32>
    %jit3A_1926 = arith.constant 0xFF800000 : f32
    %broadcast_in_dim3A_1927 = vector.shape_cast %slice3A_1925 : vector<1x256xf32> to vector<1x256xf32>
    %broadcast_in_dim3A_1928 = vector.broadcast %broadcast_in_dim3A_1927 : vector<1x256xf32> to vector<64x256xf32>
    %broadcast_in_dim3A_1929 = vector.broadcast %jit3A_1926 : f32 to vector<64x256xf32>
    %select_n3A_1930 = arith.select %ge3A_1924, %broadcast_in_dim3A_1928, %broadcast_in_dim3A_1929 : vector<64x256xi1>, vector<64x256xf32>
    %max3A_1931 = arith.maximumf %max3A_1902, %select_n3A_1930 : vector<64x256xf32>
    %get3A_1932 = arith.constant 4 : index
    %get3A_1933 = arith.constant 0 : index
    %get3A_1934 = vector.load %arg3[%get3A_1932, %get3A_1933] : memref<64x64xf32, #tpu.memory_space<vmem>>, vector<1x64xf32>
    %gt3A_1935 = arith.constant 0.000000e+00 : f32
    %gt3A_1936 = vector.broadcast %gt3A_1935 : f32 to vector<1x64xf32>
    %gt3A_1937 = arith.cmpf ogt, %get3A_1934, %gt3A_1936 : vector<1x64xf32>
    %transpose3A_1938 = tpu.transpose %max3A_1931, [1, 0] : vector<64x256xf32> -> vector<256x64xf32>
    %jit3A_1939 = arith.constant 0.000000e+00 : f32
    %broadcast_in_dim3A_1940 = vector.shape_cast %gt3A_1937 : vector<1x64xi1> to vector<1x64xi1>
    %broadcast_in_dim3A_1941 = vector.broadcast %broadcast_in_dim3A_1940 : vector<1x64xi1> to vector<256x64xi1>
    %broadcast_in_dim3A_1942 = vector.broadcast %jit3A_1939 : f32 to vector<256x64xf32>
    %select_n3A_1943 = arith.select %broadcast_in_dim3A_1941, %transpose3A_1938, %broadcast_in_dim3A_1942 : vector<256x64xi1>, vector<256x64xf32>
    %concatenate3A_1944 = tpu.concatenate %select_n3A_1943, %select_n3A_1914 in 1 : vector<256x64xf32>, vector<256x64xf32> -> vector<256x128xf32>
    %swap3A_1945 = arith.constant 0 : index
    %swap3A_1946 = arith.constant 0 : index
    %swap3A_1947 = arith.constant 256 : index
    %swap3A_1948 = vector.load %arg6[%swap3A_1945, %swap3A_1946, %swap3A_1947] : memref<1x256x4096xf32, #tpu.memory_space<vmem>>, vector<1x256x128xf32>
    %swap3A_1949 = vector.shape_cast %swap3A_1948 : vector<1x256x128xf32> to vector<256x128xf32>
    %swap3A_1950 = vector.shape_cast %concatenate3A_1944 : vector<256x128xf32> to vector<1x256x128xf32>
    tpu.vector_store %arg6[%swap3A_1945, %swap3A_1946, %swap3A_1947], %swap3A_1950 {strides = array<i32>} : memref<1x256x4096xf32, #tpu.memory_space<vmem>>, vector<1x256x128xf32>,
    %slice3A_1951 = vector.extract_strided_slice %max3A_1931 {offsets = [4, 0], sizes = [60, 256], strides = [1, 1]} : vector<64x256xf32> to vector<60x256xf32>
    %swap3A_1952 = arith.constant 0 : index
    %swap3A_1953 = arith.constant 256 : index
    %swap3A_1954 = arith.constant 0 : index
    %swap3A_1955 = vector.load %arg7[%swap3A_1952, %swap3A_1953, %swap3A_1954] : memref<1x2368x256xf32, #tpu.memory_space<vmem>>, vector<1x60x256xf32>
    %swap3A_1956 = vector.shape_cast %swap3A_1955 : vector<1x60x256xf32> to vector<60x256xf32>
    %swap3A_1957 = vector.shape_cast %slice3A_1951 : vector<60x256xf32> to vector<1x60x256xf32>
    tpu.vector_store %arg7[%swap3A_1952, %swap3A_1953, %swap3A_1954], %swap3A_1957 {strides = array<i32>} : memref<1x2368x256xf32, #tpu.memory_space<vmem>>, vector<1x60x256xf32>,
    %ge3A_1958 = arith.constant 3 : i32
    %ge3A_1959 = vector.broadcast %ge3A_1958 : i32 to vector<64x256xi32>
    %ge3A_1960 = arith.cmpi sge, %iota3A, %ge3A_1959 : vector<64x256xi32>
    %slice3A_1961 = vector.extract_strided_slice %get3A_7 {offsets = [3, 0], sizes = [1, 256], strides = [1, 1]} : vector<64x256xf32> to vector<1x256xf32>
    %jit3A_1962 = arith.constant 0xFF800000 : f32
    %broadcast_in_dim3A_1963 = vector.shape_cast %slice3A_1961 : vector<1x256xf32> to vector<1x256xf32>
    %broadcast_in_dim3A_1964 = vector.broadcast %broadcast_in_dim3A_1963 : vector<1x256xf32> to vector<64x256xf32>
    %broadcast_in_dim3A_1965 = vector.broadcast %jit3A_1962 : f32 to vector<64x256xf32>
    %select_n3A_1966 = arith.select %ge3A_1960, %broadcast_in_dim3A_1964, %broadcast_in_dim3A_1965 : vector<64x256xi1>, vector<64x256xf32>
    %max3A_1967 = arith.maximumf %max3A_1931, %select_n3A_1966 : vector<64x256xf32>
    %get3A_1968 = arith.constant 3 : index
    %get3A_1969 = arith.constant 0 : index
    %get3A_1970 = vector.load %arg3[%get3A_1968, %get3A_1969] : memref<64x64xf32, #tpu.memory_space<vmem>>, vector<1x64xf32>
    %gt3A_1971 = arith.constant 0.000000e+00 : f32
    %gt3A_1972 = vector.broadcast %gt3A_1971 : f32 to vector<1x64xf32>
    %gt3A_1973 = arith.cmpf ogt, %get3A_1970, %gt3A_1972 : vector<1x64xf32>
    %transpose3A_1974 = tpu.transpose %max3A_1967, [1, 0] : vector<64x256xf32> -> vector<256x64xf32>
    %jit3A_1975 = arith.constant 0.000000e+00 : f32
    %broadcast_in_dim3A_1976 = vector.shape_cast %gt3A_1973 : vector<1x64xi1> to vector<1x64xi1>
    %broadcast_in_dim3A_1977 = vector.broadcast %broadcast_in_dim3A_1976 : vector<1x64xi1> to vector<256x64xi1>
    %broadcast_in_dim3A_1978 = vector.broadcast %jit3A_1975 : f32 to vector<256x64xf32>
    %select_n3A_1979 = arith.select %broadcast_in_dim3A_1977, %transpose3A_1974, %broadcast_in_dim3A_1978 : vector<256x64xi1>, vector<256x64xf32>
    %slice3A_1980 = vector.extract_strided_slice %max3A_1967 {offsets = [3, 0], sizes = [61, 256], strides = [1, 1]} : vector<64x256xf32> to vector<61x256xf32>
    %swap3A_1981 = arith.constant 0 : index
    %swap3A_1982 = arith.constant 192 : index
    %swap3A_1983 = arith.constant 0 : index
    %swap3A_1984 = vector.load %arg7[%swap3A_1981, %swap3A_1982, %swap3A_1983] : memref<1x2368x256xf32, #tpu.memory_space<vmem>>, vector<1x61x256xf32>
    %swap3A_1985 = vector.shape_cast %swap3A_1984 : vector<1x61x256xf32> to vector<61x256xf32>
    %swap3A_1986 = vector.shape_cast %slice3A_1980 : vector<61x256xf32> to vector<1x61x256xf32>
    tpu.vector_store %arg7[%swap3A_1981, %swap3A_1982, %swap3A_1983], %swap3A_1986 {strides = array<i32>} : memref<1x2368x256xf32, #tpu.memory_space<vmem>>, vector<1x61x256xf32>,
    %ge3A_1987 = arith.constant 2 : i32
    %ge3A_1988 = vector.broadcast %ge3A_1987 : i32 to vector<64x256xi32>
    %ge3A_1989 = arith.cmpi sge, %iota3A, %ge3A_1988 : vector<64x256xi32>
    %slice3A_1990 = vector.extract_strided_slice %get3A_7 {offsets = [2, 0], sizes = [1, 256], strides = [1, 1]} : vector<64x256xf32> to vector<1x256xf32>
    %jit3A_1991 = arith.constant 0xFF800000 : f32
    %broadcast_in_dim3A_1992 = vector.shape_cast %slice3A_1990 : vector<1x256xf32> to vector<1x256xf32>
    %broadcast_in_dim3A_1993 = vector.broadcast %broadcast_in_dim3A_1992 : vector<1x256xf32> to vector<64x256xf32>
    %broadcast_in_dim3A_1994 = vector.broadcast %jit3A_1991 : f32 to vector<64x256xf32>
    %select_n3A_1995 = arith.select %ge3A_1989, %broadcast_in_dim3A_1993, %broadcast_in_dim3A_1994 : vector<64x256xi1>, vector<64x256xf32>
    %max3A_1996 = arith.maximumf %max3A_1967, %select_n3A_1995 : vector<64x256xf32>
    %get3A_1997 = arith.constant 2 : index
    %get3A_1998 = arith.constant 0 : index
    %get3A_1999 = vector.load %arg3[%get3A_1997, %get3A_1998] : memref<64x64xf32, #tpu.memory_space<vmem>>, vector<1x64xf32>
    %gt3A_2000 = arith.constant 0.000000e+00 : f32
    %gt3A_2001 = vector.broadcast %gt3A_2000 : f32 to vector<1x64xf32>
    %gt3A_2002 = arith.cmpf ogt, %get3A_1999, %gt3A_2001 : vector<1x64xf32>
    %transpose3A_2003 = tpu.transpose %max3A_1996, [1, 0] : vector<64x256xf32> -> vector<256x64xf32>
    %jit3A_2004 = arith.constant 0.000000e+00 : f32
    %broadcast_in_dim3A_2005 = vector.shape_cast %gt3A_2002 : vector<1x64xi1> to vector<1x64xi1>
    %broadcast_in_dim3A_2006 = vector.broadcast %broadcast_in_dim3A_2005 : vector<1x64xi1> to vector<256x64xi1>
    %broadcast_in_dim3A_2007 = vector.broadcast %jit3A_2004 : f32 to vector<256x64xf32>
    %select_n3A_2008 = arith.select %broadcast_in_dim3A_2006, %transpose3A_2003, %broadcast_in_dim3A_2007 : vector<256x64xi1>, vector<256x64xf32>
    %concatenate3A_2009 = tpu.concatenate %select_n3A_2008, %select_n3A_1979 in 1 : vector<256x64xf32>, vector<256x64xf32> -> vector<256x128xf32>
    %swap3A_2010 = arith.constant 0 : index
    %swap3A_2011 = arith.constant 0 : index
    %swap3A_2012 = arith.constant 128 : index
    %swap3A_2013 = vector.load %arg6[%swap3A_2010, %swap3A_2011, %swap3A_2012] : memref<1x256x4096xf32, #tpu.memory_space<vmem>>, vector<1x256x128xf32>
    %swap3A_2014 = vector.shape_cast %swap3A_2013 : vector<1x256x128xf32> to vector<256x128xf32>
    %swap3A_2015 = vector.shape_cast %concatenate3A_2009 : vector<256x128xf32> to vector<1x256x128xf32>
    tpu.vector_store %arg6[%swap3A_2010, %swap3A_2011, %swap3A_2012], %swap3A_2015 {strides = array<i32>} : memref<1x256x4096xf32, #tpu.memory_space<vmem>>, vector<1x256x128xf32>,
    %slice3A_2016 = vector.extract_strided_slice %max3A_1996 {offsets = [2, 0], sizes = [62, 256], strides = [1, 1]} : vector<64x256xf32> to vector<62x256xf32>
    %swap3A_2017 = arith.constant 0 : index
    %swap3A_2018 = arith.constant 128 : index
    %swap3A_2019 = arith.constant 0 : index
    %swap3A_2020 = vector.load %arg7[%swap3A_2017, %swap3A_2018, %swap3A_2019] : memref<1x2368x256xf32, #tpu.memory_space<vmem>>, vector<1x62x256xf32>
    %swap3A_2021 = vector.shape_cast %swap3A_2020 : vector<1x62x256xf32> to vector<62x256xf32>
    %swap3A_2022 = vector.shape_cast %slice3A_2016 : vector<62x256xf32> to vector<1x62x256xf32>
    tpu.vector_store %arg7[%swap3A_2017, %swap3A_2018, %swap3A_2019], %swap3A_2022 {strides = array<i32>} : memref<1x2368x256xf32, #tpu.memory_space<vmem>>, vector<1x62x256xf32>,
    %ge3A_2023 = arith.constant 1 : i32
    %ge3A_2024 = vector.broadcast %ge3A_2023 : i32 to vector<64x256xi32>
    %ge3A_2025 = arith.cmpi sge, %iota3A, %ge3A_2024 : vector<64x256xi32>
    %slice3A_2026 = vector.extract_strided_slice %get3A_7 {offsets = [1, 0], sizes = [1, 256], strides = [1, 1]} : vector<64x256xf32> to vector<1x256xf32>
    %jit3A_2027 = arith.constant 0xFF800000 : f32
    %broadcast_in_dim3A_2028 = vector.shape_cast %slice3A_2026 : vector<1x256xf32> to vector<1x256xf32>
    %broadcast_in_dim3A_2029 = vector.broadcast %broadcast_in_dim3A_2028 : vector<1x256xf32> to vector<64x256xf32>
    %broadcast_in_dim3A_2030 = vector.broadcast %jit3A_2027 : f32 to vector<64x256xf32>
    %select_n3A_2031 = arith.select %ge3A_2025, %broadcast_in_dim3A_2029, %broadcast_in_dim3A_2030 : vector<64x256xi1>, vector<64x256xf32>
    %max3A_2032 = arith.maximumf %max3A_1996, %select_n3A_2031 : vector<64x256xf32>
    %get3A_2033 = arith.constant 1 : index
    %get3A_2034 = arith.constant 0 : index
    %get3A_2035 = vector.load %arg3[%get3A_2033, %get3A_2034] : memref<64x64xf32, #tpu.memory_space<vmem>>, vector<1x64xf32>
    %gt3A_2036 = arith.constant 0.000000e+00 : f32
    %gt3A_2037 = vector.broadcast %gt3A_2036 : f32 to vector<1x64xf32>
    %gt3A_2038 = arith.cmpf ogt, %get3A_2035, %gt3A_2037 : vector<1x64xf32>
    %transpose3A_2039 = tpu.transpose %max3A_2032, [1, 0] : vector<64x256xf32> -> vector<256x64xf32>
    %jit3A_2040 = arith.constant 0.000000e+00 : f32
    %broadcast_in_dim3A_2041 = vector.shape_cast %gt3A_2038 : vector<1x64xi1> to vector<1x64xi1>
    %broadcast_in_dim3A_2042 = vector.broadcast %broadcast_in_dim3A_2041 : vector<1x64xi1> to vector<256x64xi1>
    %broadcast_in_dim3A_2043 = vector.broadcast %jit3A_2040 : f32 to vector<256x64xf32>
    %select_n3A_2044 = arith.select %broadcast_in_dim3A_2042, %transpose3A_2039, %broadcast_in_dim3A_2043 : vector<256x64xi1>, vector<256x64xf32>
    %slice3A_2045 = vector.extract_strided_slice %max3A_2032 {offsets = [1, 0], sizes = [63, 256], strides = [1, 1]} : vector<64x256xf32> to vector<63x256xf32>
    %swap3A_2046 = arith.constant 0 : index
    %swap3A_2047 = arith.constant 64 : index
    %swap3A_2048 = arith.constant 0 : index
    %swap3A_2049 = vector.load %arg7[%swap3A_2046, %swap3A_2047, %swap3A_2048] : memref<1x2368x256xf32, #tpu.memory_space<vmem>>, vector<1x63x256xf32>
    %swap3A_2050 = vector.shape_cast %swap3A_2049 : vector<1x63x256xf32> to vector<63x256xf32>
    %swap3A_2051 = vector.shape_cast %slice3A_2045 : vector<63x256xf32> to vector<1x63x256xf32>
    tpu.vector_store %arg7[%swap3A_2046, %swap3A_2047, %swap3A_2048], %swap3A_2051 {strides = array<i32>} : memref<1x2368x256xf32, #tpu.memory_space<vmem>>, vector<1x63x256xf32>,
    %ge3A_2052 = arith.constant 0 : i32
    %ge3A_2053 = vector.broadcast %ge3A_2052 : i32 to vector<64x256xi32>
    %ge3A_2054 = arith.cmpi sge, %iota3A, %ge3A_2053 : vector<64x256xi32>
    %slice3A_2055 = vector.extract_strided_slice %get3A_7 {offsets = [0, 0], sizes = [1, 256], strides = [1, 1]} : vector<64x256xf32> to vector<1x256xf32>
    %jit3A_2056 = arith.constant 0xFF800000 : f32
    %broadcast_in_dim3A_2057 = vector.shape_cast %slice3A_2055 : vector<1x256xf32> to vector<1x256xf32>
    %broadcast_in_dim3A_2058 = vector.broadcast %broadcast_in_dim3A_2057 : vector<1x256xf32> to vector<64x256xf32>
    %broadcast_in_dim3A_2059 = vector.broadcast %jit3A_2056 : f32 to vector<64x256xf32>
    %select_n3A_2060 = arith.select %ge3A_2054, %broadcast_in_dim3A_2058, %broadcast_in_dim3A_2059 : vector<64x256xi1>, vector<64x256xf32>
    %max3A_2061 = arith.maximumf %max3A_2032, %select_n3A_2060 : vector<64x256xf32>
    %get3A_2062 = arith.constant 0 : index
    %get3A_2063 = arith.constant 0 : index
    %get3A_2064 = vector.load %arg3[%get3A_2062, %get3A_2063] : memref<64x64xf32, #tpu.memory_space<vmem>>, vector<1x64xf32>
    %gt3A_2065 = arith.constant 0.000000e+00 : f32
    %gt3A_2066 = vector.broadcast %gt3A_2065 : f32 to vector<1x64xf32>
    %gt3A_2067 = arith.cmpf ogt, %get3A_2064, %gt3A_2066 : vector<1x64xf32>
    %transpose3A_2068 = tpu.transpose %max3A_2061, [1, 0] : vector<64x256xf32> -> vector<256x64xf32>
    %jit3A_2069 = arith.constant 0.000000e+00 : f32
    %broadcast_in_dim3A_2070 = vector.shape_cast %gt3A_2067 : vector<1x64xi1> to vector<1x64xi1>
    %broadcast_in_dim3A_2071 = vector.broadcast %broadcast_in_dim3A_2070 : vector<1x64xi1> to vector<256x64xi1>
    %broadcast_in_dim3A_2072 = vector.broadcast %jit3A_2069 : f32 to vector<256x64xf32>
    %select_n3A_2073 = arith.select %broadcast_in_dim3A_2071, %transpose3A_2068, %broadcast_in_dim3A_2072 : vector<256x64xi1>, vector<256x64xf32>
    %concatenate3A_2074 = tpu.concatenate %select_n3A_2073, %select_n3A_2044 in 1 : vector<256x64xf32>, vector<256x64xf32> -> vector<256x128xf32>
    %swap3A_2075 = arith.constant 0 : index
    %swap3A_2076 = arith.constant 0 : index
    %swap3A_2077 = arith.constant 0 : index
    %swap3A_2078 = vector.load %arg6[%swap3A_2075, %swap3A_2076, %swap3A_2077] : memref<1x256x4096xf32, #tpu.memory_space<vmem>>, vector<1x256x128xf32>
    %swap3A_2079 = vector.shape_cast %swap3A_2078 : vector<1x256x128xf32> to vector<256x128xf32>
    %swap3A_2080 = vector.shape_cast %concatenate3A_2074 : vector<256x128xf32> to vector<1x256x128xf32>
    tpu.vector_store %arg6[%swap3A_2075, %swap3A_2076, %swap3A_2077], %swap3A_2080 {strides = array<i32>} : memref<1x256x4096xf32, #tpu.memory_space<vmem>>, vector<1x256x128xf32>,
    %swap3A_2081 = arith.constant 0 : index
    %swap3A_2082 = arith.constant 0 : index
    %swap3A_2083 = arith.constant 0 : index
    %swap3A_2084 = vector.load %arg7[%swap3A_2081, %swap3A_2082, %swap3A_2083] : memref<1x2368x256xf32, #tpu.memory_space<vmem>>, vector<1x64x256xf32>
    %swap3A_2085 = vector.shape_cast %swap3A_2084 : vector<1x64x256xf32> to vector<64x256xf32>
    %swap3A_2086 = vector.shape_cast %max3A_2061 : vector<64x256xf32> to vector<1x64x256xf32>
    tpu.vector_store %arg7[%swap3A_2081, %swap3A_2082, %swap3A_2083], %swap3A_2086 {strides = array<i32>} : memref<1x2368x256xf32, #tpu.memory_space<vmem>>, vector<1x64x256xf32>,
    return
  }
  func.func @transform_0(%arg0: i32, %arg1: i32) -> (i32, i32, i32) {
    %c0_i32 = arith.constant 0 : i32
    %c0_i32_0 = arith.constant 0 : i32
    return %arg0, %c0_i32, %arg1 : i32, i32, i32
  }
  func.func @transform_1(%arg0: i32, %arg1: i32) -> (i32, i32) {
    %c0_i32 = arith.constant 0 : i32
    %c0_i32_0 = arith.constant 0 : i32
    %c0_i32_1 = arith.constant 0 : i32
    return %c0_i32, %c0_i32_0 : i32, i32
  }
  func.func @transform_2(%arg0: i32, %arg1: i32) -> (i32, i32) {
    %c0_i32 = arith.constant 0 : i32
    %c0_i32_0 = arith.constant 0 : i32
    %c0_i32_1 = arith.constant 0 : i32
    return %c0_i32, %c0_i32_0 : i32, i32
  }
  func.func @transform_3(%arg0: i32, %arg1: i32) -> i32 {
    %c0_i32 = arith.constant 0 : i32
    %c0_i32_0 = arith.constant 0 : i32
    return %c0_i32 : i32
  }
  func.func @transform_4(%arg0: i32, %arg1: i32) -> (i32, i32, i32) {
    %c0_i32 = arith.constant 0 : i32
    %c0_i32_0 = arith.constant 0 : i32
    return %arg0, %arg1, %c0_i32 : i32, i32, i32
  }
  func.func @transform_5(%arg0: i32, %arg1: i32) -> (i32, i32, i32) {
    %c0_i32 = arith.constant 0 : i32
    %c0_i32_0 = arith.constant 0 : i32
    return %arg0, %c0_i32, %arg1 : i32, i32, i32
  }
  func.func @transform_6(%arg0: i32, %arg1: i32) -> (i32, i32) {
    %c0_i32 = arith.constant 0 : i32
    %c0_i32_0 = arith.constant 0 : i32
    %c0_i32_1 = arith.constant 0 : i32
    return %c0_i32, %c0_i32_0 : i32, i32
  }
}

</mosaic_0001>

<sc_bundles>
// kernel: kernel.4.cloned.1.call-start
scs
__scs_entry_jumppad:
0x0: {  	(pc) =	sbr.rel $0x88, $3  }
0x1: {  	(tag) =	ssettag $0x0;
	lr =	simm.s32 $0x1  }
0x2: {  	[smem:$0x3F9F] =	sst lr;
	_ =	strace $0xD0000000  }
0x3: {  	_ = 	snop  }
0x4: {  	_ = 	snop  }
0x5: {  	_ = 	snop  }
0x6: {  	_ = 	snop  }
0x7: {  	_ = 	snop  }
__scs_overlays_trampoline_lowered:
0x8: {  	[smem:$0x3FAE] =	sst s0  }
0x9: {  	[smem:$0x3FAF] =	sst s1  }
0xa: {  	[smem:$0x3FB0] =	sst s2  }
0xb: {  	[smem:$0x3FB1] =	sst s3  }
0xc: {  	[smem:$0x3FB2] =	sst s4  }
0xd: {  	[smem:$0x3FB3] =	sst s5  }
0xe: {  	[smem:$0x3FB4] =	sst s6  }
0xf: {  	[smem:$0x3FB5] =	sst s7  }
0x10: {  	[smem:$0x3FB6] =	sst s8  }
0x11: {  	[smem:$0x3FB7] =	sst s9;
	s0 =	simm.s32 @!p0 $0x0  }
0x12: {  	s1 =	sld [smem:$0x3F9D];
	s0 =	simm.s32 @p0 $0x1  }
0x13: {  	[smem:$0x3FB8] =	sst s0;
	s0 =	simm.s32 @!p1 $0x0  }
0x14: {  	s2 =	sld [smem:$0x3F9C];
	s0 =	simm.s32 @p1 $0x1  }
0x15: {  	[smem:$0x3FB9] =	sst s0;
	s0 =	simm.s32 @!p2 $0x0  }
0x16: {  	s3 =	sld [smem:$0x3FDB];
	s0 =	simm.s32 @p2 $0x1  }
0x17: {  	s4 =	simm.s32 $0x1BF5;
	[smem:$0x3FBB] =	sst s0  }
0x18: {  	s0 =	sld [smem:$0x3F9E];
	_ =	swait.ge [sflag:s4], $0x0  }
0x19: {  	s7 =	sld [smem:$0x3F9F]  }
0x1a: {  	s8 =	sadd.s32 $0xFFFFE003, lr  }
0x1b: {  	s9 =	sadd.s32 $0xFFFFFEF7, lr;
	s5 =	simm.s32 $0xFFFFFFFF;
	p2 =	slt.u32 s8, $0xFFFFF086  }
0x1c: {  	p1 =	slt.u32 s9, $0xF7A;
	s5 =	simm.s32 @!p2 $0x0  }
0x1d: {  	s5 =	simm.s32 @p1 $0x1;
	p0 =	seq.s32 s7, s2  }
0x1e: {  	s7 =	smul.u32 @!p0 $0xF7A, s2;
	p2 =	seq.s32 @!p0 s5, $0x0  }
0x1f: {  	s9 =	smul.u32 $0xF7A, s1;
	s8 =	simm.s32 @!p0 $0x1BF5;
	p2 =	por !p2, p0  }
0x20: {  	[sflag:s8] =	ssyncset.s32 @!p0 $0xFFFFF086;
	s6 =	sadd.s32 @!p0 s3, s7;
	s7 =	simm.s32 @!p0 $0x108  }
0x21: {  	s3 =	sadd.s32 s3, s9;
	s6 =	sadd.s32 @!p0 $0x88, s6;
	s7 =	simm.s32 @p2 $0x1082  }
0x22: {  	[simem:s7], [sflag:s8] =	dma.local @!p0 [hbm:s6], $0xF7A  }
0x23: {  	s9 =	sor.u32 $0xD0000000, s2;
	s6 =	simm.s32 $0x108;
	_ =	swait.ge @!p0 [sflag:s8], $0x0  }
0x24: {  	s3 =	sadd.s32 $0x88, s3;
	s6 =	simm.s32 @!p1 $0x1082;
	[sflag:s4] =	ssyncset.s32 $0xFFFFF086  }
0x25: {  	[simem:s6], [sflag:s4] =	dma.local [hbm:s3], $0xF7A  }
0x26: {  	[smem:$0x3F9F] =	sst s1;
	(tag) =	ssettag s2;
	_ =	strace s9  }
0x27: {  	s1 =	sld [smem:$0x3FAF]  }
0x28: {  	s2 =	sld [smem:$0x3FB0]  }
0x29: {  	s4 =	sld [smem:$0x3FB2]  }
0x2a: {  	p0 =	seq.s32 s5, $0x0;
	s5 =	sld [smem:$0x3FB3]  }
0x2b: {  	s6 =	sld [smem:$0x3FB4]  }
0x2c: {  	s7 =	sld [smem:$0x3FB5]  }
0x2d: {  	s3 =	simm.s32 $0x108;
	s8 =	sld [smem:$0x3FB6]  }
0x2e: {  	s3 =	simm.s32 @!p0 $0x1082;
	s9 =	sld [smem:$0x3FB7]  }
0x2f: {  	lr =	sadd.s32 s0, s3;
	s0 =	sld [smem:$0x3FAE]  }
0x30: {  	s3 =	sld [smem:$0x3FB1]  }
0x31: {  	[smem:$0x3FBA] =	sst s10  }
0x32: {  	s10 =	sld [smem:$0x3FB8];
	_ =	sdelay $0x3  }
0x33: {  	p0 =	seq.s32 s10, $0x1;
	s10 =	sld [smem:$0x3FBA];
	_ =	sdelay $0x3  }
0x34: {  	[smem:$0x3FBA] =	sst s10  }
0x35: {  	s10 =	sld [smem:$0x3FB9];
	_ =	sdelay $0x3  }
0x36: {  	p1 =	seq.s32 s10, $0x1;
	s10 =	sld [smem:$0x3FBA];
	_ =	sdelay $0x3  }
0x37: {  	[smem:$0x3FBA] =	sst s10  }
0x38: {  	s10 =	sld [smem:$0x3FBB]  }
0x39: {  	_ = 	snop;
	(pc) =	sbr.ind lr, $3  }
0x3a: {  	_ = 	snop  }
0x3b: {  	_ = 	snop  }
0x3c: {  	p2 =	seq.s32 s10, $0x1;
	s10 =	sld [smem:$0x3FBA]  }
0x3d: {  	_ =	shalt  }
0x3e: {  	_ =	shalt  }
0x3f: {  	_ =	shalt  }
0x40: {  	_ =	shalt  }
0x41: {  	_ =	shalt  }
0x42: {  	_ =	shalt  }
0x43: {  	_ =	shalt  }
0x44: {  	_ =	shalt  }
0x45: {  	_ =	shalt  }
0x46: {  	_ =	shalt  }
0x47: {  	_ =	shalt  }
0x48: {  	_ =	shalt  }
0x49: {  	_ =	shalt  }
0x4a: {  	_ =	shalt  }
0x4b: {  	_ =	shalt  }
0x4c: {  	_ =	shalt  }
0x4d: {  	_ =	shalt  }
0x4e: {  	_ =	shalt  }
0x4f: {  	_ =	shalt  }
0x50: {  	_ =	shalt  }
0x51: {  	_ =	shalt  }
0x52: {  	_ =	shalt  }
0x53: {  	_ =	shalt  }
0x54: {  	_ =	shalt  }
0x55: {  	_ =	shalt  }
0x56: {  	_ =	shalt  }
0x57: {  	_ =	shalt  }
0x58: {  	_ =	shalt  }
0x59: {  	_ =	shalt  }
0x5a: {  	_ =	shalt  }
0x5b: {  	_ =	shalt  }
0x5c: {  	_ =	shalt  }
0x5d: {  	_ =	shalt  }
0x5e: {  	_ =	shalt  }
0x5f: {  	_ =	shalt  }
0x60: {  	_ =	shalt  }
0x61: {  	_ =	shalt  }
0x62: {  	_ =	shalt  }
0x63: {  	_ =	shalt  }
0x64: {  	_ =	shalt  }
0x65: {  	_ =	shalt  }
0x66: {  	_ =	shalt  }
0x67: {  	_ =	shalt  }
0x68: {  	_ =	shalt  }
0x69: {  	_ =	shalt  }
0x6a: {  	_ =	shalt  }
0x6b: {  	_ =	shalt  }
0x6c: {  	_ =	shalt  }
0x6d: {  	_ =	shalt  }
0x6e: {  	_ =	shalt  }
0x6f: {  	_ =	shalt  }
0x70: {  	_ =	shalt  }
0x71: {  	_ =	shalt  }
0x72: {  	_ =	shalt  }
0x73: {  	_ =	shalt  }
0x74: {  	_ =	shalt  }
0x75: {  	_ =	shalt  }
0x76: {  	_ =	shalt  }
0x77: {  	_ =	shalt  }
0x78: {  	_ =	shalt  }
0x79: {  	_ =	shalt  }
0x7a: {  	_ =	shalt  }
0x7b: {  	_ =	shalt  }
0x7c: {  	_ =	shalt  }
0x7d: {  	_ =	shalt  }
0x7e: {  	_ =	shalt  }
0x7f: {  	_ =	shalt  }
0x80: {  	_ =	shalt  }
0x81: {  	_ =	shalt  }
0x82: {  	_ =	shalt  }
0x83: {  	_ =	shalt  }
0x84: {  	_ =	shalt  }
0x85: {  	_ =	shalt  }
0x86: {  	_ =	shalt  }
0x87: {  	_ =	shalt  }
.Lfunc_end0:
.L_simem_size_0:
called_computation_lowered:
.L_overlay_start_0:
0x88: {  	s2 =	sld [smem:$0x3FD9]  }
0x89: {  	s3 =	sld [smem:$0x3FFE];
	_ =	sdelay $0x1  }
0x8a: {  	s1 =	srdreg.scid  }
0x8b: {  	s0 =	sand.u32 $0x1, s1  }
0x8c: {  	s14 =	sshll.u32 s0, $0xA;
	s2 =	sadd.s32 s3, s2  }
0x8d: {  	s2 =	sadd.s32 s2, s14  }
0x8e: {  	[smem:$0x3FC6] =	sst s2  }
0x8f: {  	_ = 	snop  }
0x90: {  	s2 =	sld [smem:$0x3FD0];
	_ =	sdelay $0x2  }
0x91: {  	s15 =	simm.s32 $0xA;
	s4 =	simm.s32 $0x10  }
0x92: {  	[smem:s4], [sflag:s15] =	dma.local [hbm:s2], $0x1  }
0x93: {  	_ =	swait.eq [sflag:s15], $0x1  }
0x94: {  	[sflag:s15] =	ssyncset.done $0x0  }
0x95: {  	[sflag:s15] =	ssyncadd.s32 $0xFFFFFFFF  }
0x96: {  	s16 =	sld [smem:$0x10];
	(tm) =	ssettm $0x1  }
0x97: {  	s17 =	sld [smem:$0x3FFB];
	_ =	sdelay $0x3  }
0x98: {  	_ =	strace s17  }
0x99: {  	s3 =	sld [smem:$0x3FFC];
	_ =	sdelay $0x3  }
0x9a: {  	_ =	strace s3  }
0x9b: {  	s3 =	sld [smem:$0x3FFD];
	_ =	sdelay $0x3  }
0x9c: {  	_ =	strace s3  }
0x9d: {  	_ =	strace $0x8FFFFFFF  }
0x9e: {  	s18 =	sld [smem:$0x3FDB];
	_ =	sdelay $0x1  }
0x9f: {  	s19 =	simm.s32 $_scs_section_size  }
0xa0: {  	s5 =	simm.s32 $_size__tile_overlayer_lowered;
	s6 =	simm.s32 $_tile_overlayer_lowered  }
0xa1: {  	s22 =	simm.s32 $0x1BFF;
	s21 =	sshll.u32 s6, $0x1;
	s3 =	sadd.s32 s19, s18  }
0xa2: {  	s7 =	simm.s32 $0x0;
	s20 =	sshll.u32 s5, $0x1;
	s5 =	sadd.s32 s21, s3  }
0xa3: {  	[timem:s7], [sflag:s22] =	dma.local [hbm:s5], s20  }
0xa4: {  	_ =	swait.ge [sflag:s22], s20  }
0xa5: {  	s4 =	ssub.s32 $0x0, s20;
	[sflag:s22] =	ssyncset.done $0x0  }
0xa6: {  	[sflag:s22] =	ssyncadd.s32 s4;
	_ =	sdelay $0x1  }
0xa7: {  	s23 =	simm.s32 $0x1B8B  }
0xa8: {  	_ =	swait.ge [sflag:s23], $0x1  }
0xa9: {  	[sflag:s23] =	ssyncset.done $0x0  }
0xaa: {  	s25 =	simm.s32 $0x1B8E;
	s24 =	sld [smem:$0x3FFE];
	[sflag:s23] =	ssyncadd.s32 $0xFFFFFFFF  }
0xab: {  	s26 =	simm.s32 $execute0_lowered;
	[smem:$0x3FD2] =	sst s25  }
0xac: {  	s5 =	sshll.u32 s26, $0x1;
	_ =	strace $0x80000046;
	[dreg:$0x1] =	wrdreg $0xFFFFFFFF  }
0xad: {  	s28 =	simm.s32 $_size_execute0_lowered;
	s3 =	sadd.s32 s3, s5;
	[dreg:$0x0] =	wrdreg $0x0  }
0xae: {  	s5 =	sshll.u32 s28, $0x1;
	[dreg:$0x2] =	wrdreg s3  }
0xaf: {  	[dreg:$0x3] =	wrdreg s5  }
0xb0: {  	[dreg:$0x4] =	wrdreg $0xC0  }
0xb1: {  	_ =	task [dreg:s7], $0x5FFFF  }
0xb2: {  	[dreg:$0x1] =	wrdreg $0xFFFFFFFF  }
0xb3: {  	[dreg:$0x0] =	wrdreg $0x60  }
0xb4: {  	[dreg:$0x2] =	wrdreg s24  }
0xb5: {  	[dreg:$0x3] =	wrdreg s16  }
0xb6: {  	[dreg:$0x4] =	wrdreg $0x9  }
0xb7: {  	_ =	task.clear_ibuf [dreg:s7], $0x5FFFF;
	_ =	strace $0x90000046  }
0xb8: {  	s29 =	simm.s32 $0x9;
	_ =	strace $0x80000048  }
0xb9: {  	_ =	swait.ge [sflag:s29], $0x1  }
0xba: {  	[sflag:s29] =	ssyncadd.s32 $0xFFFFFFFF  }
0xbb: {  	_ =	strace $0x90000048  }
0xbc: {  	_ =	sfence  }
0xbd: {  	s30 =	sld [smem:$0x0];
	_ =	sdelay $0x2  }
0xbe: {  	s31 =	sshll.u32 s1, $0xD;
	s1 =	sshrl.u32 s1, $0x2  }
0xbf: {  	s3 =	sand.u32 $0x4000, s31;
	s1 =	sadd.s32 s1, s30  }
0xc0: {  	s0 =	sor.u32 s3, s0;
	s1 =	sshll.u32 s1, $0x11  }
0xc1: {  	s0 =	sor.u32 s1, s0  }
0xc2: {  	s0 =	sadd.s32 $0x8F2B, s0  }
0xc3: {  	[sflag:s0] =	ssyncadd.remote.s32 $0x1  }
0xc4: {  	_ =	sfence.sel $0xFFFF  }
0xc5: {  	[dreg:$0x0] =	wrdreg $0xFFFFFFFF;
	(pc) =	sbr.abs _section_cstart, $3  }
0xc6: {  	[dreg:$0x1] =	wrdreg $0xFFFFFFFF  }
0xc7: {  	_ =	task.clear_ibuf [dreg:s7], $0x2FFFF;
	_ =	strace $0x9FFFFFFF  }
0xc8: {  	(tm) =	ssettm $0x7FFFFFFF  }
0xc9: {  	_ =	shalt  }
tec
execute0_lowered:
.L_overlay_start_1:
0x0: {  	(tag) =	ssettag $0x1  }
0x1: {  	s0 =	srdreg.scid;
	s1 =	stileid.u32  }
0x2: {  	s0 =	sand.u32 $0x1, s0;
	s1 =	sshll.u32 s1, $0x1  }
0x3: {  	s1 =	sor.u32 s0, s1  }
0x4: {  	s5 =	smul.u32 $0x7D, s1  }
0x5: {  	s4 =	rddreg [dreg:$0x0];
	s2 =	simm.s32 $0x0;
	s6 =	smul.u32 $0x7D000, s1  }
0x6: {  	[smem:$0x7FF] =	sst s2;
	s1 =	smul.u32 $0xFA00, s1  }
0x7: {  	s3 =	rddreg [dreg:$0x1];
	_ =	strace $0x80000047  }
0x8: {  	s5 =	sadd.s32 s5, s4;
	s6 =	sshrl.u32 s6, $0x3;
	s1 =	sadd.s32 s3, s1  }
0x9: {  	s5 =	sadd.s32 $0x1400, s5;
	s21 =	sadd.s32 s3, s6;
	[dreg:$0x4] =	wrdreg s1  }
0xa: {  	s17 =	simm.s32 $0x1;
	[dreg:$0x3] =	wrdreg s5;
	s22 =	sadd.s32 $0x1E00, s21  }
0xb: {  	s18 =	simm.s32 $0x3;
	s23 =	sadd.s32 $0x3C00, s21;
	[dreg:$0x5] =	wrdreg s22  }
0xc: {  	s19 =	simm.s32 $0x2;
	s24 =	sadd.s32 $0x5A00, s21;
	[dreg:$0x6] =	wrdreg s23  }
0xd: {  	s0 =	ssub.s32 $0x2, s0;
	s25 =	sadd.s32 $0x7800, s21;
	[dreg:$0x7] =	wrdreg s24  }
0xe: {  	s30 =	sshrl.u32 s0, $0x1;
	s26 =	sadd.s32 $0x9600, s21;
	[dreg:$0x8] =	wrdreg s25  }
0xf: {  	s0 =	ssub.s32 s0, s30;
	s28 =	sadd.s32 $0xB400, s21;
	[dreg:$0x9] =	wrdreg s26  }
0x10: {  	v2 =	vlaneseq.u32;
	s3 =	sadd.s32 $0x402400, s4;
	s29 =	sadd.s32 $0xD200, s21;
	[dreg:$0xa] =	wrdreg s28  }
0x11: {  	vm0 =	vmmov $0xffff;
	v1 =	vshrl.u32 v2, $0x3;
	s4 =	sadd.s32 $0x402500, s4;
	s31 =	sadd.s32 $0xF000, s21;
	[dreg:$0xb] =	wrdreg s29  }
0x12: {  	v0 =	vand.u32 $0x7, v2;
	v2 =	vor.u32 $0x8, v2;
	v1 =	vmul.u32 $0x8, v1;
	s5 =	smax.u32 s0, $0x1;
	s21 =	simm.s32 $0x4;
	[dreg:$0xc] =	wrdreg s31  }
.LBB2_1:
0x13: {  	s22 =	rddreg [dreg:$0x3];
	s11 =	simm.s32 $0x5  }
0x14: {  	[tilespmem:s2], [sflag:$0x5] =	stream.linear.gather [hbm4b:s22+s2], $0x3E8, $0x38;
	[tilespmem:$0x1E400] =	vst v63  }
0x15: {  	_ =	swait.ge [sflag:s11], $0x3E8  }
0x16: {  	[sflag:s11] =	ssyncset.done $0x0  }
0x17: {  	[sflag:s11] =	ssyncadd.s32 $0xFFFFFC18  }
0x18: {  	v3 =	vld [tilespmem:$0x0];
	_ =	sdelay $0x4  }
0x19: {  	v4 =	vshll.u32 v3, $0x2  }
0x1a: {  	v3 =	vand.u32 $0x7, v3;
	v4 =	vand.u32 $0xFFFFFFE0, v4  }
0x1b: {  	v3 =	vor.u32 v3, v4  }
0x1c: {  	v4 =	vperm.xlane v3, v0;
	_ =	sdelay $0x1  }
0x1d: {  	v4 =	vadd.s32 v1, v4;
	_ =	sdelay $0x1  }
0x1e: {  	v3 =	vperm.xlane v3, v2;
	_ =	sdelay $0x1  }
0x1f: {  	s0 =	simm.s32 $0x400;
	v3 =	vadd.s32 v1, v3  }
0x20: {  	[tilespmem:s0], [sflag:$0x1] =	stream.indirect_vreg.gather [hbm4b:s3+s2], $0x80, v4, vm0, $0xb8;
	[tilespmem:$0x1E400] =	vst v63  }
0x21: {  	s12 =	simm.s32 $0xC00  }
0x22: {  	[tilespmem:s12], [sflag:$0x1] =	stream.indirect_vreg.gather [hbm4b:s4+s2], $0x80, v4, vm0, $0xb8;
	[tilespmem:$0x1E400] =	vst v63  }
0x23: {  	s13 =	simm.s32 $0x1400  }
0x24: {  	[tilespmem:s13], [sflag:$0x1] =	stream.indirect_vreg.gather [hbm4b:s3+s2], $0x80, v3, vm0, $0xb8;
	[tilespmem:$0x1E400] =	vst v63  }
0x25: {  	s14 =	simm.s32 $0x1C00  }
0x26: {  	[tilespmem:s14], [sflag:$0x1] =	stream.indirect_vreg.gather [hbm4b:s4+s2], $0x80, v3, vm0, $0xb8;
	[tilespmem:$0x1E400] =	vst v63  }
0x27: {  	v3 =	vld [tilespmem:$0x10];
	_ =	sdelay $0x4  }
0x28: {  	v54 =	vshll.u32 v3, $0x2  }
0x29: {  	v3 =	vand.u32 $0x7, v3;
	v4 =	vand.u32 $0xFFFFFFE0, v54  }
0x2a: {  	v3 =	vor.u32 v3, v4  }
0x2b: {  	v4 =	vperm.xlane v3, v0;
	_ =	sdelay $0x1  }
0x2c: {  	v4 =	vadd.s32 v1, v4;
	_ =	sdelay $0x1  }
0x2d: {  	v3 =	vperm.xlane v3, v2;
	_ =	sdelay $0x1  }
0x2e: {  	s15 =	simm.s32 $0x2400;
	v3 =	vadd.s32 v1, v3  }
0x2f: {  	[tilespmem:s15], [sflag:$0x1] =	stream.indirect_vreg.gather [hbm4b:s3+s2], $0x80, v4, vm0, $0xb8;
	[tilespmem:$0x1E400] =	vst v63  }
0x30: {  	s16 =	simm.s32 $0x2C00  }
0x31: {  	[tilespmem:s16], [sflag:$0x1] =	stream.indirect_vreg.gather [hbm4b:s4+s2], $0x80, v4, vm0, $0xb8;
	[tilespmem:$0x1E400] =	vst v63  }
0x32: {  	s20 =	simm.s32 $0x3400  }
0x33: {  	[tilespmem:s20], [sflag:$0x1] =	stream.indirect_vreg.gather [hbm4b:s3+s2], $0x80, v3, vm0, $0xb8;
	[tilespmem:$0x1E400] =	vst v63  }
0x34: {  	s22 =	simm.s32 $0x3C00  }
0x35: {  	[tilespmem:s22], [sflag:$0x1] =	stream.indirect_vreg.gather [hbm4b:s4+s2], $0x80, v3, vm0, $0xb8;
	[tilespmem:$0x1E400] =	vst v63  }
0x36: {  	v3 =	vld [tilespmem:$0x20];
	_ =	sdelay $0x4  }
0x37: {  	v55 =	vshll.u32 v3, $0x2  }
0x38: {  	v3 =	vand.u32 $0x7, v3;
	v4 =	vand.u32 $0xFFFFFFE0, v55  }
0x39: {  	v3 =	vor.u32 v3, v4  }
0x3a: {  	v4 =	vperm.xlane v3, v0;
	_ =	sdelay $0x1  }
0x3b: {  	v4 =	vadd.s32 v1, v4;
	_ =	sdelay $0x1  }
0x3c: {  	v3 =	vperm.xlane v3, v2;
	_ =	sdelay $0x1  }
0x3d: {  	s23 =	simm.s32 $0x4400;
	v3 =	vadd.s32 v1, v3  }
0x3e: {  	[tilespmem:s23], [sflag:$0x1] =	stream.indirect_vreg.gather [hbm4b:s3+s2], $0x80, v4, vm0, $0xb8;
	[tilespmem:$0x1E400] =	vst v63  }
0x3f: {  	s24 =	simm.s32 $0x4C00  }
0x40: {  	[tilespmem:s24], [sflag:$0x1] =	stream.indirect_vreg.gather [hbm4b:s4+s2], $0x80, v4, vm0, $0xb8;
	[tilespmem:$0x1E400] =	vst v63  }
0x41: {  	s25 =	simm.s32 $0x5400  }
0x42: {  	[tilespmem:s25], [sflag:$0x1] =	stream.indirect_vreg.gather [hbm4b:s3+s2], $0x80, v3, vm0, $0xb8;
	[tilespmem:$0x1E400] =	vst v63  }
0x43: {  	s26 =	simm.s32 $0x5C00  }
0x44: {  	[tilespmem:s26], [sflag:$0x1] =	stream.indirect_vreg.gather [hbm4b:s4+s2], $0x80, v3, vm0, $0xb8;
	[tilespmem:$0x1E400] =	vst v63  }
0x45: {  	v3 =	vld [tilespmem:$0x30];
	_ =	sdelay $0x4  }
0x46: {  	v56 =	vshll.u32 v3, $0x2  }
0x47: {  	v3 =	vand.u32 $0x7, v3;
	v4 =	vand.u32 $0xFFFFFFE0, v56  }
0x48: {  	v3 =	vor.u32 v3, v4  }
0x49: {  	v4 =	vperm.xlane v3, v0;
	_ =	sdelay $0x1  }
0x4a: {  	v4 =	vadd.s32 v1, v4;
	_ =	sdelay $0x1  }
0x4b: {  	v3 =	vperm.xlane v3, v2;
	_ =	sdelay $0x1  }
0x4c: {  	s28 =	simm.s32 $0x6400;
	v3 =	vadd.s32 v1, v3  }
0x4d: {  	[tilespmem:s28], [sflag:$0x1] =	stream.indirect_vreg.gather [hbm4b:s3+s2], $0x80, v4, vm0, $0xb8;
	[tilespmem:$0x1E400] =	vst v63  }
0x4e: {  	s29 =	simm.s32 $0x6C00  }
0x4f: {  	[tilespmem:s29], [sflag:$0x1] =	stream.indirect_vreg.gather [hbm4b:s4+s2], $0x80, v4, vm0, $0xb8;
	[tilespmem:$0x1E400] =	vst v63  }
0x50: {  	s30 =	simm.s32 $0x7400  }
0x51: {  	[tilespmem:s30], [sflag:$0x1] =	stream.indirect_vreg.gather [hbm4b:s3+s2], $0x80, v3, vm0, $0xb8;
	[tilespmem:$0x1E400] =	vst v63  }
0x52: {  	s31 =	simm.s32 $0x7C00  }
0x53: {  	[tilespmem:s31], [sflag:$0x1] =	stream.indirect_vreg.gather [hbm4b:s4+s2], $0x80, v3, vm0, $0xb8;
	[tilespmem:$0x1E400] =	vst v63  }
0x54: {  	v3 =	vld [tilespmem:$0x40];
	_ =	sdelay $0x4  }
0x55: {  	v57 =	vshll.u32 v3, $0x2  }
0x56: {  	v3 =	vand.u32 $0x7, v3;
	v4 =	vand.u32 $0xFFFFFFE0, v57  }
0x57: {  	v3 =	vor.u32 v3, v4  }
0x58: {  	v4 =	vperm.xlane v3, v0;
	_ =	sdelay $0x1  }
0x59: {  	v4 =	vadd.s32 v1, v4;
	_ =	sdelay $0x1  }
0x5a: {  	v3 =	vperm.xlane v3, v2;
	_ =	sdelay $0x1  }
0x5b: {  	s1 =	simm.s32 $0x8400;
	v3 =	vadd.s32 v1, v3  }
0x5c: {  	[tilespmem:s1], [sflag:$0x1] =	stream.indirect_vreg.gather [hbm4b:s3+s2], $0x80, v4, vm0, $0xb8;
	[tilespmem:$0x1E400] =	vst v63  }
0x5d: {  	s8 =	simm.s32 $0x8C00  }
0x5e: {  	[tilespmem:s8], [sflag:$0x1] =	stream.indirect_vreg.gather [hbm4b:s4+s2], $0x80, v4, vm0, $0xb8;
	[tilespmem:$0x1E400] =	vst v63  }
0x5f: {  	s11 =	simm.s32 $0x9400  }
0x60: {  	[tilespmem:s11], [sflag:$0x1] =	stream.indirect_vreg.gather [hbm4b:s3+s2], $0x80, v3, vm0, $0xb8;
	[tilespmem:$0x1E400] =	vst v63  }
0x61: {  	s12 =	simm.s32 $0x9C00  }
0x62: {  	[tilespmem:s12], [sflag:$0x1] =	stream.indirect_vreg.gather [hbm4b:s4+s2], $0x80, v3, vm0, $0xb8;
	[tilespmem:$0x1E400] =	vst v63  }
0x63: {  	v3 =	vld [tilespmem:$0x50];
	_ =	sdelay $0x4  }
0x64: {  	v58 =	vshll.u32 v3, $0x2  }
0x65: {  	v3 =	vand.u32 $0x7, v3;
	v4 =	vand.u32 $0xFFFFFFE0, v58  }
0x66: {  	v3 =	vor.u32 v3, v4  }
0x67: {  	v4 =	vperm.xlane v3, v0;
	_ =	sdelay $0x1  }
0x68: {  	v4 =	vadd.s32 v1, v4;
	_ =	sdelay $0x1  }
0x69: {  	v3 =	vperm.xlane v3, v2;
	_ =	sdelay $0x1  }
0x6a: {  	s13 =	simm.s32 $0xA400;
	v3 =	vadd.s32 v1, v3  }
0x6b: {  	[tilespmem:s13], [sflag:$0x1] =	stream.indirect_vreg.gather [hbm4b:s3+s2], $0x80, v4, vm0, $0xb8;
	[tilespmem:$0x1E400] =	vst v63  }
0x6c: {  	s14 =	simm.s32 $0xAC00  }
0x6d: {  	[tilespmem:s14], [sflag:$0x1] =	stream.indirect_vreg.gather [hbm4b:s4+s2], $0x80, v4, vm0, $0xb8;
	[tilespmem:$0x1E400] =	vst v63  }
0x6e: {  	s15 =	simm.s32 $0xB400  }
0x6f: {  	[tilespmem:s15], [sflag:$0x1] =	stream.indirect_vreg.gather [hbm4b:s3+s2], $0x80, v3, vm0, $0xb8;
	[tilespmem:$0x1E400] =	vst v63  }
0x70: {  	s20 =	simm.s32 $0xBC00  }
0x71: {  	[tilespmem:s20], [sflag:$0x1] =	stream.indirect_vreg.gather [hbm4b:s4+s2], $0x80, v3, vm0, $0xb8;
	[tilespmem:$0x1E400] =	vst v63  }
0x72: {  	v3 =	vld [tilespmem:$0x60];
	_ =	sdelay $0x4  }
0x73: {  	v59 =	vshll.u32 v3, $0x2  }
0x74: {  	v3 =	vand.u32 $0x7, v3;
	v4 =	vand.u32 $0xFFFFFFE0, v59  }
0x75: {  	v3 =	vor.u32 v3, v4  }
0x76: {  	v4 =	vperm.xlane v3, v0;
	_ =	sdelay $0x1  }
0x77: {  	v4 =	vadd.s32 v1, v4;
	_ =	sdelay $0x1  }
0x78: {  	v3 =	vperm.xlane v3, v2;
	_ =	sdelay $0x1  }
0x79: {  	s22 =	simm.s32 $0xC400;
	v3 =	vadd.s32 v1, v3  }
0x7a: {  	[tilespmem:s22], [sflag:$0x1] =	stream.indirect_vreg.gather [hbm4b:s3+s2], $0x80, v4, vm0, $0xb8;
	[tilespmem:$0x1E400] =	vst v63  }
0x7b: {  	s24 =	simm.s32 $0xCC00  }
0x7c: {  	[tilespmem:s24], [sflag:$0x1] =	stream.indirect_vreg.gather [hbm4b:s4+s2], $0x80, v4, vm0, $0xb8;
	[tilespmem:$0x1E400] =	vst v63  }
0x7d: {  	s28 =	simm.s32 $0xD400  }
0x7e: {  	[tilespmem:s28], [sflag:$0x1] =	stream.indirect_vreg.gather [hbm4b:s3+s2], $0x80, v3, vm0, $0xb8;
	[tilespmem:$0x1E400] =	vst v63  }
0x7f: {  	s1 =	simm.s32 $0xDC00  }
0x80: {  	[tilespmem:s1], [sflag:$0x1] =	stream.indirect_vreg.gather [hbm4b:s4+s2], $0x80, v3, vm0, $0xb8;
	[tilespmem:$0x1E400] =	vst v63  }
0x81: {  	v3 =	vld.msk [tilespmem:$0x70], $0xff;
	_ =	sdelay $0x4  }
0x82: {  	v60 =	vshll.u32 v3, $0x2  }
0x83: {  	v3 =	vand.u32 $0x7, v3;
	v4 =	vand.u32 $0xFFFFFFE0, v60  }
0x84: {  	v3 =	vor.u32 v3, v4  }
0x85: {  	v3 =	vperm.xlane v3, v0;
	_ =	sdelay $0x1  }
0x86: {  	v3 =	vadd.s32 v1, v3;
	_ =	sdelay $0x3  }
0x87: {  	s8 =	simm.s32 $0xE400  }
0x88: {  	[tilespmem:s8], [sflag:$0x1] =	stream.indirect_vreg.gather [hbm4b:s3+s2], $0x80, v3, vm0, $0xb8;
	[tilespmem:$0x1E400] =	vst v63  }
0x89: {  	s14 =	simm.s32 $0xEC00  }
0x8a: {  	[tilespmem:s14], [sflag:$0x1] =	stream.indirect_vreg.gather [hbm4b:s4+s2], $0x80, v3, vm0, $0xb8;
	[tilespmem:$0x1E400] =	vst v63  }
0x8b: {  	v3 =	vld [tilespmem:$0x78];
	_ =	sdelay $0x4  }
0x8c: {  	v61 =	vshll.u32 v3, $0x2  }
0x8d: {  	v3 =	vand.u32 $0x7, v3;
	v4 =	vand.u32 $0xFFFFFFE0, v61  }
0x8e: {  	v3 =	vor.u32 v3, v4  }
0x8f: {  	v4 =	vperm.xlane v3, v0;
	_ =	sdelay $0x1  }
0x90: {  	v4 =	vadd.s32 v1, v4;
	_ =	sdelay $0x1  }
0x91: {  	v3 =	vperm.xlane v3, v2;
	_ =	sdelay $0x1  }
0x92: {  	s20 =	simm.s32 $0xF400;
	v3 =	vadd.s32 v1, v3  }
0x93: {  	[tilespmem:s20], [sflag:$0x2] =	stream.indirect_vreg.gather [hbm4b:s3+s2], $0x80, v4, vm0, $0xb8;
	[tilespmem:$0x1E400] =	vst v63  }
0x94: {  	s22 =	simm.s32 $0xFC00  }
0x95: {  	[tilespmem:s22], [sflag:$0x2] =	stream.indirect_vreg.gather [hbm4b:s4+s2], $0x80, v4, vm0, $0xb8;
	[tilespmem:$0x1E400] =	vst v63  }
0x96: {  	s1 =	simm.s32 $0x10400  }
0x97: {  	[tilespmem:s1], [sflag:$0x2] =	stream.indirect_vreg.gather [hbm4b:s3+s2], $0x80, v3, vm0, $0xb8;
	[tilespmem:$0x1E400] =	vst v63  }
0x98: {  	s8 =	simm.s32 $0x10C00  }
0x99: {  	[tilespmem:s8], [sflag:$0x2] =	stream.indirect_vreg.gather [hbm4b:s4+s2], $0x80, v3, vm0, $0xb8;
	[tilespmem:$0x1E400] =	vst v63  }
0x9a: {  	v3 =	vld [tilespmem:$0x88];
	_ =	sdelay $0x4  }
0x9b: {  	v62 =	vshll.u32 v3, $0x2  }
0x9c: {  	v3 =	vand.u32 $0x7, v3;
	v4 =	vand.u32 $0xFFFFFFE0, v62  }
0x9d: {  	v3 =	vor.u32 v3, v4  }
0x9e: {  	v4 =	vperm.xlane v3, v0;
	_ =	sdelay $0x1  }
0x9f: {  	v4 =	vadd.s32 v1, v4;
	_ =	sdelay $0x1  }
0xa0: {  	v3 =	vperm.xlane v3, v2;
	_ =	sdelay $0x1  }
0xa1: {  	s20 =	simm.s32 $0x11400;
	v3 =	vadd.s32 v1, v3  }
0xa2: {  	[tilespmem:s20], [sflag:$0x2] =	stream.indirect_vreg.gather [hbm4b:s3+s2], $0x80, v4, vm0, $0xb8;
	[tilespmem:$0x1E400] =	vst v63  }
0xa3: {  	s22 =	simm.s32 $0x11C00  }
0xa4: {  	[tilespmem:s22], [sflag:$0x2] =	stream.indirect_vreg.gather [hbm4b:s4+s2], $0x80, v4, vm0, $0xb8;
	[tilespmem:$0x1E400] =	vst v63  }
0xa5: {  	s1 =	simm.s32 $0x12400  }
0xa6: {  	[tilespmem:s1], [sflag:$0x2] =	stream.indirect_vreg.gather [hbm4b:s3+s2], $0x80, v3, vm0, $0xb8;
	[tilespmem:$0x1E400] =	vst v63  }
0xa7: {  	s8 =	simm.s32 $0x12C00  }
0xa8: {  	[tilespmem:s8], [sflag:$0x2] =	stream.indirect_vreg.gather [hbm4b:s4+s2], $0x80, v3, vm0, $0xb8;
	[tilespmem:$0x1E400] =	vst v63  }
0xa9: {  	v3 =	vld [tilespmem:$0x98];
	_ =	sdelay $0x4  }
0xaa: {  	v63 =	vshll.u32 v3, $0x2  }
0xab: {  	v3 =	vand.u32 $0x7, v3;
	v4 =	vand.u32 $0xFFFFFFE0, v63  }
0xac: {  	v3 =	vor.u32 v3, v4  }
0xad: {  	v4 =	vperm.xlane v3, v0;
	_ =	sdelay $0x1  }
0xae: {  	v4 =	vadd.s32 v1, v4;
	_ =	sdelay $0x1  }
0xaf: {  	v3 =	vperm.xlane v3, v2;
	_ =	sdelay $0x1  }
0xb0: {  	s20 =	simm.s32 $0x13400;
	v3 =	vadd.s32 v1, v3  }
0xb1: {  	[tilespmem:s20], [sflag:$0x2] =	stream.indirect_vreg.gather [hbm4b:s3+s2], $0x80, v4, vm0, $0xb8;
	[tilespmem:$0x1E400] =	vst v63  }
0xb2: {  	s22 =	simm.s32 $0x13C00  }
0xb3: {  	[tilespmem:s22], [sflag:$0x2] =	stream.indirect_vreg.gather [hbm4b:s4+s2], $0x80, v4, vm0, $0xb8;
	[tilespmem:$0x1E400] =	vst v63  }
0xb4: {  	s1 =	simm.s32 $0x14400  }
0xb5: {  	[tilespmem:s1], [sflag:$0x2] =	stream.indirect_vreg.gather [hbm4b:s3+s2], $0x80, v3, vm0, $0xb8;
	[tilespmem:$0x1E400] =	vst v63  }
0xb6: {  	s8 =	simm.s32 $0x14C00  }
0xb7: {  	[tilespmem:s8], [sflag:$0x2] =	stream.indirect_vreg.gather [hbm4b:s4+s2], $0x80, v3, vm0, $0xb8;
	[tilespmem:$0x1E400] =	vst v63  }
0xb8: {  	v3 =	vld [tilespmem:$0xA8];
	_ =	sdelay $0x4  }
0xb9: {  	v8 =	vshll.u32 v3, $0x2  }
0xba: {  	v3 =	vand.u32 $0x7, v3;
	v4 =	vand.u32 $0xFFFFFFE0, v8  }
0xbb: {  	v3 =	vor.u32 v3, v4  }
0xbc: {  	v4 =	vperm.xlane v3, v0;
	_ =	sdelay $0x1  }
0xbd: {  	v4 =	vadd.s32 v1, v4;
	_ =	sdelay $0x1  }
0xbe: {  	v3 =	vperm.xlane v3, v2;
	_ =	sdelay $0x1  }
0xbf: {  	s20 =	simm.s32 $0x15400;
	v3 =	vadd.s32 v1, v3  }
0xc0: {  	[tilespmem:s20], [sflag:$0x2] =	stream.indirect_vreg.gather [hbm4b:s3+s2], $0x80, v4, vm0, $0xb8;
	[tilespmem:$0x1E400] =	vst v63  }
0xc1: {  	s22 =	simm.s32 $0x15C00  }
0xc2: {  	[tilespmem:s22], [sflag:$0x2] =	stream.indirect_vreg.gather [hbm4b:s4+s2], $0x80, v4, vm0, $0xb8;
	[tilespmem:$0x1E400] =	vst v63  }
0xc3: {  	s1 =	simm.s32 $0x16400  }
0xc4: {  	[tilespmem:s1], [sflag:$0x2] =	stream.indirect_vreg.gather [hbm4b:s3+s2], $0x80, v3, vm0, $0xb8;
	[tilespmem:$0x1E400] =	vst v63  }
0xc5: {  	s8 =	simm.s32 $0x16C00  }
0xc6: {  	[tilespmem:s8], [sflag:$0x2] =	stream.indirect_vreg.gather [hbm4b:s4+s2], $0x80, v3, vm0, $0xb8;
	[tilespmem:$0x1E400] =	vst v63  }
0xc7: {  	v3 =	vld [tilespmem:$0xB8];
	_ =	sdelay $0x4  }
0xc8: {  	v9 =	vshll.u32 v3, $0x2  }
0xc9: {  	v3 =	vand.u32 $0x7, v3;
	v4 =	vand.u32 $0xFFFFFFE0, v9  }
0xca: {  	v3 =	vor.u32 v3, v4  }
0xcb: {  	v4 =	vperm.xlane v3, v0;
	_ =	sdelay $0x1  }
0xcc: {  	v4 =	vadd.s32 v1, v4;
	_ =	sdelay $0x1  }
0xcd: {  	v3 =	vperm.xlane v3, v2;
	_ =	sdelay $0x1  }
0xce: {  	s20 =	simm.s32 $0x17400;
	v3 =	vadd.s32 v1, v3  }
0xcf: {  	[tilespmem:s20], [sflag:$0x2] =	stream.indirect_vreg.gather [hbm4b:s3+s2], $0x80, v4, vm0, $0xb8;
	[tilespmem:$0x1E400] =	vst v63  }
0xd0: {  	s22 =	simm.s32 $0x17C00  }
0xd1: {  	[tilespmem:s22], [sflag:$0x2] =	stream.indirect_vreg.gather [hbm4b:s4+s2], $0x80, v4, vm0, $0xb8;
	[tilespmem:$0x1E400] =	vst v63  }
0xd2: {  	s1 =	simm.s32 $0x18400  }
0xd3: {  	[tilespmem:s1], [sflag:$0x2] =	stream.indirect_vreg.gather [hbm4b:s3+s2], $0x80, v3, vm0, $0xb8;
	[tilespmem:$0x1E400] =	vst v63  }
0xd4: {  	s8 =	simm.s32 $0x18C00  }
0xd5: {  	[tilespmem:s8], [sflag:$0x2] =	stream.indirect_vreg.gather [hbm4b:s4+s2], $0x80, v3, vm0, $0xb8;
	[tilespmem:$0x1E400] =	vst v63  }
0xd6: {  	v3 =	vld [tilespmem:$0xC8];
	_ =	sdelay $0x4  }
0xd7: {  	v10 =	vshll.u32 v3, $0x2  }
0xd8: {  	v3 =	vand.u32 $0x7, v3;
	v4 =	vand.u32 $0xFFFFFFE0, v10  }
0xd9: {  	v3 =	vor.u32 v3, v4  }
0xda: {  	v4 =	vperm.xlane v3, v0;
	_ =	sdelay $0x1  }
0xdb: {  	v4 =	vadd.s32 v1, v4;
	_ =	sdelay $0x1  }
0xdc: {  	v3 =	vperm.xlane v3, v2;
	_ =	sdelay $0x1  }
0xdd: {  	s20 =	simm.s32 $0x19400;
	v3 =	vadd.s32 v1, v3  }
0xde: {  	[tilespmem:s20], [sflag:$0x2] =	stream.indirect_vreg.gather [hbm4b:s3+s2], $0x80, v4, vm0, $0xb8;
	[tilespmem:$0x1E400] =	vst v63  }
0xdf: {  	s22 =	simm.s32 $0x19C00  }
0xe0: {  	[tilespmem:s22], [sflag:$0x2] =	stream.indirect_vreg.gather [hbm4b:s4+s2], $0x80, v4, vm0, $0xb8;
	[tilespmem:$0x1E400] =	vst v63  }
0xe1: {  	s1 =	simm.s32 $0x1A400  }
0xe2: {  	[tilespmem:s1], [sflag:$0x2] =	stream.indirect_vreg.gather [hbm4b:s3+s2], $0x80, v3, vm0, $0xb8;
	[tilespmem:$0x1E400] =	vst v63  }
0xe3: {  	s8 =	simm.s32 $0x1AC00  }
0xe4: {  	[tilespmem:s8], [sflag:$0x2] =	stream.indirect_vreg.gather [hbm4b:s4+s2], $0x80, v3, vm0, $0xb8;
	[tilespmem:$0x1E400] =	vst v63  }
0xe5: {  	v3 =	vld [tilespmem:$0xD8];
	_ =	sdelay $0x4  }
0xe6: {  	v11 =	vshll.u32 v3, $0x2  }
0xe7: {  	v3 =	vand.u32 $0x7, v3;
	v4 =	vand.u32 $0xFFFFFFE0, v11  }
0xe8: {  	v3 =	vor.u32 v3, v4  }
0xe9: {  	v4 =	vperm.xlane v3, v0;
	_ =	sdelay $0x1  }
0xea: {  	v4 =	vadd.s32 v1, v4;
	_ =	sdelay $0x1  }
0xeb: {  	v3 =	vperm.xlane v3, v2;
	_ =	sdelay $0x1  }
0xec: {  	s20 =	simm.s32 $0x1B400;
	v3 =	vadd.s32 v1, v3  }
0xed: {  	[tilespmem:s20], [sflag:$0x2] =	stream.indirect_vreg.gather [hbm4b:s3+s2], $0x80, v4, vm0, $0xb8;
	[tilespmem:$0x1E400] =	vst v63  }
0xee: {  	s22 =	simm.s32 $0x1BC00  }
0xef: {  	[tilespmem:s22], [sflag:$0x2] =	stream.indirect_vreg.gather [hbm4b:s4+s2], $0x80, v4, vm0, $0xb8;
	[tilespmem:$0x1E400] =	vst v63  }
0xf0: {  	s1 =	simm.s32 $0x1C400  }
0xf1: {  	[tilespmem:s1], [sflag:$0x2] =	stream.indirect_vreg.gather [hbm4b:s3+s2], $0x80, v3, vm0, $0xb8;
	[tilespmem:$0x1E400] =	vst v63  }
0xf2: {  	s8 =	simm.s32 $0x1CC00  }
0xf3: {  	[tilespmem:s8], [sflag:$0x2] =	stream.indirect_vreg.gather [hbm4b:s4+s2], $0x80, v3, vm0, $0xb8;
	[tilespmem:$0x1E400] =	vst v63  }
0xf4: {  	v3 =	vld.msk [tilespmem:$0xE8], $0xff;
	_ =	sdelay $0x4  }
0xf5: {  	v12 =	vshll.u32 v3, $0x2  }
0xf6: {  	v3 =	vand.u32 $0x7, v3;
	v4 =	vand.u32 $0xFFFFFFE0, v12  }
0xf7: {  	v3 =	vor.u32 v3, v4  }
0xf8: {  	v3 =	vperm.xlane v3, v0;
	_ =	sdelay $0x1  }
0xf9: {  	v3 =	vadd.s32 v1, v3;
	_ =	sdelay $0x3  }
0xfa: {  	s20 =	simm.s32 $0x1D400  }
0xfb: {  	[tilespmem:s20], [sflag:$0x2] =	stream.indirect_vreg.gather [hbm4b:s3+s2], $0x80, v3, vm0, $0xb8;
	[tilespmem:$0x1E400] =	vst v63  }
0xfc: {  	s22 =	simm.s32 $0x1DC00  }
0xfd: {  	[tilespmem:s22], [sflag:$0x2] =	stream.indirect_vreg.gather [hbm4b:s4+s2], $0x80, v3, vm0, $0xb8;
	[tilespmem:$0x1E400] =	vst v63  }
0xfe: {  	_ =	swait.ge [sflag:s17], $0xF000  }
0xff: {  	[sflag:s17] =	ssyncset.done $0x0  }
0x100: {  	s8 =	simm.s32 $0x400;
	s1 =	rddreg [dreg:$0x4];
	[sflag:s17] =	ssyncadd.s32 $0xFFFF1000  }
0x101: {  	[hbm4b:s1+s2] =	stream.linear.scatter [tilespmem:s8], [sflag:$0x3], $0xF000, $0x38;
	[tilespmem:$0x1E400] =	vst v63  }
0x102: {  	_ =	swait.ge [sflag:s18], $0xF000  }
0x103: {  	[sflag:s18] =	ssyncset.done $0x0  }
0x104: {  	[sflag:s18] =	ssyncadd.s32 $0xFFFF1000  }
0x105: {  	v3 =	vld [tilespmem:$0xF0];
	_ =	sdelay $0x4  }
0x106: {  	v13 =	vshll.u32 v3, $0x2  }
0x107: {  	v3 =	vand.u32 $0x7, v3;
	v4 =	vand.u32 $0xFFFFFFE0, v13  }
0x108: {  	v3 =	vor.u32 v3, v4  }
0x109: {  	v4 =	vperm.xlane v3, v0;
	_ =	sdelay $0x1  }
0x10a: {  	v4 =	vadd.s32 v1, v4;
	_ =	sdelay $0x1  }
0x10b: {  	v3 =	vperm.xlane v3, v2;
	_ =	sdelay $0x1  }
0x10c: {  	v3 =	vadd.s32 v1, v3  }
0x10d: {  	[tilespmem:s8], [sflag:$0x1] =	stream.indirect_vreg.gather [hbm4b:s3+s2], $0x80, v4, vm0, $0xb8;
	[tilespmem:$0x1E400] =	vst v63  }
0x10e: {  	s20 =	simm.s32 $0xC00  }
0x10f: {  	[tilespmem:s20], [sflag:$0x1] =	stream.indirect_vreg.gather [hbm4b:s4+s2], $0x80, v4, vm0, $0xb8;
	[tilespmem:$0x1E400] =	vst v63  }
0x110: {  	s1 =	simm.s32 $0x1400  }
0x111: {  	[tilespmem:s1], [sflag:$0x1] =	stream.indirect_vreg.gather [hbm4b:s3+s2], $0x80, v3, vm0, $0xb8;
	[tilespmem:$0x1E400] =	vst v63  }
0x112: {  	s6 =	simm.s32 $0x1C00  }
0x113: {  	[tilespmem:s6], [sflag:$0x1] =	stream.indirect_vreg.gather [hbm4b:s4+s2], $0x80, v3, vm0, $0xb8;
	[tilespmem:$0x1E400] =	vst v63  }
0x114: {  	v3 =	vld [tilespmem:$0x100];
	_ =	sdelay $0x4  }
0x115: {  	v14 =	vshll.u32 v3, $0x2  }
0x116: {  	v3 =	vand.u32 $0x7, v3;
	v4 =	vand.u32 $0xFFFFFFE0, v14  }
0x117: {  	v3 =	vor.u32 v3, v4  }
0x118: {  	v4 =	vperm.xlane v3, v0;
	_ =	sdelay $0x1  }
0x119: {  	v4 =	vadd.s32 v1, v4;
	_ =	sdelay $0x1  }
0x11a: {  	v3 =	vperm.xlane v3, v2;
	_ =	sdelay $0x1  }
0x11b: {  	s6 =	simm.s32 $0x2400;
	v3 =	vadd.s32 v1, v3  }
0x11c: {  	[tilespmem:s6], [sflag:$0x1] =	stream.indirect_vreg.gather [hbm4b:s3+s2], $0x80, v4, vm0, $0xb8;
	[tilespmem:$0x1E400] =	vst v63  }
0x11d: {  	s20 =	simm.s32 $0x2C00  }
0x11e: {  	[tilespmem:s20], [sflag:$0x1] =	stream.indirect_vreg.gather [hbm4b:s4+s2], $0x80, v4, vm0, $0xb8;
	[tilespmem:$0x1E400] =	vst v63  }
0x11f: {  	s8 =	simm.s32 $0x3400  }
0x120: {  	[tilespmem:s8], [sflag:$0x1] =	stream.indirect_vreg.gather [hbm4b:s3+s2], $0x80, v3, vm0, $0xb8;
	[tilespmem:$0x1E400] =	vst v63  }
0x121: {  	s9 =	simm.s32 $0x3C00  }
0x122: {  	[tilespmem:s9], [sflag:$0x1] =	stream.indirect_vreg.gather [hbm4b:s4+s2], $0x80, v3, vm0, $0xb8;
	[tilespmem:$0x1E400] =	vst v63  }
0x123: {  	v3 =	vld [tilespmem:$0x110];
	_ =	sdelay $0x4  }
0x124: {  	v15 =	vshll.u32 v3, $0x2  }
0x125: {  	v3 =	vand.u32 $0x7, v3;
	v4 =	vand.u32 $0xFFFFFFE0, v15  }
0x126: {  	v3 =	vor.u32 v3, v4  }
0x127: {  	v4 =	vperm.xlane v3, v0;
	_ =	sdelay $0x1  }
0x128: {  	v4 =	vadd.s32 v1, v4;
	_ =	sdelay $0x1  }
0x129: {  	v3 =	vperm.xlane v3, v2;
	_ =	sdelay $0x1  }
0x12a: {  	s22 =	simm.s32 $0x4400;
	v3 =	vadd.s32 v1, v3  }
0x12b: {  	[tilespmem:s22], [sflag:$0x1] =	stream.indirect_vreg.gather [hbm4b:s3+s2], $0x80, v4, vm0, $0xb8;
	[tilespmem:$0x1E400] =	vst v63  }
0x12c: {  	s9 =	simm.s32 $0x4C00  }
0x12d: {  	[tilespmem:s9], [sflag:$0x1] =	stream.indirect_vreg.gather [hbm4b:s4+s2], $0x80, v4, vm0, $0xb8;
	[tilespmem:$0x1E400] =	vst v63  }
0x12e: {  	s22 =	simm.s32 $0x5400  }
0x12f: {  	[tilespmem:s22], [sflag:$0x1] =	stream.indirect_vreg.gather [hbm4b:s3+s2], $0x80, v3, vm0, $0xb8;
	[tilespmem:$0x1E400] =	vst v63  }
0x130: {  	s7 =	simm.s32 $0x5C00  }
0x131: {  	[tilespmem:s7], [sflag:$0x1] =	stream.indirect_vreg.gather [hbm4b:s4+s2], $0x80, v3, vm0, $0xb8;
	[tilespmem:$0x1E400] =	vst v63  }
0x132: {  	v3 =	vld [tilespmem:$0x120];
	_ =	sdelay $0x4  }
0x133: {  	v16 =	vshll.u32 v3, $0x2  }
0x134: {  	v3 =	vand.u32 $0x7, v3;
	v4 =	vand.u32 $0xFFFFFFE0, v16  }
0x135: {  	v3 =	vor.u32 v3, v4  }
0x136: {  	v4 =	vperm.xlane v3, v0;
	_ =	sdelay $0x1  }
0x137: {  	v4 =	vadd.s32 v1, v4;
	_ =	sdelay $0x1  }
0x138: {  	v3 =	vperm.xlane v3, v2;
	_ =	sdelay $0x1  }
0x139: {  	s7 =	simm.s32 $0x6400;
	v3 =	vadd.s32 v1, v3  }
0x13a: {  	[tilespmem:s7], [sflag:$0x1] =	stream.indirect_vreg.gather [hbm4b:s3+s2], $0x80, v4, vm0, $0xb8;
	[tilespmem:$0x1E400] =	vst v63  }
0x13b: {  	s9 =	simm.s32 $0x6C00  }
0x13c: {  	[tilespmem:s9], [sflag:$0x1] =	stream.indirect_vreg.gather [hbm4b:s4+s2], $0x80, v4, vm0, $0xb8;
	[tilespmem:$0x1E400] =	vst v63  }
0x13d: {  	s22 =	simm.s32 $0x7400  }
0x13e: {  	[tilespmem:s22], [sflag:$0x1] =	stream.indirect_vreg.gather [hbm4b:s3+s2], $0x80, v3, vm0, $0xb8;
	[tilespmem:$0x1E400] =	vst v63  }
0x13f: {  	s10 =	simm.s32 $0x7C00  }
0x140: {  	[tilespmem:s10], [sflag:$0x1] =	stream.indirect_vreg.gather [hbm4b:s4+s2], $0x80, v3, vm0, $0xb8;
	[tilespmem:$0x1E400] =	vst v63  }
0x141: {  	v3 =	vld [tilespmem:$0x130];
	_ =	sdelay $0x4  }
0x142: {  	v17 =	vshll.u32 v3, $0x2  }
0x143: {  	v3 =	vand.u32 $0x7, v3;
	v4 =	vand.u32 $0xFFFFFFE0, v17  }
0x144: {  	v3 =	vor.u32 v3, v4  }
0x145: {  	v4 =	vperm.xlane v3, v0;
	_ =	sdelay $0x1  }
0x146: {  	v4 =	vadd.s32 v1, v4;
	_ =	sdelay $0x1  }
0x147: {  	v3 =	vperm.xlane v3, v2;
	_ =	sdelay $0x1  }
0x148: {  	s16 =	simm.s32 $0x8400;
	v3 =	vadd.s32 v1, v3  }
0x149: {  	[tilespmem:s16], [sflag:$0x1] =	stream.indirect_vreg.gather [hbm4b:s3+s2], $0x80, v4, vm0, $0xb8;
	[tilespmem:$0x1E400] =	vst v63  }
0x14a: {  	s23 =	simm.s32 $0x8C00  }
0x14b: {  	[tilespmem:s23], [sflag:$0x1] =	stream.indirect_vreg.gather [hbm4b:s4+s2], $0x80, v4, vm0, $0xb8;
	[tilespmem:$0x1E400] =	vst v63  }
0x14c: {  	s25 =	simm.s32 $0x9400  }
0x14d: {  	[tilespmem:s25], [sflag:$0x1] =	stream.indirect_vreg.gather [hbm4b:s3+s2], $0x80, v3, vm0, $0xb8;
	[tilespmem:$0x1E400] =	vst v63  }
0x14e: {  	s11 =	simm.s32 $0x9C00  }
0x14f: {  	[tilespmem:s11], [sflag:$0x1] =	stream.indirect_vreg.gather [hbm4b:s4+s2], $0x80, v3, vm0, $0xb8;
	[tilespmem:$0x1E400] =	vst v63  }
0x150: {  	v3 =	vld [tilespmem:$0x140];
	_ =	sdelay $0x4  }
0x151: {  	v18 =	vshll.u32 v3, $0x2  }
0x152: {  	v3 =	vand.u32 $0x7, v3;
	v4 =	vand.u32 $0xFFFFFFE0, v18  }
0x153: {  	v3 =	vor.u32 v3, v4  }
0x154: {  	v4 =	vperm.xlane v3, v0;
	_ =	sdelay $0x1  }
0x155: {  	v4 =	vadd.s32 v1, v4;
	_ =	sdelay $0x1  }
0x156: {  	v3 =	vperm.xlane v3, v2;
	_ =	sdelay $0x1  }
0x157: {  	s26 =	simm.s32 $0xA400;
	v3 =	vadd.s32 v1, v3  }
0x158: {  	[tilespmem:s26], [sflag:$0x1] =	stream.indirect_vreg.gather [hbm4b:s3+s2], $0x80, v4, vm0, $0xb8;
	[tilespmem:$0x1E400] =	vst v63  }
0x159: {  	s29 =	simm.s32 $0xAC00  }
0x15a: {  	[tilespmem:s29], [sflag:$0x1] =	stream.indirect_vreg.gather [hbm4b:s4+s2], $0x80, v4, vm0, $0xb8;
	[tilespmem:$0x1E400] =	vst v63  }
0x15b: {  	s30 =	simm.s32 $0xB400  }
0x15c: {  	[tilespmem:s30], [sflag:$0x1] =	stream.indirect_vreg.gather [hbm4b:s3+s2], $0x80, v3, vm0, $0xb8;
	[tilespmem:$0x1E400] =	vst v63  }
0x15d: {  	s12 =	simm.s32 $0xBC00  }
0x15e: {  	[tilespmem:s12], [sflag:$0x1] =	stream.indirect_vreg.gather [hbm4b:s4+s2], $0x80, v3, vm0, $0xb8;
	[tilespmem:$0x1E400] =	vst v63  }
0x15f: {  	v3 =	vld [tilespmem:$0x150];
	_ =	sdelay $0x4  }
0x160: {  	v19 =	vshll.u32 v3, $0x2  }
0x161: {  	v3 =	vand.u32 $0x7, v3;
	v4 =	vand.u32 $0xFFFFFFE0, v19  }
0x162: {  	v3 =	vor.u32 v3, v4  }
0x163: {  	v4 =	vperm.xlane v3, v0;
	_ =	sdelay $0x1  }
0x164: {  	v4 =	vadd.s32 v1, v4;
	_ =	sdelay $0x1  }
0x165: {  	v3 =	vperm.xlane v3, v2;
	_ =	sdelay $0x1  }
0x166: {  	s31 =	simm.s32 $0xC400;
	v3 =	vadd.s32 v1, v3  }
0x167: {  	[tilespmem:s31], [sflag:$0x1] =	stream.indirect_vreg.gather [hbm4b:s3+s2], $0x80, v4, vm0, $0xb8;
	[tilespmem:$0x1E400] =	vst v63  }
0x168: {  	s15 =	simm.s32 $0xCC00  }
0x169: {  	[tilespmem:s15], [sflag:$0x1] =	stream.indirect_vreg.gather [hbm4b:s4+s2], $0x80, v4, vm0, $0xb8;
	[tilespmem:$0x1E400] =	vst v63  }
0x16a: {  	s24 =	simm.s32 $0xD400  }
0x16b: {  	[tilespmem:s24], [sflag:$0x1] =	stream.indirect_vreg.gather [hbm4b:s3+s2], $0x80, v3, vm0, $0xb8;
	[tilespmem:$0x1E400] =	vst v63  }
0x16c: {  	s13 =	simm.s32 $0xDC00  }
0x16d: {  	[tilespmem:s13], [sflag:$0x1] =	stream.indirect_vreg.gather [hbm4b:s4+s2], $0x80, v3, vm0, $0xb8;
	[tilespmem:$0x1E400] =	vst v63  }
0x16e: {  	v3 =	vld.msk [tilespmem:$0x160], $0xff;
	_ =	sdelay $0x4  }
0x16f: {  	v20 =	vshll.u32 v3, $0x2  }
0x170: {  	v3 =	vand.u32 $0x7, v3;
	v4 =	vand.u32 $0xFFFFFFE0, v20  }
0x171: {  	v3 =	vor.u32 v3, v4  }
0x172: {  	v3 =	vperm.xlane v3, v0;
	_ =	sdelay $0x1  }
0x173: {  	v3 =	vadd.s32 v1, v3;
	_ =	sdelay $0x3  }
0x174: {  	s28 =	simm.s32 $0xE400  }
0x175: {  	[tilespmem:s28], [sflag:$0x1] =	stream.indirect_vreg.gather [hbm4b:s3+s2], $0x80, v3, vm0, $0xb8;
	[tilespmem:$0x1E400] =	vst v63  }
0x176: {  	s14 =	simm.s32 $0xEC00  }
0x177: {  	[tilespmem:s14], [sflag:$0x1] =	stream.indirect_vreg.gather [hbm4b:s4+s2], $0x80, v3, vm0, $0xb8;
	[tilespmem:$0x1E400] =	vst v63  }
0x178: {  	_ =	swait.ge [sflag:s19], $0xF000  }
0x179: {  	[sflag:s19] =	ssyncset.done $0x0  }
0x17a: {  	s28 =	simm.s32 $0xF400;
	s26 =	rddreg [dreg:$0x5];
	[sflag:s19] =	ssyncadd.s32 $0xFFFF1000  }
0x17b: {  	[hbm4b:s26+s2] =	stream.linear.scatter [tilespmem:s28], [sflag:$0x4], $0xF000, $0x38;
	[tilespmem:$0x1E400] =	vst v63  }
0x17c: {  	_ =	swait.ge [sflag:s21], $0xF000  }
0x17d: {  	[sflag:s21] =	ssyncset.done $0x0  }
0x17e: {  	[sflag:s21] =	ssyncadd.s32 $0xFFFF1000  }
0x17f: {  	v3 =	vld [tilespmem:$0x168];
	_ =	sdelay $0x4  }
0x180: {  	v21 =	vshll.u32 v3, $0x2  }
0x181: {  	v3 =	vand.u32 $0x7, v3;
	v4 =	vand.u32 $0xFFFFFFE0, v21  }
0x182: {  	v3 =	vor.u32 v3, v4  }
0x183: {  	v4 =	vperm.xlane v3, v0;
	_ =	sdelay $0x1  }
0x184: {  	v4 =	vadd.s32 v1, v4;
	_ =	sdelay $0x1  }
0x185: {  	v3 =	vperm.xlane v3, v2;
	_ =	sdelay $0x1  }
0x186: {  	v3 =	vadd.s32 v1, v3  }
0x187: {  	[tilespmem:s28], [sflag:$0x2] =	stream.indirect_vreg.gather [hbm4b:s3+s2], $0x80, v4, vm0, $0xb8;
	[tilespmem:$0x1E400] =	vst v63  }
0x188: {  	s29 =	simm.s32 $0xFC00  }
0x189: {  	[tilespmem:s29], [sflag:$0x2] =	stream.indirect_vreg.gather [hbm4b:s4+s2], $0x80, v4, vm0, $0xb8;
	[tilespmem:$0x1E400] =	vst v63  }
0x18a: {  	s11 =	simm.s32 $0x10400  }
0x18b: {  	[tilespmem:s11], [sflag:$0x2] =	stream.indirect_vreg.gather [hbm4b:s3+s2], $0x80, v3, vm0, $0xb8;
	[tilespmem:$0x1E400] =	vst v63  }
0x18c: {  	s30 =	simm.s32 $0x10C00  }
0x18d: {  	[tilespmem:s30], [sflag:$0x2] =	stream.indirect_vreg.gather [hbm4b:s4+s2], $0x80, v3, vm0, $0xb8;
	[tilespmem:$0x1E400] =	vst v63  }
0x18e: {  	v3 =	vld [tilespmem:$0x178];
	_ =	sdelay $0x4  }
0x18f: {  	v22 =	vshll.u32 v3, $0x2  }
0x190: {  	v3 =	vand.u32 $0x7, v3;
	v4 =	vand.u32 $0xFFFFFFE0, v22  }
0x191: {  	v3 =	vor.u32 v3, v4  }
0x192: {  	v4 =	vperm.xlane v3, v0;
	_ =	sdelay $0x1  }
0x193: {  	v4 =	vadd.s32 v1, v4;
	_ =	sdelay $0x1  }
0x194: {  	v3 =	vperm.xlane v3, v2;
	_ =	sdelay $0x1  }
0x195: {  	s12 =	simm.s32 $0x11400;
	v3 =	vadd.s32 v1, v3  }
0x196: {  	[tilespmem:s12], [sflag:$0x2] =	stream.indirect_vreg.gather [hbm4b:s3+s2], $0x80, v4, vm0, $0xb8;
	[tilespmem:$0x1E400] =	vst v63  }
0x197: {  	s13 =	simm.s32 $0x11C00  }
0x198: {  	[tilespmem:s13], [sflag:$0x2] =	stream.indirect_vreg.gather [hbm4b:s4+s2], $0x80, v4, vm0, $0xb8;
	[tilespmem:$0x1E400] =	vst v63  }
0x199: {  	s14 =	simm.s32 $0x12400  }
0x19a: {  	[tilespmem:s14], [sflag:$0x2] =	stream.indirect_vreg.gather [hbm4b:s3+s2], $0x80, v3, vm0, $0xb8;
	[tilespmem:$0x1E400] =	vst v63  }
0x19b: {  	s31 =	simm.s32 $0x12C00  }
0x19c: {  	[tilespmem:s31], [sflag:$0x2] =	stream.indirect_vreg.gather [hbm4b:s4+s2], $0x80, v3, vm0, $0xb8;
	[tilespmem:$0x1E400] =	vst v63  }
0x19d: {  	v3 =	vld [tilespmem:$0x188];
	_ =	sdelay $0x4  }
0x19e: {  	v23 =	vshll.u32 v3, $0x2  }
0x19f: {  	v3 =	vand.u32 $0x7, v3;
	v4 =	vand.u32 $0xFFFFFFE0, v23  }
0x1a0: {  	v3 =	vor.u32 v3, v4  }
0x1a1: {  	v4 =	vperm.xlane v3, v0;
	_ =	sdelay $0x1  }
0x1a2: {  	v4 =	vadd.s32 v1, v4;
	_ =	sdelay $0x1  }
0x1a3: {  	v3 =	vperm.xlane v3, v2;
	_ =	sdelay $0x1  }
0x1a4: {  	s15 =	simm.s32 $0x13400;
	v3 =	vadd.s32 v1, v3  }
0x1a5: {  	[tilespmem:s15], [sflag:$0x2] =	stream.indirect_vreg.gather [hbm4b:s3+s2], $0x80, v4, vm0, $0xb8;
	[tilespmem:$0x1E400] =	vst v63  }
0x1a6: {  	s16 =	simm.s32 $0x13C00  }
0x1a7: {  	[tilespmem:s16], [sflag:$0x2] =	stream.indirect_vreg.gather [hbm4b:s4+s2], $0x80, v4, vm0, $0xb8;
	[tilespmem:$0x1E400] =	vst v63  }
0x1a8: {  	s23 =	simm.s32 $0x14400  }
0x1a9: {  	[tilespmem:s23], [sflag:$0x2] =	stream.indirect_vreg.gather [hbm4b:s3+s2], $0x80, v3, vm0, $0xb8;
	[tilespmem:$0x1E400] =	vst v63  }
0x1aa: {  	s7 =	simm.s32 $0x14C00  }
0x1ab: {  	[tilespmem:s7], [sflag:$0x2] =	stream.indirect_vreg.gather [hbm4b:s4+s2], $0x80, v3, vm0, $0xb8;
	[tilespmem:$0x1E400] =	vst v63  }
0x1ac: {  	v3 =	vld [tilespmem:$0x198];
	_ =	sdelay $0x4  }
0x1ad: {  	v24 =	vshll.u32 v3, $0x2  }
0x1ae: {  	v3 =	vand.u32 $0x7, v3;
	v4 =	vand.u32 $0xFFFFFFE0, v24  }
0x1af: {  	v3 =	vor.u32 v3, v4  }
0x1b0: {  	v4 =	vperm.xlane v3, v0;
	_ =	sdelay $0x1  }
0x1b1: {  	v4 =	vadd.s32 v1, v4;
	_ =	sdelay $0x1  }
0x1b2: {  	v3 =	vperm.xlane v3, v2;
	_ =	sdelay $0x1  }
0x1b3: {  	s24 =	simm.s32 $0x15400;
	v3 =	vadd.s32 v1, v3  }
0x1b4: {  	[tilespmem:s24], [sflag:$0x2] =	stream.indirect_vreg.gather [hbm4b:s3+s2], $0x80, v4, vm0, $0xb8;
	[tilespmem:$0x1E400] =	vst v63  }
0x1b5: {  	s25 =	simm.s32 $0x15C00  }
0x1b6: {  	[tilespmem:s25], [sflag:$0x2] =	stream.indirect_vreg.gather [hbm4b:s4+s2], $0x80, v4, vm0, $0xb8;
	[tilespmem:$0x1E400] =	vst v63  }
0x1b7: {  	s26 =	simm.s32 $0x16400  }
0x1b8: {  	[tilespmem:s26], [sflag:$0x2] =	stream.indirect_vreg.gather [hbm4b:s3+s2], $0x80, v3, vm0, $0xb8;
	[tilespmem:$0x1E400] =	vst v63  }
0x1b9: {  	s9 =	simm.s32 $0x16C00  }
0x1ba: {  	[tilespmem:s9], [sflag:$0x2] =	stream.indirect_vreg.gather [hbm4b:s4+s2], $0x80, v3, vm0, $0xb8;
	[tilespmem:$0x1E400] =	vst v63  }
0x1bb: {  	v3 =	vld [tilespmem:$0x1A8];
	_ =	sdelay $0x4  }
0x1bc: {  	v25 =	vshll.u32 v3, $0x2  }
0x1bd: {  	v3 =	vand.u32 $0x7, v3;
	v4 =	vand.u32 $0xFFFFFFE0, v25  }
0x1be: {  	v3 =	vor.u32 v3, v4  }
0x1bf: {  	v4 =	vperm.xlane v3, v0;
	_ =	sdelay $0x1  }
0x1c0: {  	v4 =	vadd.s32 v1, v4;
	_ =	sdelay $0x1  }
0x1c1: {  	v3 =	vperm.xlane v3, v2;
	_ =	sdelay $0x1  }
0x1c2: {  	s28 =	simm.s32 $0x17400;
	v3 =	vadd.s32 v1, v3  }
0x1c3: {  	[tilespmem:s28], [sflag:$0x2] =	stream.indirect_vreg.gather [hbm4b:s3+s2], $0x80, v4, vm0, $0xb8;
	[tilespmem:$0x1E400] =	vst v63  }
0x1c4: {  	s29 =	simm.s32 $0x17C00  }
0x1c5: {  	[tilespmem:s29], [sflag:$0x2] =	stream.indirect_vreg.gather [hbm4b:s4+s2], $0x80, v4, vm0, $0xb8;
	[tilespmem:$0x1E400] =	vst v63  }
0x1c6: {  	s30 =	simm.s32 $0x18400  }
0x1c7: {  	[tilespmem:s30], [sflag:$0x2] =	stream.indirect_vreg.gather [hbm4b:s3+s2], $0x80, v3, vm0, $0xb8;
	[tilespmem:$0x1E400] =	vst v63  }
0x1c8: {  	s10 =	simm.s32 $0x18C00  }
0x1c9: {  	[tilespmem:s10], [sflag:$0x2] =	stream.indirect_vreg.gather [hbm4b:s4+s2], $0x80, v3, vm0, $0xb8;
	[tilespmem:$0x1E400] =	vst v63  }
0x1ca: {  	v3 =	vld [tilespmem:$0x1B8];
	_ =	sdelay $0x4  }
0x1cb: {  	v26 =	vshll.u32 v3, $0x2  }
0x1cc: {  	v3 =	vand.u32 $0x7, v3;
	v4 =	vand.u32 $0xFFFFFFE0, v26  }
0x1cd: {  	v3 =	vor.u32 v3, v4  }
0x1ce: {  	v4 =	vperm.xlane v3, v0;
	_ =	sdelay $0x1  }
0x1cf: {  	v4 =	vadd.s32 v1, v4;
	_ =	sdelay $0x1  }
0x1d0: {  	v3 =	vperm.xlane v3, v2;
	_ =	sdelay $0x1  }
0x1d1: {  	s31 =	simm.s32 $0x19400;
	v3 =	vadd.s32 v1, v3  }
0x1d2: {  	[tilespmem:s31], [sflag:$0x2] =	stream.indirect_vreg.gather [hbm4b:s3+s2], $0x80, v4, vm0, $0xb8;
	[tilespmem:$0x1E400] =	vst v63  }
0x1d3: {  	s22 =	simm.s32 $0x19C00  }
0x1d4: {  	[tilespmem:s22], [sflag:$0x2] =	stream.indirect_vreg.gather [hbm4b:s4+s2], $0x80, v4, vm0, $0xb8;
	[tilespmem:$0x1E400] =	vst v63  }
0x1d5: {  	s7 =	simm.s32 $0x1A400  }
0x1d6: {  	[tilespmem:s7], [sflag:$0x2] =	stream.indirect_vreg.gather [hbm4b:s3+s2], $0x80, v3, vm0, $0xb8;
	[tilespmem:$0x1E400] =	vst v63  }
0x1d7: {  	s9 =	simm.s32 $0x1AC00  }
0x1d8: {  	[tilespmem:s9], [sflag:$0x2] =	stream.indirect_vreg.gather [hbm4b:s4+s2], $0x80, v3, vm0, $0xb8;
	[tilespmem:$0x1E400] =	vst v63  }
0x1d9: {  	v3 =	vld [tilespmem:$0x1C8];
	_ =	sdelay $0x4  }
0x1da: {  	v27 =	vshll.u32 v3, $0x2  }
0x1db: {  	v3 =	vand.u32 $0x7, v3;
	v4 =	vand.u32 $0xFFFFFFE0, v27  }
0x1dc: {  	v3 =	vor.u32 v3, v4  }
0x1dd: {  	v4 =	vperm.xlane v3, v0;
	_ =	sdelay $0x1  }
0x1de: {  	v4 =	vadd.s32 v1, v4;
	_ =	sdelay $0x1  }
0x1df: {  	v3 =	vperm.xlane v3, v2;
	_ =	sdelay $0x1  }
0x1e0: {  	s10 =	simm.s32 $0x1B400;
	v3 =	vadd.s32 v1, v3  }
0x1e1: {  	[tilespmem:s10], [sflag:$0x2] =	stream.indirect_vreg.gather [hbm4b:s3+s2], $0x80, v4, vm0, $0xb8;
	[tilespmem:$0x1E400] =	vst v63  }
0x1e2: {  	s22 =	simm.s32 $0x1BC00  }
0x1e3: {  	[tilespmem:s22], [sflag:$0x2] =	stream.indirect_vreg.gather [hbm4b:s4+s2], $0x80, v4, vm0, $0xb8;
	[tilespmem:$0x1E400] =	vst v63  }
0x1e4: {  	s7 =	simm.s32 $0x1C400  }
0x1e5: {  	[tilespmem:s7], [sflag:$0x2] =	stream.indirect_vreg.gather [hbm4b:s3+s2], $0x80, v3, vm0, $0xb8;
	[tilespmem:$0x1E400] =	vst v63  }
0x1e6: {  	s9 =	simm.s32 $0x1CC00  }
0x1e7: {  	[tilespmem:s9], [sflag:$0x2] =	stream.indirect_vreg.gather [hbm4b:s4+s2], $0x80, v3, vm0, $0xb8;
	[tilespmem:$0x1E400] =	vst v63  }
0x1e8: {  	v3 =	vld.msk [tilespmem:$0x1D8], $0xff;
	_ =	sdelay $0x4  }
0x1e9: {  	v28 =	vshll.u32 v3, $0x2  }
0x1ea: {  	v3 =	vand.u32 $0x7, v3;
	v4 =	vand.u32 $0xFFFFFFE0, v28  }
0x1eb: {  	v3 =	vor.u32 v3, v4  }
0x1ec: {  	v3 =	vperm.xlane v3, v0;
	_ =	sdelay $0x1  }
0x1ed: {  	v3 =	vadd.s32 v1, v3;
	_ =	sdelay $0x3  }
0x1ee: {  	s10 =	simm.s32 $0x1D400  }
0x1ef: {  	[tilespmem:s10], [sflag:$0x2] =	stream.indirect_vreg.gather [hbm4b:s3+s2], $0x80, v3, vm0, $0xb8;
	[tilespmem:$0x1E400] =	vst v63  }
0x1f0: {  	s22 =	simm.s32 $0x1DC00  }
0x1f1: {  	[tilespmem:s22], [sflag:$0x2] =	stream.indirect_vreg.gather [hbm4b:s4+s2], $0x80, v3, vm0, $0xb8;
	[tilespmem:$0x1E400] =	vst v63  }
0x1f2: {  	_ =	swait.ge [sflag:s17], $0xF000  }
0x1f3: {  	[sflag:s17] =	ssyncset.done $0x0  }
0x1f4: {  	s9 =	simm.s32 $0x400;
	s7 =	rddreg [dreg:$0x6];
	[sflag:s17] =	ssyncadd.s32 $0xFFFF1000  }
0x1f5: {  	[hbm4b:s7+s2] =	stream.linear.scatter [tilespmem:s9], [sflag:$0x3], $0xF000, $0x38;
	[tilespmem:$0x1E400] =	vst v63  }
0x1f6: {  	_ =	swait.ge [sflag:s18], $0xF000  }
0x1f7: {  	[sflag:s18] =	ssyncset.done $0x0  }
0x1f8: {  	[sflag:s18] =	ssyncadd.s32 $0xFFFF1000  }
0x1f9: {  	v3 =	vld [tilespmem:$0x1E0];
	_ =	sdelay $0x4  }
0x1fa: {  	v29 =	vshll.u32 v3, $0x2  }
0x1fb: {  	v3 =	vand.u32 $0x7, v3;
	v4 =	vand.u32 $0xFFFFFFE0, v29  }
0x1fc: {  	v3 =	vor.u32 v3, v4  }
0x1fd: {  	v4 =	vperm.xlane v3, v0;
	_ =	sdelay $0x1  }
0x1fe: {  	v4 =	vadd.s32 v1, v4;
	_ =	sdelay $0x1  }
0x1ff: {  	v3 =	vperm.xlane v3, v2;
	_ =	sdelay $0x1  }
0x200: {  	v3 =	vadd.s32 v1, v3  }
0x201: {  	[tilespmem:s9], [sflag:$0x1] =	stream.indirect_vreg.gather [hbm4b:s3+s2], $0x80, v4, vm0, $0xb8;
	[tilespmem:$0x1E400] =	vst v63  }
0x202: {  	s10 =	simm.s32 $0xC00  }
0x203: {  	[tilespmem:s10], [sflag:$0x1] =	stream.indirect_vreg.gather [hbm4b:s4+s2], $0x80, v4, vm0, $0xb8;
	[tilespmem:$0x1E400] =	vst v63  }
0x204: {  	_ = 	snop  }
0x205: {  	[tilespmem:s1], [sflag:$0x1] =	stream.indirect_vreg.gather [hbm4b:s3+s2], $0x80, v3, vm0, $0xb8;
	[tilespmem:$0x1E400] =	vst v63  }
0x206: {  	s7 =	simm.s32 $0x1C00  }
0x207: {  	[tilespmem:s7], [sflag:$0x1] =	stream.indirect_vreg.gather [hbm4b:s4+s2], $0x80, v3, vm0, $0xb8;
	[tilespmem:$0x1E400] =	vst v63  }
0x208: {  	v3 =	vld [tilespmem:$0x1F0];
	_ =	sdelay $0x4  }
0x209: {  	v30 =	vshll.u32 v3, $0x2  }
0x20a: {  	v3 =	vand.u32 $0x7, v3;
	v4 =	vand.u32 $0xFFFFFFE0, v30  }
0x20b: {  	v3 =	vor.u32 v3, v4  }
0x20c: {  	v4 =	vperm.xlane v3, v0;
	_ =	sdelay $0x1  }
0x20d: {  	v4 =	vadd.s32 v1, v4;
	_ =	sdelay $0x1  }
0x20e: {  	v3 =	vperm.xlane v3, v2;
	_ =	sdelay $0x1  }
0x20f: {  	v3 =	vadd.s32 v1, v3  }
0x210: {  	[tilespmem:s6], [sflag:$0x1] =	stream.indirect_vreg.gather [hbm4b:s3+s2], $0x80, v4, vm0, $0xb8;
	[tilespmem:$0x1E400] =	vst v63  }
0x211: {  	_ = 	snop  }
0x212: {  	[tilespmem:s20], [sflag:$0x1] =	stream.indirect_vreg.gather [hbm4b:s4+s2], $0x80, v4, vm0, $0xb8;
	[tilespmem:$0x1E400] =	vst v63  }
0x213: {  	_ = 	snop  }
0x214: {  	[tilespmem:s8], [sflag:$0x1] =	stream.indirect_vreg.gather [hbm4b:s3+s2], $0x80, v3, vm0, $0xb8;
	[tilespmem:$0x1E400] =	vst v63  }
0x215: {  	s9 =	simm.s32 $0x3C00  }
0x216: {  	[tilespmem:s9], [sflag:$0x1] =	stream.indirect_vreg.gather [hbm4b:s4+s2], $0x80, v3, vm0, $0xb8;
	[tilespmem:$0x1E400] =	vst v63  }
0x217: {  	v3 =	vld [tilespmem:$0x200];
	_ =	sdelay $0x4  }
0x218: {  	v31 =	vshll.u32 v3, $0x2  }
0x219: {  	v3 =	vand.u32 $0x7, v3;
	v4 =	vand.u32 $0xFFFFFFE0, v31  }
0x21a: {  	v3 =	vor.u32 v3, v4  }
0x21b: {  	v4 =	vperm.xlane v3, v0;
	_ =	sdelay $0x1  }
0x21c: {  	v4 =	vadd.s32 v1, v4;
	_ =	sdelay $0x1  }
0x21d: {  	v3 =	vperm.xlane v3, v2;
	_ =	sdelay $0x1  }
0x21e: {  	s22 =	simm.s32 $0x4400;
	v3 =	vadd.s32 v1, v3  }
0x21f: {  	[tilespmem:s22], [sflag:$0x1] =	stream.indirect_vreg.gather [hbm4b:s3+s2], $0x80, v4, vm0, $0xb8;
	[tilespmem:$0x1E400] =	vst v63  }
0x220: {  	s10 =	simm.s32 $0x4C00  }
0x221: {  	[tilespmem:s10], [sflag:$0x1] =	stream.indirect_vreg.gather [hbm4b:s4+s2], $0x80, v4, vm0, $0xb8;
	[tilespmem:$0x1E400] =	vst v63  }
0x222: {  	s1 =	simm.s32 $0x5400  }
0x223: {  	[tilespmem:s1], [sflag:$0x1] =	stream.indirect_vreg.gather [hbm4b:s3+s2], $0x80, v3, vm0, $0xb8;
	[tilespmem:$0x1E400] =	vst v63  }
0x224: {  	s6 =	simm.s32 $0x5C00  }
0x225: {  	[tilespmem:s6], [sflag:$0x1] =	stream.indirect_vreg.gather [hbm4b:s4+s2], $0x80, v3, vm0, $0xb8;
	[tilespmem:$0x1E400] =	vst v63  }
0x226: {  	v3 =	vld [tilespmem:$0x210];
	_ =	sdelay $0x4  }
0x227: {  	v32 =	vshll.u32 v3, $0x2  }
0x228: {  	v3 =	vand.u32 $0x7, v3;
	v4 =	vand.u32 $0xFFFFFFE0, v32  }
0x229: {  	v3 =	vor.u32 v3, v4  }
0x22a: {  	v4 =	vperm.xlane v3, v0;
	_ =	sdelay $0x1  }
0x22b: {  	v4 =	vadd.s32 v1, v4;
	_ =	sdelay $0x1  }
0x22c: {  	v3 =	vperm.xlane v3, v2;
	_ =	sdelay $0x1  }
0x22d: {  	s8 =	simm.s32 $0x6400;
	v3 =	vadd.s32 v1, v3  }
0x22e: {  	[tilespmem:s8], [sflag:$0x1] =	stream.indirect_vreg.gather [hbm4b:s3+s2], $0x80, v4, vm0, $0xb8;
	[tilespmem:$0x1E400] =	vst v63  }
0x22f: {  	s20 =	simm.s32 $0x6C00  }
0x230: {  	[tilespmem:s20], [sflag:$0x1] =	stream.indirect_vreg.gather [hbm4b:s4+s2], $0x80, v4, vm0, $0xb8;
	[tilespmem:$0x1E400] =	vst v63  }
0x231: {  	s22 =	simm.s32 $0x7400  }
0x232: {  	[tilespmem:s22], [sflag:$0x1] =	stream.indirect_vreg.gather [hbm4b:s3+s2], $0x80, v3, vm0, $0xb8;
	[tilespmem:$0x1E400] =	vst v63  }
0x233: {  	s1 =	simm.s32 $0x7C00  }
0x234: {  	[tilespmem:s1], [sflag:$0x1] =	stream.indirect_vreg.gather [hbm4b:s4+s2], $0x80, v3, vm0, $0xb8;
	[tilespmem:$0x1E400] =	vst v63  }
0x235: {  	v3 =	vld [tilespmem:$0x220];
	_ =	sdelay $0x4  }
0x236: {  	v33 =	vshll.u32 v3, $0x2  }
0x237: {  	v3 =	vand.u32 $0x7, v3;
	v4 =	vand.u32 $0xFFFFFFE0, v33  }
0x238: {  	v3 =	vor.u32 v3, v4  }
0x239: {  	v4 =	vperm.xlane v3, v0;
	_ =	sdelay $0x1  }
0x23a: {  	v4 =	vadd.s32 v1, v4;
	_ =	sdelay $0x1  }
0x23b: {  	v3 =	vperm.xlane v3, v2;
	_ =	sdelay $0x1  }
0x23c: {  	s6 =	simm.s32 $0x8400;
	v3 =	vadd.s32 v1, v3  }
0x23d: {  	[tilespmem:s6], [sflag:$0x1] =	stream.indirect_vreg.gather [hbm4b:s3+s2], $0x80, v4, vm0, $0xb8;
	[tilespmem:$0x1E400] =	vst v63  }
0x23e: {  	s8 =	simm.s32 $0x8C00  }
0x23f: {  	[tilespmem:s8], [sflag:$0x1] =	stream.indirect_vreg.gather [hbm4b:s4+s2], $0x80, v4, vm0, $0xb8;
	[tilespmem:$0x1E400] =	vst v63  }
0x240: {  	s20 =	simm.s32 $0x9400  }
0x241: {  	[tilespmem:s20], [sflag:$0x1] =	stream.indirect_vreg.gather [hbm4b:s3+s2], $0x80, v3, vm0, $0xb8;
	[tilespmem:$0x1E400] =	vst v63  }
0x242: {  	s22 =	simm.s32 $0x9C00  }
0x243: {  	[tilespmem:s22], [sflag:$0x1] =	stream.indirect_vreg.gather [hbm4b:s4+s2], $0x80, v3, vm0, $0xb8;
	[tilespmem:$0x1E400] =	vst v63  }
0x244: {  	v3 =	vld [tilespmem:$0x230];
	_ =	sdelay $0x4  }
0x245: {  	v34 =	vshll.u32 v3, $0x2  }
0x246: {  	v3 =	vand.u32 $0x7, v3;
	v4 =	vand.u32 $0xFFFFFFE0, v34  }
0x247: {  	v3 =	vor.u32 v3, v4  }
0x248: {  	v4 =	vperm.xlane v3, v0;
	_ =	sdelay $0x1  }
0x249: {  	v4 =	vadd.s32 v1, v4;
	_ =	sdelay $0x1  }
0x24a: {  	v3 =	vperm.xlane v3, v2;
	_ =	sdelay $0x1  }
0x24b: {  	s1 =	simm.s32 $0xA400;
	v3 =	vadd.s32 v1, v3  }
0x24c: {  	[tilespmem:s1], [sflag:$0x1] =	stream.indirect_vreg.gather [hbm4b:s3+s2], $0x80, v4, vm0, $0xb8;
	[tilespmem:$0x1E400] =	vst v63  }
0x24d: {  	s6 =	simm.s32 $0xAC00  }
0x24e: {  	[tilespmem:s6], [sflag:$0x1] =	stream.indirect_vreg.gather [hbm4b:s4+s2], $0x80, v4, vm0, $0xb8;
	[tilespmem:$0x1E400] =	vst v63  }
0x24f: {  	s8 =	simm.s32 $0xB400  }
0x250: {  	[tilespmem:s8], [sflag:$0x1] =	stream.indirect_vreg.gather [hbm4b:s3+s2], $0x80, v3, vm0, $0xb8;
	[tilespmem:$0x1E400] =	vst v63  }
0x251: {  	s20 =	simm.s32 $0xBC00  }
0x252: {  	[tilespmem:s20], [sflag:$0x1] =	stream.indirect_vreg.gather [hbm4b:s4+s2], $0x80, v3, vm0, $0xb8;
	[tilespmem:$0x1E400] =	vst v63  }
0x253: {  	v3 =	vld [tilespmem:$0x240];
	_ =	sdelay $0x4  }
0x254: {  	v35 =	vshll.u32 v3, $0x2  }
0x255: {  	v3 =	vand.u32 $0x7, v3;
	v4 =	vand.u32 $0xFFFFFFE0, v35  }
0x256: {  	v3 =	vor.u32 v3, v4  }
0x257: {  	v4 =	vperm.xlane v3, v0;
	_ =	sdelay $0x1  }
0x258: {  	v4 =	vadd.s32 v1, v4;
	_ =	sdelay $0x1  }
0x259: {  	v3 =	vperm.xlane v3, v2;
	_ =	sdelay $0x1  }
0x25a: {  	s22 =	simm.s32 $0xC400;
	v3 =	vadd.s32 v1, v3  }
0x25b: {  	[tilespmem:s22], [sflag:$0x1] =	stream.indirect_vreg.gather [hbm4b:s3+s2], $0x80, v4, vm0, $0xb8;
	[tilespmem:$0x1E400] =	vst v63  }
0x25c: {  	s1 =	simm.s32 $0xCC00  }
0x25d: {  	[tilespmem:s1], [sflag:$0x1] =	stream.indirect_vreg.gather [hbm4b:s4+s2], $0x80, v4, vm0, $0xb8;
	[tilespmem:$0x1E400] =	vst v63  }
0x25e: {  	s6 =	simm.s32 $0xD400  }
0x25f: {  	[tilespmem:s6], [sflag:$0x1] =	stream.indirect_vreg.gather [hbm4b:s3+s2], $0x80, v3, vm0, $0xb8;
	[tilespmem:$0x1E400] =	vst v63  }
0x260: {  	s8 =	simm.s32 $0xDC00  }
0x261: {  	[tilespmem:s8], [sflag:$0x1] =	stream.indirect_vreg.gather [hbm4b:s4+s2], $0x80, v3, vm0, $0xb8;
	[tilespmem:$0x1E400] =	vst v63  }
0x262: {  	v3 =	vld.msk [tilespmem:$0x250], $0xff;
	_ =	sdelay $0x4  }
0x263: {  	v36 =	vshll.u32 v3, $0x2  }
0x264: {  	v3 =	vand.u32 $0x7, v3;
	v4 =	vand.u32 $0xFFFFFFE0, v36  }
0x265: {  	v3 =	vor.u32 v3, v4  }
0x266: {  	v3 =	vperm.xlane v3, v0;
	_ =	sdelay $0x1  }
0x267: {  	v3 =	vadd.s32 v1, v3;
	_ =	sdelay $0x3  }
0x268: {  	s20 =	simm.s32 $0xE400  }
0x269: {  	[tilespmem:s20], [sflag:$0x1] =	stream.indirect_vreg.gather [hbm4b:s3+s2], $0x80, v3, vm0, $0xb8;
	[tilespmem:$0x1E400] =	vst v63  }
0x26a: {  	s22 =	simm.s32 $0xEC00  }
0x26b: {  	[tilespmem:s22], [sflag:$0x1] =	stream.indirect_vreg.gather [hbm4b:s4+s2], $0x80, v3, vm0, $0xb8;
	[tilespmem:$0x1E400] =	vst v63  }
0x26c: {  	_ =	swait.ge [sflag:s19], $0xF000  }
0x26d: {  	[sflag:s19] =	ssyncset.done $0x0  }
0x26e: {  	s6 =	simm.s32 $0xF400;
	s1 =	rddreg [dreg:$0x7];
	[sflag:s19] =	ssyncadd.s32 $0xFFFF1000  }
0x26f: {  	[hbm4b:s1+s2] =	stream.linear.scatter [tilespmem:s6], [sflag:$0x4], $0xF000, $0x38;
	[tilespmem:$0x1E400] =	vst v63  }
0x270: {  	_ =	swait.ge [sflag:s21], $0xF000  }
0x271: {  	[sflag:s21] =	ssyncset.done $0x0  }
0x272: {  	[sflag:s21] =	ssyncadd.s32 $0xFFFF1000  }
0x273: {  	v3 =	vld [tilespmem:$0x258];
	_ =	sdelay $0x4  }
0x274: {  	v37 =	vshll.u32 v3, $0x2  }
0x275: {  	v3 =	vand.u32 $0x7, v3;
	v4 =	vand.u32 $0xFFFFFFE0, v37  }
0x276: {  	v3 =	vor.u32 v3, v4  }
0x277: {  	v4 =	vperm.xlane v3, v0;
	_ =	sdelay $0x1  }
0x278: {  	v4 =	vadd.s32 v1, v4;
	_ =	sdelay $0x1  }
0x279: {  	v3 =	vperm.xlane v3, v2;
	_ =	sdelay $0x1  }
0x27a: {  	v3 =	vadd.s32 v1, v3  }
0x27b: {  	[tilespmem:s6], [sflag:$0x2] =	stream.indirect_vreg.gather [hbm4b:s3+s2], $0x80, v4, vm0, $0xb8;
	[tilespmem:$0x1E400] =	vst v63  }
0x27c: {  	s8 =	simm.s32 $0xFC00  }
0x27d: {  	[tilespmem:s8], [sflag:$0x2] =	stream.indirect_vreg.gather [hbm4b:s4+s2], $0x80, v4, vm0, $0xb8;
	[tilespmem:$0x1E400] =	vst v63  }
0x27e: {  	_ = 	snop  }
0x27f: {  	[tilespmem:s11], [sflag:$0x2] =	stream.indirect_vreg.gather [hbm4b:s3+s2], $0x80, v3, vm0, $0xb8;
	[tilespmem:$0x1E400] =	vst v63  }
0x280: {  	s11 =	simm.s32 $0x10C00  }
0x281: {  	[tilespmem:s11], [sflag:$0x2] =	stream.indirect_vreg.gather [hbm4b:s4+s2], $0x80, v3, vm0, $0xb8;
	[tilespmem:$0x1E400] =	vst v63  }
0x282: {  	v3 =	vld [tilespmem:$0x268];
	_ =	sdelay $0x4  }
0x283: {  	v38 =	vshll.u32 v3, $0x2  }
0x284: {  	v3 =	vand.u32 $0x7, v3;
	v4 =	vand.u32 $0xFFFFFFE0, v38  }
0x285: {  	v3 =	vor.u32 v3, v4  }
0x286: {  	v4 =	vperm.xlane v3, v0;
	_ =	sdelay $0x1  }
0x287: {  	v4 =	vadd.s32 v1, v4;
	_ =	sdelay $0x1  }
0x288: {  	v3 =	vperm.xlane v3, v2;
	_ =	sdelay $0x1  }
0x289: {  	v3 =	vadd.s32 v1, v3  }
0x28a: {  	[tilespmem:s12], [sflag:$0x2] =	stream.indirect_vreg.gather [hbm4b:s3+s2], $0x80, v4, vm0, $0xb8;
	[tilespmem:$0x1E400] =	vst v63  }
0x28b: {  	_ = 	snop  }
0x28c: {  	[tilespmem:s13], [sflag:$0x2] =	stream.indirect_vreg.gather [hbm4b:s4+s2], $0x80, v4, vm0, $0xb8;
	[tilespmem:$0x1E400] =	vst v63  }
0x28d: {  	_ = 	snop  }
0x28e: {  	[tilespmem:s14], [sflag:$0x2] =	stream.indirect_vreg.gather [hbm4b:s3+s2], $0x80, v3, vm0, $0xb8;
	[tilespmem:$0x1E400] =	vst v63  }
0x28f: {  	s22 =	simm.s32 $0x12C00  }
0x290: {  	[tilespmem:s22], [sflag:$0x2] =	stream.indirect_vreg.gather [hbm4b:s4+s2], $0x80, v3, vm0, $0xb8;
	[tilespmem:$0x1E400] =	vst v63  }
0x291: {  	v3 =	vld [tilespmem:$0x278];
	_ =	sdelay $0x4  }
0x292: {  	v39 =	vshll.u32 v3, $0x2  }
0x293: {  	v3 =	vand.u32 $0x7, v3;
	v4 =	vand.u32 $0xFFFFFFE0, v39  }
0x294: {  	v3 =	vor.u32 v3, v4  }
0x295: {  	v4 =	vperm.xlane v3, v0;
	_ =	sdelay $0x1  }
0x296: {  	v4 =	vadd.s32 v1, v4;
	_ =	sdelay $0x1  }
0x297: {  	v3 =	vperm.xlane v3, v2;
	_ =	sdelay $0x1  }
0x298: {  	v3 =	vadd.s32 v1, v3  }
0x299: {  	[tilespmem:s15], [sflag:$0x2] =	stream.indirect_vreg.gather [hbm4b:s3+s2], $0x80, v4, vm0, $0xb8;
	[tilespmem:$0x1E400] =	vst v63  }
0x29a: {  	_ = 	snop  }
0x29b: {  	[tilespmem:s16], [sflag:$0x2] =	stream.indirect_vreg.gather [hbm4b:s4+s2], $0x80, v4, vm0, $0xb8;
	[tilespmem:$0x1E400] =	vst v63  }
0x29c: {  	_ = 	snop  }
0x29d: {  	[tilespmem:s23], [sflag:$0x2] =	stream.indirect_vreg.gather [hbm4b:s3+s2], $0x80, v3, vm0, $0xb8;
	[tilespmem:$0x1E400] =	vst v63  }
0x29e: {  	s23 =	simm.s32 $0x14C00  }
0x29f: {  	[tilespmem:s23], [sflag:$0x2] =	stream.indirect_vreg.gather [hbm4b:s4+s2], $0x80, v3, vm0, $0xb8;
	[tilespmem:$0x1E400] =	vst v63  }
0x2a0: {  	v3 =	vld [tilespmem:$0x288];
	_ =	sdelay $0x4  }
0x2a1: {  	v40 =	vshll.u32 v3, $0x2  }
0x2a2: {  	v3 =	vand.u32 $0x7, v3;
	v4 =	vand.u32 $0xFFFFFFE0, v40  }
0x2a3: {  	v3 =	vor.u32 v3, v4  }
0x2a4: {  	v4 =	vperm.xlane v3, v0;
	_ =	sdelay $0x1  }
0x2a5: {  	v4 =	vadd.s32 v1, v4;
	_ =	sdelay $0x1  }
0x2a6: {  	v3 =	vperm.xlane v3, v2;
	_ =	sdelay $0x1  }
0x2a7: {  	v3 =	vadd.s32 v1, v3  }
0x2a8: {  	[tilespmem:s24], [sflag:$0x2] =	stream.indirect_vreg.gather [hbm4b:s3+s2], $0x80, v4, vm0, $0xb8;
	[tilespmem:$0x1E400] =	vst v63  }
0x2a9: {  	_ = 	snop  }
0x2aa: {  	[tilespmem:s25], [sflag:$0x2] =	stream.indirect_vreg.gather [hbm4b:s4+s2], $0x80, v4, vm0, $0xb8;
	[tilespmem:$0x1E400] =	vst v63  }
0x2ab: {  	_ = 	snop  }
0x2ac: {  	[tilespmem:s26], [sflag:$0x2] =	stream.indirect_vreg.gather [hbm4b:s3+s2], $0x80, v3, vm0, $0xb8;
	[tilespmem:$0x1E400] =	vst v63  }
0x2ad: {  	s26 =	simm.s32 $0x16C00  }
0x2ae: {  	[tilespmem:s26], [sflag:$0x2] =	stream.indirect_vreg.gather [hbm4b:s4+s2], $0x80, v3, vm0, $0xb8;
	[tilespmem:$0x1E400] =	vst v63  }
0x2af: {  	v3 =	vld [tilespmem:$0x298];
	_ =	sdelay $0x4  }
0x2b0: {  	v41 =	vshll.u32 v3, $0x2  }
0x2b1: {  	v3 =	vand.u32 $0x7, v3;
	v4 =	vand.u32 $0xFFFFFFE0, v41  }
0x2b2: {  	v3 =	vor.u32 v3, v4  }
0x2b3: {  	v4 =	vperm.xlane v3, v0;
	_ =	sdelay $0x1  }
0x2b4: {  	v4 =	vadd.s32 v1, v4;
	_ =	sdelay $0x1  }
0x2b5: {  	v3 =	vperm.xlane v3, v2;
	_ =	sdelay $0x1  }
0x2b6: {  	v3 =	vadd.s32 v1, v3  }
0x2b7: {  	[tilespmem:s28], [sflag:$0x2] =	stream.indirect_vreg.gather [hbm4b:s3+s2], $0x80, v4, vm0, $0xb8;
	[tilespmem:$0x1E400] =	vst v63  }
0x2b8: {  	_ = 	snop  }
0x2b9: {  	[tilespmem:s29], [sflag:$0x2] =	stream.indirect_vreg.gather [hbm4b:s4+s2], $0x80, v4, vm0, $0xb8;
	[tilespmem:$0x1E400] =	vst v63  }
0x2ba: {  	_ = 	snop  }
0x2bb: {  	[tilespmem:s30], [sflag:$0x2] =	stream.indirect_vreg.gather [hbm4b:s3+s2], $0x80, v3, vm0, $0xb8;
	[tilespmem:$0x1E400] =	vst v63  }
0x2bc: {  	s1 =	simm.s32 $0x18C00  }
0x2bd: {  	[tilespmem:s1], [sflag:$0x2] =	stream.indirect_vreg.gather [hbm4b:s4+s2], $0x80, v3, vm0, $0xb8;
	[tilespmem:$0x1E400] =	vst v63  }
0x2be: {  	v3 =	vld [tilespmem:$0x2A8];
	_ =	sdelay $0x4  }
0x2bf: {  	v42 =	vshll.u32 v3, $0x2  }
0x2c0: {  	v3 =	vand.u32 $0x7, v3;
	v4 =	vand.u32 $0xFFFFFFE0, v42  }
0x2c1: {  	v3 =	vor.u32 v3, v4  }
0x2c2: {  	v4 =	vperm.xlane v3, v0;
	_ =	sdelay $0x1  }
0x2c3: {  	v4 =	vadd.s32 v1, v4;
	_ =	sdelay $0x1  }
0x2c4: {  	v3 =	vperm.xlane v3, v2;
	_ =	sdelay $0x1  }
0x2c5: {  	v3 =	vadd.s32 v1, v3  }
0x2c6: {  	[tilespmem:s31], [sflag:$0x2] =	stream.indirect_vreg.gather [hbm4b:s3+s2], $0x80, v4, vm0, $0xb8;
	[tilespmem:$0x1E400] =	vst v63  }
0x2c7: {  	s6 =	simm.s32 $0x19C00  }
0x2c8: {  	[tilespmem:s6], [sflag:$0x2] =	stream.indirect_vreg.gather [hbm4b:s4+s2], $0x80, v4, vm0, $0xb8;
	[tilespmem:$0x1E400] =	vst v63  }
0x2c9: {  	s8 =	simm.s32 $0x1A400  }
0x2ca: {  	[tilespmem:s8], [sflag:$0x2] =	stream.indirect_vreg.gather [hbm4b:s3+s2], $0x80, v3, vm0, $0xb8;
	[tilespmem:$0x1E400] =	vst v63  }
0x2cb: {  	s22 =	simm.s32 $0x1AC00  }
0x2cc: {  	[tilespmem:s22], [sflag:$0x2] =	stream.indirect_vreg.gather [hbm4b:s4+s2], $0x80, v3, vm0, $0xb8;
	[tilespmem:$0x1E400] =	vst v63  }
0x2cd: {  	v3 =	vld [tilespmem:$0x2B8];
	_ =	sdelay $0x4  }
0x2ce: {  	v43 =	vshll.u32 v3, $0x2  }
0x2cf: {  	v3 =	vand.u32 $0x7, v3;
	v4 =	vand.u32 $0xFFFFFFE0, v43  }
0x2d0: {  	v3 =	vor.u32 v3, v4  }
0x2d1: {  	v4 =	vperm.xlane v3, v0;
	_ =	sdelay $0x1  }
0x2d2: {  	v4 =	vadd.s32 v1, v4;
	_ =	sdelay $0x1  }
0x2d3: {  	v3 =	vperm.xlane v3, v2;
	_ =	sdelay $0x1  }
0x2d4: {  	s1 =	simm.s32 $0x1B400;
	v3 =	vadd.s32 v1, v3  }
0x2d5: {  	[tilespmem:s1], [sflag:$0x2] =	stream.indirect_vreg.gather [hbm4b:s3+s2], $0x80, v4, vm0, $0xb8;
	[tilespmem:$0x1E400] =	vst v63  }
0x2d6: {  	s6 =	simm.s32 $0x1BC00  }
0x2d7: {  	[tilespmem:s6], [sflag:$0x2] =	stream.indirect_vreg.gather [hbm4b:s4+s2], $0x80, v4, vm0, $0xb8;
	[tilespmem:$0x1E400] =	vst v63  }
0x2d8: {  	s8 =	simm.s32 $0x1C400  }
0x2d9: {  	[tilespmem:s8], [sflag:$0x2] =	stream.indirect_vreg.gather [hbm4b:s3+s2], $0x80, v3, vm0, $0xb8;
	[tilespmem:$0x1E400] =	vst v63  }
0x2da: {  	s22 =	simm.s32 $0x1CC00  }
0x2db: {  	[tilespmem:s22], [sflag:$0x2] =	stream.indirect_vreg.gather [hbm4b:s4+s2], $0x80, v3, vm0, $0xb8;
	[tilespmem:$0x1E400] =	vst v63  }
0x2dc: {  	v3 =	vld.msk [tilespmem:$0x2C8], $0xff;
	_ =	sdelay $0x4  }
0x2dd: {  	v44 =	vshll.u32 v3, $0x2  }
0x2de: {  	v3 =	vand.u32 $0x7, v3;
	v4 =	vand.u32 $0xFFFFFFE0, v44  }
0x2df: {  	v3 =	vor.u32 v3, v4  }
0x2e0: {  	v3 =	vperm.xlane v3, v0;
	_ =	sdelay $0x1  }
0x2e1: {  	v3 =	vadd.s32 v1, v3;
	_ =	sdelay $0x3  }
0x2e2: {  	s0 =	simm.s32 $0x1D400  }
0x2e3: {  	[tilespmem:s0], [sflag:$0x2] =	stream.indirect_vreg.gather [hbm4b:s3+s2], $0x80, v3, vm0, $0xb8;
	[tilespmem:$0x1E400] =	vst v63  }
0x2e4: {  	s1 =	simm.s32 $0x1DC00  }
0x2e5: {  	[tilespmem:s1], [sflag:$0x2] =	stream.indirect_vreg.gather [hbm4b:s4+s2], $0x80, v3, vm0, $0xb8;
	[tilespmem:$0x1E400] =	vst v63  }
0x2e6: {  	_ =	swait.ge [sflag:s17], $0xF000  }
0x2e7: {  	[sflag:s17] =	ssyncset.done $0x0  }
0x2e8: {  	s8 =	simm.s32 $0x400;
	s6 =	rddreg [dreg:$0x8];
	[sflag:s17] =	ssyncadd.s32 $0xFFFF1000  }
0x2e9: {  	[hbm4b:s6+s2] =	stream.linear.scatter [tilespmem:s8], [sflag:$0x3], $0xF000, $0x38;
	[tilespmem:$0x1E400] =	vst v63  }
0x2ea: {  	_ =	swait.ge [sflag:s18], $0xF000  }
0x2eb: {  	[sflag:s18] =	ssyncset.done $0x0  }
0x2ec: {  	[sflag:s18] =	ssyncadd.s32 $0xFFFF1000  }
0x2ed: {  	v3 =	vld [tilespmem:$0x2D0];
	_ =	sdelay $0x4  }
0x2ee: {  	v45 =	vshll.u32 v3, $0x2  }
0x2ef: {  	v3 =	vand.u32 $0x7, v3;
	v4 =	vand.u32 $0xFFFFFFE0, v45  }
0x2f0: {  	v3 =	vor.u32 v3, v4  }
0x2f1: {  	v4 =	vperm.xlane v3, v0;
	_ =	sdelay $0x1  }
0x2f2: {  	v4 =	vadd.s32 v1, v4;
	_ =	sdelay $0x1  }
0x2f3: {  	v3 =	vperm.xlane v3, v2;
	_ =	sdelay $0x1  }
0x2f4: {  	v3 =	vadd.s32 v1, v3  }
0x2f5: {  	[tilespmem:s8], [sflag:$0x1] =	stream.indirect_vreg.gather [hbm4b:s3+s2], $0x80, v4, vm0, $0xb8;
	[tilespmem:$0x1E400] =	vst v63  }
0x2f6: {  	s1 =	simm.s32 $0xC00  }
0x2f7: {  	[tilespmem:s1], [sflag:$0x1] =	stream.indirect_vreg.gather [hbm4b:s4+s2], $0x80, v4, vm0, $0xb8;
	[tilespmem:$0x1E400] =	vst v63  }
0x2f8: {  	s6 =	simm.s32 $0x1400  }
0x2f9: {  	[tilespmem:s6], [sflag:$0x1] =	stream.indirect_vreg.gather [hbm4b:s3+s2], $0x80, v3, vm0, $0xb8;
	[tilespmem:$0x1E400] =	vst v63  }
0x2fa: {  	_ = 	snop  }
0x2fb: {  	[tilespmem:s7], [sflag:$0x1] =	stream.indirect_vreg.gather [hbm4b:s4+s2], $0x80, v3, vm0, $0xb8;
	[tilespmem:$0x1E400] =	vst v63  }
0x2fc: {  	v3 =	vld [tilespmem:$0x2E0];
	_ =	sdelay $0x4  }
0x2fd: {  	v46 =	vshll.u32 v3, $0x2  }
0x2fe: {  	v3 =	vand.u32 $0x7, v3;
	v4 =	vand.u32 $0xFFFFFFE0, v46  }
0x2ff: {  	v3 =	vor.u32 v3, v4  }
0x300: {  	v4 =	vperm.xlane v3, v0;
	_ =	sdelay $0x1  }
0x301: {  	v4 =	vadd.s32 v1, v4;
	_ =	sdelay $0x1  }
0x302: {  	v3 =	vperm.xlane v3, v2;
	_ =	sdelay $0x1  }
0x303: {  	s7 =	simm.s32 $0x2400;
	v3 =	vadd.s32 v1, v3  }
0x304: {  	[tilespmem:s7], [sflag:$0x1] =	stream.indirect_vreg.gather [hbm4b:s3+s2], $0x80, v4, vm0, $0xb8;
	[tilespmem:$0x1E400] =	vst v63  }
0x305: {  	s8 =	simm.s32 $0x2C00  }
0x306: {  	[tilespmem:s8], [sflag:$0x1] =	stream.indirect_vreg.gather [hbm4b:s4+s2], $0x80, v4, vm0, $0xb8;
	[tilespmem:$0x1E400] =	vst v63  }
0x307: {  	s22 =	simm.s32 $0x3400  }
0x308: {  	[tilespmem:s22], [sflag:$0x1] =	stream.indirect_vreg.gather [hbm4b:s3+s2], $0x80, v3, vm0, $0xb8;
	[tilespmem:$0x1E400] =	vst v63  }
0x309: {  	_ = 	snop  }
0x30a: {  	[tilespmem:s9], [sflag:$0x1] =	stream.indirect_vreg.gather [hbm4b:s4+s2], $0x80, v3, vm0, $0xb8;
	[tilespmem:$0x1E400] =	vst v63  }
0x30b: {  	v3 =	vld [tilespmem:$0x2F0];
	_ =	sdelay $0x4  }
0x30c: {  	v47 =	vshll.u32 v3, $0x2  }
0x30d: {  	v3 =	vand.u32 $0x7, v3;
	v4 =	vand.u32 $0xFFFFFFE0, v47  }
0x30e: {  	v3 =	vor.u32 v3, v4  }
0x30f: {  	v4 =	vperm.xlane v3, v0;
	_ =	sdelay $0x1  }
0x310: {  	v4 =	vadd.s32 v1, v4;
	_ =	sdelay $0x1  }
0x311: {  	v3 =	vperm.xlane v3, v2;
	_ =	sdelay $0x1  }
0x312: {  	s22 =	simm.s32 $0x4400;
	v3 =	vadd.s32 v1, v3  }
0x313: {  	[tilespmem:s22], [sflag:$0x1] =	stream.indirect_vreg.gather [hbm4b:s3+s2], $0x80, v4, vm0, $0xb8;
	[tilespmem:$0x1E400] =	vst v63  }
0x314: {  	_ = 	snop  }
0x315: {  	[tilespmem:s10], [sflag:$0x1] =	stream.indirect_vreg.gather [hbm4b:s4+s2], $0x80, v4, vm0, $0xb8;
	[tilespmem:$0x1E400] =	vst v63  }
0x316: {  	s22 =	simm.s32 $0x5400  }
0x317: {  	[tilespmem:s22], [sflag:$0x1] =	stream.indirect_vreg.gather [hbm4b:s3+s2], $0x80, v3, vm0, $0xb8;
	[tilespmem:$0x1E400] =	vst v63  }
0x318: {  	s22 =	simm.s32 $0x5C00  }
0x319: {  	[tilespmem:s22], [sflag:$0x1] =	stream.indirect_vreg.gather [hbm4b:s4+s2], $0x80, v3, vm0, $0xb8;
	[tilespmem:$0x1E400] =	vst v63  }
0x31a: {  	v3 =	vld [tilespmem:$0x300];
	_ =	sdelay $0x4  }
0x31b: {  	v48 =	vshll.u32 v3, $0x2  }
0x31c: {  	v3 =	vand.u32 $0x7, v3;
	v4 =	vand.u32 $0xFFFFFFE0, v48  }
0x31d: {  	v3 =	vor.u32 v3, v4  }
0x31e: {  	v4 =	vperm.xlane v3, v0;
	_ =	sdelay $0x1  }
0x31f: {  	v4 =	vadd.s32 v1, v4;
	_ =	sdelay $0x1  }
0x320: {  	v3 =	vperm.xlane v3, v2;
	_ =	sdelay $0x1  }
0x321: {  	s22 =	simm.s32 $0x6400;
	v3 =	vadd.s32 v1, v3  }
0x322: {  	[tilespmem:s22], [sflag:$0x1] =	stream.indirect_vreg.gather [hbm4b:s3+s2], $0x80, v4, vm0, $0xb8;
	[tilespmem:$0x1E400] =	vst v63  }
0x323: {  	s22 =	simm.s32 $0x6C00  }
0x324: {  	[tilespmem:s22], [sflag:$0x1] =	stream.indirect_vreg.gather [hbm4b:s4+s2], $0x80, v4, vm0, $0xb8;
	[tilespmem:$0x1E400] =	vst v63  }
0x325: {  	s22 =	simm.s32 $0x7400  }
0x326: {  	[tilespmem:s22], [sflag:$0x1] =	stream.indirect_vreg.gather [hbm4b:s3+s2], $0x80, v3, vm0, $0xb8;
	[tilespmem:$0x1E400] =	vst v63  }
0x327: {  	s22 =	simm.s32 $0x7C00  }
0x328: {  	[tilespmem:s22], [sflag:$0x1] =	stream.indirect_vreg.gather [hbm4b:s4+s2], $0x80, v3, vm0, $0xb8;
	[tilespmem:$0x1E400] =	vst v63  }
0x329: {  	v3 =	vld [tilespmem:$0x310];
	_ =	sdelay $0x4  }
0x32a: {  	v49 =	vshll.u32 v3, $0x2  }
0x32b: {  	v3 =	vand.u32 $0x7, v3;
	v4 =	vand.u32 $0xFFFFFFE0, v49  }
0x32c: {  	v3 =	vor.u32 v3, v4  }
0x32d: {  	v4 =	vperm.xlane v3, v0;
	_ =	sdelay $0x1  }
0x32e: {  	v4 =	vadd.s32 v1, v4;
	_ =	sdelay $0x1  }
0x32f: {  	v3 =	vperm.xlane v3, v2;
	_ =	sdelay $0x1  }
0x330: {  	s22 =	simm.s32 $0x8400;
	v3 =	vadd.s32 v1, v3  }
0x331: {  	[tilespmem:s22], [sflag:$0x1] =	stream.indirect_vreg.gather [hbm4b:s3+s2], $0x80, v4, vm0, $0xb8;
	[tilespmem:$0x1E400] =	vst v63  }
0x332: {  	s22 =	simm.s32 $0x8C00  }
0x333: {  	[tilespmem:s22], [sflag:$0x1] =	stream.indirect_vreg.gather [hbm4b:s4+s2], $0x80, v4, vm0, $0xb8;
	[tilespmem:$0x1E400] =	vst v63  }
0x334: {  	s22 =	simm.s32 $0x9400  }
0x335: {  	[tilespmem:s22], [sflag:$0x1] =	stream.indirect_vreg.gather [hbm4b:s3+s2], $0x80, v3, vm0, $0xb8;
	[tilespmem:$0x1E400] =	vst v63  }
0x336: {  	s22 =	simm.s32 $0x9C00  }
0x337: {  	[tilespmem:s22], [sflag:$0x1] =	stream.indirect_vreg.gather [hbm4b:s4+s2], $0x80, v3, vm0, $0xb8;
	[tilespmem:$0x1E400] =	vst v63  }
0x338: {  	v3 =	vld [tilespmem:$0x320];
	_ =	sdelay $0x4  }
0x339: {  	v50 =	vshll.u32 v3, $0x2  }
0x33a: {  	v3 =	vand.u32 $0x7, v3;
	v4 =	vand.u32 $0xFFFFFFE0, v50  }
0x33b: {  	v3 =	vor.u32 v3, v4  }
0x33c: {  	v4 =	vperm.xlane v3, v0;
	_ =	sdelay $0x1  }
0x33d: {  	v4 =	vadd.s32 v1, v4;
	_ =	sdelay $0x1  }
0x33e: {  	v3 =	vperm.xlane v3, v2;
	_ =	sdelay $0x1  }
0x33f: {  	s22 =	simm.s32 $0xA400;
	v3 =	vadd.s32 v1, v3  }
0x340: {  	[tilespmem:s22], [sflag:$0x1] =	stream.indirect_vreg.gather [hbm4b:s3+s2], $0x80, v4, vm0, $0xb8;
	[tilespmem:$0x1E400] =	vst v63  }
0x341: {  	s22 =	simm.s32 $0xAC00  }
0x342: {  	[tilespmem:s22], [sflag:$0x1] =	stream.indirect_vreg.gather [hbm4b:s4+s2], $0x80, v4, vm0, $0xb8;
	[tilespmem:$0x1E400] =	vst v63  }
0x343: {  	s22 =	simm.s32 $0xB400  }
0x344: {  	[tilespmem:s22], [sflag:$0x1] =	stream.indirect_vreg.gather [hbm4b:s3+s2], $0x80, v3, vm0, $0xb8;
	[tilespmem:$0x1E400] =	vst v63  }
0x345: {  	s22 =	simm.s32 $0xBC00  }
0x346: {  	[tilespmem:s22], [sflag:$0x1] =	stream.indirect_vreg.gather [hbm4b:s4+s2], $0x80, v3, vm0, $0xb8;
	[tilespmem:$0x1E400] =	vst v63  }
0x347: {  	v3 =	vld [tilespmem:$0x330];
	_ =	sdelay $0x4  }
0x348: {  	v51 =	vshll.u32 v3, $0x2  }
0x349: {  	v3 =	vand.u32 $0x7, v3;
	v4 =	vand.u32 $0xFFFFFFE0, v51  }
0x34a: {  	v3 =	vor.u32 v3, v4  }
0x34b: {  	v4 =	vperm.xlane v3, v0;
	_ =	sdelay $0x1  }
0x34c: {  	v4 =	vadd.s32 v1, v4;
	_ =	sdelay $0x1  }
0x34d: {  	v3 =	vperm.xlane v3, v2;
	_ =	sdelay $0x1  }
0x34e: {  	s22 =	simm.s32 $0xC400;
	v3 =	vadd.s32 v1, v3  }
0x34f: {  	[tilespmem:s22], [sflag:$0x1] =	stream.indirect_vreg.gather [hbm4b:s3+s2], $0x80, v4, vm0, $0xb8;
	[tilespmem:$0x1E400] =	vst v63  }
0x350: {  	s22 =	simm.s32 $0xCC00  }
0x351: {  	[tilespmem:s22], [sflag:$0x1] =	stream.indirect_vreg.gather [hbm4b:s4+s2], $0x80, v4, vm0, $0xb8;
	[tilespmem:$0x1E400] =	vst v63  }
0x352: {  	s22 =	simm.s32 $0xD400  }
0x353: {  	[tilespmem:s22], [sflag:$0x1] =	stream.indirect_vreg.gather [hbm4b:s3+s2], $0x80, v3, vm0, $0xb8;
	[tilespmem:$0x1E400] =	vst v63  }
0x354: {  	s22 =	simm.s32 $0xDC00  }
0x355: {  	[tilespmem:s22], [sflag:$0x1] =	stream.indirect_vreg.gather [hbm4b:s4+s2], $0x80, v3, vm0, $0xb8;
	[tilespmem:$0x1E400] =	vst v63  }
0x356: {  	v3 =	vld.msk [tilespmem:$0x340], $0xff;
	_ =	sdelay $0x4  }
0x357: {  	v52 =	vshll.u32 v3, $0x2  }
0x358: {  	v3 =	vand.u32 $0x7, v3;
	v4 =	vand.u32 $0xFFFFFFE0, v52  }
0x359: {  	v3 =	vor.u32 v3, v4  }
0x35a: {  	v3 =	vperm.xlane v3, v0;
	_ =	sdelay $0x1  }
0x35b: {  	v3 =	vadd.s32 v1, v3;
	_ =	sdelay $0x3  }
0x35c: {  	s22 =	simm.s32 $0xE400  }
0x35d: {  	[tilespmem:s22], [sflag:$0x1] =	stream.indirect_vreg.gather [hbm4b:s3+s2], $0x80, v3, vm0, $0xb8;
	[tilespmem:$0x1E400] =	vst v63  }
0x35e: {  	s22 =	simm.s32 $0xEC00  }
0x35f: {  	[tilespmem:s22], [sflag:$0x1] =	stream.indirect_vreg.gather [hbm4b:s4+s2], $0x80, v3, vm0, $0xb8;
	[tilespmem:$0x1E400] =	vst v63  }
0x360: {  	_ =	swait.ge [sflag:s19], $0xF000  }
0x361: {  	[sflag:s19] =	ssyncset.done $0x0  }
0x362: {  	s20 =	simm.s32 $0xF400;
	s22 =	rddreg [dreg:$0x9];
	[sflag:s19] =	ssyncadd.s32 $0xFFFF1000  }
0x363: {  	[hbm4b:s22+s2] =	stream.linear.scatter [tilespmem:s20], [sflag:$0x4], $0xF000, $0x38;
	[tilespmem:$0x1E400] =	vst v63  }
0x364: {  	_ =	swait.ge [sflag:s21], $0xF000  }
0x365: {  	[sflag:s21] =	ssyncset.done $0x0  }
0x366: {  	[sflag:s21] =	ssyncadd.s32 $0xFFFF1000  }
0x367: {  	v3 =	vld [tilespmem:$0x348];
	_ =	sdelay $0x4  }
0x368: {  	v53 =	vshll.u32 v3, $0x2  }
0x369: {  	v3 =	vand.u32 $0x7, v3;
	v4 =	vand.u32 $0xFFFFFFE0, v53  }
0x36a: {  	v3 =	vor.u32 v3, v4  }
0x36b: {  	v4 =	vperm.xlane v3, v0;
	_ =	sdelay $0x1  }
0x36c: {  	v4 =	vadd.s32 v1, v4;
	_ =	sdelay $0x1  }
0x36d: {  	v3 =	vperm.xlane v3, v2;
	_ =	sdelay $0x1  }
0x36e: {  	v3 =	vadd.s32 v1, v3  }
0x36f: {  	[tilespmem:s20], [sflag:$0x2] =	stream.indirect_vreg.gather [hbm4b:s3+s2], $0x80, v4, vm0, $0xb8;
	[tilespmem:$0x1E400] =	vst v63  }
0x370: {  	s22 =	simm.s32 $0xFC00  }
0x371: {  	[tilespmem:s22], [sflag:$0x2] =	stream.indirect_vreg.gather [hbm4b:s4+s2], $0x80, v4, vm0, $0xb8;
	[tilespmem:$0x1E400] =	vst v63  }
0x372: {  	s22 =	simm.s32 $0x10400  }
0x373: {  	[tilespmem:s22], [sflag:$0x2] =	stream.indirect_vreg.gather [hbm4b:s3+s2], $0x80, v3, vm0, $0xb8;
	[tilespmem:$0x1E400] =	vst v63  }
0x374: {  	s22 =	simm.s32 $0x10C00  }
0x375: {  	[tilespmem:s22], [sflag:$0x2] =	stream.indirect_vreg.gather [hbm4b:s4+s2], $0x80, v3, vm0, $0xb8;
	[tilespmem:$0x1E400] =	vst v63  }
0x376: {  	v3 =	vld [tilespmem:$0x358];
	_ =	sdelay $0x4  }
0x377: {  	v54 =	vshll.u32 v3, $0x2  }
0x378: {  	v3 =	vand.u32 $0x7, v3;
	v4 =	vand.u32 $0xFFFFFFE0, v54  }
0x379: {  	v3 =	vor.u32 v3, v4  }
0x37a: {  	v4 =	vperm.xlane v3, v0;
	_ =	sdelay $0x1  }
0x37b: {  	v4 =	vadd.s32 v1, v4;
	_ =	sdelay $0x1  }
0x37c: {  	v3 =	vperm.xlane v3, v2;
	_ =	sdelay $0x1  }
0x37d: {  	s11 =	simm.s32 $0x11400;
	v3 =	vadd.s32 v1, v3  }
0x37e: {  	[tilespmem:s11], [sflag:$0x2] =	stream.indirect_vreg.gather [hbm4b:s3+s2], $0x80, v4, vm0, $0xb8;
	[tilespmem:$0x1E400] =	vst v63  }
0x37f: {  	s12 =	simm.s32 $0x11C00  }
0x380: {  	[tilespmem:s12], [sflag:$0x2] =	stream.indirect_vreg.gather [hbm4b:s4+s2], $0x80, v4, vm0, $0xb8;
	[tilespmem:$0x1E400] =	vst v63  }
0x381: {  	s13 =	simm.s32 $0x12400  }
0x382: {  	[tilespmem:s13], [sflag:$0x2] =	stream.indirect_vreg.gather [hbm4b:s3+s2], $0x80, v3, vm0, $0xb8;
	[tilespmem:$0x1E400] =	vst v63  }
0x383: {  	s13 =	simm.s32 $0x12C00  }
0x384: {  	[tilespmem:s13], [sflag:$0x2] =	stream.indirect_vreg.gather [hbm4b:s4+s2], $0x80, v3, vm0, $0xb8;
	[tilespmem:$0x1E400] =	vst v63  }
0x385: {  	v3 =	vld [tilespmem:$0x368];
	_ =	sdelay $0x4  }
0x386: {  	v55 =	vshll.u32 v3, $0x2  }
0x387: {  	v3 =	vand.u32 $0x7, v3;
	v4 =	vand.u32 $0xFFFFFFE0, v55  }
0x388: {  	v3 =	vor.u32 v3, v4  }
0x389: {  	v4 =	vperm.xlane v3, v0;
	_ =	sdelay $0x1  }
0x38a: {  	v4 =	vadd.s32 v1, v4;
	_ =	sdelay $0x1  }
0x38b: {  	v3 =	vperm.xlane v3, v2;
	_ =	sdelay $0x1  }
0x38c: {  	s14 =	simm.s32 $0x13400;
	v3 =	vadd.s32 v1, v3  }
0x38d: {  	[tilespmem:s14], [sflag:$0x2] =	stream.indirect_vreg.gather [hbm4b:s3+s2], $0x80, v4, vm0, $0xb8;
	[tilespmem:$0x1E400] =	vst v63  }
0x38e: {  	s15 =	simm.s32 $0x13C00  }
0x38f: {  	[tilespmem:s15], [sflag:$0x2] =	stream.indirect_vreg.gather [hbm4b:s4+s2], $0x80, v4, vm0, $0xb8;
	[tilespmem:$0x1E400] =	vst v63  }
0x390: {  	s16 =	simm.s32 $0x14400  }
0x391: {  	[tilespmem:s16], [sflag:$0x2] =	stream.indirect_vreg.gather [hbm4b:s3+s2], $0x80, v3, vm0, $0xb8;
	[tilespmem:$0x1E400] =	vst v63  }
0x392: {  	s22 =	simm.s32 $0x14C00  }
0x393: {  	[tilespmem:s22], [sflag:$0x2] =	stream.indirect_vreg.gather [hbm4b:s4+s2], $0x80, v3, vm0, $0xb8;
	[tilespmem:$0x1E400] =	vst v63  }
0x394: {  	v3 =	vld [tilespmem:$0x378];
	_ =	sdelay $0x4  }
0x395: {  	v56 =	vshll.u32 v3, $0x2  }
0x396: {  	v3 =	vand.u32 $0x7, v3;
	v4 =	vand.u32 $0xFFFFFFE0, v56  }
0x397: {  	v3 =	vor.u32 v3, v4  }
0x398: {  	v4 =	vperm.xlane v3, v0;
	_ =	sdelay $0x1  }
0x399: {  	v4 =	vadd.s32 v1, v4;
	_ =	sdelay $0x1  }
0x39a: {  	v3 =	vperm.xlane v3, v2;
	_ =	sdelay $0x1  }
0x39b: {  	s23 =	simm.s32 $0x15400;
	v3 =	vadd.s32 v1, v3  }
0x39c: {  	[tilespmem:s23], [sflag:$0x2] =	stream.indirect_vreg.gather [hbm4b:s3+s2], $0x80, v4, vm0, $0xb8;
	[tilespmem:$0x1E400] =	vst v63  }
0x39d: {  	s24 =	simm.s32 $0x15C00  }
0x39e: {  	[tilespmem:s24], [sflag:$0x2] =	stream.indirect_vreg.gather [hbm4b:s4+s2], $0x80, v4, vm0, $0xb8;
	[tilespmem:$0x1E400] =	vst v63  }
0x39f: {  	s25 =	simm.s32 $0x16400  }
0x3a0: {  	[tilespmem:s25], [sflag:$0x2] =	stream.indirect_vreg.gather [hbm4b:s3+s2], $0x80, v3, vm0, $0xb8;
	[tilespmem:$0x1E400] =	vst v63  }
0x3a1: {  	s25 =	simm.s32 $0x16C00  }
0x3a2: {  	[tilespmem:s25], [sflag:$0x2] =	stream.indirect_vreg.gather [hbm4b:s4+s2], $0x80, v3, vm0, $0xb8;
	[tilespmem:$0x1E400] =	vst v63  }
0x3a3: {  	v3 =	vld [tilespmem:$0x388];
	_ =	sdelay $0x4  }
0x3a4: {  	v57 =	vshll.u32 v3, $0x2  }
0x3a5: {  	v3 =	vand.u32 $0x7, v3;
	v4 =	vand.u32 $0xFFFFFFE0, v57  }
0x3a6: {  	v3 =	vor.u32 v3, v4  }
0x3a7: {  	v4 =	vperm.xlane v3, v0;
	_ =	sdelay $0x1  }
0x3a8: {  	v4 =	vadd.s32 v1, v4;
	_ =	sdelay $0x1  }
0x3a9: {  	v3 =	vperm.xlane v3, v2;
	_ =	sdelay $0x1  }
0x3aa: {  	s26 =	simm.s32 $0x17400;
	v3 =	vadd.s32 v1, v3  }
0x3ab: {  	[tilespmem:s26], [sflag:$0x2] =	stream.indirect_vreg.gather [hbm4b:s3+s2], $0x80, v4, vm0, $0xb8;
	[tilespmem:$0x1E400] =	vst v63  }
0x3ac: {  	s28 =	simm.s32 $0x17C00  }
0x3ad: {  	[tilespmem:s28], [sflag:$0x2] =	stream.indirect_vreg.gather [hbm4b:s4+s2], $0x80, v4, vm0, $0xb8;
	[tilespmem:$0x1E400] =	vst v63  }
0x3ae: {  	s29 =	simm.s32 $0x18400  }
0x3af: {  	[tilespmem:s29], [sflag:$0x2] =	stream.indirect_vreg.gather [hbm4b:s3+s2], $0x80, v3, vm0, $0xb8;
	[tilespmem:$0x1E400] =	vst v63  }
0x3b0: {  	s29 =	simm.s32 $0x18C00  }
0x3b1: {  	[tilespmem:s29], [sflag:$0x2] =	stream.indirect_vreg.gather [hbm4b:s4+s2], $0x80, v3, vm0, $0xb8;
	[tilespmem:$0x1E400] =	vst v63  }
0x3b2: {  	v3 =	vld [tilespmem:$0x398];
	_ =	sdelay $0x4  }
0x3b3: {  	v58 =	vshll.u32 v3, $0x2  }
0x3b4: {  	v3 =	vand.u32 $0x7, v3;
	v4 =	vand.u32 $0xFFFFFFE0, v58  }
0x3b5: {  	v3 =	vor.u32 v3, v4  }
0x3b6: {  	v4 =	vperm.xlane v3, v0;
	_ =	sdelay $0x1  }
0x3b7: {  	v4 =	vadd.s32 v1, v4;
	_ =	sdelay $0x1  }
0x3b8: {  	v3 =	vperm.xlane v3, v2;
	_ =	sdelay $0x1  }
0x3b9: {  	s30 =	simm.s32 $0x19400;
	v3 =	vadd.s32 v1, v3  }
0x3ba: {  	[tilespmem:s30], [sflag:$0x2] =	stream.indirect_vreg.gather [hbm4b:s3+s2], $0x80, v4, vm0, $0xb8;
	[tilespmem:$0x1E400] =	vst v63  }
0x3bb: {  	s12 =	simm.s32 $0x19C00  }
0x3bc: {  	[tilespmem:s12], [sflag:$0x2] =	stream.indirect_vreg.gather [hbm4b:s4+s2], $0x80, v4, vm0, $0xb8;
	[tilespmem:$0x1E400] =	vst v63  }
0x3bd: {  	s31 =	simm.s32 $0x1A400  }
0x3be: {  	[tilespmem:s31], [sflag:$0x2] =	stream.indirect_vreg.gather [hbm4b:s3+s2], $0x80, v3, vm0, $0xb8;
	[tilespmem:$0x1E400] =	vst v63  }
0x3bf: {  	s13 =	simm.s32 $0x1AC00  }
0x3c0: {  	[tilespmem:s13], [sflag:$0x2] =	stream.indirect_vreg.gather [hbm4b:s4+s2], $0x80, v3, vm0, $0xb8;
	[tilespmem:$0x1E400] =	vst v63  }
0x3c1: {  	v3 =	vld [tilespmem:$0x3A8];
	_ =	sdelay $0x4  }
0x3c2: {  	v59 =	vshll.u32 v3, $0x2  }
0x3c3: {  	v3 =	vand.u32 $0x7, v3;
	v4 =	vand.u32 $0xFFFFFFE0, v59  }
0x3c4: {  	v3 =	vor.u32 v3, v4  }
0x3c5: {  	v4 =	vperm.xlane v3, v0;
	_ =	sdelay $0x1  }
0x3c6: {  	v4 =	vadd.s32 v1, v4;
	_ =	sdelay $0x1  }
0x3c7: {  	v3 =	vperm.xlane v3, v2;
	_ =	sdelay $0x1  }
0x3c8: {  	s14 =	simm.s32 $0x1B400;
	v3 =	vadd.s32 v1, v3  }
0x3c9: {  	[tilespmem:s14], [sflag:$0x2] =	stream.indirect_vreg.gather [hbm4b:s3+s2], $0x80, v4, vm0, $0xb8;
	[tilespmem:$0x1E400] =	vst v63  }
0x3ca: {  	s15 =	simm.s32 $0x1BC00  }
0x3cb: {  	[tilespmem:s15], [sflag:$0x2] =	stream.indirect_vreg.gather [hbm4b:s4+s2], $0x80, v4, vm0, $0xb8;
	[tilespmem:$0x1E400] =	vst v63  }
0x3cc: {  	s16 =	simm.s32 $0x1C400  }
0x3cd: {  	[tilespmem:s16], [sflag:$0x2] =	stream.indirect_vreg.gather [hbm4b:s3+s2], $0x80, v3, vm0, $0xb8;
	[tilespmem:$0x1E400] =	vst v63  }
0x3ce: {  	s22 =	simm.s32 $0x1CC00  }
0x3cf: {  	[tilespmem:s22], [sflag:$0x2] =	stream.indirect_vreg.gather [hbm4b:s4+s2], $0x80, v3, vm0, $0xb8;
	[tilespmem:$0x1E400] =	vst v63  }
0x3d0: {  	v3 =	vld.msk [tilespmem:$0x3B8], $0xff;
	_ =	sdelay $0x4  }
0x3d1: {  	v60 =	vshll.u32 v3, $0x2  }
0x3d2: {  	v3 =	vand.u32 $0x7, v3;
	v4 =	vand.u32 $0xFFFFFFE0, v60  }
0x3d3: {  	v3 =	vor.u32 v3, v4  }
0x3d4: {  	v3 =	vperm.xlane v3, v0;
	_ =	sdelay $0x1  }
0x3d5: {  	v3 =	vadd.s32 v1, v3;
	_ =	sdelay $0x3  }
0x3d6: {  	s23 =	simm.s32 $0x1D400  }
0x3d7: {  	[tilespmem:s23], [sflag:$0x2] =	stream.indirect_vreg.gather [hbm4b:s3+s2], $0x80, v3, vm0, $0xb8;
	[tilespmem:$0x1E400] =	vst v63  }
0x3d8: {  	s24 =	simm.s32 $0x1DC00  }
0x3d9: {  	[tilespmem:s24], [sflag:$0x2] =	stream.indirect_vreg.gather [hbm4b:s4+s2], $0x80, v3, vm0, $0xb8;
	[tilespmem:$0x1E400] =	vst v63  }
0x3da: {  	_ =	swait.ge [sflag:s17], $0xF000  }
0x3db: {  	[sflag:s17] =	ssyncset.done $0x0  }
0x3dc: {  	s0 =	simm.s32 $0x400;
	s25 =	rddreg [dreg:$0xa];
	[sflag:s17] =	ssyncadd.s32 $0xFFFF1000  }
0x3dd: {  	[hbm4b:s25+s2] =	stream.linear.scatter [tilespmem:s0], [sflag:$0x3], $0xF000, $0x38;
	[tilespmem:$0x1E400] =	vst v63  }
0x3de: {  	_ =	swait.ge [sflag:s18], $0xF000  }
0x3df: {  	[sflag:s18] =	ssyncset.done $0x0  }
0x3e0: {  	[sflag:s18] =	ssyncadd.s32 $0xFFFF1000  }
0x3e1: {  	v3 =	vld [tilespmem:$0x3C0];
	_ =	sdelay $0x4  }
0x3e2: {  	v61 =	vshll.u32 v3, $0x2  }
0x3e3: {  	v3 =	vand.u32 $0x7, v3;
	v4 =	vand.u32 $0xFFFFFFE0, v61  }
0x3e4: {  	v3 =	vor.u32 v3, v4  }
0x3e5: {  	v4 =	vperm.xlane v3, v0;
	_ =	sdelay $0x1  }
0x3e6: {  	v4 =	vadd.s32 v1, v4;
	_ =	sdelay $0x1  }
0x3e7: {  	v3 =	vperm.xlane v3, v2;
	_ =	sdelay $0x1  }
0x3e8: {  	v3 =	vadd.s32 v1, v3  }
0x3e9: {  	[tilespmem:s0], [sflag:$0x1] =	stream.indirect_vreg.gather [hbm4b:s3+s2], $0x80, v4, vm0, $0xb8;
	[tilespmem:$0x1E400] =	vst v63  }
0x3ea: {  	_ = 	snop  }
0x3eb: {  	[tilespmem:s1], [sflag:$0x1] =	stream.indirect_vreg.gather [hbm4b:s4+s2], $0x80, v4, vm0, $0xb8;
	[tilespmem:$0x1E400] =	vst v63  }
0x3ec: {  	_ = 	snop  }
0x3ed: {  	[tilespmem:s6], [sflag:$0x1] =	stream.indirect_vreg.gather [hbm4b:s3+s2], $0x80, v3, vm0, $0xb8;
	[tilespmem:$0x1E400] =	vst v63  }
0x3ee: {  	s26 =	simm.s32 $0x1C00  }
0x3ef: {  	[tilespmem:s26], [sflag:$0x1] =	stream.indirect_vreg.gather [hbm4b:s4+s2], $0x80, v3, vm0, $0xb8;
	[tilespmem:$0x1E400] =	vst v63  }
0x3f0: {  	v3 =	vld [tilespmem:$0x3D0];
	_ =	sdelay $0x4  }
0x3f1: {  	v62 =	vshll.u32 v3, $0x2  }
0x3f2: {  	v3 =	vand.u32 $0x7, v3;
	v4 =	vand.u32 $0xFFFFFFE0, v62  }
0x3f3: {  	v3 =	vor.u32 v3, v4  }
0x3f4: {  	v4 =	vperm.xlane v3, v0;
	_ =	sdelay $0x1  }
0x3f5: {  	v4 =	vadd.s32 v1, v4;
	_ =	sdelay $0x1  }
0x3f6: {  	v3 =	vperm.xlane v3, v2;
	_ =	sdelay $0x1  }
0x3f7: {  	v3 =	vadd.s32 v1, v3  }
0x3f8: {  	[tilespmem:s7], [sflag:$0x1] =	stream.indirect_vreg.gather [hbm4b:s3+s2], $0x80, v4, vm0, $0xb8;
	[tilespmem:$0x1E400] =	vst v63  }
0x3f9: {  	_ = 	snop  }
0x3fa: {  	[tilespmem:s8], [sflag:$0x1] =	stream.indirect_vreg.gather [hbm4b:s4+s2], $0x80, v4, vm0, $0xb8;
	[tilespmem:$0x1E400] =	vst v63  }
0x3fb: {  	s28 =	simm.s32 $0x3400  }
0x3fc: {  	[tilespmem:s28], [sflag:$0x1] =	stream.indirect_vreg.gather [hbm4b:s3+s2], $0x80, v3, vm0, $0xb8;
	[tilespmem:$0x1E400] =	vst v63  }
0x3fd: {  	s29 =	simm.s32 $0x3C00  }
0x3fe: {  	[tilespmem:s29], [sflag:$0x1] =	stream.indirect_vreg.gather [hbm4b:s4+s2], $0x80, v3, vm0, $0xb8;
	[tilespmem:$0x1E400] =	vst v63  }
0x3ff: {  	v3 =	vld.msk [tilespmem:$0x3E0], $0xff;
	_ =	sdelay $0x4  }
0x400: {  	v63 =	vshll.u32 v3, $0x2  }
0x401: {  	v3 =	vand.u32 $0x7, v3;
	v4 =	vand.u32 $0xFFFFFFE0, v63  }
0x402: {  	v3 =	vor.u32 v3, v4  }
0x403: {  	v3 =	vperm.xlane v3, v0;
	_ =	sdelay $0x1  }
0x404: {  	v3 =	vadd.s32 v1, v3;
	_ =	sdelay $0x3  }
0x405: {  	s9 =	simm.s32 $0x4400  }
0x406: {  	[tilespmem:s9], [sflag:$0x1] =	stream.indirect_vreg.gather [hbm4b:s3+s2], $0x80, v3, vm0, $0xb8;
	[tilespmem:$0x1E400] =	vst v63  }
0x407: {  	s10 =	simm.s32 $0x4C00  }
0x408: {  	[tilespmem:s10], [sflag:$0x1] =	stream.indirect_vreg.gather [hbm4b:s4+s2], $0x80, v3, vm0, $0xb8;
	[tilespmem:$0x1E400] =	vst v63  }
0x409: {  	_ =	swait.ge [sflag:s19], $0xF000  }
0x40a: {  	[sflag:s19] =	ssyncset.done $0x0  }
0x40b: {  	s30 =	rddreg [dreg:$0xb];
	[sflag:s19] =	ssyncadd.s32 $0xFFFF1000  }
0x40c: {  	[hbm4b:s30+s2] =	stream.linear.scatter [tilespmem:s20], [sflag:$0x4], $0xF000, $0x38;
	[tilespmem:$0x1E400] =	vst v63  }
0x40d: {  	_ =	swait.ge [sflag:s17], $0x5000  }
0x40e: {  	[sflag:s17] =	ssyncset.done $0x0  }
0x40f: {  	s31 =	rddreg [dreg:$0xc];
	[sflag:s17] =	ssyncadd.s32 $0xFFFFB000  }
0x410: {  	[hbm4b:s31+s2] =	stream.linear.scatter [tilespmem:s0], [sflag:$0x3], $0x5000, $0x38;
	[tilespmem:$0x1E400] =	vst v63  }
0x411: {  	p0 =	sne.s32 s5, $0x1;
	_ =	swait.ge [sflag:s21], $0xF000  }
.Ltmp0:
0x412: {  	[sflag:s21] =	ssyncset.done $0x0;
	(pc) =	sbr.rel @p0 .LBB2_1-.Ltmp0, $4  }
0x413: {  	[sflag:s21] =	ssyncadd.s32 $0xFFFF1000  }
0x414: {  	_ =	swait.ge [sflag:s18], $0x5000  }
0x415: {  	[sflag:s18] =	ssyncset.done $0x0  }
0x416: {  	s5 =	sadd.s32 $0xFFFFFFFF, s5;
	[sflag:s18] =	ssyncadd.s32 $0xFFFFB000  }
0x417: {  	_ =	sfence.sel $0x180000  }
0x418: {  	[bflag:$0x0] =	sbarrier.arrive $0xFFFF  }
0x419: {  	_ =	strace $0x90000047  }
0x41a: {  	s0 =	stileid.u32;
	[bflag:$0x2] =	sbarrier.arrive $0xFFFF  }
0x41b: {  	p0 =	sne.s32 s0, $0x0;
	s0 =	rddreg [dreg:$0x2]  }
0x41c: {  	s0 =	sadd.s32 @!p0 $0x100000, s0  }
0x41d: {  	[sflag:s0] =	ssyncadd.tile.s32 @!p0 $0x1;
	_ =	shalt  }
.Lfunc_end2:
_tile_overlayer_lowered:
.L_overlay_start_2:
0x41e: {  	(tag) =	ssettag $0x2  }
0x41f: {  	s0 =	rddreg [dreg:$0x0];
	s2 =	stileid.u32  }
0x420: {  	s1 =	rddreg [dreg:$0x1];
	p0 =	sne.s32 s2, $0x0  }
0x421: {  	s3 =	rddreg [dreg:$0x2];
	[bflag:$0x3] =	sbarrier.arrive $0xFFFF;
	s2 =	simm.s32 @!p0 $0x1C05  }
0x422: {  	[timem:s3], [sflag:s2] =	dma.local @!p0 [hbm:s0], s1  }
0x423: {  	s0 =	simm.s32 @!p0 $0x5  }
0x424: {  	_ =	swait.ge @!p0 [sflag:s0], s1  }
0x425: {  	s1 =	ssub.s32 @!p0 $0x0, s1;
	[sflag:s0] =	ssyncset.done @!p0 $0x0  }
0x426: {  	[sflag:s0] =	ssyncadd.s32 @!p0 s1  }
0x427: {  	[bflag:$0x3] =	sbarrier.arrive $0xFFFF  }
0x428: {  	_ =	shalt  }

</sc_bundles>
